<compile_context>
chip_gen: v7x
topology: tpu7x:2x2x1
jax: 0.10.2.dev20260603
libtpu: 0.0.44.dev20260713+nightly
codegen_flags: <defaults>
</compile_context>

<pallas_src>
import functools

import jax
import jax.numpy as jnp
from jax import lax
from jax.experimental import pallas as pl
from jax.experimental.pallas import tpu as pltpu
from jax.experimental.pallas import tpu_sc as plsc

B = 16384
KF = 64
NC = 2
NS = 16
NW = NC * NS
BPW = B // NW
NCH = 4
CH = BPW // NCH
MCH = 32


def _time_table_kernel(dt_ref, wk_ref, yr_ref, w1_ref, b1_ref, w2_ref,
                       b2_ref, gb_ref, out_ref):
    row = lax.broadcasted_iota(jnp.int32, (128, 128), 0)
    col = lax.broadcasted_iota(jnp.int32, (128, 128), 1)
    d = row // 40
    w = (row % 40) // 20
    y = row % 20
    ohd = jnp.where(col == d, 1.0, 0.0)
    ohw = jnp.where(col == w, 1.0, 0.0)
    ohy = jnp.where(col == y, 1.0, 0.0)
    f = (jnp.dot(ohd, dt_ref[...], preferred_element_type=jnp.float32)
         + jnp.dot(ohw, wk_ref[...], preferred_element_type=jnp.float32)
         + jnp.dot(ohy, yr_ref[...], preferred_element_type=jnp.float32))
    h = jnp.maximum(
        jnp.dot(f, w1_ref[...], preferred_element_type=jnp.float32)
        + b1_ref[...], 0.0)
    e = jnp.dot(h, w2_ref[...], preferred_element_type=jnp.float32)
    bias = f[:, 30:31] + f[:, 31:32] + f[:, 32:33]
    out_ref[...] = e + bias + b2_ref[0, 0] + gb_ref[0, 0]


def _build_time_table(daytime_emb, weekend_emb, year_emb,
                      daytime_bias_w, weekend_bias_w, year_bias_w,
                      fc_w1, fc_b1, fc_w2, fc_b2, global_bias):
    f32 = jnp.float32
    z = jnp.zeros((128, 128), f32)
    dt = z.at[0:3, 0:10].set(daytime_emb).at[0:3, 30].set(daytime_bias_w[:, 0])
    wk = z.at[0:2, 10:20].set(weekend_emb).at[0:2, 31].set(weekend_bias_w[:, 0])
    yr = z.at[0:20, 20:30].set(year_emb).at[0:20, 32].set(year_bias_w[:, 0])
    w1 = z.at[0:30, 0:10].set(fc_w1.T)
    w2 = z.at[0:10, 0:1].set(fc_w2.T)
    b1 = jnp.zeros((1, 128), f32).at[0, 0:10].set(fc_b1)
    tmat = pl.pallas_call(
        _time_table_kernel,
        out_shape=jax.ShapeDtypeStruct((128, 128), f32),
        in_specs=[
            pl.BlockSpec(memory_space=pltpu.VMEM),
            pl.BlockSpec(memory_space=pltpu.VMEM),
            pl.BlockSpec(memory_space=pltpu.VMEM),
            pl.BlockSpec(memory_space=pltpu.VMEM),
            pl.BlockSpec(memory_space=pltpu.VMEM),
            pl.BlockSpec(memory_space=pltpu.VMEM),
            pl.BlockSpec(memory_space=pltpu.SMEM),
            pl.BlockSpec(memory_space=pltpu.SMEM),
        ],
        out_specs=pl.BlockSpec(memory_space=pltpu.VMEM),
    )(dt, wk, yr, w1, b1, w2,
      fc_b2.reshape(1, 1), global_bias.reshape(1, 1))
    return tmat[:, 0]


def _bias_body(uin_h, iin_h, din_h, win_h, yin_h, ub_h, ib_h, utbT_h, t_h,
               out_h,
               uidx_v, iidx_v, didx_v, widx_v, yidx_v, combo_v,
               ub_v, ib_v, utb0_v, utb1_v, utb2_v, t_v, res_v, sem):
    wid = lax.axis_index("s") * NC + lax.axis_index("c")
    base = wid * BPW
    pltpu.sync_copy(uin_h.at[pl.ds(base, BPW)], uidx_v)
    pltpu.sync_copy(iin_h.at[pl.ds(base, BPW)], iidx_v)
    pltpu.sync_copy(din_h.at[pl.ds(base, BPW)], didx_v)
    pltpu.sync_copy(win_h.at[pl.ds(base, BPW)], widx_v)
    pltpu.sync_copy(yin_h.at[pl.ds(base, BPW)], yidx_v)
    pltpu.sync_copy(t_h, t_v)

    for g in range(BPW // 16):
        sl = pl.ds(g * 16, 16)
        combo_v[sl] = didx_v[sl] * 40 + widx_v[sl] * 20 + yidx_v[sl]

    copies = []
    for j in range(NCH):
        isl = pl.ds(j * CH, CH)
        copies.append(pltpu.async_copy(
            ub_h.at[0].at[uidx_v.at[isl]], ub_v.at[isl], sem))
        copies.append(pltpu.async_copy(
            ib_h.at[0].at[iidx_v.at[isl]], ib_v.at[isl], sem))
        copies.append(pltpu.async_copy(
            utbT_h.at[0].at[uidx_v.at[isl]], utb0_v.at[isl], sem))
        copies.append(pltpu.async_copy(
            utbT_h.at[1].at[uidx_v.at[isl]], utb1_v.at[isl], sem))
        copies.append(pltpu.async_copy(
            utbT_h.at[2].at[uidx_v.at[isl]], utb2_v.at[isl], sem))
    for c in copies:
        c.wait()

    def comp(g, carry):
        sl = pl.ds(g * 16, 16)
        tt = plsc.load_gather(t_v, [combo_v[sl]])
        d = didx_v[sl]
        utbv = jnp.where(d == 0, utb0_v[sl],
                         jnp.where(d == 1, utb1_v[sl], utb2_v[sl]))
        res_v[sl] = ub_v[sl] + ib_v[sl] + utbv + tt
        return carry

    lax.fori_loop(0, BPW // 16, comp, 0)
    pltpu.sync_copy(res_v, out_h.at[pl.ds(base, BPW)])


_bias_call = functools.partial(
    pl.kernel,
    out_type=jax.ShapeDtypeStruct((B,), jnp.float32),
    mesh=plsc.VectorSubcoreMesh(core_axis_name="c", subcore_axis_name="s"),
    compiler_params=pltpu.CompilerParams(needs_layout_passes=False,
                                         use_tc_tiling_on_sc=False),
    scratch_types=[
        pltpu.VMEM((BPW,), jnp.int32),
        pltpu.VMEM((BPW,), jnp.int32),
        pltpu.VMEM((BPW,), jnp.int32),
        pltpu.VMEM((BPW,), jnp.int32),
        pltpu.VMEM((BPW,), jnp.int32),
        pltpu.VMEM((BPW,), jnp.int32),
        pltpu.VMEM((BPW,), jnp.float32),
        pltpu.VMEM((BPW,), jnp.float32),
        pltpu.VMEM((BPW,), jnp.float32),
        pltpu.VMEM((BPW,), jnp.float32),
        pltpu.VMEM((BPW,), jnp.float32),
        pltpu.VMEM((128,), jnp.float32),
        pltpu.VMEM((BPW,), jnp.float32),
        pltpu.SemaphoreType.DMA,
    ],
)(_bias_body)


def _main_body(uin_h, iin_h, bias_h, uemb_h, iemb_h, out_h,
               uidx_v, iidx_v, bias_v, blku_v, blki_v, res_v, sem):
    wid = lax.axis_index("s") * NC + lax.axis_index("c")
    base = wid * BPW
    pltpu.sync_copy(uin_h.at[pl.ds(base, BPW)], uidx_v)
    pltpu.sync_copy(iin_h.at[pl.ds(base, BPW)], iidx_v)
    pltpu.sync_copy(bias_h.at[pl.ds(base, BPW)], bias_v)

    lanes = lax.iota(jnp.int32, 16)

    def chunk(cix, carry):
        cb = cix * MCH

        def fire(g, c2):
            sl = pl.ds(cb + g * 16, 16)
            vu = uidx_v[sl]
            vi = iidx_v[sl]
            for j in range(16):
                u = vu[j]
                u8 = pl.multiple_of(u - lax.rem(u, 8), 8)
                pltpu.async_copy(uemb_h.at[pl.ds(u8, 8)],
                                 blku_v.at[g * 16 + j], sem)
                i = vi[j]
                i8 = pl.multiple_of(i - lax.rem(i, 8), 8)
                pltpu.async_copy(iemb_h.at[pl.ds(i8, 8)],
                                 blki_v.at[g * 16 + j], sem)
            return c2

        lax.fori_loop(0, MCH // 16, fire, 0)

        def drain(r, c2):
            pltpu.make_async_copy(uemb_h.at[pl.ds(0, 8)],
                                  blku_v.at[r], sem).wait()
            pltpu.make_async_copy(iemb_h.at[pl.ds(0, 8)],
                                  blki_v.at[r], sem).wait()
            return c2

        lax.fori_loop(0, MCH, drain, 0)

        def comp(g, c2):
            sl = pl.ds(cb + g * 16, 16)
            vu = uidx_v[sl]
            vi = iidx_v[sl]
            acc = jnp.zeros((16,), jnp.float32)
            for j in range(16):
                r = g * 16 + j
                uu = lax.rem(vu[j], 8)
                ii = lax.rem(vi[j], 8)
                v = (blku_v[r, uu, pl.ds(0, 16)]
                     * blki_v[r, ii, pl.ds(0, 16)])
                for c in range(1, KF // 16):
                    v = v + (blku_v[r, uu, pl.ds(c * 16, 16)]
                             * blki_v[r, ii, pl.ds(c * 16, 16)])
                acc = jnp.where(lanes == j, jnp.sum(v), acc)
            res_v[sl] = acc + bias_v[sl]
            return c2

        lax.fori_loop(0, MCH // 16, comp, 0)
        return carry

    lax.fori_loop(0, BPW // MCH, chunk, 0)
    pltpu.sync_copy(res_v, out_h.at[pl.ds(base, BPW)])


_main_call = functools.partial(
    pl.kernel,
    out_type=jax.ShapeDtypeStruct((B,), jnp.float32),
    mesh=plsc.VectorSubcoreMesh(core_axis_name="c", subcore_axis_name="s"),
    compiler_params=pltpu.CompilerParams(needs_layout_passes=False),
    scratch_types=[
        pltpu.VMEM((BPW,), jnp.int32),
        pltpu.VMEM((BPW,), jnp.int32),
        pltpu.VMEM((BPW,), jnp.float32),
        pltpu.VMEM((MCH, 8, KF), jnp.float32),
        pltpu.VMEM((MCH, 8, KF), jnp.float32),
        pltpu.VMEM((BPW,), jnp.float32),
        pltpu.SemaphoreType.DMA,
    ],
)(_main_body)


def kernel(user_input, item_input, daytime_input, weekend_input, year_input,
           user_emb, item_emb, user_bias_w, item_bias_w,
           daytime_emb, weekend_emb, year_emb,
           daytime_bias_w, weekend_bias_w, year_bias_w,
           user_time_bias_w, fc_w1, fc_b1, fc_w2, fc_b2, global_bias):
    t128 = _build_time_table(daytime_emb, weekend_emb, year_emb,
                             daytime_bias_w, weekend_bias_w, year_bias_w,
                             fc_w1, fc_b1, fc_w2, fc_b2, global_bias)
    bias = _bias_call(
        user_input,
        item_input,
        daytime_input,
        weekend_input,
        year_input,
        user_bias_w.T,
        item_bias_w.T,
        user_time_bias_w.T,
        t128,
    )
    return _main_call(
        user_input,
        item_input,
        bias,
        user_emb,
        item_emb,
    )

# --- scband reference (transcript-rebuilt; emitter-appended) ---
"""Pipeline reference for scband-user-time-model-59588376265001 (READ-ONLY COPY).

The authoritative reference and input builder live on the scoring server;
editing this copy changes nothing except your own understanding.
"""

import jax, jax.numpy as jnp
import numpy as np

B = 16384
N_USERS = 1000000
M_ITEMS = 1000000
KF = 64
TF = 10

def setup_inputs(seed: int = 0) -> dict:
    key = jax.random.key(seed)
    ks = jax.random.split(key, 24)
    inp = {}
    inp['user_input'] = jax.random.randint(ks[0], (B,), 0, N_USERS, dtype=jnp.int32)
    inp['item_input'] = jax.random.randint(ks[1], (B,), 0, M_ITEMS, dtype=jnp.int32)
    inp['daytime_input'] = jax.random.randint(ks[2], (B,), 0, 3, dtype=jnp.int32)
    inp['weekend_input'] = jax.random.randint(ks[3], (B,), 0, 2, dtype=jnp.int32)
    inp['year_input'] = jax.random.randint(ks[4], (B,), 0, 20, dtype=jnp.int32)
    inp['user_emb'] = jax.random.normal(ks[5], (N_USERS, KF), dtype=jnp.float32) * 0.05
    inp['item_emb'] = jax.random.normal(ks[6], (M_ITEMS, KF), dtype=jnp.float32) * 0.05
    inp['user_bias_w'] = jax.random.normal(ks[7], (N_USERS, 1), dtype=jnp.float32) * 0.01
    inp['item_bias_w'] = jax.random.normal(ks[8], (M_ITEMS, 1), dtype=jnp.float32) * 0.01
    inp['daytime_emb'] = jax.random.normal(ks[9], (3, TF), dtype=jnp.float32) * 0.01
    inp['weekend_emb'] = jax.random.normal(ks[10], (2, TF), dtype=jnp.float32) * 0.01
    inp['year_emb'] = jax.random.normal(ks[11], (20, TF), dtype=jnp.float32) * 0.01
    inp['daytime_bias_w'] = jax.random.normal(ks[12], (3, 1), dtype=jnp.float32) * 0.01
    inp['weekend_bias_w'] = jax.random.normal(ks[13], (2, 1), dtype=jnp.float32) * 0.01
    inp['year_bias_w'] = jax.random.normal(ks[14], (20, 1), dtype=jnp.float32) * 0.01
    inp['user_time_bias_w'] = jax.random.normal(ks[15], (N_USERS, 3), dtype=jnp.float32) * 0.01
    inp['fc_w1'] = jax.random.normal(ks[16], (TF, 3 * TF), dtype=jnp.float32) * (1.0 / np.sqrt(3 * TF))
    inp['fc_b1'] = jnp.zeros((TF,), dtype=jnp.float32)
    inp['fc_w2'] = jax.random.normal(ks[17], (1, TF), dtype=jnp.float32) * (1.0 / np.sqrt(TF))
    inp['fc_b2'] = jnp.zeros((1,), dtype=jnp.float32)
    inp['global_bias'] = jnp.zeros((1,), dtype=jnp.float32)
    return inp

def reference(user_input, item_input, daytime_input, weekend_input, year_input,
              user_emb, item_emb, user_bias_w, item_bias_w,
              daytime_emb, weekend_emb, year_emb,
              daytime_bias_w, weekend_bias_w, year_bias_w,
              user_time_bias_w, fc_w1, fc_b1, fc_w2, fc_b2, global_bias):
    # eval mode: dropout disabled
    ue = jnp.take(user_emb, user_input, axis=0)
    ie = jnp.take(item_emb, item_input, axis=0)
    base_interaction = jnp.sum(ue * ie, axis=1)
    ub = jnp.take(user_bias_w, user_input, axis=0)[:, 0]
    ib = jnp.take(item_bias_w, item_input, axis=0)[:, 0]
    de = jnp.take(daytime_emb, daytime_input, axis=0)
    we = jnp.take(weekend_emb, weekend_input, axis=0)
    ye = jnp.take(year_emb, year_input, axis=0)
    db = jnp.take(daytime_bias_w, daytime_input, axis=0)[:, 0]
    wb = jnp.take(weekend_bias_w, weekend_input, axis=0)[:, 0]
    yb = jnp.take(year_bias_w, year_input, axis=0)[:, 0]
    time_bias = jnp.take(user_time_bias_w, user_input, axis=0)  # [B, 3]
    user_daytime_bias = jnp.take_along_axis(time_bias, daytime_input[:, None], axis=1)[:, 0]
    time_features = jnp.concatenate([de, we, ye], axis=1)  # [B, 3*TF]
    h = jnp.maximum(time_features @ fc_w1.T + fc_b1, 0.0)
    time_effect = (h @ fc_w2.T + fc_b2)[:, 0]
    final_rating = (base_interaction + ub + ib + db + wb + yb +
                    user_daytime_bias + time_effect + global_bias[0])
    return final_rating

if __name__ == "__main__":
    import jax
    _d = setup_inputs()
    print(jax.jit(kernel)(*tuple(_d.values())))

</pallas_src>

<mosaic_0001>
#map = affine_map<(d0, d1) -> (0)>
#map1 = affine_map<(d0, d1) -> (0, 0)>
module attributes {stable_mosaic.version = 14 : i64} {
  func.func @_bias_body(%arg0: i32, %arg1: i32, %arg2: memref<16384xi32, #tpu.memory_space<hbm>>, %arg3: memref<16384xi32, #tpu.memory_space<hbm>>, %arg4: memref<16384xi32, #tpu.memory_space<hbm>>, %arg5: memref<16384xi32, #tpu.memory_space<hbm>>, %arg6: memref<16384xi32, #tpu.memory_space<hbm>>, %arg7: memref<1x1000000xf32, #tpu.memory_space<hbm>>, %arg8: memref<1x1000000xf32, #tpu.memory_space<hbm>>, %arg9: memref<3x1000000xf32, #tpu.memory_space<hbm>>, %arg10: memref<128xf32, #tpu.memory_space<hbm>>, %arg11: memref<16384xf32, #tpu.memory_space<hbm>>, %arg12: memref<512xi32, #tpu.memory_space<vmem>>, %arg13: memref<512xi32, #tpu.memory_space<vmem>>, %arg14: memref<512xi32, #tpu.memory_space<vmem>>, %arg15: memref<512xi32, #tpu.memory_space<vmem>>, %arg16: memref<512xi32, #tpu.memory_space<vmem>>, %arg17: memref<512xi32, #tpu.memory_space<vmem>>, %arg18: memref<512xf32, #tpu.memory_space<vmem>>, %arg19: memref<512xf32, #tpu.memory_space<vmem>>, %arg20: memref<512xf32, #tpu.memory_space<vmem>>, %arg21: memref<512xf32, #tpu.memory_space<vmem>>, %arg22: memref<512xf32, #tpu.memory_space<vmem>>, %arg23: memref<128xf32, #tpu.memory_space<vmem>>, %arg24: memref<512xf32, #tpu.memory_space<vmem>>, %arg25: memref<!tpu.dma_semaphore, #tpu.memory_space<semaphore_mem>>) attributes {dimension_semantics = [#tpu.dimension_semantics<core_parallel>, #tpu.dimension_semantics<subcore_parallel>], iteration_bounds = array<i64: 2, 16>, scalar_prefetch = 0 : i64, scratch_operands = 14 : i64, tpu.core_type = #tpu.core_type<sc_vector_subcore>, window_params = [{transform_indices = #map}, {transform_indices = #map}, {transform_indices = #map}, {transform_indices = #map}, {transform_indices = #map}, {transform_indices = #map1}, {transform_indices = #map1}, {transform_indices = #map1}, {transform_indices = #map}, {transform_indices = #map}]} {
    %mul3A = arith.constant 2 : i32
    %mul3A_0 = arith.muli %arg1, %mul3A : i32
    %add3A = arith.addi %mul3A_0, %arg0 : i32
    %mul3A_1 = arith.constant 512 : i32
    %mul3A_2 = arith.muli %add3A, %mul3A_1 : i32
    "tpu.region"() ({
      %run_scoped3A = tpu.sem_alloc : memref<!tpu.dma_semaphore, #tpu.memory_space<semaphore_mem>>
      %dma_start3A_916 = tpu.memref_slice %arg2[%mul3A_2] : memref<16384xi32, #tpu.memory_space<hbm>> -> memref<512xi32, #tpu.memory_space<hbm>>
      %dma_start3A_917 = tpu.memref_slice %arg2[%mul3A_2] : memref<16384xi32, #tpu.memory_space<hbm>> -> memref<512xi32, #tpu.memory_space<hbm>>
      tpu.enqueue_dma source(%dma_start3A_917 : memref<512xi32, #tpu.memory_space<hbm>>) target(%arg12 : memref<512xi32, #tpu.memory_space<vmem>>) target_semaphore(%run_scoped3A : memref<!tpu.dma_semaphore, #tpu.memory_space<semaphore_mem>>)
      %dma_wait3A_918 = tpu.memref_slice %arg2[%mul3A_2] : memref<16384xi32, #tpu.memory_space<hbm>> -> memref<512xi32, #tpu.memory_space<hbm>>
      %dma_wait3A_919 = tpu.memref_slice %arg2[%mul3A_2] : memref<16384xi32, #tpu.memory_space<hbm>> -> memref<512xi32, #tpu.memory_space<hbm>>
      tpu.wait_dma2 semaphore(%run_scoped3A : memref<!tpu.dma_semaphore, #tpu.memory_space<semaphore_mem>>) src(%dma_wait3A_919 : memref<512xi32, #tpu.memory_space<hbm>>) dst(%arg12 : memref<512xi32, #tpu.memory_space<vmem>>)
      tpu.yield
    }) : () -> ()
    "tpu.region"() ({
      %run_scoped3A = tpu.sem_alloc : memref<!tpu.dma_semaphore, #tpu.memory_space<semaphore_mem>>
      %dma_start3A_916 = tpu.memref_slice %arg3[%mul3A_2] : memref<16384xi32, #tpu.memory_space<hbm>> -> memref<512xi32, #tpu.memory_space<hbm>>
      %dma_start3A_917 = tpu.memref_slice %arg3[%mul3A_2] : memref<16384xi32, #tpu.memory_space<hbm>> -> memref<512xi32, #tpu.memory_space<hbm>>
      tpu.enqueue_dma source(%dma_start3A_917 : memref<512xi32, #tpu.memory_space<hbm>>) target(%arg13 : memref<512xi32, #tpu.memory_space<vmem>>) target_semaphore(%run_scoped3A : memref<!tpu.dma_semaphore, #tpu.memory_space<semaphore_mem>>)
      %dma_wait3A_918 = tpu.memref_slice %arg3[%mul3A_2] : memref<16384xi32, #tpu.memory_space<hbm>> -> memref<512xi32, #tpu.memory_space<hbm>>
      %dma_wait3A_919 = tpu.memref_slice %arg3[%mul3A_2] : memref<16384xi32, #tpu.memory_space<hbm>> -> memref<512xi32, #tpu.memory_space<hbm>>
      tpu.wait_dma2 semaphore(%run_scoped3A : memref<!tpu.dma_semaphore, #tpu.memory_space<semaphore_mem>>) src(%dma_wait3A_919 : memref<512xi32, #tpu.memory_space<hbm>>) dst(%arg13 : memref<512xi32, #tpu.memory_space<vmem>>)
      tpu.yield
    }) : () -> ()
    "tpu.region"() ({
      %run_scoped3A = tpu.sem_alloc : memref<!tpu.dma_semaphore, #tpu.memory_space<semaphore_mem>>
      %dma_start3A_916 = tpu.memref_slice %arg4[%mul3A_2] : memref<16384xi32, #tpu.memory_space<hbm>> -> memref<512xi32, #tpu.memory_space<hbm>>
      %dma_start3A_917 = tpu.memref_slice %arg4[%mul3A_2] : memref<16384xi32, #tpu.memory_space<hbm>> -> memref<512xi32, #tpu.memory_space<hbm>>
      tpu.enqueue_dma source(%dma_start3A_917 : memref<512xi32, #tpu.memory_space<hbm>>) target(%arg14 : memref<512xi32, #tpu.memory_space<vmem>>) target_semaphore(%run_scoped3A : memref<!tpu.dma_semaphore, #tpu.memory_space<semaphore_mem>>)
      %dma_wait3A_918 = tpu.memref_slice %arg4[%mul3A_2] : memref<16384xi32, #tpu.memory_space<hbm>> -> memref<512xi32, #tpu.memory_space<hbm>>
      %dma_wait3A_919 = tpu.memref_slice %arg4[%mul3A_2] : memref<16384xi32, #tpu.memory_space<hbm>> -> memref<512xi32, #tpu.memory_space<hbm>>
      tpu.wait_dma2 semaphore(%run_scoped3A : memref<!tpu.dma_semaphore, #tpu.memory_space<semaphore_mem>>) src(%dma_wait3A_919 : memref<512xi32, #tpu.memory_space<hbm>>) dst(%arg14 : memref<512xi32, #tpu.memory_space<vmem>>)
      tpu.yield
    }) : () -> ()
    "tpu.region"() ({
      %run_scoped3A = tpu.sem_alloc : memref<!tpu.dma_semaphore, #tpu.memory_space<semaphore_mem>>
      %dma_start3A_916 = tpu.memref_slice %arg5[%mul3A_2] : memref<16384xi32, #tpu.memory_space<hbm>> -> memref<512xi32, #tpu.memory_space<hbm>>
      %dma_start3A_917 = tpu.memref_slice %arg5[%mul3A_2] : memref<16384xi32, #tpu.memory_space<hbm>> -> memref<512xi32, #tpu.memory_space<hbm>>
      tpu.enqueue_dma source(%dma_start3A_917 : memref<512xi32, #tpu.memory_space<hbm>>) target(%arg15 : memref<512xi32, #tpu.memory_space<vmem>>) target_semaphore(%run_scoped3A : memref<!tpu.dma_semaphore, #tpu.memory_space<semaphore_mem>>)
      %dma_wait3A_918 = tpu.memref_slice %arg5[%mul3A_2] : memref<16384xi32, #tpu.memory_space<hbm>> -> memref<512xi32, #tpu.memory_space<hbm>>
      %dma_wait3A_919 = tpu.memref_slice %arg5[%mul3A_2] : memref<16384xi32, #tpu.memory_space<hbm>> -> memref<512xi32, #tpu.memory_space<hbm>>
      tpu.wait_dma2 semaphore(%run_scoped3A : memref<!tpu.dma_semaphore, #tpu.memory_space<semaphore_mem>>) src(%dma_wait3A_919 : memref<512xi32, #tpu.memory_space<hbm>>) dst(%arg15 : memref<512xi32, #tpu.memory_space<vmem>>)
      tpu.yield
    }) : () -> ()
    "tpu.region"() ({
      %run_scoped3A = tpu.sem_alloc : memref<!tpu.dma_semaphore, #tpu.memory_space<semaphore_mem>>
      %dma_start3A_916 = tpu.memref_slice %arg6[%mul3A_2] : memref<16384xi32, #tpu.memory_space<hbm>> -> memref<512xi32, #tpu.memory_space<hbm>>
      %dma_start3A_917 = tpu.memref_slice %arg6[%mul3A_2] : memref<16384xi32, #tpu.memory_space<hbm>> -> memref<512xi32, #tpu.memory_space<hbm>>
      tpu.enqueue_dma source(%dma_start3A_917 : memref<512xi32, #tpu.memory_space<hbm>>) target(%arg16 : memref<512xi32, #tpu.memory_space<vmem>>) target_semaphore(%run_scoped3A : memref<!tpu.dma_semaphore, #tpu.memory_space<semaphore_mem>>)
      %dma_wait3A_918 = tpu.memref_slice %arg6[%mul3A_2] : memref<16384xi32, #tpu.memory_space<hbm>> -> memref<512xi32, #tpu.memory_space<hbm>>
      %dma_wait3A_919 = tpu.memref_slice %arg6[%mul3A_2] : memref<16384xi32, #tpu.memory_space<hbm>> -> memref<512xi32, #tpu.memory_space<hbm>>
      tpu.wait_dma2 semaphore(%run_scoped3A : memref<!tpu.dma_semaphore, #tpu.memory_space<semaphore_mem>>) src(%dma_wait3A_919 : memref<512xi32, #tpu.memory_space<hbm>>) dst(%arg16 : memref<512xi32, #tpu.memory_space<vmem>>)
      tpu.yield
    }) : () -> ()
    "tpu.region"() ({
      %run_scoped3A = tpu.sem_alloc : memref<!tpu.dma_semaphore, #tpu.memory_space<semaphore_mem>>
      tpu.enqueue_dma source(%arg10 : memref<128xf32, #tpu.memory_space<hbm>>) target(%arg23 : memref<128xf32, #tpu.memory_space<vmem>>) target_semaphore(%run_scoped3A : memref<!tpu.dma_semaphore, #tpu.memory_space<semaphore_mem>>)
      tpu.wait_dma2 semaphore(%run_scoped3A : memref<!tpu.dma_semaphore, #tpu.memory_space<semaphore_mem>>) src(%arg10 : memref<128xf32, #tpu.memory_space<hbm>>) dst(%arg23 : memref<128xf32, #tpu.memory_space<vmem>>)
      tpu.yield
    }) : () -> ()
    %get3A = arith.constant 0 : index
    %get3A_3 = tpu.vector_load %arg14[%get3A] {strides = array<i32>} : memref<512xi32, #tpu.memory_space<vmem>>, vector<16xi32>,
    %mul3A_4 = arith.constant 40 : i32
    %mul3A_5 = vector.broadcast %mul3A_4 : i32 to vector<16xi32>
    %mul3A_6 = arith.muli %get3A_3, %mul3A_5 : vector<16xi32>
    %get3A_7 = arith.constant 0 : index
    %get3A_8 = tpu.vector_load %arg15[%get3A_7] {strides = array<i32>} : memref<512xi32, #tpu.memory_space<vmem>>, vector<16xi32>,
    %mul3A_9 = arith.constant 20 : i32
    %mul3A_10 = vector.broadcast %mul3A_9 : i32 to vector<16xi32>
    %mul3A_11 = arith.muli %get3A_8, %mul3A_10 : vector<16xi32>
    %add3A_12 = arith.addi %mul3A_6, %mul3A_11 : vector<16xi32>
    %get3A_13 = arith.constant 0 : index
    %get3A_14 = tpu.vector_load %arg16[%get3A_13] {strides = array<i32>} : memref<512xi32, #tpu.memory_space<vmem>>, vector<16xi32>,
    %add3A_15 = arith.addi %add3A_12, %get3A_14 : vector<16xi32>
    %swap3A = arith.constant 0 : index
    %swap3A_16 = tpu.vector_load %arg17[%swap3A] {strides = array<i32>} : memref<512xi32, #tpu.memory_space<vmem>>, vector<16xi32>,
    tpu.vector_store %arg17[%swap3A], %add3A_15 {strides = array<i32>} : memref<512xi32, #tpu.memory_space<vmem>>, vector<16xi32>,
    %get3A_17 = arith.constant 16 : index
    %get3A_18 = tpu.vector_load %arg14[%get3A_17] {strides = array<i32>} : memref<512xi32, #tpu.memory_space<vmem>>, vector<16xi32>,
    %mul3A_19 = arith.constant 40 : i32
    %mul3A_20 = vector.broadcast %mul3A_19 : i32 to vector<16xi32>
    %mul3A_21 = arith.muli %get3A_18, %mul3A_20 : vector<16xi32>
    %get3A_22 = arith.constant 16 : index
    %get3A_23 = tpu.vector_load %arg15[%get3A_22] {strides = array<i32>} : memref<512xi32, #tpu.memory_space<vmem>>, vector<16xi32>,
    %mul3A_24 = arith.constant 20 : i32
    %mul3A_25 = vector.broadcast %mul3A_24 : i32 to vector<16xi32>
    %mul3A_26 = arith.muli %get3A_23, %mul3A_25 : vector<16xi32>
    %add3A_27 = arith.addi %mul3A_21, %mul3A_26 : vector<16xi32>
    %get3A_28 = arith.constant 16 : index
    %get3A_29 = tpu.vector_load %arg16[%get3A_28] {strides = array<i32>} : memref<512xi32, #tpu.memory_space<vmem>>, vector<16xi32>,
    %add3A_30 = arith.addi %add3A_27, %get3A_29 : vector<16xi32>
    %swap3A_31 = arith.constant 16 : index
    %swap3A_32 = tpu.vector_load %arg17[%swap3A_31] {strides = array<i32>} : memref<512xi32, #tpu.memory_space<vmem>>, vector<16xi32>,
    tpu.vector_store %arg17[%swap3A_31], %add3A_30 {strides = array<i32>} : memref<512xi32, #tpu.memory_space<vmem>>, vector<16xi32>,
    %get3A_33 = arith.constant 32 : index
    %get3A_34 = tpu.vector_load %arg14[%get3A_33] {strides = array<i32>} : memref<512xi32, #tpu.memory_space<vmem>>, vector<16xi32>,
    %mul3A_35 = arith.constant 40 : i32
    %mul3A_36 = vector.broadcast %mul3A_35 : i32 to vector<16xi32>
    %mul3A_37 = arith.muli %get3A_34, %mul3A_36 : vector<16xi32>
    %get3A_38 = arith.constant 32 : index
    %get3A_39 = tpu.vector_load %arg15[%get3A_38] {strides = array<i32>} : memref<512xi32, #tpu.memory_space<vmem>>, vector<16xi32>,
    %mul3A_40 = arith.constant 20 : i32
    %mul3A_41 = vector.broadcast %mul3A_40 : i32 to vector<16xi32>
    %mul3A_42 = arith.muli %get3A_39, %mul3A_41 : vector<16xi32>
    %add3A_43 = arith.addi %mul3A_37, %mul3A_42 : vector<16xi32>
    %get3A_44 = arith.constant 32 : index
    %get3A_45 = tpu.vector_load %arg16[%get3A_44] {strides = array<i32>} : memref<512xi32, #tpu.memory_space<vmem>>, vector<16xi32>,
    %add3A_46 = arith.addi %add3A_43, %get3A_45 : vector<16xi32>
    %swap3A_47 = arith.constant 32 : index
    %swap3A_48 = tpu.vector_load %arg17[%swap3A_47] {strides = array<i32>} : memref<512xi32, #tpu.memory_space<vmem>>, vector<16xi32>,
    tpu.vector_store %arg17[%swap3A_47], %add3A_46 {strides = array<i32>} : memref<512xi32, #tpu.memory_space<vmem>>, vector<16xi32>,
    %get3A_49 = arith.constant 48 : index
    %get3A_50 = tpu.vector_load %arg14[%get3A_49] {strides = array<i32>} : memref<512xi32, #tpu.memory_space<vmem>>, vector<16xi32>,
    %mul3A_51 = arith.constant 40 : i32
    %mul3A_52 = vector.broadcast %mul3A_51 : i32 to vector<16xi32>
    %mul3A_53 = arith.muli %get3A_50, %mul3A_52 : vector<16xi32>
    %get3A_54 = arith.constant 48 : index
    %get3A_55 = tpu.vector_load %arg15[%get3A_54] {strides = array<i32>} : memref<512xi32, #tpu.memory_space<vmem>>, vector<16xi32>,
    %mul3A_56 = arith.constant 20 : i32
    %mul3A_57 = vector.broadcast %mul3A_56 : i32 to vector<16xi32>
    %mul3A_58 = arith.muli %get3A_55, %mul3A_57 : vector<16xi32>
    %add3A_59 = arith.addi %mul3A_53, %mul3A_58 : vector<16xi32>
    %get3A_60 = arith.constant 48 : index
    %get3A_61 = tpu.vector_load %arg16[%get3A_60] {strides = array<i32>} : memref<512xi32, #tpu.memory_space<vmem>>, vector<16xi32>,
    %add3A_62 = arith.addi %add3A_59, %get3A_61 : vector<16xi32>
    %swap3A_63 = arith.constant 48 : index
    %swap3A_64 = tpu.vector_load %arg17[%swap3A_63] {strides = array<i32>} : memref<512xi32, #tpu.memory_space<vmem>>, vector<16xi32>,
    tpu.vector_store %arg17[%swap3A_63], %add3A_62 {strides = array<i32>} : memref<512xi32, #tpu.memory_space<vmem>>, vector<16xi32>,
    %get3A_65 = arith.constant 64 : index
    %get3A_66 = tpu.vector_load %arg14[%get3A_65] {strides = array<i32>} : memref<512xi32, #tpu.memory_space<vmem>>, vector<16xi32>,
    %mul3A_67 = arith.constant 40 : i32
    %mul3A_68 = vector.broadcast %mul3A_67 : i32 to vector<16xi32>
    %mul3A_69 = arith.muli %get3A_66, %mul3A_68 : vector<16xi32>
    %get3A_70 = arith.constant 64 : index
    %get3A_71 = tpu.vector_load %arg15[%get3A_70] {strides = array<i32>} : memref<512xi32, #tpu.memory_space<vmem>>, vector<16xi32>,
    %mul3A_72 = arith.constant 20 : i32
    %mul3A_73 = vector.broadcast %mul3A_72 : i32 to vector<16xi32>
    %mul3A_74 = arith.muli %get3A_71, %mul3A_73 : vector<16xi32>
    %add3A_75 = arith.addi %mul3A_69, %mul3A_74 : vector<16xi32>
    %get3A_76 = arith.constant 64 : index
    %get3A_77 = tpu.vector_load %arg16[%get3A_76] {strides = array<i32>} : memref<512xi32, #tpu.memory_space<vmem>>, vector<16xi32>,
    %add3A_78 = arith.addi %add3A_75, %get3A_77 : vector<16xi32>
    %swap3A_79 = arith.constant 64 : index
    %swap3A_80 = tpu.vector_load %arg17[%swap3A_79] {strides = array<i32>} : memref<512xi32, #tpu.memory_space<vmem>>, vector<16xi32>,
    tpu.vector_store %arg17[%swap3A_79], %add3A_78 {strides = array<i32>} : memref<512xi32, #tpu.memory_space<vmem>>, vector<16xi32>,
    %get3A_81 = arith.constant 80 : index
    %get3A_82 = tpu.vector_load %arg14[%get3A_81] {strides = array<i32>} : memref<512xi32, #tpu.memory_space<vmem>>, vector<16xi32>,
    %mul3A_83 = arith.constant 40 : i32
    %mul3A_84 = vector.broadcast %mul3A_83 : i32 to vector<16xi32>
    %mul3A_85 = arith.muli %get3A_82, %mul3A_84 : vector<16xi32>
    %get3A_86 = arith.constant 80 : index
    %get3A_87 = tpu.vector_load %arg15[%get3A_86] {strides = array<i32>} : memref<512xi32, #tpu.memory_space<vmem>>, vector<16xi32>,
    %mul3A_88 = arith.constant 20 : i32
    %mul3A_89 = vector.broadcast %mul3A_88 : i32 to vector<16xi32>
    %mul3A_90 = arith.muli %get3A_87, %mul3A_89 : vector<16xi32>
    %add3A_91 = arith.addi %mul3A_85, %mul3A_90 : vector<16xi32>
    %get3A_92 = arith.constant 80 : index
    %get3A_93 = tpu.vector_load %arg16[%get3A_92] {strides = array<i32>} : memref<512xi32, #tpu.memory_space<vmem>>, vector<16xi32>,
    %add3A_94 = arith.addi %add3A_91, %get3A_93 : vector<16xi32>
    %swap3A_95 = arith.constant 80 : index
    %swap3A_96 = tpu.vector_load %arg17[%swap3A_95] {strides = array<i32>} : memref<512xi32, #tpu.memory_space<vmem>>, vector<16xi32>,
    tpu.vector_store %arg17[%swap3A_95], %add3A_94 {strides = array<i32>} : memref<512xi32, #tpu.memory_space<vmem>>, vector<16xi32>,
    %get3A_97 = arith.constant 96 : index
    %get3A_98 = tpu.vector_load %arg14[%get3A_97] {strides = array<i32>} : memref<512xi32, #tpu.memory_space<vmem>>, vector<16xi32>,
    %mul3A_99 = arith.constant 40 : i32
    %mul3A_100 = vector.broadcast %mul3A_99 : i32 to vector<16xi32>
    %mul3A_101 = arith.muli %get3A_98, %mul3A_100 : vector<16xi32>
    %get3A_102 = arith.constant 96 : index
    %get3A_103 = tpu.vector_load %arg15[%get3A_102] {strides = array<i32>} : memref<512xi32, #tpu.memory_space<vmem>>, vector<16xi32>,
    %mul3A_104 = arith.constant 20 : i32
    %mul3A_105 = vector.broadcast %mul3A_104 : i32 to vector<16xi32>
    %mul3A_106 = arith.muli %get3A_103, %mul3A_105 : vector<16xi32>
    %add3A_107 = arith.addi %mul3A_101, %mul3A_106 : vector<16xi32>
    %get3A_108 = arith.constant 96 : index
    %get3A_109 = tpu.vector_load %arg16[%get3A_108] {strides = array<i32>} : memref<512xi32, #tpu.memory_space<vmem>>, vector<16xi32>,
    %add3A_110 = arith.addi %add3A_107, %get3A_109 : vector<16xi32>
    %swap3A_111 = arith.constant 96 : index
    %swap3A_112 = tpu.vector_load %arg17[%swap3A_111] {strides = array<i32>} : memref<512xi32, #tpu.memory_space<vmem>>, vector<16xi32>,
    tpu.vector_store %arg17[%swap3A_111], %add3A_110 {strides = array<i32>} : memref<512xi32, #tpu.memory_space<vmem>>, vector<16xi32>,
    %get3A_113 = arith.constant 112 : index
    %get3A_114 = tpu.vector_load %arg14[%get3A_113] {strides = array<i32>} : memref<512xi32, #tpu.memory_space<vmem>>, vector<16xi32>,
    %mul3A_115 = arith.constant 40 : i32
    %mul3A_116 = vector.broadcast %mul3A_115 : i32 to vector<16xi32>
    %mul3A_117 = arith.muli %get3A_114, %mul3A_116 : vector<16xi32>
    %get3A_118 = arith.constant 112 : index
    %get3A_119 = tpu.vector_load %arg15[%get3A_118] {strides = array<i32>} : memref<512xi32, #tpu.memory_space<vmem>>, vector<16xi32>,
    %mul3A_120 = arith.constant 20 : i32
    %mul3A_121 = vector.broadcast %mul3A_120 : i32 to vector<16xi32>
    %mul3A_122 = arith.muli %get3A_119, %mul3A_121 : vector<16xi32>
    %add3A_123 = arith.addi %mul3A_117, %mul3A_122 : vector<16xi32>
    %get3A_124 = arith.constant 112 : index
    %get3A_125 = tpu.vector_load %arg16[%get3A_124] {strides = array<i32>} : memref<512xi32, #tpu.memory_space<vmem>>, vector<16xi32>,
    %add3A_126 = arith.addi %add3A_123, %get3A_125 : vector<16xi32>
    %swap3A_127 = arith.constant 112 : index
    %swap3A_128 = tpu.vector_load %arg17[%swap3A_127] {strides = array<i32>} : memref<512xi32, #tpu.memory_space<vmem>>, vector<16xi32>,
    tpu.vector_store %arg17[%swap3A_127], %add3A_126 {strides = array<i32>} : memref<512xi32, #tpu.memory_space<vmem>>, vector<16xi32>,
    %get3A_129 = arith.constant 128 : index
    %get3A_130 = tpu.vector_load %arg14[%get3A_129] {strides = array<i32>} : memref<512xi32, #tpu.memory_space<vmem>>, vector<16xi32>,
    %mul3A_131 = arith.constant 40 : i32
    %mul3A_132 = vector.broadcast %mul3A_131 : i32 to vector<16xi32>
    %mul3A_133 = arith.muli %get3A_130, %mul3A_132 : vector<16xi32>
    %get3A_134 = arith.constant 128 : index
    %get3A_135 = tpu.vector_load %arg15[%get3A_134] {strides = array<i32>} : memref<512xi32, #tpu.memory_space<vmem>>, vector<16xi32>,
    %mul3A_136 = arith.constant 20 : i32
    %mul3A_137 = vector.broadcast %mul3A_136 : i32 to vector<16xi32>
    %mul3A_138 = arith.muli %get3A_135, %mul3A_137 : vector<16xi32>
    %add3A_139 = arith.addi %mul3A_133, %mul3A_138 : vector<16xi32>
    %get3A_140 = arith.constant 128 : index
    %get3A_141 = tpu.vector_load %arg16[%get3A_140] {strides = array<i32>} : memref<512xi32, #tpu.memory_space<vmem>>, vector<16xi32>,
    %add3A_142 = arith.addi %add3A_139, %get3A_141 : vector<16xi32>
    %swap3A_143 = arith.constant 128 : index
    %swap3A_144 = tpu.vector_load %arg17[%swap3A_143] {strides = array<i32>} : memref<512xi32, #tpu.memory_space<vmem>>, vector<16xi32>,
    tpu.vector_store %arg17[%swap3A_143], %add3A_142 {strides = array<i32>} : memref<512xi32, #tpu.memory_space<vmem>>, vector<16xi32>,
    %get3A_145 = arith.constant 144 : index
    %get3A_146 = tpu.vector_load %arg14[%get3A_145] {strides = array<i32>} : memref<512xi32, #tpu.memory_space<vmem>>, vector<16xi32>,
    %mul3A_147 = arith.constant 40 : i32
    %mul3A_148 = vector.broadcast %mul3A_147 : i32 to vector<16xi32>
    %mul3A_149 = arith.muli %get3A_146, %mul3A_148 : vector<16xi32>
    %get3A_150 = arith.constant 144 : index
    %get3A_151 = tpu.vector_load %arg15[%get3A_150] {strides = array<i32>} : memref<512xi32, #tpu.memory_space<vmem>>, vector<16xi32>,
    %mul3A_152 = arith.constant 20 : i32
    %mul3A_153 = vector.broadcast %mul3A_152 : i32 to vector<16xi32>
    %mul3A_154 = arith.muli %get3A_151, %mul3A_153 : vector<16xi32>
    %add3A_155 = arith.addi %mul3A_149, %mul3A_154 : vector<16xi32>
    %get3A_156 = arith.constant 144 : index
    %get3A_157 = tpu.vector_load %arg16[%get3A_156] {strides = array<i32>} : memref<512xi32, #tpu.memory_space<vmem>>, vector<16xi32>,
    %add3A_158 = arith.addi %add3A_155, %get3A_157 : vector<16xi32>
    %swap3A_159 = arith.constant 144 : index
    %swap3A_160 = tpu.vector_load %arg17[%swap3A_159] {strides = array<i32>} : memref<512xi32, #tpu.memory_space<vmem>>, vector<16xi32>,
    tpu.vector_store %arg17[%swap3A_159], %add3A_158 {strides = array<i32>} : memref<512xi32, #tpu.memory_space<vmem>>, vector<16xi32>,
    %get3A_161 = arith.constant 160 : index
    %get3A_162 = tpu.vector_load %arg14[%get3A_161] {strides = array<i32>} : memref<512xi32, #tpu.memory_space<vmem>>, vector<16xi32>,
    %mul3A_163 = arith.constant 40 : i32
    %mul3A_164 = vector.broadcast %mul3A_163 : i32 to vector<16xi32>
    %mul3A_165 = arith.muli %get3A_162, %mul3A_164 : vector<16xi32>
    %get3A_166 = arith.constant 160 : index
    %get3A_167 = tpu.vector_load %arg15[%get3A_166] {strides = array<i32>} : memref<512xi32, #tpu.memory_space<vmem>>, vector<16xi32>,
    %mul3A_168 = arith.constant 20 : i32
    %mul3A_169 = vector.broadcast %mul3A_168 : i32 to vector<16xi32>
    %mul3A_170 = arith.muli %get3A_167, %mul3A_169 : vector<16xi32>
    %add3A_171 = arith.addi %mul3A_165, %mul3A_170 : vector<16xi32>
    %get3A_172 = arith.constant 160 : index
    %get3A_173 = tpu.vector_load %arg16[%get3A_172] {strides = array<i32>} : memref<512xi32, #tpu.memory_space<vmem>>, vector<16xi32>,
    %add3A_174 = arith.addi %add3A_171, %get3A_173 : vector<16xi32>
    %swap3A_175 = arith.constant 160 : index
    %swap3A_176 = tpu.vector_load %arg17[%swap3A_175] {strides = array<i32>} : memref<512xi32, #tpu.memory_space<vmem>>, vector<16xi32>,
    tpu.vector_store %arg17[%swap3A_175], %add3A_174 {strides = array<i32>} : memref<512xi32, #tpu.memory_space<vmem>>, vector<16xi32>,
    %get3A_177 = arith.constant 176 : index
    %get3A_178 = tpu.vector_load %arg14[%get3A_177] {strides = array<i32>} : memref<512xi32, #tpu.memory_space<vmem>>, vector<16xi32>,
    %mul3A_179 = arith.constant 40 : i32
    %mul3A_180 = vector.broadcast %mul3A_179 : i32 to vector<16xi32>
    %mul3A_181 = arith.muli %get3A_178, %mul3A_180 : vector<16xi32>
    %get3A_182 = arith.constant 176 : index
    %get3A_183 = tpu.vector_load %arg15[%get3A_182] {strides = array<i32>} : memref<512xi32, #tpu.memory_space<vmem>>, vector<16xi32>,
    %mul3A_184 = arith.constant 20 : i32
    %mul3A_185 = vector.broadcast %mul3A_184 : i32 to vector<16xi32>
    %mul3A_186 = arith.muli %get3A_183, %mul3A_185 : vector<16xi32>
    %add3A_187 = arith.addi %mul3A_181, %mul3A_186 : vector<16xi32>
    %get3A_188 = arith.constant 176 : index
    %get3A_189 = tpu.vector_load %arg16[%get3A_188] {strides = array<i32>} : memref<512xi32, #tpu.memory_space<vmem>>, vector<16xi32>,
    %add3A_190 = arith.addi %add3A_187, %get3A_189 : vector<16xi32>
    %swap3A_191 = arith.constant 176 : index
    %swap3A_192 = tpu.vector_load %arg17[%swap3A_191] {strides = array<i32>} : memref<512xi32, #tpu.memory_space<vmem>>, vector<16xi32>,
    tpu.vector_store %arg17[%swap3A_191], %add3A_190 {strides = array<i32>} : memref<512xi32, #tpu.memory_space<vmem>>, vector<16xi32>,
    %get3A_193 = arith.constant 192 : index
    %get3A_194 = tpu.vector_load %arg14[%get3A_193] {strides = array<i32>} : memref<512xi32, #tpu.memory_space<vmem>>, vector<16xi32>,
    %mul3A_195 = arith.constant 40 : i32
    %mul3A_196 = vector.broadcast %mul3A_195 : i32 to vector<16xi32>
    %mul3A_197 = arith.muli %get3A_194, %mul3A_196 : vector<16xi32>
    %get3A_198 = arith.constant 192 : index
    %get3A_199 = tpu.vector_load %arg15[%get3A_198] {strides = array<i32>} : memref<512xi32, #tpu.memory_space<vmem>>, vector<16xi32>,
    %mul3A_200 = arith.constant 20 : i32
    %mul3A_201 = vector.broadcast %mul3A_200 : i32 to vector<16xi32>
    %mul3A_202 = arith.muli %get3A_199, %mul3A_201 : vector<16xi32>
    %add3A_203 = arith.addi %mul3A_197, %mul3A_202 : vector<16xi32>
    %get3A_204 = arith.constant 192 : index
    %get3A_205 = tpu.vector_load %arg16[%get3A_204] {strides = array<i32>} : memref<512xi32, #tpu.memory_space<vmem>>, vector<16xi32>,
    %add3A_206 = arith.addi %add3A_203, %get3A_205 : vector<16xi32>
    %swap3A_207 = arith.constant 192 : index
    %swap3A_208 = tpu.vector_load %arg17[%swap3A_207] {strides = array<i32>} : memref<512xi32, #tpu.memory_space<vmem>>, vector<16xi32>,
    tpu.vector_store %arg17[%swap3A_207], %add3A_206 {strides = array<i32>} : memref<512xi32, #tpu.memory_space<vmem>>, vector<16xi32>,
    %get3A_209 = arith.constant 208 : index
    %get3A_210 = tpu.vector_load %arg14[%get3A_209] {strides = array<i32>} : memref<512xi32, #tpu.memory_space<vmem>>, vector<16xi32>,
    %mul3A_211 = arith.constant 40 : i32
    %mul3A_212 = vector.broadcast %mul3A_211 : i32 to vector<16xi32>
    %mul3A_213 = arith.muli %get3A_210, %mul3A_212 : vector<16xi32>
    %get3A_214 = arith.constant 208 : index
    %get3A_215 = tpu.vector_load %arg15[%get3A_214] {strides = array<i32>} : memref<512xi32, #tpu.memory_space<vmem>>, vector<16xi32>,
    %mul3A_216 = arith.constant 20 : i32
    %mul3A_217 = vector.broadcast %mul3A_216 : i32 to vector<16xi32>
    %mul3A_218 = arith.muli %get3A_215, %mul3A_217 : vector<16xi32>
    %add3A_219 = arith.addi %mul3A_213, %mul3A_218 : vector<16xi32>
    %get3A_220 = arith.constant 208 : index
    %get3A_221 = tpu.vector_load %arg16[%get3A_220] {strides = array<i32>} : memref<512xi32, #tpu.memory_space<vmem>>, vector<16xi32>,
    %add3A_222 = arith.addi %add3A_219, %get3A_221 : vector<16xi32>
    %swap3A_223 = arith.constant 208 : index
    %swap3A_224 = tpu.vector_load %arg17[%swap3A_223] {strides = array<i32>} : memref<512xi32, #tpu.memory_space<vmem>>, vector<16xi32>,
    tpu.vector_store %arg17[%swap3A_223], %add3A_222 {strides = array<i32>} : memref<512xi32, #tpu.memory_space<vmem>>, vector<16xi32>,
    %get3A_225 = arith.constant 224 : index
    %get3A_226 = tpu.vector_load %arg14[%get3A_225] {strides = array<i32>} : memref<512xi32, #tpu.memory_space<vmem>>, vector<16xi32>,
    %mul3A_227 = arith.constant 40 : i32
    %mul3A_228 = vector.broadcast %mul3A_227 : i32 to vector<16xi32>
    %mul3A_229 = arith.muli %get3A_226, %mul3A_228 : vector<16xi32>
    %get3A_230 = arith.constant 224 : index
    %get3A_231 = tpu.vector_load %arg15[%get3A_230] {strides = array<i32>} : memref<512xi32, #tpu.memory_space<vmem>>, vector<16xi32>,
    %mul3A_232 = arith.constant 20 : i32
    %mul3A_233 = vector.broadcast %mul3A_232 : i32 to vector<16xi32>
    %mul3A_234 = arith.muli %get3A_231, %mul3A_233 : vector<16xi32>
    %add3A_235 = arith.addi %mul3A_229, %mul3A_234 : vector<16xi32>
    %get3A_236 = arith.constant 224 : index
    %get3A_237 = tpu.vector_load %arg16[%get3A_236] {strides = array<i32>} : memref<512xi32, #tpu.memory_space<vmem>>, vector<16xi32>,
    %add3A_238 = arith.addi %add3A_235, %get3A_237 : vector<16xi32>
    %swap3A_239 = arith.constant 224 : index
    %swap3A_240 = tpu.vector_load %arg17[%swap3A_239] {strides = array<i32>} : memref<512xi32, #tpu.memory_space<vmem>>, vector<16xi32>,
    tpu.vector_store %arg17[%swap3A_239], %add3A_238 {strides = array<i32>} : memref<512xi32, #tpu.memory_space<vmem>>, vector<16xi32>,
    %get3A_241 = arith.constant 240 : index
    %get3A_242 = tpu.vector_load %arg14[%get3A_241] {strides = array<i32>} : memref<512xi32, #tpu.memory_space<vmem>>, vector<16xi32>,
    %mul3A_243 = arith.constant 40 : i32
    %mul3A_244 = vector.broadcast %mul3A_243 : i32 to vector<16xi32>
    %mul3A_245 = arith.muli %get3A_242, %mul3A_244 : vector<16xi32>
    %get3A_246 = arith.constant 240 : index
    %get3A_247 = tpu.vector_load %arg15[%get3A_246] {strides = array<i32>} : memref<512xi32, #tpu.memory_space<vmem>>, vector<16xi32>,
    %mul3A_248 = arith.constant 20 : i32
    %mul3A_249 = vector.broadcast %mul3A_248 : i32 to vector<16xi32>
    %mul3A_250 = arith.muli %get3A_247, %mul3A_249 : vector<16xi32>
    %add3A_251 = arith.addi %mul3A_245, %mul3A_250 : vector<16xi32>
    %get3A_252 = arith.constant 240 : index
    %get3A_253 = tpu.vector_load %arg16[%get3A_252] {strides = array<i32>} : memref<512xi32, #tpu.memory_space<vmem>>, vector<16xi32>,
    %add3A_254 = arith.addi %add3A_251, %get3A_253 : vector<16xi32>
    %swap3A_255 = arith.constant 240 : index
    %swap3A_256 = tpu.vector_load %arg17[%swap3A_255] {strides = array<i32>} : memref<512xi32, #tpu.memory_space<vmem>>, vector<16xi32>,
    tpu.vector_store %arg17[%swap3A_255], %add3A_254 {strides = array<i32>} : memref<512xi32, #tpu.memory_space<vmem>>, vector<16xi32>,
    %get3A_257 = arith.constant 256 : index
    %get3A_258 = tpu.vector_load %arg14[%get3A_257] {strides = array<i32>} : memref<512xi32, #tpu.memory_space<vmem>>, vector<16xi32>,
    %mul3A_259 = arith.constant 40 : i32
    %mul3A_260 = vector.broadcast %mul3A_259 : i32 to vector<16xi32>
    %mul3A_261 = arith.muli %get3A_258, %mul3A_260 : vector<16xi32>
    %get3A_262 = arith.constant 256 : index
    %get3A_263 = tpu.vector_load %arg15[%get3A_262] {strides = array<i32>} : memref<512xi32, #tpu.memory_space<vmem>>, vector<16xi32>,
    %mul3A_264 = arith.constant 20 : i32
    %mul3A_265 = vector.broadcast %mul3A_264 : i32 to vector<16xi32>
    %mul3A_266 = arith.muli %get3A_263, %mul3A_265 : vector<16xi32>
    %add3A_267 = arith.addi %mul3A_261, %mul3A_266 : vector<16xi32>
    %get3A_268 = arith.constant 256 : index
    %get3A_269 = tpu.vector_load %arg16[%get3A_268] {strides = array<i32>} : memref<512xi32, #tpu.memory_space<vmem>>, vector<16xi32>,
    %add3A_270 = arith.addi %add3A_267, %get3A_269 : vector<16xi32>
    %swap3A_271 = arith.constant 256 : index
    %swap3A_272 = tpu.vector_load %arg17[%swap3A_271] {strides = array<i32>} : memref<512xi32, #tpu.memory_space<vmem>>, vector<16xi32>,
    tpu.vector_store %arg17[%swap3A_271], %add3A_270 {strides = array<i32>} : memref<512xi32, #tpu.memory_space<vmem>>, vector<16xi32>,
    %get3A_273 = arith.constant 272 : index
    %get3A_274 = tpu.vector_load %arg14[%get3A_273] {strides = array<i32>} : memref<512xi32, #tpu.memory_space<vmem>>, vector<16xi32>,
    %mul3A_275 = arith.constant 40 : i32
    %mul3A_276 = vector.broadcast %mul3A_275 : i32 to vector<16xi32>
    %mul3A_277 = arith.muli %get3A_274, %mul3A_276 : vector<16xi32>
    %get3A_278 = arith.constant 272 : index
    %get3A_279 = tpu.vector_load %arg15[%get3A_278] {strides = array<i32>} : memref<512xi32, #tpu.memory_space<vmem>>, vector<16xi32>,
    %mul3A_280 = arith.constant 20 : i32
    %mul3A_281 = vector.broadcast %mul3A_280 : i32 to vector<16xi32>
    %mul3A_282 = arith.muli %get3A_279, %mul3A_281 : vector<16xi32>
    %add3A_283 = arith.addi %mul3A_277, %mul3A_282 : vector<16xi32>
    %get3A_284 = arith.constant 272 : index
    %get3A_285 = tpu.vector_load %arg16[%get3A_284] {strides = array<i32>} : memref<512xi32, #tpu.memory_space<vmem>>, vector<16xi32>,
    %add3A_286 = arith.addi %add3A_283, %get3A_285 : vector<16xi32>
    %swap3A_287 = arith.constant 272 : index
    %swap3A_288 = tpu.vector_load %arg17[%swap3A_287] {strides = array<i32>} : memref<512xi32, #tpu.memory_space<vmem>>, vector<16xi32>,
    tpu.vector_store %arg17[%swap3A_287], %add3A_286 {strides = array<i32>} : memref<512xi32, #tpu.memory_space<vmem>>, vector<16xi32>,
    %get3A_289 = arith.constant 288 : index
    %get3A_290 = tpu.vector_load %arg14[%get3A_289] {strides = array<i32>} : memref<512xi32, #tpu.memory_space<vmem>>, vector<16xi32>,
    %mul3A_291 = arith.constant 40 : i32
    %mul3A_292 = vector.broadcast %mul3A_291 : i32 to vector<16xi32>
    %mul3A_293 = arith.muli %get3A_290, %mul3A_292 : vector<16xi32>
    %get3A_294 = arith.constant 288 : index
    %get3A_295 = tpu.vector_load %arg15[%get3A_294] {strides = array<i32>} : memref<512xi32, #tpu.memory_space<vmem>>, vector<16xi32>,
    %mul3A_296 = arith.constant 20 : i32
    %mul3A_297 = vector.broadcast %mul3A_296 : i32 to vector<16xi32>
    %mul3A_298 = arith.muli %get3A_295, %mul3A_297 : vector<16xi32>
    %add3A_299 = arith.addi %mul3A_293, %mul3A_298 : vector<16xi32>
    %get3A_300 = arith.constant 288 : index
    %get3A_301 = tpu.vector_load %arg16[%get3A_300] {strides = array<i32>} : memref<512xi32, #tpu.memory_space<vmem>>, vector<16xi32>,
    %add3A_302 = arith.addi %add3A_299, %get3A_301 : vector<16xi32>
    %swap3A_303 = arith.constant 288 : index
    %swap3A_304 = tpu.vector_load %arg17[%swap3A_303] {strides = array<i32>} : memref<512xi32, #tpu.memory_space<vmem>>, vector<16xi32>,
    tpu.vector_store %arg17[%swap3A_303], %add3A_302 {strides = array<i32>} : memref<512xi32, #tpu.memory_space<vmem>>, vector<16xi32>,
    %get3A_305 = arith.constant 304 : index
    %get3A_306 = tpu.vector_load %arg14[%get3A_305] {strides = array<i32>} : memref<512xi32, #tpu.memory_space<vmem>>, vector<16xi32>,
    %mul3A_307 = arith.constant 40 : i32
    %mul3A_308 = vector.broadcast %mul3A_307 : i32 to vector<16xi32>
    %mul3A_309 = arith.muli %get3A_306, %mul3A_308 : vector<16xi32>
    %get3A_310 = arith.constant 304 : index
    %get3A_311 = tpu.vector_load %arg15[%get3A_310] {strides = array<i32>} : memref<512xi32, #tpu.memory_space<vmem>>, vector<16xi32>,
    %mul3A_312 = arith.constant 20 : i32
    %mul3A_313 = vector.broadcast %mul3A_312 : i32 to vector<16xi32>
    %mul3A_314 = arith.muli %get3A_311, %mul3A_313 : vector<16xi32>
    %add3A_315 = arith.addi %mul3A_309, %mul3A_314 : vector<16xi32>
    %get3A_316 = arith.constant 304 : index
    %get3A_317 = tpu.vector_load %arg16[%get3A_316] {strides = array<i32>} : memref<512xi32, #tpu.memory_space<vmem>>, vector<16xi32>,
    %add3A_318 = arith.addi %add3A_315, %get3A_317 : vector<16xi32>
    %swap3A_319 = arith.constant 304 : index
    %swap3A_320 = tpu.vector_load %arg17[%swap3A_319] {strides = array<i32>} : memref<512xi32, #tpu.memory_space<vmem>>, vector<16xi32>,
    tpu.vector_store %arg17[%swap3A_319], %add3A_318 {strides = array<i32>} : memref<512xi32, #tpu.memory_space<vmem>>, vector<16xi32>,
    %get3A_321 = arith.constant 320 : index
    %get3A_322 = tpu.vector_load %arg14[%get3A_321] {strides = array<i32>} : memref<512xi32, #tpu.memory_space<vmem>>, vector<16xi32>,
    %mul3A_323 = arith.constant 40 : i32
    %mul3A_324 = vector.broadcast %mul3A_323 : i32 to vector<16xi32>
    %mul3A_325 = arith.muli %get3A_322, %mul3A_324 : vector<16xi32>
    %get3A_326 = arith.constant 320 : index
    %get3A_327 = tpu.vector_load %arg15[%get3A_326] {strides = array<i32>} : memref<512xi32, #tpu.memory_space<vmem>>, vector<16xi32>,
    %mul3A_328 = arith.constant 20 : i32
    %mul3A_329 = vector.broadcast %mul3A_328 : i32 to vector<16xi32>
    %mul3A_330 = arith.muli %get3A_327, %mul3A_329 : vector<16xi32>
    %add3A_331 = arith.addi %mul3A_325, %mul3A_330 : vector<16xi32>
    %get3A_332 = arith.constant 320 : index
    %get3A_333 = tpu.vector_load %arg16[%get3A_332] {strides = array<i32>} : memref<512xi32, #tpu.memory_space<vmem>>, vector<16xi32>,
    %add3A_334 = arith.addi %add3A_331, %get3A_333 : vector<16xi32>
    %swap3A_335 = arith.constant 320 : index
    %swap3A_336 = tpu.vector_load %arg17[%swap3A_335] {strides = array<i32>} : memref<512xi32, #tpu.memory_space<vmem>>, vector<16xi32>,
    tpu.vector_store %arg17[%swap3A_335], %add3A_334 {strides = array<i32>} : memref<512xi32, #tpu.memory_space<vmem>>, vector<16xi32>,
    %get3A_337 = arith.constant 336 : index
    %get3A_338 = tpu.vector_load %arg14[%get3A_337] {strides = array<i32>} : memref<512xi32, #tpu.memory_space<vmem>>, vector<16xi32>,
    %mul3A_339 = arith.constant 40 : i32
    %mul3A_340 = vector.broadcast %mul3A_339 : i32 to vector<16xi32>
    %mul3A_341 = arith.muli %get3A_338, %mul3A_340 : vector<16xi32>
    %get3A_342 = arith.constant 336 : index
    %get3A_343 = tpu.vector_load %arg15[%get3A_342] {strides = array<i32>} : memref<512xi32, #tpu.memory_space<vmem>>, vector<16xi32>,
    %mul3A_344 = arith.constant 20 : i32
    %mul3A_345 = vector.broadcast %mul3A_344 : i32 to vector<16xi32>
    %mul3A_346 = arith.muli %get3A_343, %mul3A_345 : vector<16xi32>
    %add3A_347 = arith.addi %mul3A_341, %mul3A_346 : vector<16xi32>
    %get3A_348 = arith.constant 336 : index
    %get3A_349 = tpu.vector_load %arg16[%get3A_348] {strides = array<i32>} : memref<512xi32, #tpu.memory_space<vmem>>, vector<16xi32>,
    %add3A_350 = arith.addi %add3A_347, %get3A_349 : vector<16xi32>
    %swap3A_351 = arith.constant 336 : index
    %swap3A_352 = tpu.vector_load %arg17[%swap3A_351] {strides = array<i32>} : memref<512xi32, #tpu.memory_space<vmem>>, vector<16xi32>,
    tpu.vector_store %arg17[%swap3A_351], %add3A_350 {strides = array<i32>} : memref<512xi32, #tpu.memory_space<vmem>>, vector<16xi32>,
    %get3A_353 = arith.constant 352 : index
    %get3A_354 = tpu.vector_load %arg14[%get3A_353] {strides = array<i32>} : memref<512xi32, #tpu.memory_space<vmem>>, vector<16xi32>,
    %mul3A_355 = arith.constant 40 : i32
    %mul3A_356 = vector.broadcast %mul3A_355 : i32 to vector<16xi32>
    %mul3A_357 = arith.muli %get3A_354, %mul3A_356 : vector<16xi32>
    %get3A_358 = arith.constant 352 : index
    %get3A_359 = tpu.vector_load %arg15[%get3A_358] {strides = array<i32>} : memref<512xi32, #tpu.memory_space<vmem>>, vector<16xi32>,
    %mul3A_360 = arith.constant 20 : i32
    %mul3A_361 = vector.broadcast %mul3A_360 : i32 to vector<16xi32>
    %mul3A_362 = arith.muli %get3A_359, %mul3A_361 : vector<16xi32>
    %add3A_363 = arith.addi %mul3A_357, %mul3A_362 : vector<16xi32>
    %get3A_364 = arith.constant 352 : index
    %get3A_365 = tpu.vector_load %arg16[%get3A_364] {strides = array<i32>} : memref<512xi32, #tpu.memory_space<vmem>>, vector<16xi32>,
    %add3A_366 = arith.addi %add3A_363, %get3A_365 : vector<16xi32>
    %swap3A_367 = arith.constant 352 : index
    %swap3A_368 = tpu.vector_load %arg17[%swap3A_367] {strides = array<i32>} : memref<512xi32, #tpu.memory_space<vmem>>, vector<16xi32>,
    tpu.vector_store %arg17[%swap3A_367], %add3A_366 {strides = array<i32>} : memref<512xi32, #tpu.memory_space<vmem>>, vector<16xi32>,
    %get3A_369 = arith.constant 368 : index
    %get3A_370 = tpu.vector_load %arg14[%get3A_369] {strides = array<i32>} : memref<512xi32, #tpu.memory_space<vmem>>, vector<16xi32>,
    %mul3A_371 = arith.constant 40 : i32
    %mul3A_372 = vector.broadcast %mul3A_371 : i32 to vector<16xi32>
    %mul3A_373 = arith.muli %get3A_370, %mul3A_372 : vector<16xi32>
    %get3A_374 = arith.constant 368 : index
    %get3A_375 = tpu.vector_load %arg15[%get3A_374] {strides = array<i32>} : memref<512xi32, #tpu.memory_space<vmem>>, vector<16xi32>,
    %mul3A_376 = arith.constant 20 : i32
    %mul3A_377 = vector.broadcast %mul3A_376 : i32 to vector<16xi32>
    %mul3A_378 = arith.muli %get3A_375, %mul3A_377 : vector<16xi32>
    %add3A_379 = arith.addi %mul3A_373, %mul3A_378 : vector<16xi32>
    %get3A_380 = arith.constant 368 : index
    %get3A_381 = tpu.vector_load %arg16[%get3A_380] {strides = array<i32>} : memref<512xi32, #tpu.memory_space<vmem>>, vector<16xi32>,
    %add3A_382 = arith.addi %add3A_379, %get3A_381 : vector<16xi32>
    %swap3A_383 = arith.constant 368 : index
    %swap3A_384 = tpu.vector_load %arg17[%swap3A_383] {strides = array<i32>} : memref<512xi32, #tpu.memory_space<vmem>>, vector<16xi32>,
    tpu.vector_store %arg17[%swap3A_383], %add3A_382 {strides = array<i32>} : memref<512xi32, #tpu.memory_space<vmem>>, vector<16xi32>,
    %get3A_385 = arith.constant 384 : index
    %get3A_386 = tpu.vector_load %arg14[%get3A_385] {strides = array<i32>} : memref<512xi32, #tpu.memory_space<vmem>>, vector<16xi32>,
    %mul3A_387 = arith.constant 40 : i32
    %mul3A_388 = vector.broadcast %mul3A_387 : i32 to vector<16xi32>
    %mul3A_389 = arith.muli %get3A_386, %mul3A_388 : vector<16xi32>
    %get3A_390 = arith.constant 384 : index
    %get3A_391 = tpu.vector_load %arg15[%get3A_390] {strides = array<i32>} : memref<512xi32, #tpu.memory_space<vmem>>, vector<16xi32>,
    %mul3A_392 = arith.constant 20 : i32
    %mul3A_393 = vector.broadcast %mul3A_392 : i32 to vector<16xi32>
    %mul3A_394 = arith.muli %get3A_391, %mul3A_393 : vector<16xi32>
    %add3A_395 = arith.addi %mul3A_389, %mul3A_394 : vector<16xi32>
    %get3A_396 = arith.constant 384 : index
    %get3A_397 = tpu.vector_load %arg16[%get3A_396] {strides = array<i32>} : memref<512xi32, #tpu.memory_space<vmem>>, vector<16xi32>,
    %add3A_398 = arith.addi %add3A_395, %get3A_397 : vector<16xi32>
    %swap3A_399 = arith.constant 384 : index
    %swap3A_400 = tpu.vector_load %arg17[%swap3A_399] {strides = array<i32>} : memref<512xi32, #tpu.memory_space<vmem>>, vector<16xi32>,
    tpu.vector_store %arg17[%swap3A_399], %add3A_398 {strides = array<i32>} : memref<512xi32, #tpu.memory_space<vmem>>, vector<16xi32>,
    %get3A_401 = arith.constant 400 : index
    %get3A_402 = tpu.vector_load %arg14[%get3A_401] {strides = array<i32>} : memref<512xi32, #tpu.memory_space<vmem>>, vector<16xi32>,
    %mul3A_403 = arith.constant 40 : i32
    %mul3A_404 = vector.broadcast %mul3A_403 : i32 to vector<16xi32>
    %mul3A_405 = arith.muli %get3A_402, %mul3A_404 : vector<16xi32>
    %get3A_406 = arith.constant 400 : index
    %get3A_407 = tpu.vector_load %arg15[%get3A_406] {strides = array<i32>} : memref<512xi32, #tpu.memory_space<vmem>>, vector<16xi32>,
    %mul3A_408 = arith.constant 20 : i32
    %mul3A_409 = vector.broadcast %mul3A_408 : i32 to vector<16xi32>
    %mul3A_410 = arith.muli %get3A_407, %mul3A_409 : vector<16xi32>
    %add3A_411 = arith.addi %mul3A_405, %mul3A_410 : vector<16xi32>
    %get3A_412 = arith.constant 400 : index
    %get3A_413 = tpu.vector_load %arg16[%get3A_412] {strides = array<i32>} : memref<512xi32, #tpu.memory_space<vmem>>, vector<16xi32>,
    %add3A_414 = arith.addi %add3A_411, %get3A_413 : vector<16xi32>
    %swap3A_415 = arith.constant 400 : index
    %swap3A_416 = tpu.vector_load %arg17[%swap3A_415] {strides = array<i32>} : memref<512xi32, #tpu.memory_space<vmem>>, vector<16xi32>,
    tpu.vector_store %arg17[%swap3A_415], %add3A_414 {strides = array<i32>} : memref<512xi32, #tpu.memory_space<vmem>>, vector<16xi32>,
    %get3A_417 = arith.constant 416 : index
    %get3A_418 = tpu.vector_load %arg14[%get3A_417] {strides = array<i32>} : memref<512xi32, #tpu.memory_space<vmem>>, vector<16xi32>,
    %mul3A_419 = arith.constant 40 : i32
    %mul3A_420 = vector.broadcast %mul3A_419 : i32 to vector<16xi32>
    %mul3A_421 = arith.muli %get3A_418, %mul3A_420 : vector<16xi32>
    %get3A_422 = arith.constant 416 : index
    %get3A_423 = tpu.vector_load %arg15[%get3A_422] {strides = array<i32>} : memref<512xi32, #tpu.memory_space<vmem>>, vector<16xi32>,
    %mul3A_424 = arith.constant 20 : i32
    %mul3A_425 = vector.broadcast %mul3A_424 : i32 to vector<16xi32>
    %mul3A_426 = arith.muli %get3A_423, %mul3A_425 : vector<16xi32>
    %add3A_427 = arith.addi %mul3A_421, %mul3A_426 : vector<16xi32>
    %get3A_428 = arith.constant 416 : index
    %get3A_429 = tpu.vector_load %arg16[%get3A_428] {strides = array<i32>} : memref<512xi32, #tpu.memory_space<vmem>>, vector<16xi32>,
    %add3A_430 = arith.addi %add3A_427, %get3A_429 : vector<16xi32>
    %swap3A_431 = arith.constant 416 : index
    %swap3A_432 = tpu.vector_load %arg17[%swap3A_431] {strides = array<i32>} : memref<512xi32, #tpu.memory_space<vmem>>, vector<16xi32>,
    tpu.vector_store %arg17[%swap3A_431], %add3A_430 {strides = array<i32>} : memref<512xi32, #tpu.memory_space<vmem>>, vector<16xi32>,
    %get3A_433 = arith.constant 432 : index
    %get3A_434 = tpu.vector_load %arg14[%get3A_433] {strides = array<i32>} : memref<512xi32, #tpu.memory_space<vmem>>, vector<16xi32>,
    %mul3A_435 = arith.constant 40 : i32
    %mul3A_436 = vector.broadcast %mul3A_435 : i32 to vector<16xi32>
    %mul3A_437 = arith.muli %get3A_434, %mul3A_436 : vector<16xi32>
    %get3A_438 = arith.constant 432 : index
    %get3A_439 = tpu.vector_load %arg15[%get3A_438] {strides = array<i32>} : memref<512xi32, #tpu.memory_space<vmem>>, vector<16xi32>,
    %mul3A_440 = arith.constant 20 : i32
    %mul3A_441 = vector.broadcast %mul3A_440 : i32 to vector<16xi32>
    %mul3A_442 = arith.muli %get3A_439, %mul3A_441 : vector<16xi32>
    %add3A_443 = arith.addi %mul3A_437, %mul3A_442 : vector<16xi32>
    %get3A_444 = arith.constant 432 : index
    %get3A_445 = tpu.vector_load %arg16[%get3A_444] {strides = array<i32>} : memref<512xi32, #tpu.memory_space<vmem>>, vector<16xi32>,
    %add3A_446 = arith.addi %add3A_443, %get3A_445 : vector<16xi32>
    %swap3A_447 = arith.constant 432 : index
    %swap3A_448 = tpu.vector_load %arg17[%swap3A_447] {strides = array<i32>} : memref<512xi32, #tpu.memory_space<vmem>>, vector<16xi32>,
    tpu.vector_store %arg17[%swap3A_447], %add3A_446 {strides = array<i32>} : memref<512xi32, #tpu.memory_space<vmem>>, vector<16xi32>,
    %get3A_449 = arith.constant 448 : index
    %get3A_450 = tpu.vector_load %arg14[%get3A_449] {strides = array<i32>} : memref<512xi32, #tpu.memory_space<vmem>>, vector<16xi32>,
    %mul3A_451 = arith.constant 40 : i32
    %mul3A_452 = vector.broadcast %mul3A_451 : i32 to vector<16xi32>
    %mul3A_453 = arith.muli %get3A_450, %mul3A_452 : vector<16xi32>
    %get3A_454 = arith.constant 448 : index
    %get3A_455 = tpu.vector_load %arg15[%get3A_454] {strides = array<i32>} : memref<512xi32, #tpu.memory_space<vmem>>, vector<16xi32>,
    %mul3A_456 = arith.constant 20 : i32
    %mul3A_457 = vector.broadcast %mul3A_456 : i32 to vector<16xi32>
    %mul3A_458 = arith.muli %get3A_455, %mul3A_457 : vector<16xi32>
    %add3A_459 = arith.addi %mul3A_453, %mul3A_458 : vector<16xi32>
    %get3A_460 = arith.constant 448 : index
    %get3A_461 = tpu.vector_load %arg16[%get3A_460] {strides = array<i32>} : memref<512xi32, #tpu.memory_space<vmem>>, vector<16xi32>,
    %add3A_462 = arith.addi %add3A_459, %get3A_461 : vector<16xi32>
    %swap3A_463 = arith.constant 448 : index
    %swap3A_464 = tpu.vector_load %arg17[%swap3A_463] {strides = array<i32>} : memref<512xi32, #tpu.memory_space<vmem>>, vector<16xi32>,
    tpu.vector_store %arg17[%swap3A_463], %add3A_462 {strides = array<i32>} : memref<512xi32, #tpu.memory_space<vmem>>, vector<16xi32>,
    %get3A_465 = arith.constant 464 : index
    %get3A_466 = tpu.vector_load %arg14[%get3A_465] {strides = array<i32>} : memref<512xi32, #tpu.memory_space<vmem>>, vector<16xi32>,
    %mul3A_467 = arith.constant 40 : i32
    %mul3A_468 = vector.broadcast %mul3A_467 : i32 to vector<16xi32>
    %mul3A_469 = arith.muli %get3A_466, %mul3A_468 : vector<16xi32>
    %get3A_470 = arith.constant 464 : index
    %get3A_471 = tpu.vector_load %arg15[%get3A_470] {strides = array<i32>} : memref<512xi32, #tpu.memory_space<vmem>>, vector<16xi32>,
    %mul3A_472 = arith.constant 20 : i32
    %mul3A_473 = vector.broadcast %mul3A_472 : i32 to vector<16xi32>
    %mul3A_474 = arith.muli %get3A_471, %mul3A_473 : vector<16xi32>
    %add3A_475 = arith.addi %mul3A_469, %mul3A_474 : vector<16xi32>
    %get3A_476 = arith.constant 464 : index
    %get3A_477 = tpu.vector_load %arg16[%get3A_476] {strides = array<i32>} : memref<512xi32, #tpu.memory_space<vmem>>, vector<16xi32>,
    %add3A_478 = arith.addi %add3A_475, %get3A_477 : vector<16xi32>
    %swap3A_479 = arith.constant 464 : index
    %swap3A_480 = tpu.vector_load %arg17[%swap3A_479] {strides = array<i32>} : memref<512xi32, #tpu.memory_space<vmem>>, vector<16xi32>,
    tpu.vector_store %arg17[%swap3A_479], %add3A_478 {strides = array<i32>} : memref<512xi32, #tpu.memory_space<vmem>>, vector<16xi32>,
    %get3A_481 = arith.constant 480 : index
    %get3A_482 = tpu.vector_load %arg14[%get3A_481] {strides = array<i32>} : memref<512xi32, #tpu.memory_space<vmem>>, vector<16xi32>,
    %mul3A_483 = arith.constant 40 : i32
    %mul3A_484 = vector.broadcast %mul3A_483 : i32 to vector<16xi32>
    %mul3A_485 = arith.muli %get3A_482, %mul3A_484 : vector<16xi32>
    %get3A_486 = arith.constant 480 : index
    %get3A_487 = tpu.vector_load %arg15[%get3A_486] {strides = array<i32>} : memref<512xi32, #tpu.memory_space<vmem>>, vector<16xi32>,
    %mul3A_488 = arith.constant 20 : i32
    %mul3A_489 = vector.broadcast %mul3A_488 : i32 to vector<16xi32>
    %mul3A_490 = arith.muli %get3A_487, %mul3A_489 : vector<16xi32>
    %add3A_491 = arith.addi %mul3A_485, %mul3A_490 : vector<16xi32>
    %get3A_492 = arith.constant 480 : index
    %get3A_493 = tpu.vector_load %arg16[%get3A_492] {strides = array<i32>} : memref<512xi32, #tpu.memory_space<vmem>>, vector<16xi32>,
    %add3A_494 = arith.addi %add3A_491, %get3A_493 : vector<16xi32>
    %swap3A_495 = arith.constant 480 : index
    %swap3A_496 = tpu.vector_load %arg17[%swap3A_495] {strides = array<i32>} : memref<512xi32, #tpu.memory_space<vmem>>, vector<16xi32>,
    tpu.vector_store %arg17[%swap3A_495], %add3A_494 {strides = array<i32>} : memref<512xi32, #tpu.memory_space<vmem>>, vector<16xi32>,
    %get3A_497 = arith.constant 496 : index
    %get3A_498 = tpu.vector_load %arg14[%get3A_497] {strides = array<i32>} : memref<512xi32, #tpu.memory_space<vmem>>, vector<16xi32>,
    %mul3A_499 = arith.constant 40 : i32
    %mul3A_500 = vector.broadcast %mul3A_499 : i32 to vector<16xi32>
    %mul3A_501 = arith.muli %get3A_498, %mul3A_500 : vector<16xi32>
    %get3A_502 = arith.constant 496 : index
    %get3A_503 = tpu.vector_load %arg15[%get3A_502] {strides = array<i32>} : memref<512xi32, #tpu.memory_space<vmem>>, vector<16xi32>,
    %mul3A_504 = arith.constant 20 : i32
    %mul3A_505 = vector.broadcast %mul3A_504 : i32 to vector<16xi32>
    %mul3A_506 = arith.muli %get3A_503, %mul3A_505 : vector<16xi32>
    %add3A_507 = arith.addi %mul3A_501, %mul3A_506 : vector<16xi32>
    %get3A_508 = arith.constant 496 : index
    %get3A_509 = tpu.vector_load %arg16[%get3A_508] {strides = array<i32>} : memref<512xi32, #tpu.memory_space<vmem>>, vector<16xi32>,
    %add3A_510 = arith.addi %add3A_507, %get3A_509 : vector<16xi32>
    %swap3A_511 = arith.constant 496 : index
    %swap3A_512 = tpu.vector_load %arg17[%swap3A_511] {strides = array<i32>} : memref<512xi32, #tpu.memory_space<vmem>>, vector<16xi32>,
    tpu.vector_store %arg17[%swap3A_511], %add3A_510 {strides = array<i32>} : memref<512xi32, #tpu.memory_space<vmem>>, vector<16xi32>,
    %dma_start3A = arith.constant 0 : i32
    %dma_start3A_513 = arith.constant 0 : i32
    %dma_start3A_514 = tpu.memref_slice %arg18[%dma_start3A_513] : memref<512xf32, #tpu.memory_space<vmem>> -> memref<128xf32, #tpu.memory_space<vmem>>
    %dma_start3A_515 = arith.constant 0 : i32
    %dma_start3A_516 = tpu.memref_slice %arg12[%dma_start3A_515] : memref<512xi32, #tpu.memory_space<vmem>> -> memref<128xi32, #tpu.memory_space<vmem>>
    %dma_start3A_517 = arith.constant 0 : i32
    %dma_start3A_518 = tpu.memref_slice %arg7[%dma_start3A, %dma_start3A_517] : memref<1x1000000xf32, #tpu.memory_space<hbm>> -> memref<1x1000000xf32, #tpu.memory_space<hbm>>
    %dma_start3A_519 = tpu.memref_squeeze %dma_start3A_518 : memref<1x1000000xf32, #tpu.memory_space<hbm>> -> memref<1000000xf32, #tpu.memory_space<hbm>>
    %dma_start3A_520 = arith.constant 0 : i32
    %dma_start3A_521 = tpu.memref_slice %dma_start3A_519[%dma_start3A_520] : memref<1000000xf32, #tpu.memory_space<hbm>> -> memref<1000000xf32, #tpu.memory_space<hbm>>
    tpu.enqueue_indirect_dma source(%dma_start3A_521 : memref<1000000xf32, #tpu.memory_space<hbm>>) target(%dma_start3A_514 : memref<128xf32, #tpu.memory_space<vmem>>) offsets(%dma_start3A_516 : memref<128xi32, #tpu.memory_space<vmem>>) semaphore(%arg25 : memref<!tpu.dma_semaphore, #tpu.memory_space<semaphore_mem>>)
    %dma_start3A_522 = arith.constant 0 : i32
    %dma_start3A_523 = arith.constant 0 : i32
    %dma_start3A_524 = tpu.memref_slice %arg19[%dma_start3A_523] : memref<512xf32, #tpu.memory_space<vmem>> -> memref<128xf32, #tpu.memory_space<vmem>>
    %dma_start3A_525 = arith.constant 0 : i32
    %dma_start3A_526 = tpu.memref_slice %arg13[%dma_start3A_525] : memref<512xi32, #tpu.memory_space<vmem>> -> memref<128xi32, #tpu.memory_space<vmem>>
    %dma_start3A_527 = arith.constant 0 : i32
    %dma_start3A_528 = tpu.memref_slice %arg8[%dma_start3A_522, %dma_start3A_527] : memref<1x1000000xf32, #tpu.memory_space<hbm>> -> memref<1x1000000xf32, #tpu.memory_space<hbm>>
    %dma_start3A_529 = tpu.memref_squeeze %dma_start3A_528 : memref<1x1000000xf32, #tpu.memory_space<hbm>> -> memref<1000000xf32, #tpu.memory_space<hbm>>
    %dma_start3A_530 = arith.constant 0 : i32
    %dma_start3A_531 = tpu.memref_slice %dma_start3A_529[%dma_start3A_530] : memref<1000000xf32, #tpu.memory_space<hbm>> -> memref<1000000xf32, #tpu.memory_space<hbm>>
    tpu.enqueue_indirect_dma source(%dma_start3A_531 : memref<1000000xf32, #tpu.memory_space<hbm>>) target(%dma_start3A_524 : memref<128xf32, #tpu.memory_space<vmem>>) offsets(%dma_start3A_526 : memref<128xi32, #tpu.memory_space<vmem>>) semaphore(%arg25 : memref<!tpu.dma_semaphore, #tpu.memory_space<semaphore_mem>>)
    %dma_start3A_532 = arith.constant 0 : i32
    %dma_start3A_533 = arith.constant 0 : i32
    %dma_start3A_534 = tpu.memref_slice %arg20[%dma_start3A_533] : memref<512xf32, #tpu.memory_space<vmem>> -> memref<128xf32, #tpu.memory_space<vmem>>
    %dma_start3A_535 = arith.constant 0 : i32
    %dma_start3A_536 = tpu.memref_slice %arg12[%dma_start3A_535] : memref<512xi32, #tpu.memory_space<vmem>> -> memref<128xi32, #tpu.memory_space<vmem>>
    %dma_start3A_537 = arith.constant 0 : i32
    %dma_start3A_538 = tpu.memref_slice %arg9[%dma_start3A_532, %dma_start3A_537] : memref<3x1000000xf32, #tpu.memory_space<hbm>> -> memref<1x1000000xf32, #tpu.memory_space<hbm>>
    %dma_start3A_539 = tpu.memref_squeeze %dma_start3A_538 : memref<1x1000000xf32, #tpu.memory_space<hbm>> -> memref<1000000xf32, #tpu.memory_space<hbm>>
    %dma_start3A_540 = arith.constant 0 : i32
    %dma_start3A_541 = tpu.memref_slice %dma_start3A_539[%dma_start3A_540] : memref<1000000xf32, #tpu.memory_space<hbm>> -> memref<1000000xf32, #tpu.memory_space<hbm>>
    tpu.enqueue_indirect_dma source(%dma_start3A_541 : memref<1000000xf32, #tpu.memory_space<hbm>>) target(%dma_start3A_534 : memref<128xf32, #tpu.memory_space<vmem>>) offsets(%dma_start3A_536 : memref<128xi32, #tpu.memory_space<vmem>>) semaphore(%arg25 : memref<!tpu.dma_semaphore, #tpu.memory_space<semaphore_mem>>)
    %dma_start3A_542 = arith.constant 1 : i32
    %dma_start3A_543 = arith.constant 0 : i32
    %dma_start3A_544 = tpu.memref_slice %arg21[%dma_start3A_543] : memref<512xf32, #tpu.memory_space<vmem>> -> memref<128xf32, #tpu.memory_space<vmem>>
    %dma_start3A_545 = arith.constant 0 : i32
    %dma_start3A_546 = tpu.memref_slice %arg12[%dma_start3A_545] : memref<512xi32, #tpu.memory_space<vmem>> -> memref<128xi32, #tpu.memory_space<vmem>>
    %dma_start3A_547 = arith.constant 0 : i32
    %dma_start3A_548 = tpu.memref_slice %arg9[%dma_start3A_542, %dma_start3A_547] : memref<3x1000000xf32, #tpu.memory_space<hbm>> -> memref<1x1000000xf32, #tpu.memory_space<hbm>>
    %dma_start3A_549 = tpu.memref_squeeze %dma_start3A_548 : memref<1x1000000xf32, #tpu.memory_space<hbm>> -> memref<1000000xf32, #tpu.memory_space<hbm>>
    %dma_start3A_550 = arith.constant 0 : i32
    %dma_start3A_551 = tpu.memref_slice %dma_start3A_549[%dma_start3A_550] : memref<1000000xf32, #tpu.memory_space<hbm>> -> memref<1000000xf32, #tpu.memory_space<hbm>>
    tpu.enqueue_indirect_dma source(%dma_start3A_551 : memref<1000000xf32, #tpu.memory_space<hbm>>) target(%dma_start3A_544 : memref<128xf32, #tpu.memory_space<vmem>>) offsets(%dma_start3A_546 : memref<128xi32, #tpu.memory_space<vmem>>) semaphore(%arg25 : memref<!tpu.dma_semaphore, #tpu.memory_space<semaphore_mem>>)
    %dma_start3A_552 = arith.constant 2 : i32
    %dma_start3A_553 = arith.constant 0 : i32
    %dma_start3A_554 = tpu.memref_slice %arg22[%dma_start3A_553] : memref<512xf32, #tpu.memory_space<vmem>> -> memref<128xf32, #tpu.memory_space<vmem>>
    %dma_start3A_555 = arith.constant 0 : i32
    %dma_start3A_556 = tpu.memref_slice %arg12[%dma_start3A_555] : memref<512xi32, #tpu.memory_space<vmem>> -> memref<128xi32, #tpu.memory_space<vmem>>
    %dma_start3A_557 = arith.constant 0 : i32
    %dma_start3A_558 = tpu.memref_slice %arg9[%dma_start3A_552, %dma_start3A_557] : memref<3x1000000xf32, #tpu.memory_space<hbm>> -> memref<1x1000000xf32, #tpu.memory_space<hbm>>
    %dma_start3A_559 = tpu.memref_squeeze %dma_start3A_558 : memref<1x1000000xf32, #tpu.memory_space<hbm>> -> memref<1000000xf32, #tpu.memory_space<hbm>>
    %dma_start3A_560 = arith.constant 0 : i32
    %dma_start3A_561 = tpu.memref_slice %dma_start3A_559[%dma_start3A_560] : memref<1000000xf32, #tpu.memory_space<hbm>> -> memref<1000000xf32, #tpu.memory_space<hbm>>
    tpu.enqueue_indirect_dma source(%dma_start3A_561 : memref<1000000xf32, #tpu.memory_space<hbm>>) target(%dma_start3A_554 : memref<128xf32, #tpu.memory_space<vmem>>) offsets(%dma_start3A_556 : memref<128xi32, #tpu.memory_space<vmem>>) semaphore(%arg25 : memref<!tpu.dma_semaphore, #tpu.memory_space<semaphore_mem>>)
    %dma_start3A_562 = arith.constant 0 : i32
    %dma_start3A_563 = arith.constant 128 : i32
    %dma_start3A_564 = tpu.memref_slice %arg18[%dma_start3A_563] : memref<512xf32, #tpu.memory_space<vmem>> -> memref<128xf32, #tpu.memory_space<vmem>>
    %dma_start3A_565 = arith.constant 128 : i32
    %dma_start3A_566 = tpu.memref_slice %arg12[%dma_start3A_565] : memref<512xi32, #tpu.memory_space<vmem>> -> memref<128xi32, #tpu.memory_space<vmem>>
    %dma_start3A_567 = arith.constant 0 : i32
    %dma_start3A_568 = tpu.memref_slice %arg7[%dma_start3A_562, %dma_start3A_567] : memref<1x1000000xf32, #tpu.memory_space<hbm>> -> memref<1x1000000xf32, #tpu.memory_space<hbm>>
    %dma_start3A_569 = tpu.memref_squeeze %dma_start3A_568 : memref<1x1000000xf32, #tpu.memory_space<hbm>> -> memref<1000000xf32, #tpu.memory_space<hbm>>
    %dma_start3A_570 = arith.constant 0 : i32
    %dma_start3A_571 = tpu.memref_slice %dma_start3A_569[%dma_start3A_570] : memref<1000000xf32, #tpu.memory_space<hbm>> -> memref<1000000xf32, #tpu.memory_space<hbm>>
    tpu.enqueue_indirect_dma source(%dma_start3A_571 : memref<1000000xf32, #tpu.memory_space<hbm>>) target(%dma_start3A_564 : memref<128xf32, #tpu.memory_space<vmem>>) offsets(%dma_start3A_566 : memref<128xi32, #tpu.memory_space<vmem>>) semaphore(%arg25 : memref<!tpu.dma_semaphore, #tpu.memory_space<semaphore_mem>>)
    %dma_start3A_572 = arith.constant 0 : i32
    %dma_start3A_573 = arith.constant 128 : i32
    %dma_start3A_574 = tpu.memref_slice %arg19[%dma_start3A_573] : memref<512xf32, #tpu.memory_space<vmem>> -> memref<128xf32, #tpu.memory_space<vmem>>
    %dma_start3A_575 = arith.constant 128 : i32
    %dma_start3A_576 = tpu.memref_slice %arg13[%dma_start3A_575] : memref<512xi32, #tpu.memory_space<vmem>> -> memref<128xi32, #tpu.memory_space<vmem>>
    %dma_start3A_577 = arith.constant 0 : i32
    %dma_start3A_578 = tpu.memref_slice %arg8[%dma_start3A_572, %dma_start3A_577] : memref<1x1000000xf32, #tpu.memory_space<hbm>> -> memref<1x1000000xf32, #tpu.memory_space<hbm>>
    %dma_start3A_579 = tpu.memref_squeeze %dma_start3A_578 : memref<1x1000000xf32, #tpu.memory_space<hbm>> -> memref<1000000xf32, #tpu.memory_space<hbm>>
    %dma_start3A_580 = arith.constant 0 : i32
    %dma_start3A_581 = tpu.memref_slice %dma_start3A_579[%dma_start3A_580] : memref<1000000xf32, #tpu.memory_space<hbm>> -> memref<1000000xf32, #tpu.memory_space<hbm>>
    tpu.enqueue_indirect_dma source(%dma_start3A_581 : memref<1000000xf32, #tpu.memory_space<hbm>>) target(%dma_start3A_574 : memref<128xf32, #tpu.memory_space<vmem>>) offsets(%dma_start3A_576 : memref<128xi32, #tpu.memory_space<vmem>>) semaphore(%arg25 : memref<!tpu.dma_semaphore, #tpu.memory_space<semaphore_mem>>)
    %dma_start3A_582 = arith.constant 0 : i32
    %dma_start3A_583 = arith.constant 128 : i32
    %dma_start3A_584 = tpu.memref_slice %arg20[%dma_start3A_583] : memref<512xf32, #tpu.memory_space<vmem>> -> memref<128xf32, #tpu.memory_space<vmem>>
    %dma_start3A_585 = arith.constant 128 : i32
    %dma_start3A_586 = tpu.memref_slice %arg12[%dma_start3A_585] : memref<512xi32, #tpu.memory_space<vmem>> -> memref<128xi32, #tpu.memory_space<vmem>>
    %dma_start3A_587 = arith.constant 0 : i32
    %dma_start3A_588 = tpu.memref_slice %arg9[%dma_start3A_582, %dma_start3A_587] : memref<3x1000000xf32, #tpu.memory_space<hbm>> -> memref<1x1000000xf32, #tpu.memory_space<hbm>>
    %dma_start3A_589 = tpu.memref_squeeze %dma_start3A_588 : memref<1x1000000xf32, #tpu.memory_space<hbm>> -> memref<1000000xf32, #tpu.memory_space<hbm>>
    %dma_start3A_590 = arith.constant 0 : i32
    %dma_start3A_591 = tpu.memref_slice %dma_start3A_589[%dma_start3A_590] : memref<1000000xf32, #tpu.memory_space<hbm>> -> memref<1000000xf32, #tpu.memory_space<hbm>>
    tpu.enqueue_indirect_dma source(%dma_start3A_591 : memref<1000000xf32, #tpu.memory_space<hbm>>) target(%dma_start3A_584 : memref<128xf32, #tpu.memory_space<vmem>>) offsets(%dma_start3A_586 : memref<128xi32, #tpu.memory_space<vmem>>) semaphore(%arg25 : memref<!tpu.dma_semaphore, #tpu.memory_space<semaphore_mem>>)
    %dma_start3A_592 = arith.constant 1 : i32
    %dma_start3A_593 = arith.constant 128 : i32
    %dma_start3A_594 = tpu.memref_slice %arg21[%dma_start3A_593] : memref<512xf32, #tpu.memory_space<vmem>> -> memref<128xf32, #tpu.memory_space<vmem>>
    %dma_start3A_595 = arith.constant 128 : i32
    %dma_start3A_596 = tpu.memref_slice %arg12[%dma_start3A_595] : memref<512xi32, #tpu.memory_space<vmem>> -> memref<128xi32, #tpu.memory_space<vmem>>
    %dma_start3A_597 = arith.constant 0 : i32
    %dma_start3A_598 = tpu.memref_slice %arg9[%dma_start3A_592, %dma_start3A_597] : memref<3x1000000xf32, #tpu.memory_space<hbm>> -> memref<1x1000000xf32, #tpu.memory_space<hbm>>
    %dma_start3A_599 = tpu.memref_squeeze %dma_start3A_598 : memref<1x1000000xf32, #tpu.memory_space<hbm>> -> memref<1000000xf32, #tpu.memory_space<hbm>>
    %dma_start3A_600 = arith.constant 0 : i32
    %dma_start3A_601 = tpu.memref_slice %dma_start3A_599[%dma_start3A_600] : memref<1000000xf32, #tpu.memory_space<hbm>> -> memref<1000000xf32, #tpu.memory_space<hbm>>
    tpu.enqueue_indirect_dma source(%dma_start3A_601 : memref<1000000xf32, #tpu.memory_space<hbm>>) target(%dma_start3A_594 : memref<128xf32, #tpu.memory_space<vmem>>) offsets(%dma_start3A_596 : memref<128xi32, #tpu.memory_space<vmem>>) semaphore(%arg25 : memref<!tpu.dma_semaphore, #tpu.memory_space<semaphore_mem>>)
    %dma_start3A_602 = arith.constant 2 : i32
    %dma_start3A_603 = arith.constant 128 : i32
    %dma_start3A_604 = tpu.memref_slice %arg22[%dma_start3A_603] : memref<512xf32, #tpu.memory_space<vmem>> -> memref<128xf32, #tpu.memory_space<vmem>>
    %dma_start3A_605 = arith.constant 128 : i32
    %dma_start3A_606 = tpu.memref_slice %arg12[%dma_start3A_605] : memref<512xi32, #tpu.memory_space<vmem>> -> memref<128xi32, #tpu.memory_space<vmem>>
    %dma_start3A_607 = arith.constant 0 : i32
    %dma_start3A_608 = tpu.memref_slice %arg9[%dma_start3A_602, %dma_start3A_607] : memref<3x1000000xf32, #tpu.memory_space<hbm>> -> memref<1x1000000xf32, #tpu.memory_space<hbm>>
    %dma_start3A_609 = tpu.memref_squeeze %dma_start3A_608 : memref<1x1000000xf32, #tpu.memory_space<hbm>> -> memref<1000000xf32, #tpu.memory_space<hbm>>
    %dma_start3A_610 = arith.constant 0 : i32
    %dma_start3A_611 = tpu.memref_slice %dma_start3A_609[%dma_start3A_610] : memref<1000000xf32, #tpu.memory_space<hbm>> -> memref<1000000xf32, #tpu.memory_space<hbm>>
    tpu.enqueue_indirect_dma source(%dma_start3A_611 : memref<1000000xf32, #tpu.memory_space<hbm>>) target(%dma_start3A_604 : memref<128xf32, #tpu.memory_space<vmem>>) offsets(%dma_start3A_606 : memref<128xi32, #tpu.memory_space<vmem>>) semaphore(%arg25 : memref<!tpu.dma_semaphore, #tpu.memory_space<semaphore_mem>>)
    %dma_start3A_612 = arith.constant 0 : i32
    %dma_start3A_613 = arith.constant 256 : i32
    %dma_start3A_614 = tpu.memref_slice %arg18[%dma_start3A_613] : memref<512xf32, #tpu.memory_space<vmem>> -> memref<128xf32, #tpu.memory_space<vmem>>
    %dma_start3A_615 = arith.constant 256 : i32
    %dma_start3A_616 = tpu.memref_slice %arg12[%dma_start3A_615] : memref<512xi32, #tpu.memory_space<vmem>> -> memref<128xi32, #tpu.memory_space<vmem>>
    %dma_start3A_617 = arith.constant 0 : i32
    %dma_start3A_618 = tpu.memref_slice %arg7[%dma_start3A_612, %dma_start3A_617] : memref<1x1000000xf32, #tpu.memory_space<hbm>> -> memref<1x1000000xf32, #tpu.memory_space<hbm>>
    %dma_start3A_619 = tpu.memref_squeeze %dma_start3A_618 : memref<1x1000000xf32, #tpu.memory_space<hbm>> -> memref<1000000xf32, #tpu.memory_space<hbm>>
    %dma_start3A_620 = arith.constant 0 : i32
    %dma_start3A_621 = tpu.memref_slice %dma_start3A_619[%dma_start3A_620] : memref<1000000xf32, #tpu.memory_space<hbm>> -> memref<1000000xf32, #tpu.memory_space<hbm>>
    tpu.enqueue_indirect_dma source(%dma_start3A_621 : memref<1000000xf32, #tpu.memory_space<hbm>>) target(%dma_start3A_614 : memref<128xf32, #tpu.memory_space<vmem>>) offsets(%dma_start3A_616 : memref<128xi32, #tpu.memory_space<vmem>>) semaphore(%arg25 : memref<!tpu.dma_semaphore, #tpu.memory_space<semaphore_mem>>)
    %dma_start3A_622 = arith.constant 0 : i32
    %dma_start3A_623 = arith.constant 256 : i32
    %dma_start3A_624 = tpu.memref_slice %arg19[%dma_start3A_623] : memref<512xf32, #tpu.memory_space<vmem>> -> memref<128xf32, #tpu.memory_space<vmem>>
    %dma_start3A_625 = arith.constant 256 : i32
    %dma_start3A_626 = tpu.memref_slice %arg13[%dma_start3A_625] : memref<512xi32, #tpu.memory_space<vmem>> -> memref<128xi32, #tpu.memory_space<vmem>>
    %dma_start3A_627 = arith.constant 0 : i32
    %dma_start3A_628 = tpu.memref_slice %arg8[%dma_start3A_622, %dma_start3A_627] : memref<1x1000000xf32, #tpu.memory_space<hbm>> -> memref<1x1000000xf32, #tpu.memory_space<hbm>>
    %dma_start3A_629 = tpu.memref_squeeze %dma_start3A_628 : memref<1x1000000xf32, #tpu.memory_space<hbm>> -> memref<1000000xf32, #tpu.memory_space<hbm>>
    %dma_start3A_630 = arith.constant 0 : i32
    %dma_start3A_631 = tpu.memref_slice %dma_start3A_629[%dma_start3A_630] : memref<1000000xf32, #tpu.memory_space<hbm>> -> memref<1000000xf32, #tpu.memory_space<hbm>>
    tpu.enqueue_indirect_dma source(%dma_start3A_631 : memref<1000000xf32, #tpu.memory_space<hbm>>) target(%dma_start3A_624 : memref<128xf32, #tpu.memory_space<vmem>>) offsets(%dma_start3A_626 : memref<128xi32, #tpu.memory_space<vmem>>) semaphore(%arg25 : memref<!tpu.dma_semaphore, #tpu.memory_space<semaphore_mem>>)
    %dma_start3A_632 = arith.constant 0 : i32
    %dma_start3A_633 = arith.constant 256 : i32
    %dma_start3A_634 = tpu.memref_slice %arg20[%dma_start3A_633] : memref<512xf32, #tpu.memory_space<vmem>> -> memref<128xf32, #tpu.memory_space<vmem>>
    %dma_start3A_635 = arith.constant 256 : i32
    %dma_start3A_636 = tpu.memref_slice %arg12[%dma_start3A_635] : memref<512xi32, #tpu.memory_space<vmem>> -> memref<128xi32, #tpu.memory_space<vmem>>
    %dma_start3A_637 = arith.constant 0 : i32
    %dma_start3A_638 = tpu.memref_slice %arg9[%dma_start3A_632, %dma_start3A_637] : memref<3x1000000xf32, #tpu.memory_space<hbm>> -> memref<1x1000000xf32, #tpu.memory_space<hbm>>
    %dma_start3A_639 = tpu.memref_squeeze %dma_start3A_638 : memref<1x1000000xf32, #tpu.memory_space<hbm>> -> memref<1000000xf32, #tpu.memory_space<hbm>>
    %dma_start3A_640 = arith.constant 0 : i32
    %dma_start3A_641 = tpu.memref_slice %dma_start3A_639[%dma_start3A_640] : memref<1000000xf32, #tpu.memory_space<hbm>> -> memref<1000000xf32, #tpu.memory_space<hbm>>
    tpu.enqueue_indirect_dma source(%dma_start3A_641 : memref<1000000xf32, #tpu.memory_space<hbm>>) target(%dma_start3A_634 : memref<128xf32, #tpu.memory_space<vmem>>) offsets(%dma_start3A_636 : memref<128xi32, #tpu.memory_space<vmem>>) semaphore(%arg25 : memref<!tpu.dma_semaphore, #tpu.memory_space<semaphore_mem>>)
    %dma_start3A_642 = arith.constant 1 : i32
    %dma_start3A_643 = arith.constant 256 : i32
    %dma_start3A_644 = tpu.memref_slice %arg21[%dma_start3A_643] : memref<512xf32, #tpu.memory_space<vmem>> -> memref<128xf32, #tpu.memory_space<vmem>>
    %dma_start3A_645 = arith.constant 256 : i32
    %dma_start3A_646 = tpu.memref_slice %arg12[%dma_start3A_645] : memref<512xi32, #tpu.memory_space<vmem>> -> memref<128xi32, #tpu.memory_space<vmem>>
    %dma_start3A_647 = arith.constant 0 : i32
    %dma_start3A_648 = tpu.memref_slice %arg9[%dma_start3A_642, %dma_start3A_647] : memref<3x1000000xf32, #tpu.memory_space<hbm>> -> memref<1x1000000xf32, #tpu.memory_space<hbm>>
    %dma_start3A_649 = tpu.memref_squeeze %dma_start3A_648 : memref<1x1000000xf32, #tpu.memory_space<hbm>> -> memref<1000000xf32, #tpu.memory_space<hbm>>
    %dma_start3A_650 = arith.constant 0 : i32
    %dma_start3A_651 = tpu.memref_slice %dma_start3A_649[%dma_start3A_650] : memref<1000000xf32, #tpu.memory_space<hbm>> -> memref<1000000xf32, #tpu.memory_space<hbm>>
    tpu.enqueue_indirect_dma source(%dma_start3A_651 : memref<1000000xf32, #tpu.memory_space<hbm>>) target(%dma_start3A_644 : memref<128xf32, #tpu.memory_space<vmem>>) offsets(%dma_start3A_646 : memref<128xi32, #tpu.memory_space<vmem>>) semaphore(%arg25 : memref<!tpu.dma_semaphore, #tpu.memory_space<semaphore_mem>>)
    %dma_start3A_652 = arith.constant 2 : i32
    %dma_start3A_653 = arith.constant 256 : i32
    %dma_start3A_654 = tpu.memref_slice %arg22[%dma_start3A_653] : memref<512xf32, #tpu.memory_space<vmem>> -> memref<128xf32, #tpu.memory_space<vmem>>
    %dma_start3A_655 = arith.constant 256 : i32
    %dma_start3A_656 = tpu.memref_slice %arg12[%dma_start3A_655] : memref<512xi32, #tpu.memory_space<vmem>> -> memref<128xi32, #tpu.memory_space<vmem>>
    %dma_start3A_657 = arith.constant 0 : i32
    %dma_start3A_658 = tpu.memref_slice %arg9[%dma_start3A_652, %dma_start3A_657] : memref<3x1000000xf32, #tpu.memory_space<hbm>> -> memref<1x1000000xf32, #tpu.memory_space<hbm>>
    %dma_start3A_659 = tpu.memref_squeeze %dma_start3A_658 : memref<1x1000000xf32, #tpu.memory_space<hbm>> -> memref<1000000xf32, #tpu.memory_space<hbm>>
    %dma_start3A_660 = arith.constant 0 : i32
    %dma_start3A_661 = tpu.memref_slice %dma_start3A_659[%dma_start3A_660] : memref<1000000xf32, #tpu.memory_space<hbm>> -> memref<1000000xf32, #tpu.memory_space<hbm>>
    tpu.enqueue_indirect_dma source(%dma_start3A_661 : memref<1000000xf32, #tpu.memory_space<hbm>>) target(%dma_start3A_654 : memref<128xf32, #tpu.memory_space<vmem>>) offsets(%dma_start3A_656 : memref<128xi32, #tpu.memory_space<vmem>>) semaphore(%arg25 : memref<!tpu.dma_semaphore, #tpu.memory_space<semaphore_mem>>)
    %dma_start3A_662 = arith.constant 0 : i32
    %dma_start3A_663 = arith.constant 384 : i32
    %dma_start3A_664 = tpu.memref_slice %arg18[%dma_start3A_663] : memref<512xf32, #tpu.memory_space<vmem>> -> memref<128xf32, #tpu.memory_space<vmem>>
    %dma_start3A_665 = arith.constant 384 : i32
    %dma_start3A_666 = tpu.memref_slice %arg12[%dma_start3A_665] : memref<512xi32, #tpu.memory_space<vmem>> -> memref<128xi32, #tpu.memory_space<vmem>>
    %dma_start3A_667 = arith.constant 0 : i32
    %dma_start3A_668 = tpu.memref_slice %arg7[%dma_start3A_662, %dma_start3A_667] : memref<1x1000000xf32, #tpu.memory_space<hbm>> -> memref<1x1000000xf32, #tpu.memory_space<hbm>>
    %dma_start3A_669 = tpu.memref_squeeze %dma_start3A_668 : memref<1x1000000xf32, #tpu.memory_space<hbm>> -> memref<1000000xf32, #tpu.memory_space<hbm>>
    %dma_start3A_670 = arith.constant 0 : i32
    %dma_start3A_671 = tpu.memref_slice %dma_start3A_669[%dma_start3A_670] : memref<1000000xf32, #tpu.memory_space<hbm>> -> memref<1000000xf32, #tpu.memory_space<hbm>>
    tpu.enqueue_indirect_dma source(%dma_start3A_671 : memref<1000000xf32, #tpu.memory_space<hbm>>) target(%dma_start3A_664 : memref<128xf32, #tpu.memory_space<vmem>>) offsets(%dma_start3A_666 : memref<128xi32, #tpu.memory_space<vmem>>) semaphore(%arg25 : memref<!tpu.dma_semaphore, #tpu.memory_space<semaphore_mem>>)
    %dma_start3A_672 = arith.constant 0 : i32
    %dma_start3A_673 = arith.constant 384 : i32
    %dma_start3A_674 = tpu.memref_slice %arg19[%dma_start3A_673] : memref<512xf32, #tpu.memory_space<vmem>> -> memref<128xf32, #tpu.memory_space<vmem>>
    %dma_start3A_675 = arith.constant 384 : i32
    %dma_start3A_676 = tpu.memref_slice %arg13[%dma_start3A_675] : memref<512xi32, #tpu.memory_space<vmem>> -> memref<128xi32, #tpu.memory_space<vmem>>
    %dma_start3A_677 = arith.constant 0 : i32
    %dma_start3A_678 = tpu.memref_slice %arg8[%dma_start3A_672, %dma_start3A_677] : memref<1x1000000xf32, #tpu.memory_space<hbm>> -> memref<1x1000000xf32, #tpu.memory_space<hbm>>
    %dma_start3A_679 = tpu.memref_squeeze %dma_start3A_678 : memref<1x1000000xf32, #tpu.memory_space<hbm>> -> memref<1000000xf32, #tpu.memory_space<hbm>>
    %dma_start3A_680 = arith.constant 0 : i32
    %dma_start3A_681 = tpu.memref_slice %dma_start3A_679[%dma_start3A_680] : memref<1000000xf32, #tpu.memory_space<hbm>> -> memref<1000000xf32, #tpu.memory_space<hbm>>
    tpu.enqueue_indirect_dma source(%dma_start3A_681 : memref<1000000xf32, #tpu.memory_space<hbm>>) target(%dma_start3A_674 : memref<128xf32, #tpu.memory_space<vmem>>) offsets(%dma_start3A_676 : memref<128xi32, #tpu.memory_space<vmem>>) semaphore(%arg25 : memref<!tpu.dma_semaphore, #tpu.memory_space<semaphore_mem>>)
    %dma_start3A_682 = arith.constant 0 : i32
    %dma_start3A_683 = arith.constant 384 : i32
    %dma_start3A_684 = tpu.memref_slice %arg20[%dma_start3A_683] : memref<512xf32, #tpu.memory_space<vmem>> -> memref<128xf32, #tpu.memory_space<vmem>>
    %dma_start3A_685 = arith.constant 384 : i32
    %dma_start3A_686 = tpu.memref_slice %arg12[%dma_start3A_685] : memref<512xi32, #tpu.memory_space<vmem>> -> memref<128xi32, #tpu.memory_space<vmem>>
    %dma_start3A_687 = arith.constant 0 : i32
    %dma_start3A_688 = tpu.memref_slice %arg9[%dma_start3A_682, %dma_start3A_687] : memref<3x1000000xf32, #tpu.memory_space<hbm>> -> memref<1x1000000xf32, #tpu.memory_space<hbm>>
    %dma_start3A_689 = tpu.memref_squeeze %dma_start3A_688 : memref<1x1000000xf32, #tpu.memory_space<hbm>> -> memref<1000000xf32, #tpu.memory_space<hbm>>
    %dma_start3A_690 = arith.constant 0 : i32
    %dma_start3A_691 = tpu.memref_slice %dma_start3A_689[%dma_start3A_690] : memref<1000000xf32, #tpu.memory_space<hbm>> -> memref<1000000xf32, #tpu.memory_space<hbm>>
    tpu.enqueue_indirect_dma source(%dma_start3A_691 : memref<1000000xf32, #tpu.memory_space<hbm>>) target(%dma_start3A_684 : memref<128xf32, #tpu.memory_space<vmem>>) offsets(%dma_start3A_686 : memref<128xi32, #tpu.memory_space<vmem>>) semaphore(%arg25 : memref<!tpu.dma_semaphore, #tpu.memory_space<semaphore_mem>>)
    %dma_start3A_692 = arith.constant 1 : i32
    %dma_start3A_693 = arith.constant 384 : i32
    %dma_start3A_694 = tpu.memref_slice %arg21[%dma_start3A_693] : memref<512xf32, #tpu.memory_space<vmem>> -> memref<128xf32, #tpu.memory_space<vmem>>
    %dma_start3A_695 = arith.constant 384 : i32
    %dma_start3A_696 = tpu.memref_slice %arg12[%dma_start3A_695] : memref<512xi32, #tpu.memory_space<vmem>> -> memref<128xi32, #tpu.memory_space<vmem>>
    %dma_start3A_697 = arith.constant 0 : i32
    %dma_start3A_698 = tpu.memref_slice %arg9[%dma_start3A_692, %dma_start3A_697] : memref<3x1000000xf32, #tpu.memory_space<hbm>> -> memref<1x1000000xf32, #tpu.memory_space<hbm>>
    %dma_start3A_699 = tpu.memref_squeeze %dma_start3A_698 : memref<1x1000000xf32, #tpu.memory_space<hbm>> -> memref<1000000xf32, #tpu.memory_space<hbm>>
    %dma_start3A_700 = arith.constant 0 : i32
    %dma_start3A_701 = tpu.memref_slice %dma_start3A_699[%dma_start3A_700] : memref<1000000xf32, #tpu.memory_space<hbm>> -> memref<1000000xf32, #tpu.memory_space<hbm>>
    tpu.enqueue_indirect_dma source(%dma_start3A_701 : memref<1000000xf32, #tpu.memory_space<hbm>>) target(%dma_start3A_694 : memref<128xf32, #tpu.memory_space<vmem>>) offsets(%dma_start3A_696 : memref<128xi32, #tpu.memory_space<vmem>>) semaphore(%arg25 : memref<!tpu.dma_semaphore, #tpu.memory_space<semaphore_mem>>)
    %dma_start3A_702 = arith.constant 2 : i32
    %dma_start3A_703 = arith.constant 384 : i32
    %dma_start3A_704 = tpu.memref_slice %arg22[%dma_start3A_703] : memref<512xf32, #tpu.memory_space<vmem>> -> memref<128xf32, #tpu.memory_space<vmem>>
    %dma_start3A_705 = arith.constant 384 : i32
    %dma_start3A_706 = tpu.memref_slice %arg12[%dma_start3A_705] : memref<512xi32, #tpu.memory_space<vmem>> -> memref<128xi32, #tpu.memory_space<vmem>>
    %dma_start3A_707 = arith.constant 0 : i32
    %dma_start3A_708 = tpu.memref_slice %arg9[%dma_start3A_702, %dma_start3A_707] : memref<3x1000000xf32, #tpu.memory_space<hbm>> -> memref<1x1000000xf32, #tpu.memory_space<hbm>>
    %dma_start3A_709 = tpu.memref_squeeze %dma_start3A_708 : memref<1x1000000xf32, #tpu.memory_space<hbm>> -> memref<1000000xf32, #tpu.memory_space<hbm>>
    %dma_start3A_710 = arith.constant 0 : i32
    %dma_start3A_711 = tpu.memref_slice %dma_start3A_709[%dma_start3A_710] : memref<1000000xf32, #tpu.memory_space<hbm>> -> memref<1000000xf32, #tpu.memory_space<hbm>>
    tpu.enqueue_indirect_dma source(%dma_start3A_711 : memref<1000000xf32, #tpu.memory_space<hbm>>) target(%dma_start3A_704 : memref<128xf32, #tpu.memory_space<vmem>>) offsets(%dma_start3A_706 : memref<128xi32, #tpu.memory_space<vmem>>) semaphore(%arg25 : memref<!tpu.dma_semaphore, #tpu.memory_space<semaphore_mem>>)
    %dma_wait3A = arith.constant 0 : i32
    %dma_wait3A_712 = arith.constant 0 : i32
    %dma_wait3A_713 = tpu.memref_slice %arg18[%dma_wait3A_712] : memref<512xf32, #tpu.memory_space<vmem>> -> memref<128xf32, #tpu.memory_space<vmem>>
    %dma_wait3A_714 = arith.constant 0 : i32
    %dma_wait3A_715 = tpu.memref_slice %arg12[%dma_wait3A_714] : memref<512xi32, #tpu.memory_space<vmem>> -> memref<128xi32, #tpu.memory_space<vmem>>
    %dma_wait3A_716 = arith.constant 0 : i32
    %dma_wait3A_717 = tpu.memref_slice %arg7[%dma_wait3A, %dma_wait3A_716] : memref<1x1000000xf32, #tpu.memory_space<hbm>> -> memref<1x1000000xf32, #tpu.memory_space<hbm>>
    %dma_wait3A_718 = tpu.memref_squeeze %dma_wait3A_717 : memref<1x1000000xf32, #tpu.memory_space<hbm>> -> memref<1000000xf32, #tpu.memory_space<hbm>>
    %dma_wait3A_719 = arith.constant 0 : i32
    %dma_wait3A_720 = tpu.memref_slice %dma_wait3A_718[%dma_wait3A_719] : memref<1000000xf32, #tpu.memory_space<hbm>> -> memref<1000000xf32, #tpu.memory_space<hbm>>
    tpu.wait_indirect_dma semaphore(%arg25 : memref<!tpu.dma_semaphore, #tpu.memory_space<semaphore_mem>>) src(%dma_wait3A_720 : memref<1000000xf32, #tpu.memory_space<hbm>>) dst(%dma_wait3A_713 : memref<128xf32, #tpu.memory_space<vmem>>)
    %dma_wait3A_721 = arith.constant 0 : i32
    %dma_wait3A_722 = arith.constant 0 : i32
    %dma_wait3A_723 = tpu.memref_slice %arg19[%dma_wait3A_722] : memref<512xf32, #tpu.memory_space<vmem>> -> memref<128xf32, #tpu.memory_space<vmem>>
    %dma_wait3A_724 = arith.constant 0 : i32
    %dma_wait3A_725 = tpu.memref_slice %arg13[%dma_wait3A_724] : memref<512xi32, #tpu.memory_space<vmem>> -> memref<128xi32, #tpu.memory_space<vmem>>
    %dma_wait3A_726 = arith.constant 0 : i32
    %dma_wait3A_727 = tpu.memref_slice %arg8[%dma_wait3A_721, %dma_wait3A_726] : memref<1x1000000xf32, #tpu.memory_space<hbm>> -> memref<1x1000000xf32, #tpu.memory_space<hbm>>
    %dma_wait3A_728 = tpu.memref_squeeze %dma_wait3A_727 : memref<1x1000000xf32, #tpu.memory_space<hbm>> -> memref<1000000xf32, #tpu.memory_space<hbm>>
    %dma_wait3A_729 = arith.constant 0 : i32
    %dma_wait3A_730 = tpu.memref_slice %dma_wait3A_728[%dma_wait3A_729] : memref<1000000xf32, #tpu.memory_space<hbm>> -> memref<1000000xf32, #tpu.memory_space<hbm>>
    tpu.wait_indirect_dma semaphore(%arg25 : memref<!tpu.dma_semaphore, #tpu.memory_space<semaphore_mem>>) src(%dma_wait3A_730 : memref<1000000xf32, #tpu.memory_space<hbm>>) dst(%dma_wait3A_723 : memref<128xf32, #tpu.memory_space<vmem>>)
    %dma_wait3A_731 = arith.constant 0 : i32
    %dma_wait3A_732 = arith.constant 0 : i32
    %dma_wait3A_733 = tpu.memref_slice %arg20[%dma_wait3A_732] : memref<512xf32, #tpu.memory_space<vmem>> -> memref<128xf32, #tpu.memory_space<vmem>>
    %dma_wait3A_734 = arith.constant 0 : i32
    %dma_wait3A_735 = tpu.memref_slice %arg12[%dma_wait3A_734] : memref<512xi32, #tpu.memory_space<vmem>> -> memref<128xi32, #tpu.memory_space<vmem>>
    %dma_wait3A_736 = arith.constant 0 : i32
    %dma_wait3A_737 = tpu.memref_slice %arg9[%dma_wait3A_731, %dma_wait3A_736] : memref<3x1000000xf32, #tpu.memory_space<hbm>> -> memref<1x1000000xf32, #tpu.memory_space<hbm>>
    %dma_wait3A_738 = tpu.memref_squeeze %dma_wait3A_737 : memref<1x1000000xf32, #tpu.memory_space<hbm>> -> memref<1000000xf32, #tpu.memory_space<hbm>>
    %dma_wait3A_739 = arith.constant 0 : i32
    %dma_wait3A_740 = tpu.memref_slice %dma_wait3A_738[%dma_wait3A_739] : memref<1000000xf32, #tpu.memory_space<hbm>> -> memref<1000000xf32, #tpu.memory_space<hbm>>
    tpu.wait_indirect_dma semaphore(%arg25 : memref<!tpu.dma_semaphore, #tpu.memory_space<semaphore_mem>>) src(%dma_wait3A_740 : memref<1000000xf32, #tpu.memory_space<hbm>>) dst(%dma_wait3A_733 : memref<128xf32, #tpu.memory_space<vmem>>)
    %dma_wait3A_741 = arith.constant 1 : i32
    %dma_wait3A_742 = arith.constant 0 : i32
    %dma_wait3A_743 = tpu.memref_slice %arg21[%dma_wait3A_742] : memref<512xf32, #tpu.memory_space<vmem>> -> memref<128xf32, #tpu.memory_space<vmem>>
    %dma_wait3A_744 = arith.constant 0 : i32
    %dma_wait3A_745 = tpu.memref_slice %arg12[%dma_wait3A_744] : memref<512xi32, #tpu.memory_space<vmem>> -> memref<128xi32, #tpu.memory_space<vmem>>
    %dma_wait3A_746 = arith.constant 0 : i32
    %dma_wait3A_747 = tpu.memref_slice %arg9[%dma_wait3A_741, %dma_wait3A_746] : memref<3x1000000xf32, #tpu.memory_space<hbm>> -> memref<1x1000000xf32, #tpu.memory_space<hbm>>
    %dma_wait3A_748 = tpu.memref_squeeze %dma_wait3A_747 : memref<1x1000000xf32, #tpu.memory_space<hbm>> -> memref<1000000xf32, #tpu.memory_space<hbm>>
    %dma_wait3A_749 = arith.constant 0 : i32
    %dma_wait3A_750 = tpu.memref_slice %dma_wait3A_748[%dma_wait3A_749] : memref<1000000xf32, #tpu.memory_space<hbm>> -> memref<1000000xf32, #tpu.memory_space<hbm>>
    tpu.wait_indirect_dma semaphore(%arg25 : memref<!tpu.dma_semaphore, #tpu.memory_space<semaphore_mem>>) src(%dma_wait3A_750 : memref<1000000xf32, #tpu.memory_space<hbm>>) dst(%dma_wait3A_743 : memref<128xf32, #tpu.memory_space<vmem>>)
    %dma_wait3A_751 = arith.constant 2 : i32
    %dma_wait3A_752 = arith.constant 0 : i32
    %dma_wait3A_753 = tpu.memref_slice %arg22[%dma_wait3A_752] : memref<512xf32, #tpu.memory_space<vmem>> -> memref<128xf32, #tpu.memory_space<vmem>>
    %dma_wait3A_754 = arith.constant 0 : i32
    %dma_wait3A_755 = tpu.memref_slice %arg12[%dma_wait3A_754] : memref<512xi32, #tpu.memory_space<vmem>> -> memref<128xi32, #tpu.memory_space<vmem>>
    %dma_wait3A_756 = arith.constant 0 : i32
    %dma_wait3A_757 = tpu.memref_slice %arg9[%dma_wait3A_751, %dma_wait3A_756] : memref<3x1000000xf32, #tpu.memory_space<hbm>> -> memref<1x1000000xf32, #tpu.memory_space<hbm>>
    %dma_wait3A_758 = tpu.memref_squeeze %dma_wait3A_757 : memref<1x1000000xf32, #tpu.memory_space<hbm>> -> memref<1000000xf32, #tpu.memory_space<hbm>>
    %dma_wait3A_759 = arith.constant 0 : i32
    %dma_wait3A_760 = tpu.memref_slice %dma_wait3A_758[%dma_wait3A_759] : memref<1000000xf32, #tpu.memory_space<hbm>> -> memref<1000000xf32, #tpu.memory_space<hbm>>
    tpu.wait_indirect_dma semaphore(%arg25 : memref<!tpu.dma_semaphore, #tpu.memory_space<semaphore_mem>>) src(%dma_wait3A_760 : memref<1000000xf32, #tpu.memory_space<hbm>>) dst(%dma_wait3A_753 : memref<128xf32, #tpu.memory_space<vmem>>)
    %dma_wait3A_761 = arith.constant 0 : i32
    %dma_wait3A_762 = arith.constant 128 : i32
    %dma_wait3A_763 = tpu.memref_slice %arg18[%dma_wait3A_762] : memref<512xf32, #tpu.memory_space<vmem>> -> memref<128xf32, #tpu.memory_space<vmem>>
    %dma_wait3A_764 = arith.constant 128 : i32
    %dma_wait3A_765 = tpu.memref_slice %arg12[%dma_wait3A_764] : memref<512xi32, #tpu.memory_space<vmem>> -> memref<128xi32, #tpu.memory_space<vmem>>
    %dma_wait3A_766 = arith.constant 0 : i32
    %dma_wait3A_767 = tpu.memref_slice %arg7[%dma_wait3A_761, %dma_wait3A_766] : memref<1x1000000xf32, #tpu.memory_space<hbm>> -> memref<1x1000000xf32, #tpu.memory_space<hbm>>
    %dma_wait3A_768 = tpu.memref_squeeze %dma_wait3A_767 : memref<1x1000000xf32, #tpu.memory_space<hbm>> -> memref<1000000xf32, #tpu.memory_space<hbm>>
    %dma_wait3A_769 = arith.constant 0 : i32
    %dma_wait3A_770 = tpu.memref_slice %dma_wait3A_768[%dma_wait3A_769] : memref<1000000xf32, #tpu.memory_space<hbm>> -> memref<1000000xf32, #tpu.memory_space<hbm>>
    tpu.wait_indirect_dma semaphore(%arg25 : memref<!tpu.dma_semaphore, #tpu.memory_space<semaphore_mem>>) src(%dma_wait3A_770 : memref<1000000xf32, #tpu.memory_space<hbm>>) dst(%dma_wait3A_763 : memref<128xf32, #tpu.memory_space<vmem>>)
    %dma_wait3A_771 = arith.constant 0 : i32
    %dma_wait3A_772 = arith.constant 128 : i32
    %dma_wait3A_773 = tpu.memref_slice %arg19[%dma_wait3A_772] : memref<512xf32, #tpu.memory_space<vmem>> -> memref<128xf32, #tpu.memory_space<vmem>>
    %dma_wait3A_774 = arith.constant 128 : i32
    %dma_wait3A_775 = tpu.memref_slice %arg13[%dma_wait3A_774] : memref<512xi32, #tpu.memory_space<vmem>> -> memref<128xi32, #tpu.memory_space<vmem>>
    %dma_wait3A_776 = arith.constant 0 : i32
    %dma_wait3A_777 = tpu.memref_slice %arg8[%dma_wait3A_771, %dma_wait3A_776] : memref<1x1000000xf32, #tpu.memory_space<hbm>> -> memref<1x1000000xf32, #tpu.memory_space<hbm>>
    %dma_wait3A_778 = tpu.memref_squeeze %dma_wait3A_777 : memref<1x1000000xf32, #tpu.memory_space<hbm>> -> memref<1000000xf32, #tpu.memory_space<hbm>>
    %dma_wait3A_779 = arith.constant 0 : i32
    %dma_wait3A_780 = tpu.memref_slice %dma_wait3A_778[%dma_wait3A_779] : memref<1000000xf32, #tpu.memory_space<hbm>> -> memref<1000000xf32, #tpu.memory_space<hbm>>
    tpu.wait_indirect_dma semaphore(%arg25 : memref<!tpu.dma_semaphore, #tpu.memory_space<semaphore_mem>>) src(%dma_wait3A_780 : memref<1000000xf32, #tpu.memory_space<hbm>>) dst(%dma_wait3A_773 : memref<128xf32, #tpu.memory_space<vmem>>)
    %dma_wait3A_781 = arith.constant 0 : i32
    %dma_wait3A_782 = arith.constant 128 : i32
    %dma_wait3A_783 = tpu.memref_slice %arg20[%dma_wait3A_782] : memref<512xf32, #tpu.memory_space<vmem>> -> memref<128xf32, #tpu.memory_space<vmem>>
    %dma_wait3A_784 = arith.constant 128 : i32
    %dma_wait3A_785 = tpu.memref_slice %arg12[%dma_wait3A_784] : memref<512xi32, #tpu.memory_space<vmem>> -> memref<128xi32, #tpu.memory_space<vmem>>
    %dma_wait3A_786 = arith.constant 0 : i32
    %dma_wait3A_787 = tpu.memref_slice %arg9[%dma_wait3A_781, %dma_wait3A_786] : memref<3x1000000xf32, #tpu.memory_space<hbm>> -> memref<1x1000000xf32, #tpu.memory_space<hbm>>
    %dma_wait3A_788 = tpu.memref_squeeze %dma_wait3A_787 : memref<1x1000000xf32, #tpu.memory_space<hbm>> -> memref<1000000xf32, #tpu.memory_space<hbm>>
    %dma_wait3A_789 = arith.constant 0 : i32
    %dma_wait3A_790 = tpu.memref_slice %dma_wait3A_788[%dma_wait3A_789] : memref<1000000xf32, #tpu.memory_space<hbm>> -> memref<1000000xf32, #tpu.memory_space<hbm>>
    tpu.wait_indirect_dma semaphore(%arg25 : memref<!tpu.dma_semaphore, #tpu.memory_space<semaphore_mem>>) src(%dma_wait3A_790 : memref<1000000xf32, #tpu.memory_space<hbm>>) dst(%dma_wait3A_783 : memref<128xf32, #tpu.memory_space<vmem>>)
    %dma_wait3A_791 = arith.constant 1 : i32
    %dma_wait3A_792 = arith.constant 128 : i32
    %dma_wait3A_793 = tpu.memref_slice %arg21[%dma_wait3A_792] : memref<512xf32, #tpu.memory_space<vmem>> -> memref<128xf32, #tpu.memory_space<vmem>>
    %dma_wait3A_794 = arith.constant 128 : i32
    %dma_wait3A_795 = tpu.memref_slice %arg12[%dma_wait3A_794] : memref<512xi32, #tpu.memory_space<vmem>> -> memref<128xi32, #tpu.memory_space<vmem>>
    %dma_wait3A_796 = arith.constant 0 : i32
    %dma_wait3A_797 = tpu.memref_slice %arg9[%dma_wait3A_791, %dma_wait3A_796] : memref<3x1000000xf32, #tpu.memory_space<hbm>> -> memref<1x1000000xf32, #tpu.memory_space<hbm>>
    %dma_wait3A_798 = tpu.memref_squeeze %dma_wait3A_797 : memref<1x1000000xf32, #tpu.memory_space<hbm>> -> memref<1000000xf32, #tpu.memory_space<hbm>>
    %dma_wait3A_799 = arith.constant 0 : i32
    %dma_wait3A_800 = tpu.memref_slice %dma_wait3A_798[%dma_wait3A_799] : memref<1000000xf32, #tpu.memory_space<hbm>> -> memref<1000000xf32, #tpu.memory_space<hbm>>
    tpu.wait_indirect_dma semaphore(%arg25 : memref<!tpu.dma_semaphore, #tpu.memory_space<semaphore_mem>>) src(%dma_wait3A_800 : memref<1000000xf32, #tpu.memory_space<hbm>>) dst(%dma_wait3A_793 : memref<128xf32, #tpu.memory_space<vmem>>)
    %dma_wait3A_801 = arith.constant 2 : i32
    %dma_wait3A_802 = arith.constant 128 : i32
    %dma_wait3A_803 = tpu.memref_slice %arg22[%dma_wait3A_802] : memref<512xf32, #tpu.memory_space<vmem>> -> memref<128xf32, #tpu.memory_space<vmem>>
    %dma_wait3A_804 = arith.constant 128 : i32
    %dma_wait3A_805 = tpu.memref_slice %arg12[%dma_wait3A_804] : memref<512xi32, #tpu.memory_space<vmem>> -> memref<128xi32, #tpu.memory_space<vmem>>
    %dma_wait3A_806 = arith.constant 0 : i32
    %dma_wait3A_807 = tpu.memref_slice %arg9[%dma_wait3A_801, %dma_wait3A_806] : memref<3x1000000xf32, #tpu.memory_space<hbm>> -> memref<1x1000000xf32, #tpu.memory_space<hbm>>
    %dma_wait3A_808 = tpu.memref_squeeze %dma_wait3A_807 : memref<1x1000000xf32, #tpu.memory_space<hbm>> -> memref<1000000xf32, #tpu.memory_space<hbm>>
    %dma_wait3A_809 = arith.constant 0 : i32
    %dma_wait3A_810 = tpu.memref_slice %dma_wait3A_808[%dma_wait3A_809] : memref<1000000xf32, #tpu.memory_space<hbm>> -> memref<1000000xf32, #tpu.memory_space<hbm>>
    tpu.wait_indirect_dma semaphore(%arg25 : memref<!tpu.dma_semaphore, #tpu.memory_space<semaphore_mem>>) src(%dma_wait3A_810 : memref<1000000xf32, #tpu.memory_space<hbm>>) dst(%dma_wait3A_803 : memref<128xf32, #tpu.memory_space<vmem>>)
    %dma_wait3A_811 = arith.constant 0 : i32
    %dma_wait3A_812 = arith.constant 256 : i32
    %dma_wait3A_813 = tpu.memref_slice %arg18[%dma_wait3A_812] : memref<512xf32, #tpu.memory_space<vmem>> -> memref<128xf32, #tpu.memory_space<vmem>>
    %dma_wait3A_814 = arith.constant 256 : i32
    %dma_wait3A_815 = tpu.memref_slice %arg12[%dma_wait3A_814] : memref<512xi32, #tpu.memory_space<vmem>> -> memref<128xi32, #tpu.memory_space<vmem>>
    %dma_wait3A_816 = arith.constant 0 : i32
    %dma_wait3A_817 = tpu.memref_slice %arg7[%dma_wait3A_811, %dma_wait3A_816] : memref<1x1000000xf32, #tpu.memory_space<hbm>> -> memref<1x1000000xf32, #tpu.memory_space<hbm>>
    %dma_wait3A_818 = tpu.memref_squeeze %dma_wait3A_817 : memref<1x1000000xf32, #tpu.memory_space<hbm>> -> memref<1000000xf32, #tpu.memory_space<hbm>>
    %dma_wait3A_819 = arith.constant 0 : i32
    %dma_wait3A_820 = tpu.memref_slice %dma_wait3A_818[%dma_wait3A_819] : memref<1000000xf32, #tpu.memory_space<hbm>> -> memref<1000000xf32, #tpu.memory_space<hbm>>
    tpu.wait_indirect_dma semaphore(%arg25 : memref<!tpu.dma_semaphore, #tpu.memory_space<semaphore_mem>>) src(%dma_wait3A_820 : memref<1000000xf32, #tpu.memory_space<hbm>>) dst(%dma_wait3A_813 : memref<128xf32, #tpu.memory_space<vmem>>)
    %dma_wait3A_821 = arith.constant 0 : i32
    %dma_wait3A_822 = arith.constant 256 : i32
    %dma_wait3A_823 = tpu.memref_slice %arg19[%dma_wait3A_822] : memref<512xf32, #tpu.memory_space<vmem>> -> memref<128xf32, #tpu.memory_space<vmem>>
    %dma_wait3A_824 = arith.constant 256 : i32
    %dma_wait3A_825 = tpu.memref_slice %arg13[%dma_wait3A_824] : memref<512xi32, #tpu.memory_space<vmem>> -> memref<128xi32, #tpu.memory_space<vmem>>
    %dma_wait3A_826 = arith.constant 0 : i32
    %dma_wait3A_827 = tpu.memref_slice %arg8[%dma_wait3A_821, %dma_wait3A_826] : memref<1x1000000xf32, #tpu.memory_space<hbm>> -> memref<1x1000000xf32, #tpu.memory_space<hbm>>
    %dma_wait3A_828 = tpu.memref_squeeze %dma_wait3A_827 : memref<1x1000000xf32, #tpu.memory_space<hbm>> -> memref<1000000xf32, #tpu.memory_space<hbm>>
    %dma_wait3A_829 = arith.constant 0 : i32
    %dma_wait3A_830 = tpu.memref_slice %dma_wait3A_828[%dma_wait3A_829] : memref<1000000xf32, #tpu.memory_space<hbm>> -> memref<1000000xf32, #tpu.memory_space<hbm>>
    tpu.wait_indirect_dma semaphore(%arg25 : memref<!tpu.dma_semaphore, #tpu.memory_space<semaphore_mem>>) src(%dma_wait3A_830 : memref<1000000xf32, #tpu.memory_space<hbm>>) dst(%dma_wait3A_823 : memref<128xf32, #tpu.memory_space<vmem>>)
    %dma_wait3A_831 = arith.constant 0 : i32
    %dma_wait3A_832 = arith.constant 256 : i32
    %dma_wait3A_833 = tpu.memref_slice %arg20[%dma_wait3A_832] : memref<512xf32, #tpu.memory_space<vmem>> -> memref<128xf32, #tpu.memory_space<vmem>>
    %dma_wait3A_834 = arith.constant 256 : i32
    %dma_wait3A_835 = tpu.memref_slice %arg12[%dma_wait3A_834] : memref<512xi32, #tpu.memory_space<vmem>> -> memref<128xi32, #tpu.memory_space<vmem>>
    %dma_wait3A_836 = arith.constant 0 : i32
    %dma_wait3A_837 = tpu.memref_slice %arg9[%dma_wait3A_831, %dma_wait3A_836] : memref<3x1000000xf32, #tpu.memory_space<hbm>> -> memref<1x1000000xf32, #tpu.memory_space<hbm>>
    %dma_wait3A_838 = tpu.memref_squeeze %dma_wait3A_837 : memref<1x1000000xf32, #tpu.memory_space<hbm>> -> memref<1000000xf32, #tpu.memory_space<hbm>>
    %dma_wait3A_839 = arith.constant 0 : i32
    %dma_wait3A_840 = tpu.memref_slice %dma_wait3A_838[%dma_wait3A_839] : memref<1000000xf32, #tpu.memory_space<hbm>> -> memref<1000000xf32, #tpu.memory_space<hbm>>
    tpu.wait_indirect_dma semaphore(%arg25 : memref<!tpu.dma_semaphore, #tpu.memory_space<semaphore_mem>>) src(%dma_wait3A_840 : memref<1000000xf32, #tpu.memory_space<hbm>>) dst(%dma_wait3A_833 : memref<128xf32, #tpu.memory_space<vmem>>)
    %dma_wait3A_841 = arith.constant 1 : i32
    %dma_wait3A_842 = arith.constant 256 : i32
    %dma_wait3A_843 = tpu.memref_slice %arg21[%dma_wait3A_842] : memref<512xf32, #tpu.memory_space<vmem>> -> memref<128xf32, #tpu.memory_space<vmem>>
    %dma_wait3A_844 = arith.constant 256 : i32
    %dma_wait3A_845 = tpu.memref_slice %arg12[%dma_wait3A_844] : memref<512xi32, #tpu.memory_space<vmem>> -> memref<128xi32, #tpu.memory_space<vmem>>
    %dma_wait3A_846 = arith.constant 0 : i32
    %dma_wait3A_847 = tpu.memref_slice %arg9[%dma_wait3A_841, %dma_wait3A_846] : memref<3x1000000xf32, #tpu.memory_space<hbm>> -> memref<1x1000000xf32, #tpu.memory_space<hbm>>
    %dma_wait3A_848 = tpu.memref_squeeze %dma_wait3A_847 : memref<1x1000000xf32, #tpu.memory_space<hbm>> -> memref<1000000xf32, #tpu.memory_space<hbm>>
    %dma_wait3A_849 = arith.constant 0 : i32
    %dma_wait3A_850 = tpu.memref_slice %dma_wait3A_848[%dma_wait3A_849] : memref<1000000xf32, #tpu.memory_space<hbm>> -> memref<1000000xf32, #tpu.memory_space<hbm>>
    tpu.wait_indirect_dma semaphore(%arg25 : memref<!tpu.dma_semaphore, #tpu.memory_space<semaphore_mem>>) src(%dma_wait3A_850 : memref<1000000xf32, #tpu.memory_space<hbm>>) dst(%dma_wait3A_843 : memref<128xf32, #tpu.memory_space<vmem>>)
    %dma_wait3A_851 = arith.constant 2 : i32
    %dma_wait3A_852 = arith.constant 256 : i32
    %dma_wait3A_853 = tpu.memref_slice %arg22[%dma_wait3A_852] : memref<512xf32, #tpu.memory_space<vmem>> -> memref<128xf32, #tpu.memory_space<vmem>>
    %dma_wait3A_854 = arith.constant 256 : i32
    %dma_wait3A_855 = tpu.memref_slice %arg12[%dma_wait3A_854] : memref<512xi32, #tpu.memory_space<vmem>> -> memref<128xi32, #tpu.memory_space<vmem>>
    %dma_wait3A_856 = arith.constant 0 : i32
    %dma_wait3A_857 = tpu.memref_slice %arg9[%dma_wait3A_851, %dma_wait3A_856] : memref<3x1000000xf32, #tpu.memory_space<hbm>> -> memref<1x1000000xf32, #tpu.memory_space<hbm>>
    %dma_wait3A_858 = tpu.memref_squeeze %dma_wait3A_857 : memref<1x1000000xf32, #tpu.memory_space<hbm>> -> memref<1000000xf32, #tpu.memory_space<hbm>>
    %dma_wait3A_859 = arith.constant 0 : i32
    %dma_wait3A_860 = tpu.memref_slice %dma_wait3A_858[%dma_wait3A_859] : memref<1000000xf32, #tpu.memory_space<hbm>> -> memref<1000000xf32, #tpu.memory_space<hbm>>
    tpu.wait_indirect_dma semaphore(%arg25 : memref<!tpu.dma_semaphore, #tpu.memory_space<semaphore_mem>>) src(%dma_wait3A_860 : memref<1000000xf32, #tpu.memory_space<hbm>>) dst(%dma_wait3A_853 : memref<128xf32, #tpu.memory_space<vmem>>)
    %dma_wait3A_861 = arith.constant 0 : i32
    %dma_wait3A_862 = arith.constant 384 : i32
    %dma_wait3A_863 = tpu.memref_slice %arg18[%dma_wait3A_862] : memref<512xf32, #tpu.memory_space<vmem>> -> memref<128xf32, #tpu.memory_space<vmem>>
    %dma_wait3A_864 = arith.constant 384 : i32
    %dma_wait3A_865 = tpu.memref_slice %arg12[%dma_wait3A_864] : memref<512xi32, #tpu.memory_space<vmem>> -> memref<128xi32, #tpu.memory_space<vmem>>
    %dma_wait3A_866 = arith.constant 0 : i32
    %dma_wait3A_867 = tpu.memref_slice %arg7[%dma_wait3A_861, %dma_wait3A_866] : memref<1x1000000xf32, #tpu.memory_space<hbm>> -> memref<1x1000000xf32, #tpu.memory_space<hbm>>
    %dma_wait3A_868 = tpu.memref_squeeze %dma_wait3A_867 : memref<1x1000000xf32, #tpu.memory_space<hbm>> -> memref<1000000xf32, #tpu.memory_space<hbm>>
    %dma_wait3A_869 = arith.constant 0 : i32
    %dma_wait3A_870 = tpu.memref_slice %dma_wait3A_868[%dma_wait3A_869] : memref<1000000xf32, #tpu.memory_space<hbm>> -> memref<1000000xf32, #tpu.memory_space<hbm>>
    tpu.wait_indirect_dma semaphore(%arg25 : memref<!tpu.dma_semaphore, #tpu.memory_space<semaphore_mem>>) src(%dma_wait3A_870 : memref<1000000xf32, #tpu.memory_space<hbm>>) dst(%dma_wait3A_863 : memref<128xf32, #tpu.memory_space<vmem>>)
    %dma_wait3A_871 = arith.constant 0 : i32
    %dma_wait3A_872 = arith.constant 384 : i32
    %dma_wait3A_873 = tpu.memref_slice %arg19[%dma_wait3A_872] : memref<512xf32, #tpu.memory_space<vmem>> -> memref<128xf32, #tpu.memory_space<vmem>>
    %dma_wait3A_874 = arith.constant 384 : i32
    %dma_wait3A_875 = tpu.memref_slice %arg13[%dma_wait3A_874] : memref<512xi32, #tpu.memory_space<vmem>> -> memref<128xi32, #tpu.memory_space<vmem>>
    %dma_wait3A_876 = arith.constant 0 : i32
    %dma_wait3A_877 = tpu.memref_slice %arg8[%dma_wait3A_871, %dma_wait3A_876] : memref<1x1000000xf32, #tpu.memory_space<hbm>> -> memref<1x1000000xf32, #tpu.memory_space<hbm>>
    %dma_wait3A_878 = tpu.memref_squeeze %dma_wait3A_877 : memref<1x1000000xf32, #tpu.memory_space<hbm>> -> memref<1000000xf32, #tpu.memory_space<hbm>>
    %dma_wait3A_879 = arith.constant 0 : i32
    %dma_wait3A_880 = tpu.memref_slice %dma_wait3A_878[%dma_wait3A_879] : memref<1000000xf32, #tpu.memory_space<hbm>> -> memref<1000000xf32, #tpu.memory_space<hbm>>
    tpu.wait_indirect_dma semaphore(%arg25 : memref<!tpu.dma_semaphore, #tpu.memory_space<semaphore_mem>>) src(%dma_wait3A_880 : memref<1000000xf32, #tpu.memory_space<hbm>>) dst(%dma_wait3A_873 : memref<128xf32, #tpu.memory_space<vmem>>)
    %dma_wait3A_881 = arith.constant 0 : i32
    %dma_wait3A_882 = arith.constant 384 : i32
    %dma_wait3A_883 = tpu.memref_slice %arg20[%dma_wait3A_882] : memref<512xf32, #tpu.memory_space<vmem>> -> memref<128xf32, #tpu.memory_space<vmem>>
    %dma_wait3A_884 = arith.constant 384 : i32
    %dma_wait3A_885 = tpu.memref_slice %arg12[%dma_wait3A_884] : memref<512xi32, #tpu.memory_space<vmem>> -> memref<128xi32, #tpu.memory_space<vmem>>
    %dma_wait3A_886 = arith.constant 0 : i32
    %dma_wait3A_887 = tpu.memref_slice %arg9[%dma_wait3A_881, %dma_wait3A_886] : memref<3x1000000xf32, #tpu.memory_space<hbm>> -> memref<1x1000000xf32, #tpu.memory_space<hbm>>
    %dma_wait3A_888 = tpu.memref_squeeze %dma_wait3A_887 : memref<1x1000000xf32, #tpu.memory_space<hbm>> -> memref<1000000xf32, #tpu.memory_space<hbm>>
    %dma_wait3A_889 = arith.constant 0 : i32
    %dma_wait3A_890 = tpu.memref_slice %dma_wait3A_888[%dma_wait3A_889] : memref<1000000xf32, #tpu.memory_space<hbm>> -> memref<1000000xf32, #tpu.memory_space<hbm>>
    tpu.wait_indirect_dma semaphore(%arg25 : memref<!tpu.dma_semaphore, #tpu.memory_space<semaphore_mem>>) src(%dma_wait3A_890 : memref<1000000xf32, #tpu.memory_space<hbm>>) dst(%dma_wait3A_883 : memref<128xf32, #tpu.memory_space<vmem>>)
    %dma_wait3A_891 = arith.constant 1 : i32
    %dma_wait3A_892 = arith.constant 384 : i32
    %dma_wait3A_893 = tpu.memref_slice %arg21[%dma_wait3A_892] : memref<512xf32, #tpu.memory_space<vmem>> -> memref<128xf32, #tpu.memory_space<vmem>>
    %dma_wait3A_894 = arith.constant 384 : i32
    %dma_wait3A_895 = tpu.memref_slice %arg12[%dma_wait3A_894] : memref<512xi32, #tpu.memory_space<vmem>> -> memref<128xi32, #tpu.memory_space<vmem>>
    %dma_wait3A_896 = arith.constant 0 : i32
    %dma_wait3A_897 = tpu.memref_slice %arg9[%dma_wait3A_891, %dma_wait3A_896] : memref<3x1000000xf32, #tpu.memory_space<hbm>> -> memref<1x1000000xf32, #tpu.memory_space<hbm>>
    %dma_wait3A_898 = tpu.memref_squeeze %dma_wait3A_897 : memref<1x1000000xf32, #tpu.memory_space<hbm>> -> memref<1000000xf32, #tpu.memory_space<hbm>>
    %dma_wait3A_899 = arith.constant 0 : i32
    %dma_wait3A_900 = tpu.memref_slice %dma_wait3A_898[%dma_wait3A_899] : memref<1000000xf32, #tpu.memory_space<hbm>> -> memref<1000000xf32, #tpu.memory_space<hbm>>
    tpu.wait_indirect_dma semaphore(%arg25 : memref<!tpu.dma_semaphore, #tpu.memory_space<semaphore_mem>>) src(%dma_wait3A_900 : memref<1000000xf32, #tpu.memory_space<hbm>>) dst(%dma_wait3A_893 : memref<128xf32, #tpu.memory_space<vmem>>)
    %dma_wait3A_901 = arith.constant 2 : i32
    %dma_wait3A_902 = arith.constant 384 : i32
    %dma_wait3A_903 = tpu.memref_slice %arg22[%dma_wait3A_902] : memref<512xf32, #tpu.memory_space<vmem>> -> memref<128xf32, #tpu.memory_space<vmem>>
    %dma_wait3A_904 = arith.constant 384 : i32
    %dma_wait3A_905 = tpu.memref_slice %arg12[%dma_wait3A_904] : memref<512xi32, #tpu.memory_space<vmem>> -> memref<128xi32, #tpu.memory_space<vmem>>
    %dma_wait3A_906 = arith.constant 0 : i32
    %dma_wait3A_907 = tpu.memref_slice %arg9[%dma_wait3A_901, %dma_wait3A_906] : memref<3x1000000xf32, #tpu.memory_space<hbm>> -> memref<1x1000000xf32, #tpu.memory_space<hbm>>
    %dma_wait3A_908 = tpu.memref_squeeze %dma_wait3A_907 : memref<1x1000000xf32, #tpu.memory_space<hbm>> -> memref<1000000xf32, #tpu.memory_space<hbm>>
    %dma_wait3A_909 = arith.constant 0 : i32
    %dma_wait3A_910 = tpu.memref_slice %dma_wait3A_908[%dma_wait3A_909] : memref<1000000xf32, #tpu.memory_space<hbm>> -> memref<1000000xf32, #tpu.memory_space<hbm>>
    tpu.wait_indirect_dma semaphore(%arg25 : memref<!tpu.dma_semaphore, #tpu.memory_space<semaphore_mem>>) src(%dma_wait3A_910 : memref<1000000xf32, #tpu.memory_space<hbm>>) dst(%dma_wait3A_903 : memref<128xf32, #tpu.memory_space<vmem>>)
    %scan3A = arith.constant 0 : i32
    %scan3A_911 = arith.constant 0 : i32
    %scan3A_912 = arith.constant 32 : i32
    %scan3A_913 = arith.addi %scan3A_911, %scan3A_912 : i32
    %scan3A_914 = arith.constant 1 : i32
    scf.for %scan3A_916 = %scan3A_911 to %scan3A_913 step %scan3A_914  : i32 {
      %mul3A_917 = arith.constant 16 : i32
      %mul3A_918 = arith.muli %scan3A_916, %mul3A_917 : i32
      %get3A_919 = arith.index_cast %mul3A_918 : i32 to index
      %get3A_920 = tpu.vector_load %arg17[%get3A_919] {strides = array<i32>} : memref<512xi32, #tpu.memory_space<vmem>>, vector<16xi32>,
      %gather3A = tpu.vector_load_idx %arg23[%get3A_920] : memref<128xf32, #tpu.memory_space<vmem>>[vector<16xi32>], vector<16xf32>,
      %get3A_921 = arith.index_cast %mul3A_918 : i32 to index
      %get3A_922 = tpu.vector_load %arg14[%get3A_921] {strides = array<i32>} : memref<512xi32, #tpu.memory_space<vmem>>, vector<16xi32>,
      %eq3A = arith.constant 0 : i32
      %eq3A_923 = vector.broadcast %eq3A : i32 to vector<16xi32>
      %eq3A_924 = arith.cmpi eq, %get3A_922, %eq3A_923 : vector<16xi32>
      %get3A_925 = arith.index_cast %mul3A_918 : i32 to index
      %get3A_926 = tpu.vector_load %arg20[%get3A_925] {strides = array<i32>} : memref<512xf32, #tpu.memory_space<vmem>>, vector<16xf32>,
      %eq3A_927 = arith.constant 1 : i32
      %eq3A_928 = vector.broadcast %eq3A_927 : i32 to vector<16xi32>
      %eq3A_929 = arith.cmpi eq, %get3A_922, %eq3A_928 : vector<16xi32>
      %get3A_930 = arith.index_cast %mul3A_918 : i32 to index
      %get3A_931 = tpu.vector_load %arg21[%get3A_930] {strides = array<i32>} : memref<512xf32, #tpu.memory_space<vmem>>, vector<16xf32>,
      %get3A_932 = arith.index_cast %mul3A_918 : i32 to index
      %get3A_933 = tpu.vector_load %arg22[%get3A_932] {strides = array<i32>} : memref<512xf32, #tpu.memory_space<vmem>>, vector<16xf32>,
      %select_n3A = arith.select %eq3A_929, %get3A_931, %get3A_933 : vector<16xi1>, vector<16xf32>
      %select_n3A_934 = arith.select %eq3A_924, %get3A_926, %select_n3A : vector<16xi1>, vector<16xf32>
      %get3A_935 = arith.index_cast %mul3A_918 : i32 to index
      %get3A_936 = tpu.vector_load %arg18[%get3A_935] {strides = array<i32>} : memref<512xf32, #tpu.memory_space<vmem>>, vector<16xf32>,
      %get3A_937 = arith.index_cast %mul3A_918 : i32 to index
      %get3A_938 = tpu.vector_load %arg19[%get3A_937] {strides = array<i32>} : memref<512xf32, #tpu.memory_space<vmem>>, vector<16xf32>,
      %add3A_939 = arith.addf %get3A_936, %get3A_938 : vector<16xf32>
      %add3A_940 = arith.addf %add3A_939, %select_n3A_934 : vector<16xf32>
      %add3A_941 = arith.addf %add3A_940, %gather3A : vector<16xf32>
      %swap3A_942 = arith.index_cast %mul3A_918 : i32 to index
      %swap3A_943 = tpu.vector_load %arg24[%swap3A_942] {strides = array<i32>} : memref<512xf32, #tpu.memory_space<vmem>>, vector<16xf32>,
      tpu.vector_store %arg24[%swap3A_942], %add3A_941 {strides = array<i32>} : memref<512xf32, #tpu.memory_space<vmem>>, vector<16xf32>,
    }
    %scan3A_915 = arith.constant 32 : i32
    "tpu.region"() ({
      %run_scoped3A = tpu.sem_alloc : memref<!tpu.dma_semaphore, #tpu.memory_space<semaphore_mem>>
      %dma_start3A_916 = tpu.memref_slice %arg11[%mul3A_2] : memref<16384xf32, #tpu.memory_space<hbm>> -> memref<512xf32, #tpu.memory_space<hbm>>
      %dma_start3A_917 = tpu.memref_slice %arg11[%mul3A_2] : memref<16384xf32, #tpu.memory_space<hbm>> -> memref<512xf32, #tpu.memory_space<hbm>>
      tpu.enqueue_dma source(%arg24 : memref<512xf32, #tpu.memory_space<vmem>>) target(%dma_start3A_917 : memref<512xf32, #tpu.memory_space<hbm>>) target_semaphore(%run_scoped3A : memref<!tpu.dma_semaphore, #tpu.memory_space<semaphore_mem>>)
      %dma_wait3A_918 = tpu.memref_slice %arg11[%mul3A_2] : memref<16384xf32, #tpu.memory_space<hbm>> -> memref<512xf32, #tpu.memory_space<hbm>>
      %dma_wait3A_919 = tpu.memref_slice %arg11[%mul3A_2] : memref<16384xf32, #tpu.memory_space<hbm>> -> memref<512xf32, #tpu.memory_space<hbm>>
      tpu.wait_dma2 semaphore(%run_scoped3A : memref<!tpu.dma_semaphore, #tpu.memory_space<semaphore_mem>>) src(%arg24 : memref<512xf32, #tpu.memory_space<vmem>>) dst(%dma_wait3A_919 : memref<512xf32, #tpu.memory_space<hbm>>)
      tpu.yield
    }) : () -> ()
    return
  }
}

#map = affine_map<(d0, d1) -> (0)>
#map1 = affine_map<(d0, d1) -> (0, 0)>
module attributes {stable_mosaic.version = 14 : i64} {
  func.func @_main_body(%arg0: i32, %arg1: i32, %arg2: memref<16384xi32, #tpu.memory_space<hbm>>, %arg3: memref<16384xi32, #tpu.memory_space<hbm>>, %arg4: memref<16384xf32, #tpu.memory_space<hbm>>, %arg5: memref<1000000x64xf32, #tpu.memory_space<hbm>>, %arg6: memref<1000000x64xf32, #tpu.memory_space<hbm>>, %arg7: memref<16384xf32, #tpu.memory_space<hbm>>, %arg8: memref<512xi32, #tpu.memory_space<vmem>>, %arg9: memref<512xi32, #tpu.memory_space<vmem>>, %arg10: memref<512xf32, #tpu.memory_space<vmem>>, %arg11: memref<32x8x64xf32, #tpu.memory_space<vmem>>, %arg12: memref<32x8x64xf32, #tpu.memory_space<vmem>>, %arg13: memref<512xf32, #tpu.memory_space<vmem>>, %arg14: memref<!tpu.dma_semaphore, #tpu.memory_space<semaphore_mem>>) attributes {dimension_semantics = [#tpu.dimension_semantics<core_parallel>, #tpu.dimension_semantics<subcore_parallel>], iteration_bounds = array<i64: 2, 16>, scalar_prefetch = 0 : i64, scratch_operands = 7 : i64, tpu.core_type = #tpu.core_type<sc_vector_subcore>, window_params = [{transform_indices = #map}, {transform_indices = #map}, {transform_indices = #map}, {transform_indices = #map1}, {transform_indices = #map1}, {transform_indices = #map}]} {
    %mul3A = arith.constant 2 : i32
    %mul3A_0 = arith.muli %arg1, %mul3A : i32
    %add3A = arith.addi %mul3A_0, %arg0 : i32
    %mul3A_1 = arith.constant 512 : i32
    %mul3A_2 = arith.muli %add3A, %mul3A_1 : i32
    "tpu.region"() ({
      %run_scoped3A = tpu.sem_alloc : memref<!tpu.dma_semaphore, #tpu.memory_space<semaphore_mem>>
      %dma_start3A = tpu.memref_slice %arg2[%mul3A_2] : memref<16384xi32, #tpu.memory_space<hbm>> -> memref<512xi32, #tpu.memory_space<hbm>>
      %dma_start3A_8 = tpu.memref_slice %arg2[%mul3A_2] : memref<16384xi32, #tpu.memory_space<hbm>> -> memref<512xi32, #tpu.memory_space<hbm>>
      tpu.enqueue_dma source(%dma_start3A_8 : memref<512xi32, #tpu.memory_space<hbm>>) target(%arg8 : memref<512xi32, #tpu.memory_space<vmem>>) target_semaphore(%run_scoped3A : memref<!tpu.dma_semaphore, #tpu.memory_space<semaphore_mem>>)
      %dma_wait3A = tpu.memref_slice %arg2[%mul3A_2] : memref<16384xi32, #tpu.memory_space<hbm>> -> memref<512xi32, #tpu.memory_space<hbm>>
      %dma_wait3A_9 = tpu.memref_slice %arg2[%mul3A_2] : memref<16384xi32, #tpu.memory_space<hbm>> -> memref<512xi32, #tpu.memory_space<hbm>>
      tpu.wait_dma2 semaphore(%run_scoped3A : memref<!tpu.dma_semaphore, #tpu.memory_space<semaphore_mem>>) src(%dma_wait3A_9 : memref<512xi32, #tpu.memory_space<hbm>>) dst(%arg8 : memref<512xi32, #tpu.memory_space<vmem>>)
      tpu.yield
    }) : () -> ()
    "tpu.region"() ({
      %run_scoped3A = tpu.sem_alloc : memref<!tpu.dma_semaphore, #tpu.memory_space<semaphore_mem>>
      %dma_start3A = tpu.memref_slice %arg3[%mul3A_2] : memref<16384xi32, #tpu.memory_space<hbm>> -> memref<512xi32, #tpu.memory_space<hbm>>
      %dma_start3A_8 = tpu.memref_slice %arg3[%mul3A_2] : memref<16384xi32, #tpu.memory_space<hbm>> -> memref<512xi32, #tpu.memory_space<hbm>>
      tpu.enqueue_dma source(%dma_start3A_8 : memref<512xi32, #tpu.memory_space<hbm>>) target(%arg9 : memref<512xi32, #tpu.memory_space<vmem>>) target_semaphore(%run_scoped3A : memref<!tpu.dma_semaphore, #tpu.memory_space<semaphore_mem>>)
      %dma_wait3A = tpu.memref_slice %arg3[%mul3A_2] : memref<16384xi32, #tpu.memory_space<hbm>> -> memref<512xi32, #tpu.memory_space<hbm>>
      %dma_wait3A_9 = tpu.memref_slice %arg3[%mul3A_2] : memref<16384xi32, #tpu.memory_space<hbm>> -> memref<512xi32, #tpu.memory_space<hbm>>
      tpu.wait_dma2 semaphore(%run_scoped3A : memref<!tpu.dma_semaphore, #tpu.memory_space<semaphore_mem>>) src(%dma_wait3A_9 : memref<512xi32, #tpu.memory_space<hbm>>) dst(%arg9 : memref<512xi32, #tpu.memory_space<vmem>>)
      tpu.yield
    }) : () -> ()
    "tpu.region"() ({
      %run_scoped3A = tpu.sem_alloc : memref<!tpu.dma_semaphore, #tpu.memory_space<semaphore_mem>>
      %dma_start3A = tpu.memref_slice %arg4[%mul3A_2] : memref<16384xf32, #tpu.memory_space<hbm>> -> memref<512xf32, #tpu.memory_space<hbm>>
      %dma_start3A_8 = tpu.memref_slice %arg4[%mul3A_2] : memref<16384xf32, #tpu.memory_space<hbm>> -> memref<512xf32, #tpu.memory_space<hbm>>
      tpu.enqueue_dma source(%dma_start3A_8 : memref<512xf32, #tpu.memory_space<hbm>>) target(%arg10 : memref<512xf32, #tpu.memory_space<vmem>>) target_semaphore(%run_scoped3A : memref<!tpu.dma_semaphore, #tpu.memory_space<semaphore_mem>>)
      %dma_wait3A = tpu.memref_slice %arg4[%mul3A_2] : memref<16384xf32, #tpu.memory_space<hbm>> -> memref<512xf32, #tpu.memory_space<hbm>>
      %dma_wait3A_9 = tpu.memref_slice %arg4[%mul3A_2] : memref<16384xf32, #tpu.memory_space<hbm>> -> memref<512xf32, #tpu.memory_space<hbm>>
      tpu.wait_dma2 semaphore(%run_scoped3A : memref<!tpu.dma_semaphore, #tpu.memory_space<semaphore_mem>>) src(%dma_wait3A_9 : memref<512xf32, #tpu.memory_space<hbm>>) dst(%arg10 : memref<512xf32, #tpu.memory_space<vmem>>)
      tpu.yield
    }) : () -> ()
    %iota3A = tpu.iota {dimensions = array<i32: 0>} : vector<16xi32>
    %scan3A = arith.constant 0 : i32
    %scan3A_3 = arith.constant 0 : i32
    %scan3A_4 = arith.constant 16 : i32
    %scan3A_5 = arith.addi %scan3A_3, %scan3A_4 : i32
    %scan3A_6 = arith.constant 1 : i32
    scf.for %scan3A_8 = %scan3A_3 to %scan3A_5 step %scan3A_6  : i32 {
      %mul3A_9 = arith.constant 32 : i32
      %mul3A_10 = arith.muli %scan3A_8, %mul3A_9 : i32
      %scan3A_11 = arith.constant 0 : i32
      %scan3A_12 = arith.constant 0 : i32
      %scan3A_13 = arith.constant 2 : i32
      %scan3A_14 = arith.addi %scan3A_12, %scan3A_13 : i32
      %scan3A_15 = arith.constant 1 : i32
      scf.for %scan3A_29 = %scan3A_12 to %scan3A_14 step %scan3A_15  : i32 {
        %mul3A_30 = arith.constant 16 : i32
        %mul3A_31 = arith.muli %scan3A_29, %mul3A_30 : i32
        %add3A_32 = arith.addi %mul3A_10, %mul3A_31 : i32
        %get3A = arith.index_cast %add3A_32 : i32 to index
        %get3A_33 = tpu.vector_load %arg8[%get3A] {strides = array<i32>} : memref<512xi32, #tpu.memory_space<vmem>>, vector<16xi32>,
        %get3A_34 = arith.index_cast %add3A_32 : i32 to index
        %get3A_35 = tpu.vector_load %arg9[%get3A_34] {strides = array<i32>} : memref<512xi32, #tpu.memory_space<vmem>>, vector<16xi32>,
        %slice3A = vector.extract_strided_slice %get3A_33 {offsets = [0], sizes = [1], strides = [1]} : vector<16xi32> to vector<1xi32>
        %squeeze3A = vector.extract %slice3A[0] : i32 from vector<1xi32>
        %rem3A = arith.constant 8 : i32
        %rem3A_36 = arith.remsi %squeeze3A, %rem3A : i32
        %sub3A = arith.subi %squeeze3A, %rem3A_36 : i32
        %multiple_of3A = tpu.assume_multiple %sub3A, 8 : i32
        %mul3A_37 = arith.constant 16 : i32
        %mul3A_38 = arith.muli %scan3A_29, %mul3A_37 : i32
        %add3A_39 = arith.constant 0 : i32
        %add3A_40 = arith.addi %mul3A_38, %add3A_39 : i32
        %dma_start3A = arith.constant 0 : i32
        %dma_start3A_41 = arith.constant 0 : i32
        %dma_start3A_42 = tpu.memref_slice %arg11[%add3A_40, %dma_start3A, %dma_start3A_41] : memref<32x8x64xf32, #tpu.memory_space<vmem>> -> memref<1x8x64xf32, #tpu.memory_space<vmem>>
        %dma_start3A_43 = tpu.memref_squeeze %dma_start3A_42 : memref<1x8x64xf32, #tpu.memory_space<vmem>> -> memref<8x64xf32, #tpu.memory_space<vmem>>
        %dma_start3A_44 = arith.constant 0 : i32
        %dma_start3A_45 = tpu.memref_slice %arg5[%multiple_of3A, %dma_start3A_44] : memref<1000000x64xf32, #tpu.memory_space<hbm>> -> memref<8x64xf32, #tpu.memory_space<hbm>>
        %dma_start3A_46 = arith.constant 0 : i32
        %dma_start3A_47 = arith.constant 0 : i32
        %dma_start3A_48 = tpu.memref_slice %arg11[%add3A_40, %dma_start3A_46, %dma_start3A_47] : memref<32x8x64xf32, #tpu.memory_space<vmem>> -> memref<1x8x64xf32, #tpu.memory_space<vmem>>
        %dma_start3A_49 = tpu.memref_squeeze %dma_start3A_48 : memref<1x8x64xf32, #tpu.memory_space<vmem>> -> memref<8x64xf32, #tpu.memory_space<vmem>>
        %dma_start3A_50 = arith.constant 0 : i32
        %dma_start3A_51 = tpu.memref_slice %arg5[%multiple_of3A, %dma_start3A_50] : memref<1000000x64xf32, #tpu.memory_space<hbm>> -> memref<8x64xf32, #tpu.memory_space<hbm>>
        tpu.enqueue_dma source(%dma_start3A_51 : memref<8x64xf32, #tpu.memory_space<hbm>>) target(%dma_start3A_49 : memref<8x64xf32, #tpu.memory_space<vmem>>) target_semaphore(%arg14 : memref<!tpu.dma_semaphore, #tpu.memory_space<semaphore_mem>>)
        %slice3A_52 = vector.extract_strided_slice %get3A_35 {offsets = [0], sizes = [1], strides = [1]} : vector<16xi32> to vector<1xi32>
        %squeeze3A_53 = vector.extract %slice3A_52[0] : i32 from vector<1xi32>
        %rem3A_54 = arith.constant 8 : i32
        %rem3A_55 = arith.remsi %squeeze3A_53, %rem3A_54 : i32
        %sub3A_56 = arith.subi %squeeze3A_53, %rem3A_55 : i32
        %multiple_of3A_57 = tpu.assume_multiple %sub3A_56, 8 : i32
        %mul3A_58 = arith.constant 16 : i32
        %mul3A_59 = arith.muli %scan3A_29, %mul3A_58 : i32
        %add3A_60 = arith.constant 0 : i32
        %add3A_61 = arith.addi %mul3A_59, %add3A_60 : i32
        %dma_start3A_62 = arith.constant 0 : i32
        %dma_start3A_63 = arith.constant 0 : i32
        %dma_start3A_64 = tpu.memref_slice %arg12[%add3A_61, %dma_start3A_62, %dma_start3A_63] : memref<32x8x64xf32, #tpu.memory_space<vmem>> -> memref<1x8x64xf32, #tpu.memory_space<vmem>>
        %dma_start3A_65 = tpu.memref_squeeze %dma_start3A_64 : memref<1x8x64xf32, #tpu.memory_space<vmem>> -> memref<8x64xf32, #tpu.memory_space<vmem>>
        %dma_start3A_66 = arith.constant 0 : i32
        %dma_start3A_67 = tpu.memref_slice %arg6[%multiple_of3A_57, %dma_start3A_66] : memref<1000000x64xf32, #tpu.memory_space<hbm>> -> memref<8x64xf32, #tpu.memory_space<hbm>>
        %dma_start3A_68 = arith.constant 0 : i32
        %dma_start3A_69 = arith.constant 0 : i32
        %dma_start3A_70 = tpu.memref_slice %arg12[%add3A_61, %dma_start3A_68, %dma_start3A_69] : memref<32x8x64xf32, #tpu.memory_space<vmem>> -> memref<1x8x64xf32, #tpu.memory_space<vmem>>
        %dma_start3A_71 = tpu.memref_squeeze %dma_start3A_70 : memref<1x8x64xf32, #tpu.memory_space<vmem>> -> memref<8x64xf32, #tpu.memory_space<vmem>>
        %dma_start3A_72 = arith.constant 0 : i32
        %dma_start3A_73 = tpu.memref_slice %arg6[%multiple_of3A_57, %dma_start3A_72] : memref<1000000x64xf32, #tpu.memory_space<hbm>> -> memref<8x64xf32, #tpu.memory_space<hbm>>
        tpu.enqueue_dma source(%dma_start3A_73 : memref<8x64xf32, #tpu.memory_space<hbm>>) target(%dma_start3A_71 : memref<8x64xf32, #tpu.memory_space<vmem>>) target_semaphore(%arg14 : memref<!tpu.dma_semaphore, #tpu.memory_space<semaphore_mem>>)
        %slice3A_74 = vector.extract_strided_slice %get3A_33 {offsets = [1], sizes = [1], strides = [1]} : vector<16xi32> to vector<1xi32>
        %squeeze3A_75 = vector.extract %slice3A_74[0] : i32 from vector<1xi32>
        %rem3A_76 = arith.constant 8 : i32
        %rem3A_77 = arith.remsi %squeeze3A_75, %rem3A_76 : i32
        %sub3A_78 = arith.subi %squeeze3A_75, %rem3A_77 : i32
        %multiple_of3A_79 = tpu.assume_multiple %sub3A_78, 8 : i32
        %mul3A_80 = arith.constant 16 : i32
        %mul3A_81 = arith.muli %scan3A_29, %mul3A_80 : i32
        %add3A_82 = arith.constant 1 : i32
        %add3A_83 = arith.addi %mul3A_81, %add3A_82 : i32
        %dma_start3A_84 = arith.constant 0 : i32
        %dma_start3A_85 = arith.constant 0 : i32
        %dma_start3A_86 = tpu.memref_slice %arg11[%add3A_83, %dma_start3A_84, %dma_start3A_85] : memref<32x8x64xf32, #tpu.memory_space<vmem>> -> memref<1x8x64xf32, #tpu.memory_space<vmem>>
        %dma_start3A_87 = tpu.memref_squeeze %dma_start3A_86 : memref<1x8x64xf32, #tpu.memory_space<vmem>> -> memref<8x64xf32, #tpu.memory_space<vmem>>
        %dma_start3A_88 = arith.constant 0 : i32
        %dma_start3A_89 = tpu.memref_slice %arg5[%multiple_of3A_79, %dma_start3A_88] : memref<1000000x64xf32, #tpu.memory_space<hbm>> -> memref<8x64xf32, #tpu.memory_space<hbm>>
        %dma_start3A_90 = arith.constant 0 : i32
        %dma_start3A_91 = arith.constant 0 : i32
        %dma_start3A_92 = tpu.memref_slice %arg11[%add3A_83, %dma_start3A_90, %dma_start3A_91] : memref<32x8x64xf32, #tpu.memory_space<vmem>> -> memref<1x8x64xf32, #tpu.memory_space<vmem>>
        %dma_start3A_93 = tpu.memref_squeeze %dma_start3A_92 : memref<1x8x64xf32, #tpu.memory_space<vmem>> -> memref<8x64xf32, #tpu.memory_space<vmem>>
        %dma_start3A_94 = arith.constant 0 : i32
        %dma_start3A_95 = tpu.memref_slice %arg5[%multiple_of3A_79, %dma_start3A_94] : memref<1000000x64xf32, #tpu.memory_space<hbm>> -> memref<8x64xf32, #tpu.memory_space<hbm>>
        tpu.enqueue_dma source(%dma_start3A_95 : memref<8x64xf32, #tpu.memory_space<hbm>>) target(%dma_start3A_93 : memref<8x64xf32, #tpu.memory_space<vmem>>) target_semaphore(%arg14 : memref<!tpu.dma_semaphore, #tpu.memory_space<semaphore_mem>>)
        %slice3A_96 = vector.extract_strided_slice %get3A_35 {offsets = [1], sizes = [1], strides = [1]} : vector<16xi32> to vector<1xi32>
        %squeeze3A_97 = vector.extract %slice3A_96[0] : i32 from vector<1xi32>
        %rem3A_98 = arith.constant 8 : i32
        %rem3A_99 = arith.remsi %squeeze3A_97, %rem3A_98 : i32
        %sub3A_100 = arith.subi %squeeze3A_97, %rem3A_99 : i32
        %multiple_of3A_101 = tpu.assume_multiple %sub3A_100, 8 : i32
        %mul3A_102 = arith.constant 16 : i32
        %mul3A_103 = arith.muli %scan3A_29, %mul3A_102 : i32
        %add3A_104 = arith.constant 1 : i32
        %add3A_105 = arith.addi %mul3A_103, %add3A_104 : i32
        %dma_start3A_106 = arith.constant 0 : i32
        %dma_start3A_107 = arith.constant 0 : i32
        %dma_start3A_108 = tpu.memref_slice %arg12[%add3A_105, %dma_start3A_106, %dma_start3A_107] : memref<32x8x64xf32, #tpu.memory_space<vmem>> -> memref<1x8x64xf32, #tpu.memory_space<vmem>>
        %dma_start3A_109 = tpu.memref_squeeze %dma_start3A_108 : memref<1x8x64xf32, #tpu.memory_space<vmem>> -> memref<8x64xf32, #tpu.memory_space<vmem>>
        %dma_start3A_110 = arith.constant 0 : i32
        %dma_start3A_111 = tpu.memref_slice %arg6[%multiple_of3A_101, %dma_start3A_110] : memref<1000000x64xf32, #tpu.memory_space<hbm>> -> memref<8x64xf32, #tpu.memory_space<hbm>>
        %dma_start3A_112 = arith.constant 0 : i32
        %dma_start3A_113 = arith.constant 0 : i32
        %dma_start3A_114 = tpu.memref_slice %arg12[%add3A_105, %dma_start3A_112, %dma_start3A_113] : memref<32x8x64xf32, #tpu.memory_space<vmem>> -> memref<1x8x64xf32, #tpu.memory_space<vmem>>
        %dma_start3A_115 = tpu.memref_squeeze %dma_start3A_114 : memref<1x8x64xf32, #tpu.memory_space<vmem>> -> memref<8x64xf32, #tpu.memory_space<vmem>>
        %dma_start3A_116 = arith.constant 0 : i32
        %dma_start3A_117 = tpu.memref_slice %arg6[%multiple_of3A_101, %dma_start3A_116] : memref<1000000x64xf32, #tpu.memory_space<hbm>> -> memref<8x64xf32, #tpu.memory_space<hbm>>
        tpu.enqueue_dma source(%dma_start3A_117 : memref<8x64xf32, #tpu.memory_space<hbm>>) target(%dma_start3A_115 : memref<8x64xf32, #tpu.memory_space<vmem>>) target_semaphore(%arg14 : memref<!tpu.dma_semaphore, #tpu.memory_space<semaphore_mem>>)
        %slice3A_118 = vector.extract_strided_slice %get3A_33 {offsets = [2], sizes = [1], strides = [1]} : vector<16xi32> to vector<1xi32>
        %squeeze3A_119 = vector.extract %slice3A_118[0] : i32 from vector<1xi32>
        %rem3A_120 = arith.constant 8 : i32
        %rem3A_121 = arith.remsi %squeeze3A_119, %rem3A_120 : i32
        %sub3A_122 = arith.subi %squeeze3A_119, %rem3A_121 : i32
        %multiple_of3A_123 = tpu.assume_multiple %sub3A_122, 8 : i32
        %mul3A_124 = arith.constant 16 : i32
        %mul3A_125 = arith.muli %scan3A_29, %mul3A_124 : i32
        %add3A_126 = arith.constant 2 : i32
        %add3A_127 = arith.addi %mul3A_125, %add3A_126 : i32
        %dma_start3A_128 = arith.constant 0 : i32
        %dma_start3A_129 = arith.constant 0 : i32
        %dma_start3A_130 = tpu.memref_slice %arg11[%add3A_127, %dma_start3A_128, %dma_start3A_129] : memref<32x8x64xf32, #tpu.memory_space<vmem>> -> memref<1x8x64xf32, #tpu.memory_space<vmem>>
        %dma_start3A_131 = tpu.memref_squeeze %dma_start3A_130 : memref<1x8x64xf32, #tpu.memory_space<vmem>> -> memref<8x64xf32, #tpu.memory_space<vmem>>
        %dma_start3A_132 = arith.constant 0 : i32
        %dma_start3A_133 = tpu.memref_slice %arg5[%multiple_of3A_123, %dma_start3A_132] : memref<1000000x64xf32, #tpu.memory_space<hbm>> -> memref<8x64xf32, #tpu.memory_space<hbm>>
        %dma_start3A_134 = arith.constant 0 : i32
        %dma_start3A_135 = arith.constant 0 : i32
        %dma_start3A_136 = tpu.memref_slice %arg11[%add3A_127, %dma_start3A_134, %dma_start3A_135] : memref<32x8x64xf32, #tpu.memory_space<vmem>> -> memref<1x8x64xf32, #tpu.memory_space<vmem>>
        %dma_start3A_137 = tpu.memref_squeeze %dma_start3A_136 : memref<1x8x64xf32, #tpu.memory_space<vmem>> -> memref<8x64xf32, #tpu.memory_space<vmem>>
        %dma_start3A_138 = arith.constant 0 : i32
        %dma_start3A_139 = tpu.memref_slice %arg5[%multiple_of3A_123, %dma_start3A_138] : memref<1000000x64xf32, #tpu.memory_space<hbm>> -> memref<8x64xf32, #tpu.memory_space<hbm>>
        tpu.enqueue_dma source(%dma_start3A_139 : memref<8x64xf32, #tpu.memory_space<hbm>>) target(%dma_start3A_137 : memref<8x64xf32, #tpu.memory_space<vmem>>) target_semaphore(%arg14 : memref<!tpu.dma_semaphore, #tpu.memory_space<semaphore_mem>>)
        %slice3A_140 = vector.extract_strided_slice %get3A_35 {offsets = [2], sizes = [1], strides = [1]} : vector<16xi32> to vector<1xi32>
        %squeeze3A_141 = vector.extract %slice3A_140[0] : i32 from vector<1xi32>
        %rem3A_142 = arith.constant 8 : i32
        %rem3A_143 = arith.remsi %squeeze3A_141, %rem3A_142 : i32
        %sub3A_144 = arith.subi %squeeze3A_141, %rem3A_143 : i32
        %multiple_of3A_145 = tpu.assume_multiple %sub3A_144, 8 : i32
        %mul3A_146 = arith.constant 16 : i32
        %mul3A_147 = arith.muli %scan3A_29, %mul3A_146 : i32
        %add3A_148 = arith.constant 2 : i32
        %add3A_149 = arith.addi %mul3A_147, %add3A_148 : i32
        %dma_start3A_150 = arith.constant 0 : i32
        %dma_start3A_151 = arith.constant 0 : i32
        %dma_start3A_152 = tpu.memref_slice %arg12[%add3A_149, %dma_start3A_150, %dma_start3A_151] : memref<32x8x64xf32, #tpu.memory_space<vmem>> -> memref<1x8x64xf32, #tpu.memory_space<vmem>>
        %dma_start3A_153 = tpu.memref_squeeze %dma_start3A_152 : memref<1x8x64xf32, #tpu.memory_space<vmem>> -> memref<8x64xf32, #tpu.memory_space<vmem>>
        %dma_start3A_154 = arith.constant 0 : i32
        %dma_start3A_155 = tpu.memref_slice %arg6[%multiple_of3A_145, %dma_start3A_154] : memref<1000000x64xf32, #tpu.memory_space<hbm>> -> memref<8x64xf32, #tpu.memory_space<hbm>>
        %dma_start3A_156 = arith.constant 0 : i32
        %dma_start3A_157 = arith.constant 0 : i32
        %dma_start3A_158 = tpu.memref_slice %arg12[%add3A_149, %dma_start3A_156, %dma_start3A_157] : memref<32x8x64xf32, #tpu.memory_space<vmem>> -> memref<1x8x64xf32, #tpu.memory_space<vmem>>
        %dma_start3A_159 = tpu.memref_squeeze %dma_start3A_158 : memref<1x8x64xf32, #tpu.memory_space<vmem>> -> memref<8x64xf32, #tpu.memory_space<vmem>>
        %dma_start3A_160 = arith.constant 0 : i32
        %dma_start3A_161 = tpu.memref_slice %arg6[%multiple_of3A_145, %dma_start3A_160] : memref<1000000x64xf32, #tpu.memory_space<hbm>> -> memref<8x64xf32, #tpu.memory_space<hbm>>
        tpu.enqueue_dma source(%dma_start3A_161 : memref<8x64xf32, #tpu.memory_space<hbm>>) target(%dma_start3A_159 : memref<8x64xf32, #tpu.memory_space<vmem>>) target_semaphore(%arg14 : memref<!tpu.dma_semaphore, #tpu.memory_space<semaphore_mem>>)
        %slice3A_162 = vector.extract_strided_slice %get3A_33 {offsets = [3], sizes = [1], strides = [1]} : vector<16xi32> to vector<1xi32>
        %squeeze3A_163 = vector.extract %slice3A_162[0] : i32 from vector<1xi32>
        %rem3A_164 = arith.constant 8 : i32
        %rem3A_165 = arith.remsi %squeeze3A_163, %rem3A_164 : i32
        %sub3A_166 = arith.subi %squeeze3A_163, %rem3A_165 : i32
        %multiple_of3A_167 = tpu.assume_multiple %sub3A_166, 8 : i32
        %mul3A_168 = arith.constant 16 : i32
        %mul3A_169 = arith.muli %scan3A_29, %mul3A_168 : i32
        %add3A_170 = arith.constant 3 : i32
        %add3A_171 = arith.addi %mul3A_169, %add3A_170 : i32
        %dma_start3A_172 = arith.constant 0 : i32
        %dma_start3A_173 = arith.constant 0 : i32
        %dma_start3A_174 = tpu.memref_slice %arg11[%add3A_171, %dma_start3A_172, %dma_start3A_173] : memref<32x8x64xf32, #tpu.memory_space<vmem>> -> memref<1x8x64xf32, #tpu.memory_space<vmem>>
        %dma_start3A_175 = tpu.memref_squeeze %dma_start3A_174 : memref<1x8x64xf32, #tpu.memory_space<vmem>> -> memref<8x64xf32, #tpu.memory_space<vmem>>
        %dma_start3A_176 = arith.constant 0 : i32
        %dma_start3A_177 = tpu.memref_slice %arg5[%multiple_of3A_167, %dma_start3A_176] : memref<1000000x64xf32, #tpu.memory_space<hbm>> -> memref<8x64xf32, #tpu.memory_space<hbm>>
        %dma_start3A_178 = arith.constant 0 : i32
        %dma_start3A_179 = arith.constant 0 : i32
        %dma_start3A_180 = tpu.memref_slice %arg11[%add3A_171, %dma_start3A_178, %dma_start3A_179] : memref<32x8x64xf32, #tpu.memory_space<vmem>> -> memref<1x8x64xf32, #tpu.memory_space<vmem>>
        %dma_start3A_181 = tpu.memref_squeeze %dma_start3A_180 : memref<1x8x64xf32, #tpu.memory_space<vmem>> -> memref<8x64xf32, #tpu.memory_space<vmem>>
        %dma_start3A_182 = arith.constant 0 : i32
        %dma_start3A_183 = tpu.memref_slice %arg5[%multiple_of3A_167, %dma_start3A_182] : memref<1000000x64xf32, #tpu.memory_space<hbm>> -> memref<8x64xf32, #tpu.memory_space<hbm>>
        tpu.enqueue_dma source(%dma_start3A_183 : memref<8x64xf32, #tpu.memory_space<hbm>>) target(%dma_start3A_181 : memref<8x64xf32, #tpu.memory_space<vmem>>) target_semaphore(%arg14 : memref<!tpu.dma_semaphore, #tpu.memory_space<semaphore_mem>>)
        %slice3A_184 = vector.extract_strided_slice %get3A_35 {offsets = [3], sizes = [1], strides = [1]} : vector<16xi32> to vector<1xi32>
        %squeeze3A_185 = vector.extract %slice3A_184[0] : i32 from vector<1xi32>
        %rem3A_186 = arith.constant 8 : i32
        %rem3A_187 = arith.remsi %squeeze3A_185, %rem3A_186 : i32
        %sub3A_188 = arith.subi %squeeze3A_185, %rem3A_187 : i32
        %multiple_of3A_189 = tpu.assume_multiple %sub3A_188, 8 : i32
        %mul3A_190 = arith.constant 16 : i32
        %mul3A_191 = arith.muli %scan3A_29, %mul3A_190 : i32
        %add3A_192 = arith.constant 3 : i32
        %add3A_193 = arith.addi %mul3A_191, %add3A_192 : i32
        %dma_start3A_194 = arith.constant 0 : i32
        %dma_start3A_195 = arith.constant 0 : i32
        %dma_start3A_196 = tpu.memref_slice %arg12[%add3A_193, %dma_start3A_194, %dma_start3A_195] : memref<32x8x64xf32, #tpu.memory_space<vmem>> -> memref<1x8x64xf32, #tpu.memory_space<vmem>>
        %dma_start3A_197 = tpu.memref_squeeze %dma_start3A_196 : memref<1x8x64xf32, #tpu.memory_space<vmem>> -> memref<8x64xf32, #tpu.memory_space<vmem>>
        %dma_start3A_198 = arith.constant 0 : i32
        %dma_start3A_199 = tpu.memref_slice %arg6[%multiple_of3A_189, %dma_start3A_198] : memref<1000000x64xf32, #tpu.memory_space<hbm>> -> memref<8x64xf32, #tpu.memory_space<hbm>>
        %dma_start3A_200 = arith.constant 0 : i32
        %dma_start3A_201 = arith.constant 0 : i32
        %dma_start3A_202 = tpu.memref_slice %arg12[%add3A_193, %dma_start3A_200, %dma_start3A_201] : memref<32x8x64xf32, #tpu.memory_space<vmem>> -> memref<1x8x64xf32, #tpu.memory_space<vmem>>
        %dma_start3A_203 = tpu.memref_squeeze %dma_start3A_202 : memref<1x8x64xf32, #tpu.memory_space<vmem>> -> memref<8x64xf32, #tpu.memory_space<vmem>>
        %dma_start3A_204 = arith.constant 0 : i32
        %dma_start3A_205 = tpu.memref_slice %arg6[%multiple_of3A_189, %dma_start3A_204] : memref<1000000x64xf32, #tpu.memory_space<hbm>> -> memref<8x64xf32, #tpu.memory_space<hbm>>
        tpu.enqueue_dma source(%dma_start3A_205 : memref<8x64xf32, #tpu.memory_space<hbm>>) target(%dma_start3A_203 : memref<8x64xf32, #tpu.memory_space<vmem>>) target_semaphore(%arg14 : memref<!tpu.dma_semaphore, #tpu.memory_space<semaphore_mem>>)
        %slice3A_206 = vector.extract_strided_slice %get3A_33 {offsets = [4], sizes = [1], strides = [1]} : vector<16xi32> to vector<1xi32>
        %squeeze3A_207 = vector.extract %slice3A_206[0] : i32 from vector<1xi32>
        %rem3A_208 = arith.constant 8 : i32
        %rem3A_209 = arith.remsi %squeeze3A_207, %rem3A_208 : i32
        %sub3A_210 = arith.subi %squeeze3A_207, %rem3A_209 : i32
        %multiple_of3A_211 = tpu.assume_multiple %sub3A_210, 8 : i32
        %mul3A_212 = arith.constant 16 : i32
        %mul3A_213 = arith.muli %scan3A_29, %mul3A_212 : i32
        %add3A_214 = arith.constant 4 : i32
        %add3A_215 = arith.addi %mul3A_213, %add3A_214 : i32
        %dma_start3A_216 = arith.constant 0 : i32
        %dma_start3A_217 = arith.constant 0 : i32
        %dma_start3A_218 = tpu.memref_slice %arg11[%add3A_215, %dma_start3A_216, %dma_start3A_217] : memref<32x8x64xf32, #tpu.memory_space<vmem>> -> memref<1x8x64xf32, #tpu.memory_space<vmem>>
        %dma_start3A_219 = tpu.memref_squeeze %dma_start3A_218 : memref<1x8x64xf32, #tpu.memory_space<vmem>> -> memref<8x64xf32, #tpu.memory_space<vmem>>
        %dma_start3A_220 = arith.constant 0 : i32
        %dma_start3A_221 = tpu.memref_slice %arg5[%multiple_of3A_211, %dma_start3A_220] : memref<1000000x64xf32, #tpu.memory_space<hbm>> -> memref<8x64xf32, #tpu.memory_space<hbm>>
        %dma_start3A_222 = arith.constant 0 : i32
        %dma_start3A_223 = arith.constant 0 : i32
        %dma_start3A_224 = tpu.memref_slice %arg11[%add3A_215, %dma_start3A_222, %dma_start3A_223] : memref<32x8x64xf32, #tpu.memory_space<vmem>> -> memref<1x8x64xf32, #tpu.memory_space<vmem>>
        %dma_start3A_225 = tpu.memref_squeeze %dma_start3A_224 : memref<1x8x64xf32, #tpu.memory_space<vmem>> -> memref<8x64xf32, #tpu.memory_space<vmem>>
        %dma_start3A_226 = arith.constant 0 : i32
        %dma_start3A_227 = tpu.memref_slice %arg5[%multiple_of3A_211, %dma_start3A_226] : memref<1000000x64xf32, #tpu.memory_space<hbm>> -> memref<8x64xf32, #tpu.memory_space<hbm>>
        tpu.enqueue_dma source(%dma_start3A_227 : memref<8x64xf32, #tpu.memory_space<hbm>>) target(%dma_start3A_225 : memref<8x64xf32, #tpu.memory_space<vmem>>) target_semaphore(%arg14 : memref<!tpu.dma_semaphore, #tpu.memory_space<semaphore_mem>>)
        %slice3A_228 = vector.extract_strided_slice %get3A_35 {offsets = [4], sizes = [1], strides = [1]} : vector<16xi32> to vector<1xi32>
        %squeeze3A_229 = vector.extract %slice3A_228[0] : i32 from vector<1xi32>
        %rem3A_230 = arith.constant 8 : i32
        %rem3A_231 = arith.remsi %squeeze3A_229, %rem3A_230 : i32
        %sub3A_232 = arith.subi %squeeze3A_229, %rem3A_231 : i32
        %multiple_of3A_233 = tpu.assume_multiple %sub3A_232, 8 : i32
        %mul3A_234 = arith.constant 16 : i32
        %mul3A_235 = arith.muli %scan3A_29, %mul3A_234 : i32
        %add3A_236 = arith.constant 4 : i32
        %add3A_237 = arith.addi %mul3A_235, %add3A_236 : i32
        %dma_start3A_238 = arith.constant 0 : i32
        %dma_start3A_239 = arith.constant 0 : i32
        %dma_start3A_240 = tpu.memref_slice %arg12[%add3A_237, %dma_start3A_238, %dma_start3A_239] : memref<32x8x64xf32, #tpu.memory_space<vmem>> -> memref<1x8x64xf32, #tpu.memory_space<vmem>>
        %dma_start3A_241 = tpu.memref_squeeze %dma_start3A_240 : memref<1x8x64xf32, #tpu.memory_space<vmem>> -> memref<8x64xf32, #tpu.memory_space<vmem>>
        %dma_start3A_242 = arith.constant 0 : i32
        %dma_start3A_243 = tpu.memref_slice %arg6[%multiple_of3A_233, %dma_start3A_242] : memref<1000000x64xf32, #tpu.memory_space<hbm>> -> memref<8x64xf32, #tpu.memory_space<hbm>>
        %dma_start3A_244 = arith.constant 0 : i32
        %dma_start3A_245 = arith.constant 0 : i32
        %dma_start3A_246 = tpu.memref_slice %arg12[%add3A_237, %dma_start3A_244, %dma_start3A_245] : memref<32x8x64xf32, #tpu.memory_space<vmem>> -> memref<1x8x64xf32, #tpu.memory_space<vmem>>
        %dma_start3A_247 = tpu.memref_squeeze %dma_start3A_246 : memref<1x8x64xf32, #tpu.memory_space<vmem>> -> memref<8x64xf32, #tpu.memory_space<vmem>>
        %dma_start3A_248 = arith.constant 0 : i32
        %dma_start3A_249 = tpu.memref_slice %arg6[%multiple_of3A_233, %dma_start3A_248] : memref<1000000x64xf32, #tpu.memory_space<hbm>> -> memref<8x64xf32, #tpu.memory_space<hbm>>
        tpu.enqueue_dma source(%dma_start3A_249 : memref<8x64xf32, #tpu.memory_space<hbm>>) target(%dma_start3A_247 : memref<8x64xf32, #tpu.memory_space<vmem>>) target_semaphore(%arg14 : memref<!tpu.dma_semaphore, #tpu.memory_space<semaphore_mem>>)
        %slice3A_250 = vector.extract_strided_slice %get3A_33 {offsets = [5], sizes = [1], strides = [1]} : vector<16xi32> to vector<1xi32>
        %squeeze3A_251 = vector.extract %slice3A_250[0] : i32 from vector<1xi32>
        %rem3A_252 = arith.constant 8 : i32
        %rem3A_253 = arith.remsi %squeeze3A_251, %rem3A_252 : i32
        %sub3A_254 = arith.subi %squeeze3A_251, %rem3A_253 : i32
        %multiple_of3A_255 = tpu.assume_multiple %sub3A_254, 8 : i32
        %mul3A_256 = arith.constant 16 : i32
        %mul3A_257 = arith.muli %scan3A_29, %mul3A_256 : i32
        %add3A_258 = arith.constant 5 : i32
        %add3A_259 = arith.addi %mul3A_257, %add3A_258 : i32
        %dma_start3A_260 = arith.constant 0 : i32
        %dma_start3A_261 = arith.constant 0 : i32
        %dma_start3A_262 = tpu.memref_slice %arg11[%add3A_259, %dma_start3A_260, %dma_start3A_261] : memref<32x8x64xf32, #tpu.memory_space<vmem>> -> memref<1x8x64xf32, #tpu.memory_space<vmem>>
        %dma_start3A_263 = tpu.memref_squeeze %dma_start3A_262 : memref<1x8x64xf32, #tpu.memory_space<vmem>> -> memref<8x64xf32, #tpu.memory_space<vmem>>
        %dma_start3A_264 = arith.constant 0 : i32
        %dma_start3A_265 = tpu.memref_slice %arg5[%multiple_of3A_255, %dma_start3A_264] : memref<1000000x64xf32, #tpu.memory_space<hbm>> -> memref<8x64xf32, #tpu.memory_space<hbm>>
        %dma_start3A_266 = arith.constant 0 : i32
        %dma_start3A_267 = arith.constant 0 : i32
        %dma_start3A_268 = tpu.memref_slice %arg11[%add3A_259, %dma_start3A_266, %dma_start3A_267] : memref<32x8x64xf32, #tpu.memory_space<vmem>> -> memref<1x8x64xf32, #tpu.memory_space<vmem>>
        %dma_start3A_269 = tpu.memref_squeeze %dma_start3A_268 : memref<1x8x64xf32, #tpu.memory_space<vmem>> -> memref<8x64xf32, #tpu.memory_space<vmem>>
        %dma_start3A_270 = arith.constant 0 : i32
        %dma_start3A_271 = tpu.memref_slice %arg5[%multiple_of3A_255, %dma_start3A_270] : memref<1000000x64xf32, #tpu.memory_space<hbm>> -> memref<8x64xf32, #tpu.memory_space<hbm>>
        tpu.enqueue_dma source(%dma_start3A_271 : memref<8x64xf32, #tpu.memory_space<hbm>>) target(%dma_start3A_269 : memref<8x64xf32, #tpu.memory_space<vmem>>) target_semaphore(%arg14 : memref<!tpu.dma_semaphore, #tpu.memory_space<semaphore_mem>>)
        %slice3A_272 = vector.extract_strided_slice %get3A_35 {offsets = [5], sizes = [1], strides = [1]} : vector<16xi32> to vector<1xi32>
        %squeeze3A_273 = vector.extract %slice3A_272[0] : i32 from vector<1xi32>
        %rem3A_274 = arith.constant 8 : i32
        %rem3A_275 = arith.remsi %squeeze3A_273, %rem3A_274 : i32
        %sub3A_276 = arith.subi %squeeze3A_273, %rem3A_275 : i32
        %multiple_of3A_277 = tpu.assume_multiple %sub3A_276, 8 : i32
        %mul3A_278 = arith.constant 16 : i32
        %mul3A_279 = arith.muli %scan3A_29, %mul3A_278 : i32
        %add3A_280 = arith.constant 5 : i32
        %add3A_281 = arith.addi %mul3A_279, %add3A_280 : i32
        %dma_start3A_282 = arith.constant 0 : i32
        %dma_start3A_283 = arith.constant 0 : i32
        %dma_start3A_284 = tpu.memref_slice %arg12[%add3A_281, %dma_start3A_282, %dma_start3A_283] : memref<32x8x64xf32, #tpu.memory_space<vmem>> -> memref<1x8x64xf32, #tpu.memory_space<vmem>>
        %dma_start3A_285 = tpu.memref_squeeze %dma_start3A_284 : memref<1x8x64xf32, #tpu.memory_space<vmem>> -> memref<8x64xf32, #tpu.memory_space<vmem>>
        %dma_start3A_286 = arith.constant 0 : i32
        %dma_start3A_287 = tpu.memref_slice %arg6[%multiple_of3A_277, %dma_start3A_286] : memref<1000000x64xf32, #tpu.memory_space<hbm>> -> memref<8x64xf32, #tpu.memory_space<hbm>>
        %dma_start3A_288 = arith.constant 0 : i32
        %dma_start3A_289 = arith.constant 0 : i32
        %dma_start3A_290 = tpu.memref_slice %arg12[%add3A_281, %dma_start3A_288, %dma_start3A_289] : memref<32x8x64xf32, #tpu.memory_space<vmem>> -> memref<1x8x64xf32, #tpu.memory_space<vmem>>
        %dma_start3A_291 = tpu.memref_squeeze %dma_start3A_290 : memref<1x8x64xf32, #tpu.memory_space<vmem>> -> memref<8x64xf32, #tpu.memory_space<vmem>>
        %dma_start3A_292 = arith.constant 0 : i32
        %dma_start3A_293 = tpu.memref_slice %arg6[%multiple_of3A_277, %dma_start3A_292] : memref<1000000x64xf32, #tpu.memory_space<hbm>> -> memref<8x64xf32, #tpu.memory_space<hbm>>
        tpu.enqueue_dma source(%dma_start3A_293 : memref<8x64xf32, #tpu.memory_space<hbm>>) target(%dma_start3A_291 : memref<8x64xf32, #tpu.memory_space<vmem>>) target_semaphore(%arg14 : memref<!tpu.dma_semaphore, #tpu.memory_space<semaphore_mem>>)
        %slice3A_294 = vector.extract_strided_slice %get3A_33 {offsets = [6], sizes = [1], strides = [1]} : vector<16xi32> to vector<1xi32>
        %squeeze3A_295 = vector.extract %slice3A_294[0] : i32 from vector<1xi32>
        %rem3A_296 = arith.constant 8 : i32
        %rem3A_297 = arith.remsi %squeeze3A_295, %rem3A_296 : i32
        %sub3A_298 = arith.subi %squeeze3A_295, %rem3A_297 : i32
        %multiple_of3A_299 = tpu.assume_multiple %sub3A_298, 8 : i32
        %mul3A_300 = arith.constant 16 : i32
        %mul3A_301 = arith.muli %scan3A_29, %mul3A_300 : i32
        %add3A_302 = arith.constant 6 : i32
        %add3A_303 = arith.addi %mul3A_301, %add3A_302 : i32
        %dma_start3A_304 = arith.constant 0 : i32
        %dma_start3A_305 = arith.constant 0 : i32
        %dma_start3A_306 = tpu.memref_slice %arg11[%add3A_303, %dma_start3A_304, %dma_start3A_305] : memref<32x8x64xf32, #tpu.memory_space<vmem>> -> memref<1x8x64xf32, #tpu.memory_space<vmem>>
        %dma_start3A_307 = tpu.memref_squeeze %dma_start3A_306 : memref<1x8x64xf32, #tpu.memory_space<vmem>> -> memref<8x64xf32, #tpu.memory_space<vmem>>
        %dma_start3A_308 = arith.constant 0 : i32
        %dma_start3A_309 = tpu.memref_slice %arg5[%multiple_of3A_299, %dma_start3A_308] : memref<1000000x64xf32, #tpu.memory_space<hbm>> -> memref<8x64xf32, #tpu.memory_space<hbm>>
        %dma_start3A_310 = arith.constant 0 : i32
        %dma_start3A_311 = arith.constant 0 : i32
        %dma_start3A_312 = tpu.memref_slice %arg11[%add3A_303, %dma_start3A_310, %dma_start3A_311] : memref<32x8x64xf32, #tpu.memory_space<vmem>> -> memref<1x8x64xf32, #tpu.memory_space<vmem>>
        %dma_start3A_313 = tpu.memref_squeeze %dma_start3A_312 : memref<1x8x64xf32, #tpu.memory_space<vmem>> -> memref<8x64xf32, #tpu.memory_space<vmem>>
        %dma_start3A_314 = arith.constant 0 : i32
        %dma_start3A_315 = tpu.memref_slice %arg5[%multiple_of3A_299, %dma_start3A_314] : memref<1000000x64xf32, #tpu.memory_space<hbm>> -> memref<8x64xf32, #tpu.memory_space<hbm>>
        tpu.enqueue_dma source(%dma_start3A_315 : memref<8x64xf32, #tpu.memory_space<hbm>>) target(%dma_start3A_313 : memref<8x64xf32, #tpu.memory_space<vmem>>) target_semaphore(%arg14 : memref<!tpu.dma_semaphore, #tpu.memory_space<semaphore_mem>>)
        %slice3A_316 = vector.extract_strided_slice %get3A_35 {offsets = [6], sizes = [1], strides = [1]} : vector<16xi32> to vector<1xi32>
        %squeeze3A_317 = vector.extract %slice3A_316[0] : i32 from vector<1xi32>
        %rem3A_318 = arith.constant 8 : i32
        %rem3A_319 = arith.remsi %squeeze3A_317, %rem3A_318 : i32
        %sub3A_320 = arith.subi %squeeze3A_317, %rem3A_319 : i32
        %multiple_of3A_321 = tpu.assume_multiple %sub3A_320, 8 : i32
        %mul3A_322 = arith.constant 16 : i32
        %mul3A_323 = arith.muli %scan3A_29, %mul3A_322 : i32
        %add3A_324 = arith.constant 6 : i32
        %add3A_325 = arith.addi %mul3A_323, %add3A_324 : i32
        %dma_start3A_326 = arith.constant 0 : i32
        %dma_start3A_327 = arith.constant 0 : i32
        %dma_start3A_328 = tpu.memref_slice %arg12[%add3A_325, %dma_start3A_326, %dma_start3A_327] : memref<32x8x64xf32, #tpu.memory_space<vmem>> -> memref<1x8x64xf32, #tpu.memory_space<vmem>>
        %dma_start3A_329 = tpu.memref_squeeze %dma_start3A_328 : memref<1x8x64xf32, #tpu.memory_space<vmem>> -> memref<8x64xf32, #tpu.memory_space<vmem>>
        %dma_start3A_330 = arith.constant 0 : i32
        %dma_start3A_331 = tpu.memref_slice %arg6[%multiple_of3A_321, %dma_start3A_330] : memref<1000000x64xf32, #tpu.memory_space<hbm>> -> memref<8x64xf32, #tpu.memory_space<hbm>>
        %dma_start3A_332 = arith.constant 0 : i32
        %dma_start3A_333 = arith.constant 0 : i32
        %dma_start3A_334 = tpu.memref_slice %arg12[%add3A_325, %dma_start3A_332, %dma_start3A_333] : memref<32x8x64xf32, #tpu.memory_space<vmem>> -> memref<1x8x64xf32, #tpu.memory_space<vmem>>
        %dma_start3A_335 = tpu.memref_squeeze %dma_start3A_334 : memref<1x8x64xf32, #tpu.memory_space<vmem>> -> memref<8x64xf32, #tpu.memory_space<vmem>>
        %dma_start3A_336 = arith.constant 0 : i32
        %dma_start3A_337 = tpu.memref_slice %arg6[%multiple_of3A_321, %dma_start3A_336] : memref<1000000x64xf32, #tpu.memory_space<hbm>> -> memref<8x64xf32, #tpu.memory_space<hbm>>
        tpu.enqueue_dma source(%dma_start3A_337 : memref<8x64xf32, #tpu.memory_space<hbm>>) target(%dma_start3A_335 : memref<8x64xf32, #tpu.memory_space<vmem>>) target_semaphore(%arg14 : memref<!tpu.dma_semaphore, #tpu.memory_space<semaphore_mem>>)
        %slice3A_338 = vector.extract_strided_slice %get3A_33 {offsets = [7], sizes = [1], strides = [1]} : vector<16xi32> to vector<1xi32>
        %squeeze3A_339 = vector.extract %slice3A_338[0] : i32 from vector<1xi32>
        %rem3A_340 = arith.constant 8 : i32
        %rem3A_341 = arith.remsi %squeeze3A_339, %rem3A_340 : i32
        %sub3A_342 = arith.subi %squeeze3A_339, %rem3A_341 : i32
        %multiple_of3A_343 = tpu.assume_multiple %sub3A_342, 8 : i32
        %mul3A_344 = arith.constant 16 : i32
        %mul3A_345 = arith.muli %scan3A_29, %mul3A_344 : i32
        %add3A_346 = arith.constant 7 : i32
        %add3A_347 = arith.addi %mul3A_345, %add3A_346 : i32
        %dma_start3A_348 = arith.constant 0 : i32
        %dma_start3A_349 = arith.constant 0 : i32
        %dma_start3A_350 = tpu.memref_slice %arg11[%add3A_347, %dma_start3A_348, %dma_start3A_349] : memref<32x8x64xf32, #tpu.memory_space<vmem>> -> memref<1x8x64xf32, #tpu.memory_space<vmem>>
        %dma_start3A_351 = tpu.memref_squeeze %dma_start3A_350 : memref<1x8x64xf32, #tpu.memory_space<vmem>> -> memref<8x64xf32, #tpu.memory_space<vmem>>
        %dma_start3A_352 = arith.constant 0 : i32
        %dma_start3A_353 = tpu.memref_slice %arg5[%multiple_of3A_343, %dma_start3A_352] : memref<1000000x64xf32, #tpu.memory_space<hbm>> -> memref<8x64xf32, #tpu.memory_space<hbm>>
        %dma_start3A_354 = arith.constant 0 : i32
        %dma_start3A_355 = arith.constant 0 : i32
        %dma_start3A_356 = tpu.memref_slice %arg11[%add3A_347, %dma_start3A_354, %dma_start3A_355] : memref<32x8x64xf32, #tpu.memory_space<vmem>> -> memref<1x8x64xf32, #tpu.memory_space<vmem>>
        %dma_start3A_357 = tpu.memref_squeeze %dma_start3A_356 : memref<1x8x64xf32, #tpu.memory_space<vmem>> -> memref<8x64xf32, #tpu.memory_space<vmem>>
        %dma_start3A_358 = arith.constant 0 : i32
        %dma_start3A_359 = tpu.memref_slice %arg5[%multiple_of3A_343, %dma_start3A_358] : memref<1000000x64xf32, #tpu.memory_space<hbm>> -> memref<8x64xf32, #tpu.memory_space<hbm>>
        tpu.enqueue_dma source(%dma_start3A_359 : memref<8x64xf32, #tpu.memory_space<hbm>>) target(%dma_start3A_357 : memref<8x64xf32, #tpu.memory_space<vmem>>) target_semaphore(%arg14 : memref<!tpu.dma_semaphore, #tpu.memory_space<semaphore_mem>>)
        %slice3A_360 = vector.extract_strided_slice %get3A_35 {offsets = [7], sizes = [1], strides = [1]} : vector<16xi32> to vector<1xi32>
        %squeeze3A_361 = vector.extract %slice3A_360[0] : i32 from vector<1xi32>
        %rem3A_362 = arith.constant 8 : i32
        %rem3A_363 = arith.remsi %squeeze3A_361, %rem3A_362 : i32
        %sub3A_364 = arith.subi %squeeze3A_361, %rem3A_363 : i32
        %multiple_of3A_365 = tpu.assume_multiple %sub3A_364, 8 : i32
        %mul3A_366 = arith.constant 16 : i32
        %mul3A_367 = arith.muli %scan3A_29, %mul3A_366 : i32
        %add3A_368 = arith.constant 7 : i32
        %add3A_369 = arith.addi %mul3A_367, %add3A_368 : i32
        %dma_start3A_370 = arith.constant 0 : i32
        %dma_start3A_371 = arith.constant 0 : i32
        %dma_start3A_372 = tpu.memref_slice %arg12[%add3A_369, %dma_start3A_370, %dma_start3A_371] : memref<32x8x64xf32, #tpu.memory_space<vmem>> -> memref<1x8x64xf32, #tpu.memory_space<vmem>>
        %dma_start3A_373 = tpu.memref_squeeze %dma_start3A_372 : memref<1x8x64xf32, #tpu.memory_space<vmem>> -> memref<8x64xf32, #tpu.memory_space<vmem>>
        %dma_start3A_374 = arith.constant 0 : i32
        %dma_start3A_375 = tpu.memref_slice %arg6[%multiple_of3A_365, %dma_start3A_374] : memref<1000000x64xf32, #tpu.memory_space<hbm>> -> memref<8x64xf32, #tpu.memory_space<hbm>>
        %dma_start3A_376 = arith.constant 0 : i32
        %dma_start3A_377 = arith.constant 0 : i32
        %dma_start3A_378 = tpu.memref_slice %arg12[%add3A_369, %dma_start3A_376, %dma_start3A_377] : memref<32x8x64xf32, #tpu.memory_space<vmem>> -> memref<1x8x64xf32, #tpu.memory_space<vmem>>
        %dma_start3A_379 = tpu.memref_squeeze %dma_start3A_378 : memref<1x8x64xf32, #tpu.memory_space<vmem>> -> memref<8x64xf32, #tpu.memory_space<vmem>>
        %dma_start3A_380 = arith.constant 0 : i32
        %dma_start3A_381 = tpu.memref_slice %arg6[%multiple_of3A_365, %dma_start3A_380] : memref<1000000x64xf32, #tpu.memory_space<hbm>> -> memref<8x64xf32, #tpu.memory_space<hbm>>
        tpu.enqueue_dma source(%dma_start3A_381 : memref<8x64xf32, #tpu.memory_space<hbm>>) target(%dma_start3A_379 : memref<8x64xf32, #tpu.memory_space<vmem>>) target_semaphore(%arg14 : memref<!tpu.dma_semaphore, #tpu.memory_space<semaphore_mem>>)
        %slice3A_382 = vector.extract_strided_slice %get3A_33 {offsets = [8], sizes = [1], strides = [1]} : vector<16xi32> to vector<1xi32>
        %squeeze3A_383 = vector.extract %slice3A_382[0] : i32 from vector<1xi32>
        %rem3A_384 = arith.constant 8 : i32
        %rem3A_385 = arith.remsi %squeeze3A_383, %rem3A_384 : i32
        %sub3A_386 = arith.subi %squeeze3A_383, %rem3A_385 : i32
        %multiple_of3A_387 = tpu.assume_multiple %sub3A_386, 8 : i32
        %mul3A_388 = arith.constant 16 : i32
        %mul3A_389 = arith.muli %scan3A_29, %mul3A_388 : i32
        %add3A_390 = arith.constant 8 : i32
        %add3A_391 = arith.addi %mul3A_389, %add3A_390 : i32
        %dma_start3A_392 = arith.constant 0 : i32
        %dma_start3A_393 = arith.constant 0 : i32
        %dma_start3A_394 = tpu.memref_slice %arg11[%add3A_391, %dma_start3A_392, %dma_start3A_393] : memref<32x8x64xf32, #tpu.memory_space<vmem>> -> memref<1x8x64xf32, #tpu.memory_space<vmem>>
        %dma_start3A_395 = tpu.memref_squeeze %dma_start3A_394 : memref<1x8x64xf32, #tpu.memory_space<vmem>> -> memref<8x64xf32, #tpu.memory_space<vmem>>
        %dma_start3A_396 = arith.constant 0 : i32
        %dma_start3A_397 = tpu.memref_slice %arg5[%multiple_of3A_387, %dma_start3A_396] : memref<1000000x64xf32, #tpu.memory_space<hbm>> -> memref<8x64xf32, #tpu.memory_space<hbm>>
        %dma_start3A_398 = arith.constant 0 : i32
        %dma_start3A_399 = arith.constant 0 : i32
        %dma_start3A_400 = tpu.memref_slice %arg11[%add3A_391, %dma_start3A_398, %dma_start3A_399] : memref<32x8x64xf32, #tpu.memory_space<vmem>> -> memref<1x8x64xf32, #tpu.memory_space<vmem>>
        %dma_start3A_401 = tpu.memref_squeeze %dma_start3A_400 : memref<1x8x64xf32, #tpu.memory_space<vmem>> -> memref<8x64xf32, #tpu.memory_space<vmem>>
        %dma_start3A_402 = arith.constant 0 : i32
        %dma_start3A_403 = tpu.memref_slice %arg5[%multiple_of3A_387, %dma_start3A_402] : memref<1000000x64xf32, #tpu.memory_space<hbm>> -> memref<8x64xf32, #tpu.memory_space<hbm>>
        tpu.enqueue_dma source(%dma_start3A_403 : memref<8x64xf32, #tpu.memory_space<hbm>>) target(%dma_start3A_401 : memref<8x64xf32, #tpu.memory_space<vmem>>) target_semaphore(%arg14 : memref<!tpu.dma_semaphore, #tpu.memory_space<semaphore_mem>>)
        %slice3A_404 = vector.extract_strided_slice %get3A_35 {offsets = [8], sizes = [1], strides = [1]} : vector<16xi32> to vector<1xi32>
        %squeeze3A_405 = vector.extract %slice3A_404[0] : i32 from vector<1xi32>
        %rem3A_406 = arith.constant 8 : i32
        %rem3A_407 = arith.remsi %squeeze3A_405, %rem3A_406 : i32
        %sub3A_408 = arith.subi %squeeze3A_405, %rem3A_407 : i32
        %multiple_of3A_409 = tpu.assume_multiple %sub3A_408, 8 : i32
        %mul3A_410 = arith.constant 16 : i32
        %mul3A_411 = arith.muli %scan3A_29, %mul3A_410 : i32
        %add3A_412 = arith.constant 8 : i32
        %add3A_413 = arith.addi %mul3A_411, %add3A_412 : i32
        %dma_start3A_414 = arith.constant 0 : i32
        %dma_start3A_415 = arith.constant 0 : i32
        %dma_start3A_416 = tpu.memref_slice %arg12[%add3A_413, %dma_start3A_414, %dma_start3A_415] : memref<32x8x64xf32, #tpu.memory_space<vmem>> -> memref<1x8x64xf32, #tpu.memory_space<vmem>>
        %dma_start3A_417 = tpu.memref_squeeze %dma_start3A_416 : memref<1x8x64xf32, #tpu.memory_space<vmem>> -> memref<8x64xf32, #tpu.memory_space<vmem>>
        %dma_start3A_418 = arith.constant 0 : i32
        %dma_start3A_419 = tpu.memref_slice %arg6[%multiple_of3A_409, %dma_start3A_418] : memref<1000000x64xf32, #tpu.memory_space<hbm>> -> memref<8x64xf32, #tpu.memory_space<hbm>>
        %dma_start3A_420 = arith.constant 0 : i32
        %dma_start3A_421 = arith.constant 0 : i32
        %dma_start3A_422 = tpu.memref_slice %arg12[%add3A_413, %dma_start3A_420, %dma_start3A_421] : memref<32x8x64xf32, #tpu.memory_space<vmem>> -> memref<1x8x64xf32, #tpu.memory_space<vmem>>
        %dma_start3A_423 = tpu.memref_squeeze %dma_start3A_422 : memref<1x8x64xf32, #tpu.memory_space<vmem>> -> memref<8x64xf32, #tpu.memory_space<vmem>>
        %dma_start3A_424 = arith.constant 0 : i32
        %dma_start3A_425 = tpu.memref_slice %arg6[%multiple_of3A_409, %dma_start3A_424] : memref<1000000x64xf32, #tpu.memory_space<hbm>> -> memref<8x64xf32, #tpu.memory_space<hbm>>
        tpu.enqueue_dma source(%dma_start3A_425 : memref<8x64xf32, #tpu.memory_space<hbm>>) target(%dma_start3A_423 : memref<8x64xf32, #tpu.memory_space<vmem>>) target_semaphore(%arg14 : memref<!tpu.dma_semaphore, #tpu.memory_space<semaphore_mem>>)
        %slice3A_426 = vector.extract_strided_slice %get3A_33 {offsets = [9], sizes = [1], strides = [1]} : vector<16xi32> to vector<1xi32>
        %squeeze3A_427 = vector.extract %slice3A_426[0] : i32 from vector<1xi32>
        %rem3A_428 = arith.constant 8 : i32
        %rem3A_429 = arith.remsi %squeeze3A_427, %rem3A_428 : i32
        %sub3A_430 = arith.subi %squeeze3A_427, %rem3A_429 : i32
        %multiple_of3A_431 = tpu.assume_multiple %sub3A_430, 8 : i32
        %mul3A_432 = arith.constant 16 : i32
        %mul3A_433 = arith.muli %scan3A_29, %mul3A_432 : i32
        %add3A_434 = arith.constant 9 : i32
        %add3A_435 = arith.addi %mul3A_433, %add3A_434 : i32
        %dma_start3A_436 = arith.constant 0 : i32
        %dma_start3A_437 = arith.constant 0 : i32
        %dma_start3A_438 = tpu.memref_slice %arg11[%add3A_435, %dma_start3A_436, %dma_start3A_437] : memref<32x8x64xf32, #tpu.memory_space<vmem>> -> memref<1x8x64xf32, #tpu.memory_space<vmem>>
        %dma_start3A_439 = tpu.memref_squeeze %dma_start3A_438 : memref<1x8x64xf32, #tpu.memory_space<vmem>> -> memref<8x64xf32, #tpu.memory_space<vmem>>
        %dma_start3A_440 = arith.constant 0 : i32
        %dma_start3A_441 = tpu.memref_slice %arg5[%multiple_of3A_431, %dma_start3A_440] : memref<1000000x64xf32, #tpu.memory_space<hbm>> -> memref<8x64xf32, #tpu.memory_space<hbm>>
        %dma_start3A_442 = arith.constant 0 : i32
        %dma_start3A_443 = arith.constant 0 : i32
        %dma_start3A_444 = tpu.memref_slice %arg11[%add3A_435, %dma_start3A_442, %dma_start3A_443] : memref<32x8x64xf32, #tpu.memory_space<vmem>> -> memref<1x8x64xf32, #tpu.memory_space<vmem>>
        %dma_start3A_445 = tpu.memref_squeeze %dma_start3A_444 : memref<1x8x64xf32, #tpu.memory_space<vmem>> -> memref<8x64xf32, #tpu.memory_space<vmem>>
        %dma_start3A_446 = arith.constant 0 : i32
        %dma_start3A_447 = tpu.memref_slice %arg5[%multiple_of3A_431, %dma_start3A_446] : memref<1000000x64xf32, #tpu.memory_space<hbm>> -> memref<8x64xf32, #tpu.memory_space<hbm>>
        tpu.enqueue_dma source(%dma_start3A_447 : memref<8x64xf32, #tpu.memory_space<hbm>>) target(%dma_start3A_445 : memref<8x64xf32, #tpu.memory_space<vmem>>) target_semaphore(%arg14 : memref<!tpu.dma_semaphore, #tpu.memory_space<semaphore_mem>>)
        %slice3A_448 = vector.extract_strided_slice %get3A_35 {offsets = [9], sizes = [1], strides = [1]} : vector<16xi32> to vector<1xi32>
        %squeeze3A_449 = vector.extract %slice3A_448[0] : i32 from vector<1xi32>
        %rem3A_450 = arith.constant 8 : i32
        %rem3A_451 = arith.remsi %squeeze3A_449, %rem3A_450 : i32
        %sub3A_452 = arith.subi %squeeze3A_449, %rem3A_451 : i32
        %multiple_of3A_453 = tpu.assume_multiple %sub3A_452, 8 : i32
        %mul3A_454 = arith.constant 16 : i32
        %mul3A_455 = arith.muli %scan3A_29, %mul3A_454 : i32
        %add3A_456 = arith.constant 9 : i32
        %add3A_457 = arith.addi %mul3A_455, %add3A_456 : i32
        %dma_start3A_458 = arith.constant 0 : i32
        %dma_start3A_459 = arith.constant 0 : i32
        %dma_start3A_460 = tpu.memref_slice %arg12[%add3A_457, %dma_start3A_458, %dma_start3A_459] : memref<32x8x64xf32, #tpu.memory_space<vmem>> -> memref<1x8x64xf32, #tpu.memory_space<vmem>>
        %dma_start3A_461 = tpu.memref_squeeze %dma_start3A_460 : memref<1x8x64xf32, #tpu.memory_space<vmem>> -> memref<8x64xf32, #tpu.memory_space<vmem>>
        %dma_start3A_462 = arith.constant 0 : i32
        %dma_start3A_463 = tpu.memref_slice %arg6[%multiple_of3A_453, %dma_start3A_462] : memref<1000000x64xf32, #tpu.memory_space<hbm>> -> memref<8x64xf32, #tpu.memory_space<hbm>>
        %dma_start3A_464 = arith.constant 0 : i32
        %dma_start3A_465 = arith.constant 0 : i32
        %dma_start3A_466 = tpu.memref_slice %arg12[%add3A_457, %dma_start3A_464, %dma_start3A_465] : memref<32x8x64xf32, #tpu.memory_space<vmem>> -> memref<1x8x64xf32, #tpu.memory_space<vmem>>
        %dma_start3A_467 = tpu.memref_squeeze %dma_start3A_466 : memref<1x8x64xf32, #tpu.memory_space<vmem>> -> memref<8x64xf32, #tpu.memory_space<vmem>>
        %dma_start3A_468 = arith.constant 0 : i32
        %dma_start3A_469 = tpu.memref_slice %arg6[%multiple_of3A_453, %dma_start3A_468] : memref<1000000x64xf32, #tpu.memory_space<hbm>> -> memref<8x64xf32, #tpu.memory_space<hbm>>
        tpu.enqueue_dma source(%dma_start3A_469 : memref<8x64xf32, #tpu.memory_space<hbm>>) target(%dma_start3A_467 : memref<8x64xf32, #tpu.memory_space<vmem>>) target_semaphore(%arg14 : memref<!tpu.dma_semaphore, #tpu.memory_space<semaphore_mem>>)
        %slice3A_470 = vector.extract_strided_slice %get3A_33 {offsets = [10], sizes = [1], strides = [1]} : vector<16xi32> to vector<1xi32>
        %squeeze3A_471 = vector.extract %slice3A_470[0] : i32 from vector<1xi32>
        %rem3A_472 = arith.constant 8 : i32
        %rem3A_473 = arith.remsi %squeeze3A_471, %rem3A_472 : i32
        %sub3A_474 = arith.subi %squeeze3A_471, %rem3A_473 : i32
        %multiple_of3A_475 = tpu.assume_multiple %sub3A_474, 8 : i32
        %mul3A_476 = arith.constant 16 : i32
        %mul3A_477 = arith.muli %scan3A_29, %mul3A_476 : i32
        %add3A_478 = arith.constant 10 : i32
        %add3A_479 = arith.addi %mul3A_477, %add3A_478 : i32
        %dma_start3A_480 = arith.constant 0 : i32
        %dma_start3A_481 = arith.constant 0 : i32
        %dma_start3A_482 = tpu.memref_slice %arg11[%add3A_479, %dma_start3A_480, %dma_start3A_481] : memref<32x8x64xf32, #tpu.memory_space<vmem>> -> memref<1x8x64xf32, #tpu.memory_space<vmem>>
        %dma_start3A_483 = tpu.memref_squeeze %dma_start3A_482 : memref<1x8x64xf32, #tpu.memory_space<vmem>> -> memref<8x64xf32, #tpu.memory_space<vmem>>
        %dma_start3A_484 = arith.constant 0 : i32
        %dma_start3A_485 = tpu.memref_slice %arg5[%multiple_of3A_475, %dma_start3A_484] : memref<1000000x64xf32, #tpu.memory_space<hbm>> -> memref<8x64xf32, #tpu.memory_space<hbm>>
        %dma_start3A_486 = arith.constant 0 : i32
        %dma_start3A_487 = arith.constant 0 : i32
        %dma_start3A_488 = tpu.memref_slice %arg11[%add3A_479, %dma_start3A_486, %dma_start3A_487] : memref<32x8x64xf32, #tpu.memory_space<vmem>> -> memref<1x8x64xf32, #tpu.memory_space<vmem>>
        %dma_start3A_489 = tpu.memref_squeeze %dma_start3A_488 : memref<1x8x64xf32, #tpu.memory_space<vmem>> -> memref<8x64xf32, #tpu.memory_space<vmem>>
        %dma_start3A_490 = arith.constant 0 : i32
        %dma_start3A_491 = tpu.memref_slice %arg5[%multiple_of3A_475, %dma_start3A_490] : memref<1000000x64xf32, #tpu.memory_space<hbm>> -> memref<8x64xf32, #tpu.memory_space<hbm>>
        tpu.enqueue_dma source(%dma_start3A_491 : memref<8x64xf32, #tpu.memory_space<hbm>>) target(%dma_start3A_489 : memref<8x64xf32, #tpu.memory_space<vmem>>) target_semaphore(%arg14 : memref<!tpu.dma_semaphore, #tpu.memory_space<semaphore_mem>>)
        %slice3A_492 = vector.extract_strided_slice %get3A_35 {offsets = [10], sizes = [1], strides = [1]} : vector<16xi32> to vector<1xi32>
        %squeeze3A_493 = vector.extract %slice3A_492[0] : i32 from vector<1xi32>
        %rem3A_494 = arith.constant 8 : i32
        %rem3A_495 = arith.remsi %squeeze3A_493, %rem3A_494 : i32
        %sub3A_496 = arith.subi %squeeze3A_493, %rem3A_495 : i32
        %multiple_of3A_497 = tpu.assume_multiple %sub3A_496, 8 : i32
        %mul3A_498 = arith.constant 16 : i32
        %mul3A_499 = arith.muli %scan3A_29, %mul3A_498 : i32
        %add3A_500 = arith.constant 10 : i32
        %add3A_501 = arith.addi %mul3A_499, %add3A_500 : i32
        %dma_start3A_502 = arith.constant 0 : i32
        %dma_start3A_503 = arith.constant 0 : i32
        %dma_start3A_504 = tpu.memref_slice %arg12[%add3A_501, %dma_start3A_502, %dma_start3A_503] : memref<32x8x64xf32, #tpu.memory_space<vmem>> -> memref<1x8x64xf32, #tpu.memory_space<vmem>>
        %dma_start3A_505 = tpu.memref_squeeze %dma_start3A_504 : memref<1x8x64xf32, #tpu.memory_space<vmem>> -> memref<8x64xf32, #tpu.memory_space<vmem>>
        %dma_start3A_506 = arith.constant 0 : i32
        %dma_start3A_507 = tpu.memref_slice %arg6[%multiple_of3A_497, %dma_start3A_506] : memref<1000000x64xf32, #tpu.memory_space<hbm>> -> memref<8x64xf32, #tpu.memory_space<hbm>>
        %dma_start3A_508 = arith.constant 0 : i32
        %dma_start3A_509 = arith.constant 0 : i32
        %dma_start3A_510 = tpu.memref_slice %arg12[%add3A_501, %dma_start3A_508, %dma_start3A_509] : memref<32x8x64xf32, #tpu.memory_space<vmem>> -> memref<1x8x64xf32, #tpu.memory_space<vmem>>
        %dma_start3A_511 = tpu.memref_squeeze %dma_start3A_510 : memref<1x8x64xf32, #tpu.memory_space<vmem>> -> memref<8x64xf32, #tpu.memory_space<vmem>>
        %dma_start3A_512 = arith.constant 0 : i32
        %dma_start3A_513 = tpu.memref_slice %arg6[%multiple_of3A_497, %dma_start3A_512] : memref<1000000x64xf32, #tpu.memory_space<hbm>> -> memref<8x64xf32, #tpu.memory_space<hbm>>
        tpu.enqueue_dma source(%dma_start3A_513 : memref<8x64xf32, #tpu.memory_space<hbm>>) target(%dma_start3A_511 : memref<8x64xf32, #tpu.memory_space<vmem>>) target_semaphore(%arg14 : memref<!tpu.dma_semaphore, #tpu.memory_space<semaphore_mem>>)
        %slice3A_514 = vector.extract_strided_slice %get3A_33 {offsets = [11], sizes = [1], strides = [1]} : vector<16xi32> to vector<1xi32>
        %squeeze3A_515 = vector.extract %slice3A_514[0] : i32 from vector<1xi32>
        %rem3A_516 = arith.constant 8 : i32
        %rem3A_517 = arith.remsi %squeeze3A_515, %rem3A_516 : i32
        %sub3A_518 = arith.subi %squeeze3A_515, %rem3A_517 : i32
        %multiple_of3A_519 = tpu.assume_multiple %sub3A_518, 8 : i32
        %mul3A_520 = arith.constant 16 : i32
        %mul3A_521 = arith.muli %scan3A_29, %mul3A_520 : i32
        %add3A_522 = arith.constant 11 : i32
        %add3A_523 = arith.addi %mul3A_521, %add3A_522 : i32
        %dma_start3A_524 = arith.constant 0 : i32
        %dma_start3A_525 = arith.constant 0 : i32
        %dma_start3A_526 = tpu.memref_slice %arg11[%add3A_523, %dma_start3A_524, %dma_start3A_525] : memref<32x8x64xf32, #tpu.memory_space<vmem>> -> memref<1x8x64xf32, #tpu.memory_space<vmem>>
        %dma_start3A_527 = tpu.memref_squeeze %dma_start3A_526 : memref<1x8x64xf32, #tpu.memory_space<vmem>> -> memref<8x64xf32, #tpu.memory_space<vmem>>
        %dma_start3A_528 = arith.constant 0 : i32
        %dma_start3A_529 = tpu.memref_slice %arg5[%multiple_of3A_519, %dma_start3A_528] : memref<1000000x64xf32, #tpu.memory_space<hbm>> -> memref<8x64xf32, #tpu.memory_space<hbm>>
        %dma_start3A_530 = arith.constant 0 : i32
        %dma_start3A_531 = arith.constant 0 : i32
        %dma_start3A_532 = tpu.memref_slice %arg11[%add3A_523, %dma_start3A_530, %dma_start3A_531] : memref<32x8x64xf32, #tpu.memory_space<vmem>> -> memref<1x8x64xf32, #tpu.memory_space<vmem>>
        %dma_start3A_533 = tpu.memref_squeeze %dma_start3A_532 : memref<1x8x64xf32, #tpu.memory_space<vmem>> -> memref<8x64xf32, #tpu.memory_space<vmem>>
        %dma_start3A_534 = arith.constant 0 : i32
        %dma_start3A_535 = tpu.memref_slice %arg5[%multiple_of3A_519, %dma_start3A_534] : memref<1000000x64xf32, #tpu.memory_space<hbm>> -> memref<8x64xf32, #tpu.memory_space<hbm>>
        tpu.enqueue_dma source(%dma_start3A_535 : memref<8x64xf32, #tpu.memory_space<hbm>>) target(%dma_start3A_533 : memref<8x64xf32, #tpu.memory_space<vmem>>) target_semaphore(%arg14 : memref<!tpu.dma_semaphore, #tpu.memory_space<semaphore_mem>>)
        %slice3A_536 = vector.extract_strided_slice %get3A_35 {offsets = [11], sizes = [1], strides = [1]} : vector<16xi32> to vector<1xi32>
        %squeeze3A_537 = vector.extract %slice3A_536[0] : i32 from vector<1xi32>
        %rem3A_538 = arith.constant 8 : i32
        %rem3A_539 = arith.remsi %squeeze3A_537, %rem3A_538 : i32
        %sub3A_540 = arith.subi %squeeze3A_537, %rem3A_539 : i32
        %multiple_of3A_541 = tpu.assume_multiple %sub3A_540, 8 : i32
        %mul3A_542 = arith.constant 16 : i32
        %mul3A_543 = arith.muli %scan3A_29, %mul3A_542 : i32
        %add3A_544 = arith.constant 11 : i32
        %add3A_545 = arith.addi %mul3A_543, %add3A_544 : i32
        %dma_start3A_546 = arith.constant 0 : i32
        %dma_start3A_547 = arith.constant 0 : i32
        %dma_start3A_548 = tpu.memref_slice %arg12[%add3A_545, %dma_start3A_546, %dma_start3A_547] : memref<32x8x64xf32, #tpu.memory_space<vmem>> -> memref<1x8x64xf32, #tpu.memory_space<vmem>>
        %dma_start3A_549 = tpu.memref_squeeze %dma_start3A_548 : memref<1x8x64xf32, #tpu.memory_space<vmem>> -> memref<8x64xf32, #tpu.memory_space<vmem>>
        %dma_start3A_550 = arith.constant 0 : i32
        %dma_start3A_551 = tpu.memref_slice %arg6[%multiple_of3A_541, %dma_start3A_550] : memref<1000000x64xf32, #tpu.memory_space<hbm>> -> memref<8x64xf32, #tpu.memory_space<hbm>>
        %dma_start3A_552 = arith.constant 0 : i32
        %dma_start3A_553 = arith.constant 0 : i32
        %dma_start3A_554 = tpu.memref_slice %arg12[%add3A_545, %dma_start3A_552, %dma_start3A_553] : memref<32x8x64xf32, #tpu.memory_space<vmem>> -> memref<1x8x64xf32, #tpu.memory_space<vmem>>
        %dma_start3A_555 = tpu.memref_squeeze %dma_start3A_554 : memref<1x8x64xf32, #tpu.memory_space<vmem>> -> memref<8x64xf32, #tpu.memory_space<vmem>>
        %dma_start3A_556 = arith.constant 0 : i32
        %dma_start3A_557 = tpu.memref_slice %arg6[%multiple_of3A_541, %dma_start3A_556] : memref<1000000x64xf32, #tpu.memory_space<hbm>> -> memref<8x64xf32, #tpu.memory_space<hbm>>
        tpu.enqueue_dma source(%dma_start3A_557 : memref<8x64xf32, #tpu.memory_space<hbm>>) target(%dma_start3A_555 : memref<8x64xf32, #tpu.memory_space<vmem>>) target_semaphore(%arg14 : memref<!tpu.dma_semaphore, #tpu.memory_space<semaphore_mem>>)
        %slice3A_558 = vector.extract_strided_slice %get3A_33 {offsets = [12], sizes = [1], strides = [1]} : vector<16xi32> to vector<1xi32>
        %squeeze3A_559 = vector.extract %slice3A_558[0] : i32 from vector<1xi32>
        %rem3A_560 = arith.constant 8 : i32
        %rem3A_561 = arith.remsi %squeeze3A_559, %rem3A_560 : i32
        %sub3A_562 = arith.subi %squeeze3A_559, %rem3A_561 : i32
        %multiple_of3A_563 = tpu.assume_multiple %sub3A_562, 8 : i32
        %mul3A_564 = arith.constant 16 : i32
        %mul3A_565 = arith.muli %scan3A_29, %mul3A_564 : i32
        %add3A_566 = arith.constant 12 : i32
        %add3A_567 = arith.addi %mul3A_565, %add3A_566 : i32
        %dma_start3A_568 = arith.constant 0 : i32
        %dma_start3A_569 = arith.constant 0 : i32
        %dma_start3A_570 = tpu.memref_slice %arg11[%add3A_567, %dma_start3A_568, %dma_start3A_569] : memref<32x8x64xf32, #tpu.memory_space<vmem>> -> memref<1x8x64xf32, #tpu.memory_space<vmem>>
        %dma_start3A_571 = tpu.memref_squeeze %dma_start3A_570 : memref<1x8x64xf32, #tpu.memory_space<vmem>> -> memref<8x64xf32, #tpu.memory_space<vmem>>
        %dma_start3A_572 = arith.constant 0 : i32
        %dma_start3A_573 = tpu.memref_slice %arg5[%multiple_of3A_563, %dma_start3A_572] : memref<1000000x64xf32, #tpu.memory_space<hbm>> -> memref<8x64xf32, #tpu.memory_space<hbm>>
        %dma_start3A_574 = arith.constant 0 : i32
        %dma_start3A_575 = arith.constant 0 : i32
        %dma_start3A_576 = tpu.memref_slice %arg11[%add3A_567, %dma_start3A_574, %dma_start3A_575] : memref<32x8x64xf32, #tpu.memory_space<vmem>> -> memref<1x8x64xf32, #tpu.memory_space<vmem>>
        %dma_start3A_577 = tpu.memref_squeeze %dma_start3A_576 : memref<1x8x64xf32, #tpu.memory_space<vmem>> -> memref<8x64xf32, #tpu.memory_space<vmem>>
        %dma_start3A_578 = arith.constant 0 : i32
        %dma_start3A_579 = tpu.memref_slice %arg5[%multiple_of3A_563, %dma_start3A_578] : memref<1000000x64xf32, #tpu.memory_space<hbm>> -> memref<8x64xf32, #tpu.memory_space<hbm>>
        tpu.enqueue_dma source(%dma_start3A_579 : memref<8x64xf32, #tpu.memory_space<hbm>>) target(%dma_start3A_577 : memref<8x64xf32, #tpu.memory_space<vmem>>) target_semaphore(%arg14 : memref<!tpu.dma_semaphore, #tpu.memory_space<semaphore_mem>>)
        %slice3A_580 = vector.extract_strided_slice %get3A_35 {offsets = [12], sizes = [1], strides = [1]} : vector<16xi32> to vector<1xi32>
        %squeeze3A_581 = vector.extract %slice3A_580[0] : i32 from vector<1xi32>
        %rem3A_582 = arith.constant 8 : i32
        %rem3A_583 = arith.remsi %squeeze3A_581, %rem3A_582 : i32
        %sub3A_584 = arith.subi %squeeze3A_581, %rem3A_583 : i32
        %multiple_of3A_585 = tpu.assume_multiple %sub3A_584, 8 : i32
        %mul3A_586 = arith.constant 16 : i32
        %mul3A_587 = arith.muli %scan3A_29, %mul3A_586 : i32
        %add3A_588 = arith.constant 12 : i32
        %add3A_589 = arith.addi %mul3A_587, %add3A_588 : i32
        %dma_start3A_590 = arith.constant 0 : i32
        %dma_start3A_591 = arith.constant 0 : i32
        %dma_start3A_592 = tpu.memref_slice %arg12[%add3A_589, %dma_start3A_590, %dma_start3A_591] : memref<32x8x64xf32, #tpu.memory_space<vmem>> -> memref<1x8x64xf32, #tpu.memory_space<vmem>>
        %dma_start3A_593 = tpu.memref_squeeze %dma_start3A_592 : memref<1x8x64xf32, #tpu.memory_space<vmem>> -> memref<8x64xf32, #tpu.memory_space<vmem>>
        %dma_start3A_594 = arith.constant 0 : i32
        %dma_start3A_595 = tpu.memref_slice %arg6[%multiple_of3A_585, %dma_start3A_594] : memref<1000000x64xf32, #tpu.memory_space<hbm>> -> memref<8x64xf32, #tpu.memory_space<hbm>>
        %dma_start3A_596 = arith.constant 0 : i32
        %dma_start3A_597 = arith.constant 0 : i32
        %dma_start3A_598 = tpu.memref_slice %arg12[%add3A_589, %dma_start3A_596, %dma_start3A_597] : memref<32x8x64xf32, #tpu.memory_space<vmem>> -> memref<1x8x64xf32, #tpu.memory_space<vmem>>
        %dma_start3A_599 = tpu.memref_squeeze %dma_start3A_598 : memref<1x8x64xf32, #tpu.memory_space<vmem>> -> memref<8x64xf32, #tpu.memory_space<vmem>>
        %dma_start3A_600 = arith.constant 0 : i32
        %dma_start3A_601 = tpu.memref_slice %arg6[%multiple_of3A_585, %dma_start3A_600] : memref<1000000x64xf32, #tpu.memory_space<hbm>> -> memref<8x64xf32, #tpu.memory_space<hbm>>
        tpu.enqueue_dma source(%dma_start3A_601 : memref<8x64xf32, #tpu.memory_space<hbm>>) target(%dma_start3A_599 : memref<8x64xf32, #tpu.memory_space<vmem>>) target_semaphore(%arg14 : memref<!tpu.dma_semaphore, #tpu.memory_space<semaphore_mem>>)
        %slice3A_602 = vector.extract_strided_slice %get3A_33 {offsets = [13], sizes = [1], strides = [1]} : vector<16xi32> to vector<1xi32>
        %squeeze3A_603 = vector.extract %slice3A_602[0] : i32 from vector<1xi32>
        %rem3A_604 = arith.constant 8 : i32
        %rem3A_605 = arith.remsi %squeeze3A_603, %rem3A_604 : i32
        %sub3A_606 = arith.subi %squeeze3A_603, %rem3A_605 : i32
        %multiple_of3A_607 = tpu.assume_multiple %sub3A_606, 8 : i32
        %mul3A_608 = arith.constant 16 : i32
        %mul3A_609 = arith.muli %scan3A_29, %mul3A_608 : i32
        %add3A_610 = arith.constant 13 : i32
        %add3A_611 = arith.addi %mul3A_609, %add3A_610 : i32
        %dma_start3A_612 = arith.constant 0 : i32
        %dma_start3A_613 = arith.constant 0 : i32
        %dma_start3A_614 = tpu.memref_slice %arg11[%add3A_611, %dma_start3A_612, %dma_start3A_613] : memref<32x8x64xf32, #tpu.memory_space<vmem>> -> memref<1x8x64xf32, #tpu.memory_space<vmem>>
        %dma_start3A_615 = tpu.memref_squeeze %dma_start3A_614 : memref<1x8x64xf32, #tpu.memory_space<vmem>> -> memref<8x64xf32, #tpu.memory_space<vmem>>
        %dma_start3A_616 = arith.constant 0 : i32
        %dma_start3A_617 = tpu.memref_slice %arg5[%multiple_of3A_607, %dma_start3A_616] : memref<1000000x64xf32, #tpu.memory_space<hbm>> -> memref<8x64xf32, #tpu.memory_space<hbm>>
        %dma_start3A_618 = arith.constant 0 : i32
        %dma_start3A_619 = arith.constant 0 : i32
        %dma_start3A_620 = tpu.memref_slice %arg11[%add3A_611, %dma_start3A_618, %dma_start3A_619] : memref<32x8x64xf32, #tpu.memory_space<vmem>> -> memref<1x8x64xf32, #tpu.memory_space<vmem>>
        %dma_start3A_621 = tpu.memref_squeeze %dma_start3A_620 : memref<1x8x64xf32, #tpu.memory_space<vmem>> -> memref<8x64xf32, #tpu.memory_space<vmem>>
        %dma_start3A_622 = arith.constant 0 : i32
        %dma_start3A_623 = tpu.memref_slice %arg5[%multiple_of3A_607, %dma_start3A_622] : memref<1000000x64xf32, #tpu.memory_space<hbm>> -> memref<8x64xf32, #tpu.memory_space<hbm>>
        tpu.enqueue_dma source(%dma_start3A_623 : memref<8x64xf32, #tpu.memory_space<hbm>>) target(%dma_start3A_621 : memref<8x64xf32, #tpu.memory_space<vmem>>) target_semaphore(%arg14 : memref<!tpu.dma_semaphore, #tpu.memory_space<semaphore_mem>>)
        %slice3A_624 = vector.extract_strided_slice %get3A_35 {offsets = [13], sizes = [1], strides = [1]} : vector<16xi32> to vector<1xi32>
        %squeeze3A_625 = vector.extract %slice3A_624[0] : i32 from vector<1xi32>
        %rem3A_626 = arith.constant 8 : i32
        %rem3A_627 = arith.remsi %squeeze3A_625, %rem3A_626 : i32
        %sub3A_628 = arith.subi %squeeze3A_625, %rem3A_627 : i32
        %multiple_of3A_629 = tpu.assume_multiple %sub3A_628, 8 : i32
        %mul3A_630 = arith.constant 16 : i32
        %mul3A_631 = arith.muli %scan3A_29, %mul3A_630 : i32
        %add3A_632 = arith.constant 13 : i32
        %add3A_633 = arith.addi %mul3A_631, %add3A_632 : i32
        %dma_start3A_634 = arith.constant 0 : i32
        %dma_start3A_635 = arith.constant 0 : i32
        %dma_start3A_636 = tpu.memref_slice %arg12[%add3A_633, %dma_start3A_634, %dma_start3A_635] : memref<32x8x64xf32, #tpu.memory_space<vmem>> -> memref<1x8x64xf32, #tpu.memory_space<vmem>>
        %dma_start3A_637 = tpu.memref_squeeze %dma_start3A_636 : memref<1x8x64xf32, #tpu.memory_space<vmem>> -> memref<8x64xf32, #tpu.memory_space<vmem>>
        %dma_start3A_638 = arith.constant 0 : i32
        %dma_start3A_639 = tpu.memref_slice %arg6[%multiple_of3A_629, %dma_start3A_638] : memref<1000000x64xf32, #tpu.memory_space<hbm>> -> memref<8x64xf32, #tpu.memory_space<hbm>>
        %dma_start3A_640 = arith.constant 0 : i32
        %dma_start3A_641 = arith.constant 0 : i32
        %dma_start3A_642 = tpu.memref_slice %arg12[%add3A_633, %dma_start3A_640, %dma_start3A_641] : memref<32x8x64xf32, #tpu.memory_space<vmem>> -> memref<1x8x64xf32, #tpu.memory_space<vmem>>
        %dma_start3A_643 = tpu.memref_squeeze %dma_start3A_642 : memref<1x8x64xf32, #tpu.memory_space<vmem>> -> memref<8x64xf32, #tpu.memory_space<vmem>>
        %dma_start3A_644 = arith.constant 0 : i32
        %dma_start3A_645 = tpu.memref_slice %arg6[%multiple_of3A_629, %dma_start3A_644] : memref<1000000x64xf32, #tpu.memory_space<hbm>> -> memref<8x64xf32, #tpu.memory_space<hbm>>
        tpu.enqueue_dma source(%dma_start3A_645 : memref<8x64xf32, #tpu.memory_space<hbm>>) target(%dma_start3A_643 : memref<8x64xf32, #tpu.memory_space<vmem>>) target_semaphore(%arg14 : memref<!tpu.dma_semaphore, #tpu.memory_space<semaphore_mem>>)
        %slice3A_646 = vector.extract_strided_slice %get3A_33 {offsets = [14], sizes = [1], strides = [1]} : vector<16xi32> to vector<1xi32>
        %squeeze3A_647 = vector.extract %slice3A_646[0] : i32 from vector<1xi32>
        %rem3A_648 = arith.constant 8 : i32
        %rem3A_649 = arith.remsi %squeeze3A_647, %rem3A_648 : i32
        %sub3A_650 = arith.subi %squeeze3A_647, %rem3A_649 : i32
        %multiple_of3A_651 = tpu.assume_multiple %sub3A_650, 8 : i32
        %mul3A_652 = arith.constant 16 : i32
        %mul3A_653 = arith.muli %scan3A_29, %mul3A_652 : i32
        %add3A_654 = arith.constant 14 : i32
        %add3A_655 = arith.addi %mul3A_653, %add3A_654 : i32
        %dma_start3A_656 = arith.constant 0 : i32
        %dma_start3A_657 = arith.constant 0 : i32
        %dma_start3A_658 = tpu.memref_slice %arg11[%add3A_655, %dma_start3A_656, %dma_start3A_657] : memref<32x8x64xf32, #tpu.memory_space<vmem>> -> memref<1x8x64xf32, #tpu.memory_space<vmem>>
        %dma_start3A_659 = tpu.memref_squeeze %dma_start3A_658 : memref<1x8x64xf32, #tpu.memory_space<vmem>> -> memref<8x64xf32, #tpu.memory_space<vmem>>
        %dma_start3A_660 = arith.constant 0 : i32
        %dma_start3A_661 = tpu.memref_slice %arg5[%multiple_of3A_651, %dma_start3A_660] : memref<1000000x64xf32, #tpu.memory_space<hbm>> -> memref<8x64xf32, #tpu.memory_space<hbm>>
        %dma_start3A_662 = arith.constant 0 : i32
        %dma_start3A_663 = arith.constant 0 : i32
        %dma_start3A_664 = tpu.memref_slice %arg11[%add3A_655, %dma_start3A_662, %dma_start3A_663] : memref<32x8x64xf32, #tpu.memory_space<vmem>> -> memref<1x8x64xf32, #tpu.memory_space<vmem>>
        %dma_start3A_665 = tpu.memref_squeeze %dma_start3A_664 : memref<1x8x64xf32, #tpu.memory_space<vmem>> -> memref<8x64xf32, #tpu.memory_space<vmem>>
        %dma_start3A_666 = arith.constant 0 : i32
        %dma_start3A_667 = tpu.memref_slice %arg5[%multiple_of3A_651, %dma_start3A_666] : memref<1000000x64xf32, #tpu.memory_space<hbm>> -> memref<8x64xf32, #tpu.memory_space<hbm>>
        tpu.enqueue_dma source(%dma_start3A_667 : memref<8x64xf32, #tpu.memory_space<hbm>>) target(%dma_start3A_665 : memref<8x64xf32, #tpu.memory_space<vmem>>) target_semaphore(%arg14 : memref<!tpu.dma_semaphore, #tpu.memory_space<semaphore_mem>>)
        %slice3A_668 = vector.extract_strided_slice %get3A_35 {offsets = [14], sizes = [1], strides = [1]} : vector<16xi32> to vector<1xi32>
        %squeeze3A_669 = vector.extract %slice3A_668[0] : i32 from vector<1xi32>
        %rem3A_670 = arith.constant 8 : i32
        %rem3A_671 = arith.remsi %squeeze3A_669, %rem3A_670 : i32
        %sub3A_672 = arith.subi %squeeze3A_669, %rem3A_671 : i32
        %multiple_of3A_673 = tpu.assume_multiple %sub3A_672, 8 : i32
        %mul3A_674 = arith.constant 16 : i32
        %mul3A_675 = arith.muli %scan3A_29, %mul3A_674 : i32
        %add3A_676 = arith.constant 14 : i32
        %add3A_677 = arith.addi %mul3A_675, %add3A_676 : i32
        %dma_start3A_678 = arith.constant 0 : i32
        %dma_start3A_679 = arith.constant 0 : i32
        %dma_start3A_680 = tpu.memref_slice %arg12[%add3A_677, %dma_start3A_678, %dma_start3A_679] : memref<32x8x64xf32, #tpu.memory_space<vmem>> -> memref<1x8x64xf32, #tpu.memory_space<vmem>>
        %dma_start3A_681 = tpu.memref_squeeze %dma_start3A_680 : memref<1x8x64xf32, #tpu.memory_space<vmem>> -> memref<8x64xf32, #tpu.memory_space<vmem>>
        %dma_start3A_682 = arith.constant 0 : i32
        %dma_start3A_683 = tpu.memref_slice %arg6[%multiple_of3A_673, %dma_start3A_682] : memref<1000000x64xf32, #tpu.memory_space<hbm>> -> memref<8x64xf32, #tpu.memory_space<hbm>>
        %dma_start3A_684 = arith.constant 0 : i32
        %dma_start3A_685 = arith.constant 0 : i32
        %dma_start3A_686 = tpu.memref_slice %arg12[%add3A_677, %dma_start3A_684, %dma_start3A_685] : memref<32x8x64xf32, #tpu.memory_space<vmem>> -> memref<1x8x64xf32, #tpu.memory_space<vmem>>
        %dma_start3A_687 = tpu.memref_squeeze %dma_start3A_686 : memref<1x8x64xf32, #tpu.memory_space<vmem>> -> memref<8x64xf32, #tpu.memory_space<vmem>>
        %dma_start3A_688 = arith.constant 0 : i32
        %dma_start3A_689 = tpu.memref_slice %arg6[%multiple_of3A_673, %dma_start3A_688] : memref<1000000x64xf32, #tpu.memory_space<hbm>> -> memref<8x64xf32, #tpu.memory_space<hbm>>
        tpu.enqueue_dma source(%dma_start3A_689 : memref<8x64xf32, #tpu.memory_space<hbm>>) target(%dma_start3A_687 : memref<8x64xf32, #tpu.memory_space<vmem>>) target_semaphore(%arg14 : memref<!tpu.dma_semaphore, #tpu.memory_space<semaphore_mem>>)
        %slice3A_690 = vector.extract_strided_slice %get3A_33 {offsets = [15], sizes = [1], strides = [1]} : vector<16xi32> to vector<1xi32>
        %squeeze3A_691 = vector.extract %slice3A_690[0] : i32 from vector<1xi32>
        %rem3A_692 = arith.constant 8 : i32
        %rem3A_693 = arith.remsi %squeeze3A_691, %rem3A_692 : i32
        %sub3A_694 = arith.subi %squeeze3A_691, %rem3A_693 : i32
        %multiple_of3A_695 = tpu.assume_multiple %sub3A_694, 8 : i32
        %mul3A_696 = arith.constant 16 : i32
        %mul3A_697 = arith.muli %scan3A_29, %mul3A_696 : i32
        %add3A_698 = arith.constant 15 : i32
        %add3A_699 = arith.addi %mul3A_697, %add3A_698 : i32
        %dma_start3A_700 = arith.constant 0 : i32
        %dma_start3A_701 = arith.constant 0 : i32
        %dma_start3A_702 = tpu.memref_slice %arg11[%add3A_699, %dma_start3A_700, %dma_start3A_701] : memref<32x8x64xf32, #tpu.memory_space<vmem>> -> memref<1x8x64xf32, #tpu.memory_space<vmem>>
        %dma_start3A_703 = tpu.memref_squeeze %dma_start3A_702 : memref<1x8x64xf32, #tpu.memory_space<vmem>> -> memref<8x64xf32, #tpu.memory_space<vmem>>
        %dma_start3A_704 = arith.constant 0 : i32
        %dma_start3A_705 = tpu.memref_slice %arg5[%multiple_of3A_695, %dma_start3A_704] : memref<1000000x64xf32, #tpu.memory_space<hbm>> -> memref<8x64xf32, #tpu.memory_space<hbm>>
        %dma_start3A_706 = arith.constant 0 : i32
        %dma_start3A_707 = arith.constant 0 : i32
        %dma_start3A_708 = tpu.memref_slice %arg11[%add3A_699, %dma_start3A_706, %dma_start3A_707] : memref<32x8x64xf32, #tpu.memory_space<vmem>> -> memref<1x8x64xf32, #tpu.memory_space<vmem>>
        %dma_start3A_709 = tpu.memref_squeeze %dma_start3A_708 : memref<1x8x64xf32, #tpu.memory_space<vmem>> -> memref<8x64xf32, #tpu.memory_space<vmem>>
        %dma_start3A_710 = arith.constant 0 : i32
        %dma_start3A_711 = tpu.memref_slice %arg5[%multiple_of3A_695, %dma_start3A_710] : memref<1000000x64xf32, #tpu.memory_space<hbm>> -> memref<8x64xf32, #tpu.memory_space<hbm>>
        tpu.enqueue_dma source(%dma_start3A_711 : memref<8x64xf32, #tpu.memory_space<hbm>>) target(%dma_start3A_709 : memref<8x64xf32, #tpu.memory_space<vmem>>) target_semaphore(%arg14 : memref<!tpu.dma_semaphore, #tpu.memory_space<semaphore_mem>>)
        %slice3A_712 = vector.extract_strided_slice %get3A_35 {offsets = [15], sizes = [1], strides = [1]} : vector<16xi32> to vector<1xi32>
        %squeeze3A_713 = vector.extract %slice3A_712[0] : i32 from vector<1xi32>
        %rem3A_714 = arith.constant 8 : i32
        %rem3A_715 = arith.remsi %squeeze3A_713, %rem3A_714 : i32
        %sub3A_716 = arith.subi %squeeze3A_713, %rem3A_715 : i32
        %multiple_of3A_717 = tpu.assume_multiple %sub3A_716, 8 : i32
        %mul3A_718 = arith.constant 16 : i32
        %mul3A_719 = arith.muli %scan3A_29, %mul3A_718 : i32
        %add3A_720 = arith.constant 15 : i32
        %add3A_721 = arith.addi %mul3A_719, %add3A_720 : i32
        %dma_start3A_722 = arith.constant 0 : i32
        %dma_start3A_723 = arith.constant 0 : i32
        %dma_start3A_724 = tpu.memref_slice %arg12[%add3A_721, %dma_start3A_722, %dma_start3A_723] : memref<32x8x64xf32, #tpu.memory_space<vmem>> -> memref<1x8x64xf32, #tpu.memory_space<vmem>>
        %dma_start3A_725 = tpu.memref_squeeze %dma_start3A_724 : memref<1x8x64xf32, #tpu.memory_space<vmem>> -> memref<8x64xf32, #tpu.memory_space<vmem>>
        %dma_start3A_726 = arith.constant 0 : i32
        %dma_start3A_727 = tpu.memref_slice %arg6[%multiple_of3A_717, %dma_start3A_726] : memref<1000000x64xf32, #tpu.memory_space<hbm>> -> memref<8x64xf32, #tpu.memory_space<hbm>>
        %dma_start3A_728 = arith.constant 0 : i32
        %dma_start3A_729 = arith.constant 0 : i32
        %dma_start3A_730 = tpu.memref_slice %arg12[%add3A_721, %dma_start3A_728, %dma_start3A_729] : memref<32x8x64xf32, #tpu.memory_space<vmem>> -> memref<1x8x64xf32, #tpu.memory_space<vmem>>
        %dma_start3A_731 = tpu.memref_squeeze %dma_start3A_730 : memref<1x8x64xf32, #tpu.memory_space<vmem>> -> memref<8x64xf32, #tpu.memory_space<vmem>>
        %dma_start3A_732 = arith.constant 0 : i32
        %dma_start3A_733 = tpu.memref_slice %arg6[%multiple_of3A_717, %dma_start3A_732] : memref<1000000x64xf32, #tpu.memory_space<hbm>> -> memref<8x64xf32, #tpu.memory_space<hbm>>
        tpu.enqueue_dma source(%dma_start3A_733 : memref<8x64xf32, #tpu.memory_space<hbm>>) target(%dma_start3A_731 : memref<8x64xf32, #tpu.memory_space<vmem>>) target_semaphore(%arg14 : memref<!tpu.dma_semaphore, #tpu.memory_space<semaphore_mem>>)
      }
      %scan3A_16 = arith.constant 2 : i32
      %scan3A_17 = arith.constant 0 : i32
      %scan3A_18 = arith.constant 0 : i32
      %scan3A_19 = arith.constant 32 : i32
      %scan3A_20 = arith.addi %scan3A_18, %scan3A_19 : i32
      %scan3A_21 = arith.constant 1 : i32
      scf.for %scan3A_29 = %scan3A_18 to %scan3A_20 step %scan3A_21  : i32 {
        %dma_wait3A = arith.constant 0 : i32
        %dma_wait3A_30 = arith.constant 0 : i32
        %dma_wait3A_31 = tpu.memref_slice %arg11[%scan3A_29, %dma_wait3A, %dma_wait3A_30] : memref<32x8x64xf32, #tpu.memory_space<vmem>> -> memref<1x8x64xf32, #tpu.memory_space<vmem>>
        %dma_wait3A_32 = tpu.memref_squeeze %dma_wait3A_31 : memref<1x8x64xf32, #tpu.memory_space<vmem>> -> memref<8x64xf32, #tpu.memory_space<vmem>>
        %dma_wait3A_33 = arith.constant 0 : i32
        %dma_wait3A_34 = arith.constant 0 : i32
        %dma_wait3A_35 = tpu.memref_slice %arg5[%dma_wait3A_33, %dma_wait3A_34] : memref<1000000x64xf32, #tpu.memory_space<hbm>> -> memref<8x64xf32, #tpu.memory_space<hbm>>
        %dma_wait3A_36 = arith.constant 0 : i32
        %dma_wait3A_37 = arith.constant 0 : i32
        %dma_wait3A_38 = tpu.memref_slice %arg11[%scan3A_29, %dma_wait3A_36, %dma_wait3A_37] : memref<32x8x64xf32, #tpu.memory_space<vmem>> -> memref<1x8x64xf32, #tpu.memory_space<vmem>>
        %dma_wait3A_39 = tpu.memref_squeeze %dma_wait3A_38 : memref<1x8x64xf32, #tpu.memory_space<vmem>> -> memref<8x64xf32, #tpu.memory_space<vmem>>
        %dma_wait3A_40 = arith.constant 0 : i32
        %dma_wait3A_41 = arith.constant 0 : i32
        %dma_wait3A_42 = tpu.memref_slice %arg5[%dma_wait3A_40, %dma_wait3A_41] : memref<1000000x64xf32, #tpu.memory_space<hbm>> -> memref<8x64xf32, #tpu.memory_space<hbm>>
        tpu.wait_dma2 semaphore(%arg14 : memref<!tpu.dma_semaphore, #tpu.memory_space<semaphore_mem>>) src(%dma_wait3A_42 : memref<8x64xf32, #tpu.memory_space<hbm>>) dst(%dma_wait3A_39 : memref<8x64xf32, #tpu.memory_space<vmem>>)
        %dma_wait3A_43 = arith.constant 0 : i32
        %dma_wait3A_44 = arith.constant 0 : i32
        %dma_wait3A_45 = tpu.memref_slice %arg12[%scan3A_29, %dma_wait3A_43, %dma_wait3A_44] : memref<32x8x64xf32, #tpu.memory_space<vmem>> -> memref<1x8x64xf32, #tpu.memory_space<vmem>>
        %dma_wait3A_46 = tpu.memref_squeeze %dma_wait3A_45 : memref<1x8x64xf32, #tpu.memory_space<vmem>> -> memref<8x64xf32, #tpu.memory_space<vmem>>
        %dma_wait3A_47 = arith.constant 0 : i32
        %dma_wait3A_48 = arith.constant 0 : i32
        %dma_wait3A_49 = tpu.memref_slice %arg6[%dma_wait3A_47, %dma_wait3A_48] : memref<1000000x64xf32, #tpu.memory_space<hbm>> -> memref<8x64xf32, #tpu.memory_space<hbm>>
        %dma_wait3A_50 = arith.constant 0 : i32
        %dma_wait3A_51 = arith.constant 0 : i32
        %dma_wait3A_52 = tpu.memref_slice %arg12[%scan3A_29, %dma_wait3A_50, %dma_wait3A_51] : memref<32x8x64xf32, #tpu.memory_space<vmem>> -> memref<1x8x64xf32, #tpu.memory_space<vmem>>
        %dma_wait3A_53 = tpu.memref_squeeze %dma_wait3A_52 : memref<1x8x64xf32, #tpu.memory_space<vmem>> -> memref<8x64xf32, #tpu.memory_space<vmem>>
        %dma_wait3A_54 = arith.constant 0 : i32
        %dma_wait3A_55 = arith.constant 0 : i32
        %dma_wait3A_56 = tpu.memref_slice %arg6[%dma_wait3A_54, %dma_wait3A_55] : memref<1000000x64xf32, #tpu.memory_space<hbm>> -> memref<8x64xf32, #tpu.memory_space<hbm>>
        tpu.wait_dma2 semaphore(%arg14 : memref<!tpu.dma_semaphore, #tpu.memory_space<semaphore_mem>>) src(%dma_wait3A_56 : memref<8x64xf32, #tpu.memory_space<hbm>>) dst(%dma_wait3A_53 : memref<8x64xf32, #tpu.memory_space<vmem>>)
      }
      %scan3A_22 = arith.constant 32 : i32
      %scan3A_23 = arith.constant 0 : i32
      %scan3A_24 = arith.constant 0 : i32
      %scan3A_25 = arith.constant 2 : i32
      %scan3A_26 = arith.addi %scan3A_24, %scan3A_25 : i32
      %scan3A_27 = arith.constant 1 : i32
      scf.for %scan3A_29 = %scan3A_24 to %scan3A_26 step %scan3A_27  : i32 {
        %mul3A_30 = arith.constant 16 : i32
        %mul3A_31 = arith.muli %scan3A_29, %mul3A_30 : i32
        %add3A_32 = arith.addi %mul3A_10, %mul3A_31 : i32
        %get3A = arith.index_cast %add3A_32 : i32 to index
        %get3A_33 = tpu.vector_load %arg8[%get3A] {strides = array<i32>} : memref<512xi32, #tpu.memory_space<vmem>>, vector<16xi32>,
        %get3A_34 = arith.index_cast %add3A_32 : i32 to index
        %get3A_35 = tpu.vector_load %arg9[%get3A_34] {strides = array<i32>} : memref<512xi32, #tpu.memory_space<vmem>>, vector<16xi32>,
        %broadcast_in_dim3A = arith.constant 0.000000e+00 : f32
        %broadcast_in_dim3A_36 = vector.broadcast %broadcast_in_dim3A : f32 to vector<16xf32>
        %mul3A_37 = arith.constant 16 : i32
        %mul3A_38 = arith.muli %scan3A_29, %mul3A_37 : i32
        %add3A_39 = arith.constant 0 : i32
        %add3A_40 = arith.addi %mul3A_38, %add3A_39 : i32
        %slice3A = vector.extract_strided_slice %get3A_33 {offsets = [0], sizes = [1], strides = [1]} : vector<16xi32> to vector<1xi32>
        %squeeze3A = vector.extract %slice3A[0] : i32 from vector<1xi32>
        %rem3A = arith.constant 8 : i32
        %rem3A_41 = arith.remsi %squeeze3A, %rem3A : i32
        %slice3A_42 = vector.extract_strided_slice %get3A_35 {offsets = [0], sizes = [1], strides = [1]} : vector<16xi32> to vector<1xi32>
        %squeeze3A_43 = vector.extract %slice3A_42[0] : i32 from vector<1xi32>
        %rem3A_44 = arith.constant 8 : i32
        %rem3A_45 = arith.remsi %squeeze3A_43, %rem3A_44 : i32
        %get3A_46 = arith.index_cast %add3A_40 : i32 to index
        %get3A_47 = arith.index_cast %rem3A_41 : i32 to index
        %get3A_48 = arith.constant 0 : index
        %get3A_49 = tpu.vector_load %arg11[%get3A_46, %get3A_47, %get3A_48] {strides = array<i32>} : memref<32x8x64xf32, #tpu.memory_space<vmem>>, vector<16xf32>,
        %get3A_50 = arith.index_cast %add3A_40 : i32 to index
        %get3A_51 = arith.index_cast %rem3A_45 : i32 to index
        %get3A_52 = arith.constant 0 : index
        %get3A_53 = tpu.vector_load %arg12[%get3A_50, %get3A_51, %get3A_52] {strides = array<i32>} : memref<32x8x64xf32, #tpu.memory_space<vmem>>, vector<16xf32>,
        %mul3A_54 = arith.mulf %get3A_49, %get3A_53 : vector<16xf32>
        %get3A_55 = arith.index_cast %add3A_40 : i32 to index
        %get3A_56 = arith.index_cast %rem3A_41 : i32 to index
        %get3A_57 = arith.constant 16 : index
        %get3A_58 = tpu.vector_load %arg11[%get3A_55, %get3A_56, %get3A_57] {strides = array<i32>} : memref<32x8x64xf32, #tpu.memory_space<vmem>>, vector<16xf32>,
        %get3A_59 = arith.index_cast %add3A_40 : i32 to index
        %get3A_60 = arith.index_cast %rem3A_45 : i32 to index
        %get3A_61 = arith.constant 16 : index
        %get3A_62 = tpu.vector_load %arg12[%get3A_59, %get3A_60, %get3A_61] {strides = array<i32>} : memref<32x8x64xf32, #tpu.memory_space<vmem>>, vector<16xf32>,
        %mul3A_63 = arith.mulf %get3A_58, %get3A_62 : vector<16xf32>
        %add3A_64 = arith.addf %mul3A_54, %mul3A_63 : vector<16xf32>
        %get3A_65 = arith.index_cast %add3A_40 : i32 to index
        %get3A_66 = arith.index_cast %rem3A_41 : i32 to index
        %get3A_67 = arith.constant 32 : index
        %get3A_68 = tpu.vector_load %arg11[%get3A_65, %get3A_66, %get3A_67] {strides = array<i32>} : memref<32x8x64xf32, #tpu.memory_space<vmem>>, vector<16xf32>,
        %get3A_69 = arith.index_cast %add3A_40 : i32 to index
        %get3A_70 = arith.index_cast %rem3A_45 : i32 to index
        %get3A_71 = arith.constant 32 : index
        %get3A_72 = tpu.vector_load %arg12[%get3A_69, %get3A_70, %get3A_71] {strides = array<i32>} : memref<32x8x64xf32, #tpu.memory_space<vmem>>, vector<16xf32>,
        %mul3A_73 = arith.mulf %get3A_68, %get3A_72 : vector<16xf32>
        %add3A_74 = arith.addf %add3A_64, %mul3A_73 : vector<16xf32>
        %get3A_75 = arith.index_cast %add3A_40 : i32 to index
        %get3A_76 = arith.index_cast %rem3A_41 : i32 to index
        %get3A_77 = arith.constant 48 : index
        %get3A_78 = tpu.vector_load %arg11[%get3A_75, %get3A_76, %get3A_77] {strides = array<i32>} : memref<32x8x64xf32, #tpu.memory_space<vmem>>, vector<16xf32>,
        %get3A_79 = arith.index_cast %add3A_40 : i32 to index
        %get3A_80 = arith.index_cast %rem3A_45 : i32 to index
        %get3A_81 = arith.constant 48 : index
        %get3A_82 = tpu.vector_load %arg12[%get3A_79, %get3A_80, %get3A_81] {strides = array<i32>} : memref<32x8x64xf32, #tpu.memory_space<vmem>>, vector<16xf32>,
        %mul3A_83 = arith.mulf %get3A_78, %get3A_82 : vector<16xf32>
        %add3A_84 = arith.addf %add3A_74, %mul3A_83 : vector<16xf32>
        %eq3A = arith.constant 0 : i32
        %eq3A_85 = vector.broadcast %eq3A : i32 to vector<16xi32>
        %eq3A_86 = arith.cmpi eq, %iota3A, %eq3A_85 : vector<16xi32>
        %reduce_sum3A = arith.constant true
        %reduce_sum3A_87 = vector.broadcast %reduce_sum3A : i1 to vector<16xi1>
        %reduce_sum3A_88 = tpu.scan <sum>, %add3A_84 masked %reduce_sum3A_87 : vector<16xf32>, vector<16xi1> -> vector<16xf32>
        %reduce_sum3A_89 = vector.extract %reduce_sum3A_88[15] : f32 from vector<16xf32>
        %broadcast_in_dim3A_90 = vector.broadcast %reduce_sum3A_89 : f32 to vector<16xf32>
        %select_n3A = arith.select %eq3A_86, %broadcast_in_dim3A_90, %broadcast_in_dim3A_36 : vector<16xi1>, vector<16xf32>
        %mul3A_91 = arith.constant 16 : i32
        %mul3A_92 = arith.muli %scan3A_29, %mul3A_91 : i32
        %add3A_93 = arith.constant 1 : i32
        %add3A_94 = arith.addi %mul3A_92, %add3A_93 : i32
        %slice3A_95 = vector.extract_strided_slice %get3A_33 {offsets = [1], sizes = [1], strides = [1]} : vector<16xi32> to vector<1xi32>
        %squeeze3A_96 = vector.extract %slice3A_95[0] : i32 from vector<1xi32>
        %rem3A_97 = arith.constant 8 : i32
        %rem3A_98 = arith.remsi %squeeze3A_96, %rem3A_97 : i32
        %slice3A_99 = vector.extract_strided_slice %get3A_35 {offsets = [1], sizes = [1], strides = [1]} : vector<16xi32> to vector<1xi32>
        %squeeze3A_100 = vector.extract %slice3A_99[0] : i32 from vector<1xi32>
        %rem3A_101 = arith.constant 8 : i32
        %rem3A_102 = arith.remsi %squeeze3A_100, %rem3A_101 : i32
        %get3A_103 = arith.index_cast %add3A_94 : i32 to index
        %get3A_104 = arith.index_cast %rem3A_98 : i32 to index
        %get3A_105 = arith.constant 0 : index
        %get3A_106 = tpu.vector_load %arg11[%get3A_103, %get3A_104, %get3A_105] {strides = array<i32>} : memref<32x8x64xf32, #tpu.memory_space<vmem>>, vector<16xf32>,
        %get3A_107 = arith.index_cast %add3A_94 : i32 to index
        %get3A_108 = arith.index_cast %rem3A_102 : i32 to index
        %get3A_109 = arith.constant 0 : index
        %get3A_110 = tpu.vector_load %arg12[%get3A_107, %get3A_108, %get3A_109] {strides = array<i32>} : memref<32x8x64xf32, #tpu.memory_space<vmem>>, vector<16xf32>,
        %mul3A_111 = arith.mulf %get3A_106, %get3A_110 : vector<16xf32>
        %get3A_112 = arith.index_cast %add3A_94 : i32 to index
        %get3A_113 = arith.index_cast %rem3A_98 : i32 to index
        %get3A_114 = arith.constant 16 : index
        %get3A_115 = tpu.vector_load %arg11[%get3A_112, %get3A_113, %get3A_114] {strides = array<i32>} : memref<32x8x64xf32, #tpu.memory_space<vmem>>, vector<16xf32>,
        %get3A_116 = arith.index_cast %add3A_94 : i32 to index
        %get3A_117 = arith.index_cast %rem3A_102 : i32 to index
        %get3A_118 = arith.constant 16 : index
        %get3A_119 = tpu.vector_load %arg12[%get3A_116, %get3A_117, %get3A_118] {strides = array<i32>} : memref<32x8x64xf32, #tpu.memory_space<vmem>>, vector<16xf32>,
        %mul3A_120 = arith.mulf %get3A_115, %get3A_119 : vector<16xf32>
        %add3A_121 = arith.addf %mul3A_111, %mul3A_120 : vector<16xf32>
        %get3A_122 = arith.index_cast %add3A_94 : i32 to index
        %get3A_123 = arith.index_cast %rem3A_98 : i32 to index
        %get3A_124 = arith.constant 32 : index
        %get3A_125 = tpu.vector_load %arg11[%get3A_122, %get3A_123, %get3A_124] {strides = array<i32>} : memref<32x8x64xf32, #tpu.memory_space<vmem>>, vector<16xf32>,
        %get3A_126 = arith.index_cast %add3A_94 : i32 to index
        %get3A_127 = arith.index_cast %rem3A_102 : i32 to index
        %get3A_128 = arith.constant 32 : index
        %get3A_129 = tpu.vector_load %arg12[%get3A_126, %get3A_127, %get3A_128] {strides = array<i32>} : memref<32x8x64xf32, #tpu.memory_space<vmem>>, vector<16xf32>,
        %mul3A_130 = arith.mulf %get3A_125, %get3A_129 : vector<16xf32>
        %add3A_131 = arith.addf %add3A_121, %mul3A_130 : vector<16xf32>
        %get3A_132 = arith.index_cast %add3A_94 : i32 to index
        %get3A_133 = arith.index_cast %rem3A_98 : i32 to index
        %get3A_134 = arith.constant 48 : index
        %get3A_135 = tpu.vector_load %arg11[%get3A_132, %get3A_133, %get3A_134] {strides = array<i32>} : memref<32x8x64xf32, #tpu.memory_space<vmem>>, vector<16xf32>,
        %get3A_136 = arith.index_cast %add3A_94 : i32 to index
        %get3A_137 = arith.index_cast %rem3A_102 : i32 to index
        %get3A_138 = arith.constant 48 : index
        %get3A_139 = tpu.vector_load %arg12[%get3A_136, %get3A_137, %get3A_138] {strides = array<i32>} : memref<32x8x64xf32, #tpu.memory_space<vmem>>, vector<16xf32>,
        %mul3A_140 = arith.mulf %get3A_135, %get3A_139 : vector<16xf32>
        %add3A_141 = arith.addf %add3A_131, %mul3A_140 : vector<16xf32>
        %eq3A_142 = arith.constant 1 : i32
        %eq3A_143 = vector.broadcast %eq3A_142 : i32 to vector<16xi32>
        %eq3A_144 = arith.cmpi eq, %iota3A, %eq3A_143 : vector<16xi32>
        %reduce_sum3A_145 = arith.constant true
        %reduce_sum3A_146 = vector.broadcast %reduce_sum3A_145 : i1 to vector<16xi1>
        %reduce_sum3A_147 = tpu.scan <sum>, %add3A_141 masked %reduce_sum3A_146 : vector<16xf32>, vector<16xi1> -> vector<16xf32>
        %reduce_sum3A_148 = vector.extract %reduce_sum3A_147[15] : f32 from vector<16xf32>
        %broadcast_in_dim3A_149 = vector.broadcast %reduce_sum3A_148 : f32 to vector<16xf32>
        %select_n3A_150 = arith.select %eq3A_144, %broadcast_in_dim3A_149, %select_n3A : vector<16xi1>, vector<16xf32>
        %mul3A_151 = arith.constant 16 : i32
        %mul3A_152 = arith.muli %scan3A_29, %mul3A_151 : i32
        %add3A_153 = arith.constant 2 : i32
        %add3A_154 = arith.addi %mul3A_152, %add3A_153 : i32
        %slice3A_155 = vector.extract_strided_slice %get3A_33 {offsets = [2], sizes = [1], strides = [1]} : vector<16xi32> to vector<1xi32>
        %squeeze3A_156 = vector.extract %slice3A_155[0] : i32 from vector<1xi32>
        %rem3A_157 = arith.constant 8 : i32
        %rem3A_158 = arith.remsi %squeeze3A_156, %rem3A_157 : i32
        %slice3A_159 = vector.extract_strided_slice %get3A_35 {offsets = [2], sizes = [1], strides = [1]} : vector<16xi32> to vector<1xi32>
        %squeeze3A_160 = vector.extract %slice3A_159[0] : i32 from vector<1xi32>
        %rem3A_161 = arith.constant 8 : i32
        %rem3A_162 = arith.remsi %squeeze3A_160, %rem3A_161 : i32
        %get3A_163 = arith.index_cast %add3A_154 : i32 to index
        %get3A_164 = arith.index_cast %rem3A_158 : i32 to index
        %get3A_165 = arith.constant 0 : index
        %get3A_166 = tpu.vector_load %arg11[%get3A_163, %get3A_164, %get3A_165] {strides = array<i32>} : memref<32x8x64xf32, #tpu.memory_space<vmem>>, vector<16xf32>,
        %get3A_167 = arith.index_cast %add3A_154 : i32 to index
        %get3A_168 = arith.index_cast %rem3A_162 : i32 to index
        %get3A_169 = arith.constant 0 : index
        %get3A_170 = tpu.vector_load %arg12[%get3A_167, %get3A_168, %get3A_169] {strides = array<i32>} : memref<32x8x64xf32, #tpu.memory_space<vmem>>, vector<16xf32>,
        %mul3A_171 = arith.mulf %get3A_166, %get3A_170 : vector<16xf32>
        %get3A_172 = arith.index_cast %add3A_154 : i32 to index
        %get3A_173 = arith.index_cast %rem3A_158 : i32 to index
        %get3A_174 = arith.constant 16 : index
        %get3A_175 = tpu.vector_load %arg11[%get3A_172, %get3A_173, %get3A_174] {strides = array<i32>} : memref<32x8x64xf32, #tpu.memory_space<vmem>>, vector<16xf32>,
        %get3A_176 = arith.index_cast %add3A_154 : i32 to index
        %get3A_177 = arith.index_cast %rem3A_162 : i32 to index
        %get3A_178 = arith.constant 16 : index
        %get3A_179 = tpu.vector_load %arg12[%get3A_176, %get3A_177, %get3A_178] {strides = array<i32>} : memref<32x8x64xf32, #tpu.memory_space<vmem>>, vector<16xf32>,
        %mul3A_180 = arith.mulf %get3A_175, %get3A_179 : vector<16xf32>
        %add3A_181 = arith.addf %mul3A_171, %mul3A_180 : vector<16xf32>
        %get3A_182 = arith.index_cast %add3A_154 : i32 to index
        %get3A_183 = arith.index_cast %rem3A_158 : i32 to index
        %get3A_184 = arith.constant 32 : index
        %get3A_185 = tpu.vector_load %arg11[%get3A_182, %get3A_183, %get3A_184] {strides = array<i32>} : memref<32x8x64xf32, #tpu.memory_space<vmem>>, vector<16xf32>,
        %get3A_186 = arith.index_cast %add3A_154 : i32 to index
        %get3A_187 = arith.index_cast %rem3A_162 : i32 to index
        %get3A_188 = arith.constant 32 : index
        %get3A_189 = tpu.vector_load %arg12[%get3A_186, %get3A_187, %get3A_188] {strides = array<i32>} : memref<32x8x64xf32, #tpu.memory_space<vmem>>, vector<16xf32>,
        %mul3A_190 = arith.mulf %get3A_185, %get3A_189 : vector<16xf32>
        %add3A_191 = arith.addf %add3A_181, %mul3A_190 : vector<16xf32>
        %get3A_192 = arith.index_cast %add3A_154 : i32 to index
        %get3A_193 = arith.index_cast %rem3A_158 : i32 to index
        %get3A_194 = arith.constant 48 : index
        %get3A_195 = tpu.vector_load %arg11[%get3A_192, %get3A_193, %get3A_194] {strides = array<i32>} : memref<32x8x64xf32, #tpu.memory_space<vmem>>, vector<16xf32>,
        %get3A_196 = arith.index_cast %add3A_154 : i32 to index
        %get3A_197 = arith.index_cast %rem3A_162 : i32 to index
        %get3A_198 = arith.constant 48 : index
        %get3A_199 = tpu.vector_load %arg12[%get3A_196, %get3A_197, %get3A_198] {strides = array<i32>} : memref<32x8x64xf32, #tpu.memory_space<vmem>>, vector<16xf32>,
        %mul3A_200 = arith.mulf %get3A_195, %get3A_199 : vector<16xf32>
        %add3A_201 = arith.addf %add3A_191, %mul3A_200 : vector<16xf32>
        %eq3A_202 = arith.constant 2 : i32
        %eq3A_203 = vector.broadcast %eq3A_202 : i32 to vector<16xi32>
        %eq3A_204 = arith.cmpi eq, %iota3A, %eq3A_203 : vector<16xi32>
        %reduce_sum3A_205 = arith.constant true
        %reduce_sum3A_206 = vector.broadcast %reduce_sum3A_205 : i1 to vector<16xi1>
        %reduce_sum3A_207 = tpu.scan <sum>, %add3A_201 masked %reduce_sum3A_206 : vector<16xf32>, vector<16xi1> -> vector<16xf32>
        %reduce_sum3A_208 = vector.extract %reduce_sum3A_207[15] : f32 from vector<16xf32>
        %broadcast_in_dim3A_209 = vector.broadcast %reduce_sum3A_208 : f32 to vector<16xf32>
        %select_n3A_210 = arith.select %eq3A_204, %broadcast_in_dim3A_209, %select_n3A_150 : vector<16xi1>, vector<16xf32>
        %mul3A_211 = arith.constant 16 : i32
        %mul3A_212 = arith.muli %scan3A_29, %mul3A_211 : i32
        %add3A_213 = arith.constant 3 : i32
        %add3A_214 = arith.addi %mul3A_212, %add3A_213 : i32
        %slice3A_215 = vector.extract_strided_slice %get3A_33 {offsets = [3], sizes = [1], strides = [1]} : vector<16xi32> to vector<1xi32>
        %squeeze3A_216 = vector.extract %slice3A_215[0] : i32 from vector<1xi32>
        %rem3A_217 = arith.constant 8 : i32
        %rem3A_218 = arith.remsi %squeeze3A_216, %rem3A_217 : i32
        %slice3A_219 = vector.extract_strided_slice %get3A_35 {offsets = [3], sizes = [1], strides = [1]} : vector<16xi32> to vector<1xi32>
        %squeeze3A_220 = vector.extract %slice3A_219[0] : i32 from vector<1xi32>
        %rem3A_221 = arith.constant 8 : i32
        %rem3A_222 = arith.remsi %squeeze3A_220, %rem3A_221 : i32
        %get3A_223 = arith.index_cast %add3A_214 : i32 to index
        %get3A_224 = arith.index_cast %rem3A_218 : i32 to index
        %get3A_225 = arith.constant 0 : index
        %get3A_226 = tpu.vector_load %arg11[%get3A_223, %get3A_224, %get3A_225] {strides = array<i32>} : memref<32x8x64xf32, #tpu.memory_space<vmem>>, vector<16xf32>,
        %get3A_227 = arith.index_cast %add3A_214 : i32 to index
        %get3A_228 = arith.index_cast %rem3A_222 : i32 to index
        %get3A_229 = arith.constant 0 : index
        %get3A_230 = tpu.vector_load %arg12[%get3A_227, %get3A_228, %get3A_229] {strides = array<i32>} : memref<32x8x64xf32, #tpu.memory_space<vmem>>, vector<16xf32>,
        %mul3A_231 = arith.mulf %get3A_226, %get3A_230 : vector<16xf32>
        %get3A_232 = arith.index_cast %add3A_214 : i32 to index
        %get3A_233 = arith.index_cast %rem3A_218 : i32 to index
        %get3A_234 = arith.constant 16 : index
        %get3A_235 = tpu.vector_load %arg11[%get3A_232, %get3A_233, %get3A_234] {strides = array<i32>} : memref<32x8x64xf32, #tpu.memory_space<vmem>>, vector<16xf32>,
        %get3A_236 = arith.index_cast %add3A_214 : i32 to index
        %get3A_237 = arith.index_cast %rem3A_222 : i32 to index
        %get3A_238 = arith.constant 16 : index
        %get3A_239 = tpu.vector_load %arg12[%get3A_236, %get3A_237, %get3A_238] {strides = array<i32>} : memref<32x8x64xf32, #tpu.memory_space<vmem>>, vector<16xf32>,
        %mul3A_240 = arith.mulf %get3A_235, %get3A_239 : vector<16xf32>
        %add3A_241 = arith.addf %mul3A_231, %mul3A_240 : vector<16xf32>
        %get3A_242 = arith.index_cast %add3A_214 : i32 to index
        %get3A_243 = arith.index_cast %rem3A_218 : i32 to index
        %get3A_244 = arith.constant 32 : index
        %get3A_245 = tpu.vector_load %arg11[%get3A_242, %get3A_243, %get3A_244] {strides = array<i32>} : memref<32x8x64xf32, #tpu.memory_space<vmem>>, vector<16xf32>,
        %get3A_246 = arith.index_cast %add3A_214 : i32 to index
        %get3A_247 = arith.index_cast %rem3A_222 : i32 to index
        %get3A_248 = arith.constant 32 : index
        %get3A_249 = tpu.vector_load %arg12[%get3A_246, %get3A_247, %get3A_248] {strides = array<i32>} : memref<32x8x64xf32, #tpu.memory_space<vmem>>, vector<16xf32>,
        %mul3A_250 = arith.mulf %get3A_245, %get3A_249 : vector<16xf32>
        %add3A_251 = arith.addf %add3A_241, %mul3A_250 : vector<16xf32>
        %get3A_252 = arith.index_cast %add3A_214 : i32 to index
        %get3A_253 = arith.index_cast %rem3A_218 : i32 to index
        %get3A_254 = arith.constant 48 : index
        %get3A_255 = tpu.vector_load %arg11[%get3A_252, %get3A_253, %get3A_254] {strides = array<i32>} : memref<32x8x64xf32, #tpu.memory_space<vmem>>, vector<16xf32>,
        %get3A_256 = arith.index_cast %add3A_214 : i32 to index
        %get3A_257 = arith.index_cast %rem3A_222 : i32 to index
        %get3A_258 = arith.constant 48 : index
        %get3A_259 = tpu.vector_load %arg12[%get3A_256, %get3A_257, %get3A_258] {strides = array<i32>} : memref<32x8x64xf32, #tpu.memory_space<vmem>>, vector<16xf32>,
        %mul3A_260 = arith.mulf %get3A_255, %get3A_259 : vector<16xf32>
        %add3A_261 = arith.addf %add3A_251, %mul3A_260 : vector<16xf32>
        %eq3A_262 = arith.constant 3 : i32
        %eq3A_263 = vector.broadcast %eq3A_262 : i32 to vector<16xi32>
        %eq3A_264 = arith.cmpi eq, %iota3A, %eq3A_263 : vector<16xi32>
        %reduce_sum3A_265 = arith.constant true
        %reduce_sum3A_266 = vector.broadcast %reduce_sum3A_265 : i1 to vector<16xi1>
        %reduce_sum3A_267 = tpu.scan <sum>, %add3A_261 masked %reduce_sum3A_266 : vector<16xf32>, vector<16xi1> -> vector<16xf32>
        %reduce_sum3A_268 = vector.extract %reduce_sum3A_267[15] : f32 from vector<16xf32>
        %broadcast_in_dim3A_269 = vector.broadcast %reduce_sum3A_268 : f32 to vector<16xf32>
        %select_n3A_270 = arith.select %eq3A_264, %broadcast_in_dim3A_269, %select_n3A_210 : vector<16xi1>, vector<16xf32>
        %mul3A_271 = arith.constant 16 : i32
        %mul3A_272 = arith.muli %scan3A_29, %mul3A_271 : i32
        %add3A_273 = arith.constant 4 : i32
        %add3A_274 = arith.addi %mul3A_272, %add3A_273 : i32
        %slice3A_275 = vector.extract_strided_slice %get3A_33 {offsets = [4], sizes = [1], strides = [1]} : vector<16xi32> to vector<1xi32>
        %squeeze3A_276 = vector.extract %slice3A_275[0] : i32 from vector<1xi32>
        %rem3A_277 = arith.constant 8 : i32
        %rem3A_278 = arith.remsi %squeeze3A_276, %rem3A_277 : i32
        %slice3A_279 = vector.extract_strided_slice %get3A_35 {offsets = [4], sizes = [1], strides = [1]} : vector<16xi32> to vector<1xi32>
        %squeeze3A_280 = vector.extract %slice3A_279[0] : i32 from vector<1xi32>
        %rem3A_281 = arith.constant 8 : i32
        %rem3A_282 = arith.remsi %squeeze3A_280, %rem3A_281 : i32
        %get3A_283 = arith.index_cast %add3A_274 : i32 to index
        %get3A_284 = arith.index_cast %rem3A_278 : i32 to index
        %get3A_285 = arith.constant 0 : index
        %get3A_286 = tpu.vector_load %arg11[%get3A_283, %get3A_284, %get3A_285] {strides = array<i32>} : memref<32x8x64xf32, #tpu.memory_space<vmem>>, vector<16xf32>,
        %get3A_287 = arith.index_cast %add3A_274 : i32 to index
        %get3A_288 = arith.index_cast %rem3A_282 : i32 to index
        %get3A_289 = arith.constant 0 : index
        %get3A_290 = tpu.vector_load %arg12[%get3A_287, %get3A_288, %get3A_289] {strides = array<i32>} : memref<32x8x64xf32, #tpu.memory_space<vmem>>, vector<16xf32>,
        %mul3A_291 = arith.mulf %get3A_286, %get3A_290 : vector<16xf32>
        %get3A_292 = arith.index_cast %add3A_274 : i32 to index
        %get3A_293 = arith.index_cast %rem3A_278 : i32 to index
        %get3A_294 = arith.constant 16 : index
        %get3A_295 = tpu.vector_load %arg11[%get3A_292, %get3A_293, %get3A_294] {strides = array<i32>} : memref<32x8x64xf32, #tpu.memory_space<vmem>>, vector<16xf32>,
        %get3A_296 = arith.index_cast %add3A_274 : i32 to index
        %get3A_297 = arith.index_cast %rem3A_282 : i32 to index
        %get3A_298 = arith.constant 16 : index
        %get3A_299 = tpu.vector_load %arg12[%get3A_296, %get3A_297, %get3A_298] {strides = array<i32>} : memref<32x8x64xf32, #tpu.memory_space<vmem>>, vector<16xf32>,
        %mul3A_300 = arith.mulf %get3A_295, %get3A_299 : vector<16xf32>
        %add3A_301 = arith.addf %mul3A_291, %mul3A_300 : vector<16xf32>
        %get3A_302 = arith.index_cast %add3A_274 : i32 to index
        %get3A_303 = arith.index_cast %rem3A_278 : i32 to index
        %get3A_304 = arith.constant 32 : index
        %get3A_305 = tpu.vector_load %arg11[%get3A_302, %get3A_303, %get3A_304] {strides = array<i32>} : memref<32x8x64xf32, #tpu.memory_space<vmem>>, vector<16xf32>,
        %get3A_306 = arith.index_cast %add3A_274 : i32 to index
        %get3A_307 = arith.index_cast %rem3A_282 : i32 to index
        %get3A_308 = arith.constant 32 : index
        %get3A_309 = tpu.vector_load %arg12[%get3A_306, %get3A_307, %get3A_308] {strides = array<i32>} : memref<32x8x64xf32, #tpu.memory_space<vmem>>, vector<16xf32>,
        %mul3A_310 = arith.mulf %get3A_305, %get3A_309 : vector<16xf32>
        %add3A_311 = arith.addf %add3A_301, %mul3A_310 : vector<16xf32>
        %get3A_312 = arith.index_cast %add3A_274 : i32 to index
        %get3A_313 = arith.index_cast %rem3A_278 : i32 to index
        %get3A_314 = arith.constant 48 : index
        %get3A_315 = tpu.vector_load %arg11[%get3A_312, %get3A_313, %get3A_314] {strides = array<i32>} : memref<32x8x64xf32, #tpu.memory_space<vmem>>, vector<16xf32>,
        %get3A_316 = arith.index_cast %add3A_274 : i32 to index
        %get3A_317 = arith.index_cast %rem3A_282 : i32 to index
        %get3A_318 = arith.constant 48 : index
        %get3A_319 = tpu.vector_load %arg12[%get3A_316, %get3A_317, %get3A_318] {strides = array<i32>} : memref<32x8x64xf32, #tpu.memory_space<vmem>>, vector<16xf32>,
        %mul3A_320 = arith.mulf %get3A_315, %get3A_319 : vector<16xf32>
        %add3A_321 = arith.addf %add3A_311, %mul3A_320 : vector<16xf32>
        %eq3A_322 = arith.constant 4 : i32
        %eq3A_323 = vector.broadcast %eq3A_322 : i32 to vector<16xi32>
        %eq3A_324 = arith.cmpi eq, %iota3A, %eq3A_323 : vector<16xi32>
        %reduce_sum3A_325 = arith.constant true
        %reduce_sum3A_326 = vector.broadcast %reduce_sum3A_325 : i1 to vector<16xi1>
        %reduce_sum3A_327 = tpu.scan <sum>, %add3A_321 masked %reduce_sum3A_326 : vector<16xf32>, vector<16xi1> -> vector<16xf32>
        %reduce_sum3A_328 = vector.extract %reduce_sum3A_327[15] : f32 from vector<16xf32>
        %broadcast_in_dim3A_329 = vector.broadcast %reduce_sum3A_328 : f32 to vector<16xf32>
        %select_n3A_330 = arith.select %eq3A_324, %broadcast_in_dim3A_329, %select_n3A_270 : vector<16xi1>, vector<16xf32>
        %mul3A_331 = arith.constant 16 : i32
        %mul3A_332 = arith.muli %scan3A_29, %mul3A_331 : i32
        %add3A_333 = arith.constant 5 : i32
        %add3A_334 = arith.addi %mul3A_332, %add3A_333 : i32
        %slice3A_335 = vector.extract_strided_slice %get3A_33 {offsets = [5], sizes = [1], strides = [1]} : vector<16xi32> to vector<1xi32>
        %squeeze3A_336 = vector.extract %slice3A_335[0] : i32 from vector<1xi32>
        %rem3A_337 = arith.constant 8 : i32
        %rem3A_338 = arith.remsi %squeeze3A_336, %rem3A_337 : i32
        %slice3A_339 = vector.extract_strided_slice %get3A_35 {offsets = [5], sizes = [1], strides = [1]} : vector<16xi32> to vector<1xi32>
        %squeeze3A_340 = vector.extract %slice3A_339[0] : i32 from vector<1xi32>
        %rem3A_341 = arith.constant 8 : i32
        %rem3A_342 = arith.remsi %squeeze3A_340, %rem3A_341 : i32
        %get3A_343 = arith.index_cast %add3A_334 : i32 to index
        %get3A_344 = arith.index_cast %rem3A_338 : i32 to index
        %get3A_345 = arith.constant 0 : index
        %get3A_346 = tpu.vector_load %arg11[%get3A_343, %get3A_344, %get3A_345] {strides = array<i32>} : memref<32x8x64xf32, #tpu.memory_space<vmem>>, vector<16xf32>,
        %get3A_347 = arith.index_cast %add3A_334 : i32 to index
        %get3A_348 = arith.index_cast %rem3A_342 : i32 to index
        %get3A_349 = arith.constant 0 : index
        %get3A_350 = tpu.vector_load %arg12[%get3A_347, %get3A_348, %get3A_349] {strides = array<i32>} : memref<32x8x64xf32, #tpu.memory_space<vmem>>, vector<16xf32>,
        %mul3A_351 = arith.mulf %get3A_346, %get3A_350 : vector<16xf32>
        %get3A_352 = arith.index_cast %add3A_334 : i32 to index
        %get3A_353 = arith.index_cast %rem3A_338 : i32 to index
        %get3A_354 = arith.constant 16 : index
        %get3A_355 = tpu.vector_load %arg11[%get3A_352, %get3A_353, %get3A_354] {strides = array<i32>} : memref<32x8x64xf32, #tpu.memory_space<vmem>>, vector<16xf32>,
        %get3A_356 = arith.index_cast %add3A_334 : i32 to index
        %get3A_357 = arith.index_cast %rem3A_342 : i32 to index
        %get3A_358 = arith.constant 16 : index
        %get3A_359 = tpu.vector_load %arg12[%get3A_356, %get3A_357, %get3A_358] {strides = array<i32>} : memref<32x8x64xf32, #tpu.memory_space<vmem>>, vector<16xf32>,
        %mul3A_360 = arith.mulf %get3A_355, %get3A_359 : vector<16xf32>
        %add3A_361 = arith.addf %mul3A_351, %mul3A_360 : vector<16xf32>
        %get3A_362 = arith.index_cast %add3A_334 : i32 to index
        %get3A_363 = arith.index_cast %rem3A_338 : i32 to index
        %get3A_364 = arith.constant 32 : index
        %get3A_365 = tpu.vector_load %arg11[%get3A_362, %get3A_363, %get3A_364] {strides = array<i32>} : memref<32x8x64xf32, #tpu.memory_space<vmem>>, vector<16xf32>,
        %get3A_366 = arith.index_cast %add3A_334 : i32 to index
        %get3A_367 = arith.index_cast %rem3A_342 : i32 to index
        %get3A_368 = arith.constant 32 : index
        %get3A_369 = tpu.vector_load %arg12[%get3A_366, %get3A_367, %get3A_368] {strides = array<i32>} : memref<32x8x64xf32, #tpu.memory_space<vmem>>, vector<16xf32>,
        %mul3A_370 = arith.mulf %get3A_365, %get3A_369 : vector<16xf32>
        %add3A_371 = arith.addf %add3A_361, %mul3A_370 : vector<16xf32>
        %get3A_372 = arith.index_cast %add3A_334 : i32 to index
        %get3A_373 = arith.index_cast %rem3A_338 : i32 to index
        %get3A_374 = arith.constant 48 : index
        %get3A_375 = tpu.vector_load %arg11[%get3A_372, %get3A_373, %get3A_374] {strides = array<i32>} : memref<32x8x64xf32, #tpu.memory_space<vmem>>, vector<16xf32>,
        %get3A_376 = arith.index_cast %add3A_334 : i32 to index
        %get3A_377 = arith.index_cast %rem3A_342 : i32 to index
        %get3A_378 = arith.constant 48 : index
        %get3A_379 = tpu.vector_load %arg12[%get3A_376, %get3A_377, %get3A_378] {strides = array<i32>} : memref<32x8x64xf32, #tpu.memory_space<vmem>>, vector<16xf32>,
        %mul3A_380 = arith.mulf %get3A_375, %get3A_379 : vector<16xf32>
        %add3A_381 = arith.addf %add3A_371, %mul3A_380 : vector<16xf32>
        %eq3A_382 = arith.constant 5 : i32
        %eq3A_383 = vector.broadcast %eq3A_382 : i32 to vector<16xi32>
        %eq3A_384 = arith.cmpi eq, %iota3A, %eq3A_383 : vector<16xi32>
        %reduce_sum3A_385 = arith.constant true
        %reduce_sum3A_386 = vector.broadcast %reduce_sum3A_385 : i1 to vector<16xi1>
        %reduce_sum3A_387 = tpu.scan <sum>, %add3A_381 masked %reduce_sum3A_386 : vector<16xf32>, vector<16xi1> -> vector<16xf32>
        %reduce_sum3A_388 = vector.extract %reduce_sum3A_387[15] : f32 from vector<16xf32>
        %broadcast_in_dim3A_389 = vector.broadcast %reduce_sum3A_388 : f32 to vector<16xf32>
        %select_n3A_390 = arith.select %eq3A_384, %broadcast_in_dim3A_389, %select_n3A_330 : vector<16xi1>, vector<16xf32>
        %mul3A_391 = arith.constant 16 : i32
        %mul3A_392 = arith.muli %scan3A_29, %mul3A_391 : i32
        %add3A_393 = arith.constant 6 : i32
        %add3A_394 = arith.addi %mul3A_392, %add3A_393 : i32
        %slice3A_395 = vector.extract_strided_slice %get3A_33 {offsets = [6], sizes = [1], strides = [1]} : vector<16xi32> to vector<1xi32>
        %squeeze3A_396 = vector.extract %slice3A_395[0] : i32 from vector<1xi32>
        %rem3A_397 = arith.constant 8 : i32
        %rem3A_398 = arith.remsi %squeeze3A_396, %rem3A_397 : i32
        %slice3A_399 = vector.extract_strided_slice %get3A_35 {offsets = [6], sizes = [1], strides = [1]} : vector<16xi32> to vector<1xi32>
        %squeeze3A_400 = vector.extract %slice3A_399[0] : i32 from vector<1xi32>
        %rem3A_401 = arith.constant 8 : i32
        %rem3A_402 = arith.remsi %squeeze3A_400, %rem3A_401 : i32
        %get3A_403 = arith.index_cast %add3A_394 : i32 to index
        %get3A_404 = arith.index_cast %rem3A_398 : i32 to index
        %get3A_405 = arith.constant 0 : index
        %get3A_406 = tpu.vector_load %arg11[%get3A_403, %get3A_404, %get3A_405] {strides = array<i32>} : memref<32x8x64xf32, #tpu.memory_space<vmem>>, vector<16xf32>,
        %get3A_407 = arith.index_cast %add3A_394 : i32 to index
        %get3A_408 = arith.index_cast %rem3A_402 : i32 to index
        %get3A_409 = arith.constant 0 : index
        %get3A_410 = tpu.vector_load %arg12[%get3A_407, %get3A_408, %get3A_409] {strides = array<i32>} : memref<32x8x64xf32, #tpu.memory_space<vmem>>, vector<16xf32>,
        %mul3A_411 = arith.mulf %get3A_406, %get3A_410 : vector<16xf32>
        %get3A_412 = arith.index_cast %add3A_394 : i32 to index
        %get3A_413 = arith.index_cast %rem3A_398 : i32 to index
        %get3A_414 = arith.constant 16 : index
        %get3A_415 = tpu.vector_load %arg11[%get3A_412, %get3A_413, %get3A_414] {strides = array<i32>} : memref<32x8x64xf32, #tpu.memory_space<vmem>>, vector<16xf32>,
        %get3A_416 = arith.index_cast %add3A_394 : i32 to index
        %get3A_417 = arith.index_cast %rem3A_402 : i32 to index
        %get3A_418 = arith.constant 16 : index
        %get3A_419 = tpu.vector_load %arg12[%get3A_416, %get3A_417, %get3A_418] {strides = array<i32>} : memref<32x8x64xf32, #tpu.memory_space<vmem>>, vector<16xf32>,
        %mul3A_420 = arith.mulf %get3A_415, %get3A_419 : vector<16xf32>
        %add3A_421 = arith.addf %mul3A_411, %mul3A_420 : vector<16xf32>
        %get3A_422 = arith.index_cast %add3A_394 : i32 to index
        %get3A_423 = arith.index_cast %rem3A_398 : i32 to index
        %get3A_424 = arith.constant 32 : index
        %get3A_425 = tpu.vector_load %arg11[%get3A_422, %get3A_423, %get3A_424] {strides = array<i32>} : memref<32x8x64xf32, #tpu.memory_space<vmem>>, vector<16xf32>,
        %get3A_426 = arith.index_cast %add3A_394 : i32 to index
        %get3A_427 = arith.index_cast %rem3A_402 : i32 to index
        %get3A_428 = arith.constant 32 : index
        %get3A_429 = tpu.vector_load %arg12[%get3A_426, %get3A_427, %get3A_428] {strides = array<i32>} : memref<32x8x64xf32, #tpu.memory_space<vmem>>, vector<16xf32>,
        %mul3A_430 = arith.mulf %get3A_425, %get3A_429 : vector<16xf32>
        %add3A_431 = arith.addf %add3A_421, %mul3A_430 : vector<16xf32>
        %get3A_432 = arith.index_cast %add3A_394 : i32 to index
        %get3A_433 = arith.index_cast %rem3A_398 : i32 to index
        %get3A_434 = arith.constant 48 : index
        %get3A_435 = tpu.vector_load %arg11[%get3A_432, %get3A_433, %get3A_434] {strides = array<i32>} : memref<32x8x64xf32, #tpu.memory_space<vmem>>, vector<16xf32>,
        %get3A_436 = arith.index_cast %add3A_394 : i32 to index
        %get3A_437 = arith.index_cast %rem3A_402 : i32 to index
        %get3A_438 = arith.constant 48 : index
        %get3A_439 = tpu.vector_load %arg12[%get3A_436, %get3A_437, %get3A_438] {strides = array<i32>} : memref<32x8x64xf32, #tpu.memory_space<vmem>>, vector<16xf32>,
        %mul3A_440 = arith.mulf %get3A_435, %get3A_439 : vector<16xf32>
        %add3A_441 = arith.addf %add3A_431, %mul3A_440 : vector<16xf32>
        %eq3A_442 = arith.constant 6 : i32
        %eq3A_443 = vector.broadcast %eq3A_442 : i32 to vector<16xi32>
        %eq3A_444 = arith.cmpi eq, %iota3A, %eq3A_443 : vector<16xi32>
        %reduce_sum3A_445 = arith.constant true
        %reduce_sum3A_446 = vector.broadcast %reduce_sum3A_445 : i1 to vector<16xi1>
        %reduce_sum3A_447 = tpu.scan <sum>, %add3A_441 masked %reduce_sum3A_446 : vector<16xf32>, vector<16xi1> -> vector<16xf32>
        %reduce_sum3A_448 = vector.extract %reduce_sum3A_447[15] : f32 from vector<16xf32>
        %broadcast_in_dim3A_449 = vector.broadcast %reduce_sum3A_448 : f32 to vector<16xf32>
        %select_n3A_450 = arith.select %eq3A_444, %broadcast_in_dim3A_449, %select_n3A_390 : vector<16xi1>, vector<16xf32>
        %mul3A_451 = arith.constant 16 : i32
        %mul3A_452 = arith.muli %scan3A_29, %mul3A_451 : i32
        %add3A_453 = arith.constant 7 : i32
        %add3A_454 = arith.addi %mul3A_452, %add3A_453 : i32
        %slice3A_455 = vector.extract_strided_slice %get3A_33 {offsets = [7], sizes = [1], strides = [1]} : vector<16xi32> to vector<1xi32>
        %squeeze3A_456 = vector.extract %slice3A_455[0] : i32 from vector<1xi32>
        %rem3A_457 = arith.constant 8 : i32
        %rem3A_458 = arith.remsi %squeeze3A_456, %rem3A_457 : i32
        %slice3A_459 = vector.extract_strided_slice %get3A_35 {offsets = [7], sizes = [1], strides = [1]} : vector<16xi32> to vector<1xi32>
        %squeeze3A_460 = vector.extract %slice3A_459[0] : i32 from vector<1xi32>
        %rem3A_461 = arith.constant 8 : i32
        %rem3A_462 = arith.remsi %squeeze3A_460, %rem3A_461 : i32
        %get3A_463 = arith.index_cast %add3A_454 : i32 to index
        %get3A_464 = arith.index_cast %rem3A_458 : i32 to index
        %get3A_465 = arith.constant 0 : index
        %get3A_466 = tpu.vector_load %arg11[%get3A_463, %get3A_464, %get3A_465] {strides = array<i32>} : memref<32x8x64xf32, #tpu.memory_space<vmem>>, vector<16xf32>,
        %get3A_467 = arith.index_cast %add3A_454 : i32 to index
        %get3A_468 = arith.index_cast %rem3A_462 : i32 to index
        %get3A_469 = arith.constant 0 : index
        %get3A_470 = tpu.vector_load %arg12[%get3A_467, %get3A_468, %get3A_469] {strides = array<i32>} : memref<32x8x64xf32, #tpu.memory_space<vmem>>, vector<16xf32>,
        %mul3A_471 = arith.mulf %get3A_466, %get3A_470 : vector<16xf32>
        %get3A_472 = arith.index_cast %add3A_454 : i32 to index
        %get3A_473 = arith.index_cast %rem3A_458 : i32 to index
        %get3A_474 = arith.constant 16 : index
        %get3A_475 = tpu.vector_load %arg11[%get3A_472, %get3A_473, %get3A_474] {strides = array<i32>} : memref<32x8x64xf32, #tpu.memory_space<vmem>>, vector<16xf32>,
        %get3A_476 = arith.index_cast %add3A_454 : i32 to index
        %get3A_477 = arith.index_cast %rem3A_462 : i32 to index
        %get3A_478 = arith.constant 16 : index
        %get3A_479 = tpu.vector_load %arg12[%get3A_476, %get3A_477, %get3A_478] {strides = array<i32>} : memref<32x8x64xf32, #tpu.memory_space<vmem>>, vector<16xf32>,
        %mul3A_480 = arith.mulf %get3A_475, %get3A_479 : vector<16xf32>
        %add3A_481 = arith.addf %mul3A_471, %mul3A_480 : vector<16xf32>
        %get3A_482 = arith.index_cast %add3A_454 : i32 to index
        %get3A_483 = arith.index_cast %rem3A_458 : i32 to index
        %get3A_484 = arith.constant 32 : index
        %get3A_485 = tpu.vector_load %arg11[%get3A_482, %get3A_483, %get3A_484] {strides = array<i32>} : memref<32x8x64xf32, #tpu.memory_space<vmem>>, vector<16xf32>,
        %get3A_486 = arith.index_cast %add3A_454 : i32 to index
        %get3A_487 = arith.index_cast %rem3A_462 : i32 to index
        %get3A_488 = arith.constant 32 : index
        %get3A_489 = tpu.vector_load %arg12[%get3A_486, %get3A_487, %get3A_488] {strides = array<i32>} : memref<32x8x64xf32, #tpu.memory_space<vmem>>, vector<16xf32>,
        %mul3A_490 = arith.mulf %get3A_485, %get3A_489 : vector<16xf32>
        %add3A_491 = arith.addf %add3A_481, %mul3A_490 : vector<16xf32>
        %get3A_492 = arith.index_cast %add3A_454 : i32 to index
        %get3A_493 = arith.index_cast %rem3A_458 : i32 to index
        %get3A_494 = arith.constant 48 : index
        %get3A_495 = tpu.vector_load %arg11[%get3A_492, %get3A_493, %get3A_494] {strides = array<i32>} : memref<32x8x64xf32, #tpu.memory_space<vmem>>, vector<16xf32>,
        %get3A_496 = arith.index_cast %add3A_454 : i32 to index
        %get3A_497 = arith.index_cast %rem3A_462 : i32 to index
        %get3A_498 = arith.constant 48 : index
        %get3A_499 = tpu.vector_load %arg12[%get3A_496, %get3A_497, %get3A_498] {strides = array<i32>} : memref<32x8x64xf32, #tpu.memory_space<vmem>>, vector<16xf32>,
        %mul3A_500 = arith.mulf %get3A_495, %get3A_499 : vector<16xf32>
        %add3A_501 = arith.addf %add3A_491, %mul3A_500 : vector<16xf32>
        %eq3A_502 = arith.constant 7 : i32
        %eq3A_503 = vector.broadcast %eq3A_502 : i32 to vector<16xi32>
        %eq3A_504 = arith.cmpi eq, %iota3A, %eq3A_503 : vector<16xi32>
        %reduce_sum3A_505 = arith.constant true
        %reduce_sum3A_506 = vector.broadcast %reduce_sum3A_505 : i1 to vector<16xi1>
        %reduce_sum3A_507 = tpu.scan <sum>, %add3A_501 masked %reduce_sum3A_506 : vector<16xf32>, vector<16xi1> -> vector<16xf32>
        %reduce_sum3A_508 = vector.extract %reduce_sum3A_507[15] : f32 from vector<16xf32>
        %broadcast_in_dim3A_509 = vector.broadcast %reduce_sum3A_508 : f32 to vector<16xf32>
        %select_n3A_510 = arith.select %eq3A_504, %broadcast_in_dim3A_509, %select_n3A_450 : vector<16xi1>, vector<16xf32>
        %mul3A_511 = arith.constant 16 : i32
        %mul3A_512 = arith.muli %scan3A_29, %mul3A_511 : i32
        %add3A_513 = arith.constant 8 : i32
        %add3A_514 = arith.addi %mul3A_512, %add3A_513 : i32
        %slice3A_515 = vector.extract_strided_slice %get3A_33 {offsets = [8], sizes = [1], strides = [1]} : vector<16xi32> to vector<1xi32>
        %squeeze3A_516 = vector.extract %slice3A_515[0] : i32 from vector<1xi32>
        %rem3A_517 = arith.constant 8 : i32
        %rem3A_518 = arith.remsi %squeeze3A_516, %rem3A_517 : i32
        %slice3A_519 = vector.extract_strided_slice %get3A_35 {offsets = [8], sizes = [1], strides = [1]} : vector<16xi32> to vector<1xi32>
        %squeeze3A_520 = vector.extract %slice3A_519[0] : i32 from vector<1xi32>
        %rem3A_521 = arith.constant 8 : i32
        %rem3A_522 = arith.remsi %squeeze3A_520, %rem3A_521 : i32
        %get3A_523 = arith.index_cast %add3A_514 : i32 to index
        %get3A_524 = arith.index_cast %rem3A_518 : i32 to index
        %get3A_525 = arith.constant 0 : index
        %get3A_526 = tpu.vector_load %arg11[%get3A_523, %get3A_524, %get3A_525] {strides = array<i32>} : memref<32x8x64xf32, #tpu.memory_space<vmem>>, vector<16xf32>,
        %get3A_527 = arith.index_cast %add3A_514 : i32 to index
        %get3A_528 = arith.index_cast %rem3A_522 : i32 to index
        %get3A_529 = arith.constant 0 : index
        %get3A_530 = tpu.vector_load %arg12[%get3A_527, %get3A_528, %get3A_529] {strides = array<i32>} : memref<32x8x64xf32, #tpu.memory_space<vmem>>, vector<16xf32>,
        %mul3A_531 = arith.mulf %get3A_526, %get3A_530 : vector<16xf32>
        %get3A_532 = arith.index_cast %add3A_514 : i32 to index
        %get3A_533 = arith.index_cast %rem3A_518 : i32 to index
        %get3A_534 = arith.constant 16 : index
        %get3A_535 = tpu.vector_load %arg11[%get3A_532, %get3A_533, %get3A_534] {strides = array<i32>} : memref<32x8x64xf32, #tpu.memory_space<vmem>>, vector<16xf32>,
        %get3A_536 = arith.index_cast %add3A_514 : i32 to index
        %get3A_537 = arith.index_cast %rem3A_522 : i32 to index
        %get3A_538 = arith.constant 16 : index
        %get3A_539 = tpu.vector_load %arg12[%get3A_536, %get3A_537, %get3A_538] {strides = array<i32>} : memref<32x8x64xf32, #tpu.memory_space<vmem>>, vector<16xf32>,
        %mul3A_540 = arith.mulf %get3A_535, %get3A_539 : vector<16xf32>
        %add3A_541 = arith.addf %mul3A_531, %mul3A_540 : vector<16xf32>
        %get3A_542 = arith.index_cast %add3A_514 : i32 to index
        %get3A_543 = arith.index_cast %rem3A_518 : i32 to index
        %get3A_544 = arith.constant 32 : index
        %get3A_545 = tpu.vector_load %arg11[%get3A_542, %get3A_543, %get3A_544] {strides = array<i32>} : memref<32x8x64xf32, #tpu.memory_space<vmem>>, vector<16xf32>,
        %get3A_546 = arith.index_cast %add3A_514 : i32 to index
        %get3A_547 = arith.index_cast %rem3A_522 : i32 to index
        %get3A_548 = arith.constant 32 : index
        %get3A_549 = tpu.vector_load %arg12[%get3A_546, %get3A_547, %get3A_548] {strides = array<i32>} : memref<32x8x64xf32, #tpu.memory_space<vmem>>, vector<16xf32>,
        %mul3A_550 = arith.mulf %get3A_545, %get3A_549 : vector<16xf32>
        %add3A_551 = arith.addf %add3A_541, %mul3A_550 : vector<16xf32>
        %get3A_552 = arith.index_cast %add3A_514 : i32 to index
        %get3A_553 = arith.index_cast %rem3A_518 : i32 to index
        %get3A_554 = arith.constant 48 : index
        %get3A_555 = tpu.vector_load %arg11[%get3A_552, %get3A_553, %get3A_554] {strides = array<i32>} : memref<32x8x64xf32, #tpu.memory_space<vmem>>, vector<16xf32>,
        %get3A_556 = arith.index_cast %add3A_514 : i32 to index
        %get3A_557 = arith.index_cast %rem3A_522 : i32 to index
        %get3A_558 = arith.constant 48 : index
        %get3A_559 = tpu.vector_load %arg12[%get3A_556, %get3A_557, %get3A_558] {strides = array<i32>} : memref<32x8x64xf32, #tpu.memory_space<vmem>>, vector<16xf32>,
        %mul3A_560 = arith.mulf %get3A_555, %get3A_559 : vector<16xf32>
        %add3A_561 = arith.addf %add3A_551, %mul3A_560 : vector<16xf32>
        %eq3A_562 = arith.constant 8 : i32
        %eq3A_563 = vector.broadcast %eq3A_562 : i32 to vector<16xi32>
        %eq3A_564 = arith.cmpi eq, %iota3A, %eq3A_563 : vector<16xi32>
        %reduce_sum3A_565 = arith.constant true
        %reduce_sum3A_566 = vector.broadcast %reduce_sum3A_565 : i1 to vector<16xi1>
        %reduce_sum3A_567 = tpu.scan <sum>, %add3A_561 masked %reduce_sum3A_566 : vector<16xf32>, vector<16xi1> -> vector<16xf32>
        %reduce_sum3A_568 = vector.extract %reduce_sum3A_567[15] : f32 from vector<16xf32>
        %broadcast_in_dim3A_569 = vector.broadcast %reduce_sum3A_568 : f32 to vector<16xf32>
        %select_n3A_570 = arith.select %eq3A_564, %broadcast_in_dim3A_569, %select_n3A_510 : vector<16xi1>, vector<16xf32>
        %mul3A_571 = arith.constant 16 : i32
        %mul3A_572 = arith.muli %scan3A_29, %mul3A_571 : i32
        %add3A_573 = arith.constant 9 : i32
        %add3A_574 = arith.addi %mul3A_572, %add3A_573 : i32
        %slice3A_575 = vector.extract_strided_slice %get3A_33 {offsets = [9], sizes = [1], strides = [1]} : vector<16xi32> to vector<1xi32>
        %squeeze3A_576 = vector.extract %slice3A_575[0] : i32 from vector<1xi32>
        %rem3A_577 = arith.constant 8 : i32
        %rem3A_578 = arith.remsi %squeeze3A_576, %rem3A_577 : i32
        %slice3A_579 = vector.extract_strided_slice %get3A_35 {offsets = [9], sizes = [1], strides = [1]} : vector<16xi32> to vector<1xi32>
        %squeeze3A_580 = vector.extract %slice3A_579[0] : i32 from vector<1xi32>
        %rem3A_581 = arith.constant 8 : i32
        %rem3A_582 = arith.remsi %squeeze3A_580, %rem3A_581 : i32
        %get3A_583 = arith.index_cast %add3A_574 : i32 to index
        %get3A_584 = arith.index_cast %rem3A_578 : i32 to index
        %get3A_585 = arith.constant 0 : index
        %get3A_586 = tpu.vector_load %arg11[%get3A_583, %get3A_584, %get3A_585] {strides = array<i32>} : memref<32x8x64xf32, #tpu.memory_space<vmem>>, vector<16xf32>,
        %get3A_587 = arith.index_cast %add3A_574 : i32 to index
        %get3A_588 = arith.index_cast %rem3A_582 : i32 to index
        %get3A_589 = arith.constant 0 : index
        %get3A_590 = tpu.vector_load %arg12[%get3A_587, %get3A_588, %get3A_589] {strides = array<i32>} : memref<32x8x64xf32, #tpu.memory_space<vmem>>, vector<16xf32>,
        %mul3A_591 = arith.mulf %get3A_586, %get3A_590 : vector<16xf32>
        %get3A_592 = arith.index_cast %add3A_574 : i32 to index
        %get3A_593 = arith.index_cast %rem3A_578 : i32 to index
        %get3A_594 = arith.constant 16 : index
        %get3A_595 = tpu.vector_load %arg11[%get3A_592, %get3A_593, %get3A_594] {strides = array<i32>} : memref<32x8x64xf32, #tpu.memory_space<vmem>>, vector<16xf32>,
        %get3A_596 = arith.index_cast %add3A_574 : i32 to index
        %get3A_597 = arith.index_cast %rem3A_582 : i32 to index
        %get3A_598 = arith.constant 16 : index
        %get3A_599 = tpu.vector_load %arg12[%get3A_596, %get3A_597, %get3A_598] {strides = array<i32>} : memref<32x8x64xf32, #tpu.memory_space<vmem>>, vector<16xf32>,
        %mul3A_600 = arith.mulf %get3A_595, %get3A_599 : vector<16xf32>
        %add3A_601 = arith.addf %mul3A_591, %mul3A_600 : vector<16xf32>
        %get3A_602 = arith.index_cast %add3A_574 : i32 to index
        %get3A_603 = arith.index_cast %rem3A_578 : i32 to index
        %get3A_604 = arith.constant 32 : index
        %get3A_605 = tpu.vector_load %arg11[%get3A_602, %get3A_603, %get3A_604] {strides = array<i32>} : memref<32x8x64xf32, #tpu.memory_space<vmem>>, vector<16xf32>,
        %get3A_606 = arith.index_cast %add3A_574 : i32 to index
        %get3A_607 = arith.index_cast %rem3A_582 : i32 to index
        %get3A_608 = arith.constant 32 : index
        %get3A_609 = tpu.vector_load %arg12[%get3A_606, %get3A_607, %get3A_608] {strides = array<i32>} : memref<32x8x64xf32, #tpu.memory_space<vmem>>, vector<16xf32>,
        %mul3A_610 = arith.mulf %get3A_605, %get3A_609 : vector<16xf32>
        %add3A_611 = arith.addf %add3A_601, %mul3A_610 : vector<16xf32>
        %get3A_612 = arith.index_cast %add3A_574 : i32 to index
        %get3A_613 = arith.index_cast %rem3A_578 : i32 to index
        %get3A_614 = arith.constant 48 : index
        %get3A_615 = tpu.vector_load %arg11[%get3A_612, %get3A_613, %get3A_614] {strides = array<i32>} : memref<32x8x64xf32, #tpu.memory_space<vmem>>, vector<16xf32>,
        %get3A_616 = arith.index_cast %add3A_574 : i32 to index
        %get3A_617 = arith.index_cast %rem3A_582 : i32 to index
        %get3A_618 = arith.constant 48 : index
        %get3A_619 = tpu.vector_load %arg12[%get3A_616, %get3A_617, %get3A_618] {strides = array<i32>} : memref<32x8x64xf32, #tpu.memory_space<vmem>>, vector<16xf32>,
        %mul3A_620 = arith.mulf %get3A_615, %get3A_619 : vector<16xf32>
        %add3A_621 = arith.addf %add3A_611, %mul3A_620 : vector<16xf32>
        %eq3A_622 = arith.constant 9 : i32
        %eq3A_623 = vector.broadcast %eq3A_622 : i32 to vector<16xi32>
        %eq3A_624 = arith.cmpi eq, %iota3A, %eq3A_623 : vector<16xi32>
        %reduce_sum3A_625 = arith.constant true
        %reduce_sum3A_626 = vector.broadcast %reduce_sum3A_625 : i1 to vector<16xi1>
        %reduce_sum3A_627 = tpu.scan <sum>, %add3A_621 masked %reduce_sum3A_626 : vector<16xf32>, vector<16xi1> -> vector<16xf32>
        %reduce_sum3A_628 = vector.extract %reduce_sum3A_627[15] : f32 from vector<16xf32>
        %broadcast_in_dim3A_629 = vector.broadcast %reduce_sum3A_628 : f32 to vector<16xf32>
        %select_n3A_630 = arith.select %eq3A_624, %broadcast_in_dim3A_629, %select_n3A_570 : vector<16xi1>, vector<16xf32>
        %mul3A_631 = arith.constant 16 : i32
        %mul3A_632 = arith.muli %scan3A_29, %mul3A_631 : i32
        %add3A_633 = arith.constant 10 : i32
        %add3A_634 = arith.addi %mul3A_632, %add3A_633 : i32
        %slice3A_635 = vector.extract_strided_slice %get3A_33 {offsets = [10], sizes = [1], strides = [1]} : vector<16xi32> to vector<1xi32>
        %squeeze3A_636 = vector.extract %slice3A_635[0] : i32 from vector<1xi32>
        %rem3A_637 = arith.constant 8 : i32
        %rem3A_638 = arith.remsi %squeeze3A_636, %rem3A_637 : i32
        %slice3A_639 = vector.extract_strided_slice %get3A_35 {offsets = [10], sizes = [1], strides = [1]} : vector<16xi32> to vector<1xi32>
        %squeeze3A_640 = vector.extract %slice3A_639[0] : i32 from vector<1xi32>
        %rem3A_641 = arith.constant 8 : i32
        %rem3A_642 = arith.remsi %squeeze3A_640, %rem3A_641 : i32
        %get3A_643 = arith.index_cast %add3A_634 : i32 to index
        %get3A_644 = arith.index_cast %rem3A_638 : i32 to index
        %get3A_645 = arith.constant 0 : index
        %get3A_646 = tpu.vector_load %arg11[%get3A_643, %get3A_644, %get3A_645] {strides = array<i32>} : memref<32x8x64xf32, #tpu.memory_space<vmem>>, vector<16xf32>,
        %get3A_647 = arith.index_cast %add3A_634 : i32 to index
        %get3A_648 = arith.index_cast %rem3A_642 : i32 to index
        %get3A_649 = arith.constant 0 : index
        %get3A_650 = tpu.vector_load %arg12[%get3A_647, %get3A_648, %get3A_649] {strides = array<i32>} : memref<32x8x64xf32, #tpu.memory_space<vmem>>, vector<16xf32>,
        %mul3A_651 = arith.mulf %get3A_646, %get3A_650 : vector<16xf32>
        %get3A_652 = arith.index_cast %add3A_634 : i32 to index
        %get3A_653 = arith.index_cast %rem3A_638 : i32 to index
        %get3A_654 = arith.constant 16 : index
        %get3A_655 = tpu.vector_load %arg11[%get3A_652, %get3A_653, %get3A_654] {strides = array<i32>} : memref<32x8x64xf32, #tpu.memory_space<vmem>>, vector<16xf32>,
        %get3A_656 = arith.index_cast %add3A_634 : i32 to index
        %get3A_657 = arith.index_cast %rem3A_642 : i32 to index
        %get3A_658 = arith.constant 16 : index
        %get3A_659 = tpu.vector_load %arg12[%get3A_656, %get3A_657, %get3A_658] {strides = array<i32>} : memref<32x8x64xf32, #tpu.memory_space<vmem>>, vector<16xf32>,
        %mul3A_660 = arith.mulf %get3A_655, %get3A_659 : vector<16xf32>
        %add3A_661 = arith.addf %mul3A_651, %mul3A_660 : vector<16xf32>
        %get3A_662 = arith.index_cast %add3A_634 : i32 to index
        %get3A_663 = arith.index_cast %rem3A_638 : i32 to index
        %get3A_664 = arith.constant 32 : index
        %get3A_665 = tpu.vector_load %arg11[%get3A_662, %get3A_663, %get3A_664] {strides = array<i32>} : memref<32x8x64xf32, #tpu.memory_space<vmem>>, vector<16xf32>,
        %get3A_666 = arith.index_cast %add3A_634 : i32 to index
        %get3A_667 = arith.index_cast %rem3A_642 : i32 to index
        %get3A_668 = arith.constant 32 : index
        %get3A_669 = tpu.vector_load %arg12[%get3A_666, %get3A_667, %get3A_668] {strides = array<i32>} : memref<32x8x64xf32, #tpu.memory_space<vmem>>, vector<16xf32>,
        %mul3A_670 = arith.mulf %get3A_665, %get3A_669 : vector<16xf32>
        %add3A_671 = arith.addf %add3A_661, %mul3A_670 : vector<16xf32>
        %get3A_672 = arith.index_cast %add3A_634 : i32 to index
        %get3A_673 = arith.index_cast %rem3A_638 : i32 to index
        %get3A_674 = arith.constant 48 : index
        %get3A_675 = tpu.vector_load %arg11[%get3A_672, %get3A_673, %get3A_674] {strides = array<i32>} : memref<32x8x64xf32, #tpu.memory_space<vmem>>, vector<16xf32>,
        %get3A_676 = arith.index_cast %add3A_634 : i32 to index
        %get3A_677 = arith.index_cast %rem3A_642 : i32 to index
        %get3A_678 = arith.constant 48 : index
        %get3A_679 = tpu.vector_load %arg12[%get3A_676, %get3A_677, %get3A_678] {strides = array<i32>} : memref<32x8x64xf32, #tpu.memory_space<vmem>>, vector<16xf32>,
        %mul3A_680 = arith.mulf %get3A_675, %get3A_679 : vector<16xf32>
        %add3A_681 = arith.addf %add3A_671, %mul3A_680 : vector<16xf32>
        %eq3A_682 = arith.constant 10 : i32
        %eq3A_683 = vector.broadcast %eq3A_682 : i32 to vector<16xi32>
        %eq3A_684 = arith.cmpi eq, %iota3A, %eq3A_683 : vector<16xi32>
        %reduce_sum3A_685 = arith.constant true
        %reduce_sum3A_686 = vector.broadcast %reduce_sum3A_685 : i1 to vector<16xi1>
        %reduce_sum3A_687 = tpu.scan <sum>, %add3A_681 masked %reduce_sum3A_686 : vector<16xf32>, vector<16xi1> -> vector<16xf32>
        %reduce_sum3A_688 = vector.extract %reduce_sum3A_687[15] : f32 from vector<16xf32>
        %broadcast_in_dim3A_689 = vector.broadcast %reduce_sum3A_688 : f32 to vector<16xf32>
        %select_n3A_690 = arith.select %eq3A_684, %broadcast_in_dim3A_689, %select_n3A_630 : vector<16xi1>, vector<16xf32>
        %mul3A_691 = arith.constant 16 : i32
        %mul3A_692 = arith.muli %scan3A_29, %mul3A_691 : i32
        %add3A_693 = arith.constant 11 : i32
        %add3A_694 = arith.addi %mul3A_692, %add3A_693 : i32
        %slice3A_695 = vector.extract_strided_slice %get3A_33 {offsets = [11], sizes = [1], strides = [1]} : vector<16xi32> to vector<1xi32>
        %squeeze3A_696 = vector.extract %slice3A_695[0] : i32 from vector<1xi32>
        %rem3A_697 = arith.constant 8 : i32
        %rem3A_698 = arith.remsi %squeeze3A_696, %rem3A_697 : i32
        %slice3A_699 = vector.extract_strided_slice %get3A_35 {offsets = [11], sizes = [1], strides = [1]} : vector<16xi32> to vector<1xi32>
        %squeeze3A_700 = vector.extract %slice3A_699[0] : i32 from vector<1xi32>
        %rem3A_701 = arith.constant 8 : i32
        %rem3A_702 = arith.remsi %squeeze3A_700, %rem3A_701 : i32
        %get3A_703 = arith.index_cast %add3A_694 : i32 to index
        %get3A_704 = arith.index_cast %rem3A_698 : i32 to index
        %get3A_705 = arith.constant 0 : index
        %get3A_706 = tpu.vector_load %arg11[%get3A_703, %get3A_704, %get3A_705] {strides = array<i32>} : memref<32x8x64xf32, #tpu.memory_space<vmem>>, vector<16xf32>,
        %get3A_707 = arith.index_cast %add3A_694 : i32 to index
        %get3A_708 = arith.index_cast %rem3A_702 : i32 to index
        %get3A_709 = arith.constant 0 : index
        %get3A_710 = tpu.vector_load %arg12[%get3A_707, %get3A_708, %get3A_709] {strides = array<i32>} : memref<32x8x64xf32, #tpu.memory_space<vmem>>, vector<16xf32>,
        %mul3A_711 = arith.mulf %get3A_706, %get3A_710 : vector<16xf32>
        %get3A_712 = arith.index_cast %add3A_694 : i32 to index
        %get3A_713 = arith.index_cast %rem3A_698 : i32 to index
        %get3A_714 = arith.constant 16 : index
        %get3A_715 = tpu.vector_load %arg11[%get3A_712, %get3A_713, %get3A_714] {strides = array<i32>} : memref<32x8x64xf32, #tpu.memory_space<vmem>>, vector<16xf32>,
        %get3A_716 = arith.index_cast %add3A_694 : i32 to index
        %get3A_717 = arith.index_cast %rem3A_702 : i32 to index
        %get3A_718 = arith.constant 16 : index
        %get3A_719 = tpu.vector_load %arg12[%get3A_716, %get3A_717, %get3A_718] {strides = array<i32>} : memref<32x8x64xf32, #tpu.memory_space<vmem>>, vector<16xf32>,
        %mul3A_720 = arith.mulf %get3A_715, %get3A_719 : vector<16xf32>
        %add3A_721 = arith.addf %mul3A_711, %mul3A_720 : vector<16xf32>
        %get3A_722 = arith.index_cast %add3A_694 : i32 to index
        %get3A_723 = arith.index_cast %rem3A_698 : i32 to index
        %get3A_724 = arith.constant 32 : index
        %get3A_725 = tpu.vector_load %arg11[%get3A_722, %get3A_723, %get3A_724] {strides = array<i32>} : memref<32x8x64xf32, #tpu.memory_space<vmem>>, vector<16xf32>,
        %get3A_726 = arith.index_cast %add3A_694 : i32 to index
        %get3A_727 = arith.index_cast %rem3A_702 : i32 to index
        %get3A_728 = arith.constant 32 : index
        %get3A_729 = tpu.vector_load %arg12[%get3A_726, %get3A_727, %get3A_728] {strides = array<i32>} : memref<32x8x64xf32, #tpu.memory_space<vmem>>, vector<16xf32>,
        %mul3A_730 = arith.mulf %get3A_725, %get3A_729 : vector<16xf32>
        %add3A_731 = arith.addf %add3A_721, %mul3A_730 : vector<16xf32>
        %get3A_732 = arith.index_cast %add3A_694 : i32 to index
        %get3A_733 = arith.index_cast %rem3A_698 : i32 to index
        %get3A_734 = arith.constant 48 : index
        %get3A_735 = tpu.vector_load %arg11[%get3A_732, %get3A_733, %get3A_734] {strides = array<i32>} : memref<32x8x64xf32, #tpu.memory_space<vmem>>, vector<16xf32>,
        %get3A_736 = arith.index_cast %add3A_694 : i32 to index
        %get3A_737 = arith.index_cast %rem3A_702 : i32 to index
        %get3A_738 = arith.constant 48 : index
        %get3A_739 = tpu.vector_load %arg12[%get3A_736, %get3A_737, %get3A_738] {strides = array<i32>} : memref<32x8x64xf32, #tpu.memory_space<vmem>>, vector<16xf32>,
        %mul3A_740 = arith.mulf %get3A_735, %get3A_739 : vector<16xf32>
        %add3A_741 = arith.addf %add3A_731, %mul3A_740 : vector<16xf32>
        %eq3A_742 = arith.constant 11 : i32
        %eq3A_743 = vector.broadcast %eq3A_742 : i32 to vector<16xi32>
        %eq3A_744 = arith.cmpi eq, %iota3A, %eq3A_743 : vector<16xi32>
        %reduce_sum3A_745 = arith.constant true
        %reduce_sum3A_746 = vector.broadcast %reduce_sum3A_745 : i1 to vector<16xi1>
        %reduce_sum3A_747 = tpu.scan <sum>, %add3A_741 masked %reduce_sum3A_746 : vector<16xf32>, vector<16xi1> -> vector<16xf32>
        %reduce_sum3A_748 = vector.extract %reduce_sum3A_747[15] : f32 from vector<16xf32>
        %broadcast_in_dim3A_749 = vector.broadcast %reduce_sum3A_748 : f32 to vector<16xf32>
        %select_n3A_750 = arith.select %eq3A_744, %broadcast_in_dim3A_749, %select_n3A_690 : vector<16xi1>, vector<16xf32>
        %mul3A_751 = arith.constant 16 : i32
        %mul3A_752 = arith.muli %scan3A_29, %mul3A_751 : i32
        %add3A_753 = arith.constant 12 : i32
        %add3A_754 = arith.addi %mul3A_752, %add3A_753 : i32
        %slice3A_755 = vector.extract_strided_slice %get3A_33 {offsets = [12], sizes = [1], strides = [1]} : vector<16xi32> to vector<1xi32>
        %squeeze3A_756 = vector.extract %slice3A_755[0] : i32 from vector<1xi32>
        %rem3A_757 = arith.constant 8 : i32
        %rem3A_758 = arith.remsi %squeeze3A_756, %rem3A_757 : i32
        %slice3A_759 = vector.extract_strided_slice %get3A_35 {offsets = [12], sizes = [1], strides = [1]} : vector<16xi32> to vector<1xi32>
        %squeeze3A_760 = vector.extract %slice3A_759[0] : i32 from vector<1xi32>
        %rem3A_761 = arith.constant 8 : i32
        %rem3A_762 = arith.remsi %squeeze3A_760, %rem3A_761 : i32
        %get3A_763 = arith.index_cast %add3A_754 : i32 to index
        %get3A_764 = arith.index_cast %rem3A_758 : i32 to index
        %get3A_765 = arith.constant 0 : index
        %get3A_766 = tpu.vector_load %arg11[%get3A_763, %get3A_764, %get3A_765] {strides = array<i32>} : memref<32x8x64xf32, #tpu.memory_space<vmem>>, vector<16xf32>,
        %get3A_767 = arith.index_cast %add3A_754 : i32 to index
        %get3A_768 = arith.index_cast %rem3A_762 : i32 to index
        %get3A_769 = arith.constant 0 : index
        %get3A_770 = tpu.vector_load %arg12[%get3A_767, %get3A_768, %get3A_769] {strides = array<i32>} : memref<32x8x64xf32, #tpu.memory_space<vmem>>, vector<16xf32>,
        %mul3A_771 = arith.mulf %get3A_766, %get3A_770 : vector<16xf32>
        %get3A_772 = arith.index_cast %add3A_754 : i32 to index
        %get3A_773 = arith.index_cast %rem3A_758 : i32 to index
        %get3A_774 = arith.constant 16 : index
        %get3A_775 = tpu.vector_load %arg11[%get3A_772, %get3A_773, %get3A_774] {strides = array<i32>} : memref<32x8x64xf32, #tpu.memory_space<vmem>>, vector<16xf32>,
        %get3A_776 = arith.index_cast %add3A_754 : i32 to index
        %get3A_777 = arith.index_cast %rem3A_762 : i32 to index
        %get3A_778 = arith.constant 16 : index
        %get3A_779 = tpu.vector_load %arg12[%get3A_776, %get3A_777, %get3A_778] {strides = array<i32>} : memref<32x8x64xf32, #tpu.memory_space<vmem>>, vector<16xf32>,
        %mul3A_780 = arith.mulf %get3A_775, %get3A_779 : vector<16xf32>
        %add3A_781 = arith.addf %mul3A_771, %mul3A_780 : vector<16xf32>
        %get3A_782 = arith.index_cast %add3A_754 : i32 to index
        %get3A_783 = arith.index_cast %rem3A_758 : i32 to index
        %get3A_784 = arith.constant 32 : index
        %get3A_785 = tpu.vector_load %arg11[%get3A_782, %get3A_783, %get3A_784] {strides = array<i32>} : memref<32x8x64xf32, #tpu.memory_space<vmem>>, vector<16xf32>,
        %get3A_786 = arith.index_cast %add3A_754 : i32 to index
        %get3A_787 = arith.index_cast %rem3A_762 : i32 to index
        %get3A_788 = arith.constant 32 : index
        %get3A_789 = tpu.vector_load %arg12[%get3A_786, %get3A_787, %get3A_788] {strides = array<i32>} : memref<32x8x64xf32, #tpu.memory_space<vmem>>, vector<16xf32>,
        %mul3A_790 = arith.mulf %get3A_785, %get3A_789 : vector<16xf32>
        %add3A_791 = arith.addf %add3A_781, %mul3A_790 : vector<16xf32>
        %get3A_792 = arith.index_cast %add3A_754 : i32 to index
        %get3A_793 = arith.index_cast %rem3A_758 : i32 to index
        %get3A_794 = arith.constant 48 : index
        %get3A_795 = tpu.vector_load %arg11[%get3A_792, %get3A_793, %get3A_794] {strides = array<i32>} : memref<32x8x64xf32, #tpu.memory_space<vmem>>, vector<16xf32>,
        %get3A_796 = arith.index_cast %add3A_754 : i32 to index
        %get3A_797 = arith.index_cast %rem3A_762 : i32 to index
        %get3A_798 = arith.constant 48 : index
        %get3A_799 = tpu.vector_load %arg12[%get3A_796, %get3A_797, %get3A_798] {strides = array<i32>} : memref<32x8x64xf32, #tpu.memory_space<vmem>>, vector<16xf32>,
        %mul3A_800 = arith.mulf %get3A_795, %get3A_799 : vector<16xf32>
        %add3A_801 = arith.addf %add3A_791, %mul3A_800 : vector<16xf32>
        %eq3A_802 = arith.constant 12 : i32
        %eq3A_803 = vector.broadcast %eq3A_802 : i32 to vector<16xi32>
        %eq3A_804 = arith.cmpi eq, %iota3A, %eq3A_803 : vector<16xi32>
        %reduce_sum3A_805 = arith.constant true
        %reduce_sum3A_806 = vector.broadcast %reduce_sum3A_805 : i1 to vector<16xi1>
        %reduce_sum3A_807 = tpu.scan <sum>, %add3A_801 masked %reduce_sum3A_806 : vector<16xf32>, vector<16xi1> -> vector<16xf32>
        %reduce_sum3A_808 = vector.extract %reduce_sum3A_807[15] : f32 from vector<16xf32>
        %broadcast_in_dim3A_809 = vector.broadcast %reduce_sum3A_808 : f32 to vector<16xf32>
        %select_n3A_810 = arith.select %eq3A_804, %broadcast_in_dim3A_809, %select_n3A_750 : vector<16xi1>, vector<16xf32>
        %mul3A_811 = arith.constant 16 : i32
        %mul3A_812 = arith.muli %scan3A_29, %mul3A_811 : i32
        %add3A_813 = arith.constant 13 : i32
        %add3A_814 = arith.addi %mul3A_812, %add3A_813 : i32
        %slice3A_815 = vector.extract_strided_slice %get3A_33 {offsets = [13], sizes = [1], strides = [1]} : vector<16xi32> to vector<1xi32>
        %squeeze3A_816 = vector.extract %slice3A_815[0] : i32 from vector<1xi32>
        %rem3A_817 = arith.constant 8 : i32
        %rem3A_818 = arith.remsi %squeeze3A_816, %rem3A_817 : i32
        %slice3A_819 = vector.extract_strided_slice %get3A_35 {offsets = [13], sizes = [1], strides = [1]} : vector<16xi32> to vector<1xi32>
        %squeeze3A_820 = vector.extract %slice3A_819[0] : i32 from vector<1xi32>
        %rem3A_821 = arith.constant 8 : i32
        %rem3A_822 = arith.remsi %squeeze3A_820, %rem3A_821 : i32
        %get3A_823 = arith.index_cast %add3A_814 : i32 to index
        %get3A_824 = arith.index_cast %rem3A_818 : i32 to index
        %get3A_825 = arith.constant 0 : index
        %get3A_826 = tpu.vector_load %arg11[%get3A_823, %get3A_824, %get3A_825] {strides = array<i32>} : memref<32x8x64xf32, #tpu.memory_space<vmem>>, vector<16xf32>,
        %get3A_827 = arith.index_cast %add3A_814 : i32 to index
        %get3A_828 = arith.index_cast %rem3A_822 : i32 to index
        %get3A_829 = arith.constant 0 : index
        %get3A_830 = tpu.vector_load %arg12[%get3A_827, %get3A_828, %get3A_829] {strides = array<i32>} : memref<32x8x64xf32, #tpu.memory_space<vmem>>, vector<16xf32>,
        %mul3A_831 = arith.mulf %get3A_826, %get3A_830 : vector<16xf32>
        %get3A_832 = arith.index_cast %add3A_814 : i32 to index
        %get3A_833 = arith.index_cast %rem3A_818 : i32 to index
        %get3A_834 = arith.constant 16 : index
        %get3A_835 = tpu.vector_load %arg11[%get3A_832, %get3A_833, %get3A_834] {strides = array<i32>} : memref<32x8x64xf32, #tpu.memory_space<vmem>>, vector<16xf32>,
        %get3A_836 = arith.index_cast %add3A_814 : i32 to index
        %get3A_837 = arith.index_cast %rem3A_822 : i32 to index
        %get3A_838 = arith.constant 16 : index
        %get3A_839 = tpu.vector_load %arg12[%get3A_836, %get3A_837, %get3A_838] {strides = array<i32>} : memref<32x8x64xf32, #tpu.memory_space<vmem>>, vector<16xf32>,
        %mul3A_840 = arith.mulf %get3A_835, %get3A_839 : vector<16xf32>
        %add3A_841 = arith.addf %mul3A_831, %mul3A_840 : vector<16xf32>
        %get3A_842 = arith.index_cast %add3A_814 : i32 to index
        %get3A_843 = arith.index_cast %rem3A_818 : i32 to index
        %get3A_844 = arith.constant 32 : index
        %get3A_845 = tpu.vector_load %arg11[%get3A_842, %get3A_843, %get3A_844] {strides = array<i32>} : memref<32x8x64xf32, #tpu.memory_space<vmem>>, vector<16xf32>,
        %get3A_846 = arith.index_cast %add3A_814 : i32 to index
        %get3A_847 = arith.index_cast %rem3A_822 : i32 to index
        %get3A_848 = arith.constant 32 : index
        %get3A_849 = tpu.vector_load %arg12[%get3A_846, %get3A_847, %get3A_848] {strides = array<i32>} : memref<32x8x64xf32, #tpu.memory_space<vmem>>, vector<16xf32>,
        %mul3A_850 = arith.mulf %get3A_845, %get3A_849 : vector<16xf32>
        %add3A_851 = arith.addf %add3A_841, %mul3A_850 : vector<16xf32>
        %get3A_852 = arith.index_cast %add3A_814 : i32 to index
        %get3A_853 = arith.index_cast %rem3A_818 : i32 to index
        %get3A_854 = arith.constant 48 : index
        %get3A_855 = tpu.vector_load %arg11[%get3A_852, %get3A_853, %get3A_854] {strides = array<i32>} : memref<32x8x64xf32, #tpu.memory_space<vmem>>, vector<16xf32>,
        %get3A_856 = arith.index_cast %add3A_814 : i32 to index
        %get3A_857 = arith.index_cast %rem3A_822 : i32 to index
        %get3A_858 = arith.constant 48 : index
        %get3A_859 = tpu.vector_load %arg12[%get3A_856, %get3A_857, %get3A_858] {strides = array<i32>} : memref<32x8x64xf32, #tpu.memory_space<vmem>>, vector<16xf32>,
        %mul3A_860 = arith.mulf %get3A_855, %get3A_859 : vector<16xf32>
        %add3A_861 = arith.addf %add3A_851, %mul3A_860 : vector<16xf32>
        %eq3A_862 = arith.constant 13 : i32
        %eq3A_863 = vector.broadcast %eq3A_862 : i32 to vector<16xi32>
        %eq3A_864 = arith.cmpi eq, %iota3A, %eq3A_863 : vector<16xi32>
        %reduce_sum3A_865 = arith.constant true
        %reduce_sum3A_866 = vector.broadcast %reduce_sum3A_865 : i1 to vector<16xi1>
        %reduce_sum3A_867 = tpu.scan <sum>, %add3A_861 masked %reduce_sum3A_866 : vector<16xf32>, vector<16xi1> -> vector<16xf32>
        %reduce_sum3A_868 = vector.extract %reduce_sum3A_867[15] : f32 from vector<16xf32>
        %broadcast_in_dim3A_869 = vector.broadcast %reduce_sum3A_868 : f32 to vector<16xf32>
        %select_n3A_870 = arith.select %eq3A_864, %broadcast_in_dim3A_869, %select_n3A_810 : vector<16xi1>, vector<16xf32>
        %mul3A_871 = arith.constant 16 : i32
        %mul3A_872 = arith.muli %scan3A_29, %mul3A_871 : i32
        %add3A_873 = arith.constant 14 : i32
        %add3A_874 = arith.addi %mul3A_872, %add3A_873 : i32
        %slice3A_875 = vector.extract_strided_slice %get3A_33 {offsets = [14], sizes = [1], strides = [1]} : vector<16xi32> to vector<1xi32>
        %squeeze3A_876 = vector.extract %slice3A_875[0] : i32 from vector<1xi32>
        %rem3A_877 = arith.constant 8 : i32
        %rem3A_878 = arith.remsi %squeeze3A_876, %rem3A_877 : i32
        %slice3A_879 = vector.extract_strided_slice %get3A_35 {offsets = [14], sizes = [1], strides = [1]} : vector<16xi32> to vector<1xi32>
        %squeeze3A_880 = vector.extract %slice3A_879[0] : i32 from vector<1xi32>
        %rem3A_881 = arith.constant 8 : i32
        %rem3A_882 = arith.remsi %squeeze3A_880, %rem3A_881 : i32
        %get3A_883 = arith.index_cast %add3A_874 : i32 to index
        %get3A_884 = arith.index_cast %rem3A_878 : i32 to index
        %get3A_885 = arith.constant 0 : index
        %get3A_886 = tpu.vector_load %arg11[%get3A_883, %get3A_884, %get3A_885] {strides = array<i32>} : memref<32x8x64xf32, #tpu.memory_space<vmem>>, vector<16xf32>,
        %get3A_887 = arith.index_cast %add3A_874 : i32 to index
        %get3A_888 = arith.index_cast %rem3A_882 : i32 to index
        %get3A_889 = arith.constant 0 : index
        %get3A_890 = tpu.vector_load %arg12[%get3A_887, %get3A_888, %get3A_889] {strides = array<i32>} : memref<32x8x64xf32, #tpu.memory_space<vmem>>, vector<16xf32>,
        %mul3A_891 = arith.mulf %get3A_886, %get3A_890 : vector<16xf32>
        %get3A_892 = arith.index_cast %add3A_874 : i32 to index
        %get3A_893 = arith.index_cast %rem3A_878 : i32 to index
        %get3A_894 = arith.constant 16 : index
        %get3A_895 = tpu.vector_load %arg11[%get3A_892, %get3A_893, %get3A_894] {strides = array<i32>} : memref<32x8x64xf32, #tpu.memory_space<vmem>>, vector<16xf32>,
        %get3A_896 = arith.index_cast %add3A_874 : i32 to index
        %get3A_897 = arith.index_cast %rem3A_882 : i32 to index
        %get3A_898 = arith.constant 16 : index
        %get3A_899 = tpu.vector_load %arg12[%get3A_896, %get3A_897, %get3A_898] {strides = array<i32>} : memref<32x8x64xf32, #tpu.memory_space<vmem>>, vector<16xf32>,
        %mul3A_900 = arith.mulf %get3A_895, %get3A_899 : vector<16xf32>
        %add3A_901 = arith.addf %mul3A_891, %mul3A_900 : vector<16xf32>
        %get3A_902 = arith.index_cast %add3A_874 : i32 to index
        %get3A_903 = arith.index_cast %rem3A_878 : i32 to index
        %get3A_904 = arith.constant 32 : index
        %get3A_905 = tpu.vector_load %arg11[%get3A_902, %get3A_903, %get3A_904] {strides = array<i32>} : memref<32x8x64xf32, #tpu.memory_space<vmem>>, vector<16xf32>,
        %get3A_906 = arith.index_cast %add3A_874 : i32 to index
        %get3A_907 = arith.index_cast %rem3A_882 : i32 to index
        %get3A_908 = arith.constant 32 : index
        %get3A_909 = tpu.vector_load %arg12[%get3A_906, %get3A_907, %get3A_908] {strides = array<i32>} : memref<32x8x64xf32, #tpu.memory_space<vmem>>, vector<16xf32>,
        %mul3A_910 = arith.mulf %get3A_905, %get3A_909 : vector<16xf32>
        %add3A_911 = arith.addf %add3A_901, %mul3A_910 : vector<16xf32>
        %get3A_912 = arith.index_cast %add3A_874 : i32 to index
        %get3A_913 = arith.index_cast %rem3A_878 : i32 to index
        %get3A_914 = arith.constant 48 : index
        %get3A_915 = tpu.vector_load %arg11[%get3A_912, %get3A_913, %get3A_914] {strides = array<i32>} : memref<32x8x64xf32, #tpu.memory_space<vmem>>, vector<16xf32>,
        %get3A_916 = arith.index_cast %add3A_874 : i32 to index
        %get3A_917 = arith.index_cast %rem3A_882 : i32 to index
        %get3A_918 = arith.constant 48 : index
        %get3A_919 = tpu.vector_load %arg12[%get3A_916, %get3A_917, %get3A_918] {strides = array<i32>} : memref<32x8x64xf32, #tpu.memory_space<vmem>>, vector<16xf32>,
        %mul3A_920 = arith.mulf %get3A_915, %get3A_919 : vector<16xf32>
        %add3A_921 = arith.addf %add3A_911, %mul3A_920 : vector<16xf32>
        %eq3A_922 = arith.constant 14 : i32
        %eq3A_923 = vector.broadcast %eq3A_922 : i32 to vector<16xi32>
        %eq3A_924 = arith.cmpi eq, %iota3A, %eq3A_923 : vector<16xi32>
        %reduce_sum3A_925 = arith.constant true
        %reduce_sum3A_926 = vector.broadcast %reduce_sum3A_925 : i1 to vector<16xi1>
        %reduce_sum3A_927 = tpu.scan <sum>, %add3A_921 masked %reduce_sum3A_926 : vector<16xf32>, vector<16xi1> -> vector<16xf32>
        %reduce_sum3A_928 = vector.extract %reduce_sum3A_927[15] : f32 from vector<16xf32>
        %broadcast_in_dim3A_929 = vector.broadcast %reduce_sum3A_928 : f32 to vector<16xf32>
        %select_n3A_930 = arith.select %eq3A_924, %broadcast_in_dim3A_929, %select_n3A_870 : vector<16xi1>, vector<16xf32>
        %mul3A_931 = arith.constant 16 : i32
        %mul3A_932 = arith.muli %scan3A_29, %mul3A_931 : i32
        %add3A_933 = arith.constant 15 : i32
        %add3A_934 = arith.addi %mul3A_932, %add3A_933 : i32
        %slice3A_935 = vector.extract_strided_slice %get3A_33 {offsets = [15], sizes = [1], strides = [1]} : vector<16xi32> to vector<1xi32>
        %squeeze3A_936 = vector.extract %slice3A_935[0] : i32 from vector<1xi32>
        %rem3A_937 = arith.constant 8 : i32
        %rem3A_938 = arith.remsi %squeeze3A_936, %rem3A_937 : i32
        %slice3A_939 = vector.extract_strided_slice %get3A_35 {offsets = [15], sizes = [1], strides = [1]} : vector<16xi32> to vector<1xi32>
        %squeeze3A_940 = vector.extract %slice3A_939[0] : i32 from vector<1xi32>
        %rem3A_941 = arith.constant 8 : i32
        %rem3A_942 = arith.remsi %squeeze3A_940, %rem3A_941 : i32
        %get3A_943 = arith.index_cast %add3A_934 : i32 to index
        %get3A_944 = arith.index_cast %rem3A_938 : i32 to index
        %get3A_945 = arith.constant 0 : index
        %get3A_946 = tpu.vector_load %arg11[%get3A_943, %get3A_944, %get3A_945] {strides = array<i32>} : memref<32x8x64xf32, #tpu.memory_space<vmem>>, vector<16xf32>,
        %get3A_947 = arith.index_cast %add3A_934 : i32 to index
        %get3A_948 = arith.index_cast %rem3A_942 : i32 to index
        %get3A_949 = arith.constant 0 : index
        %get3A_950 = tpu.vector_load %arg12[%get3A_947, %get3A_948, %get3A_949] {strides = array<i32>} : memref<32x8x64xf32, #tpu.memory_space<vmem>>, vector<16xf32>,
        %mul3A_951 = arith.mulf %get3A_946, %get3A_950 : vector<16xf32>
        %get3A_952 = arith.index_cast %add3A_934 : i32 to index
        %get3A_953 = arith.index_cast %rem3A_938 : i32 to index
        %get3A_954 = arith.constant 16 : index
        %get3A_955 = tpu.vector_load %arg11[%get3A_952, %get3A_953, %get3A_954] {strides = array<i32>} : memref<32x8x64xf32, #tpu.memory_space<vmem>>, vector<16xf32>,
        %get3A_956 = arith.index_cast %add3A_934 : i32 to index
        %get3A_957 = arith.index_cast %rem3A_942 : i32 to index
        %get3A_958 = arith.constant 16 : index
        %get3A_959 = tpu.vector_load %arg12[%get3A_956, %get3A_957, %get3A_958] {strides = array<i32>} : memref<32x8x64xf32, #tpu.memory_space<vmem>>, vector<16xf32>,
        %mul3A_960 = arith.mulf %get3A_955, %get3A_959 : vector<16xf32>
        %add3A_961 = arith.addf %mul3A_951, %mul3A_960 : vector<16xf32>
        %get3A_962 = arith.index_cast %add3A_934 : i32 to index
        %get3A_963 = arith.index_cast %rem3A_938 : i32 to index
        %get3A_964 = arith.constant 32 : index
        %get3A_965 = tpu.vector_load %arg11[%get3A_962, %get3A_963, %get3A_964] {strides = array<i32>} : memref<32x8x64xf32, #tpu.memory_space<vmem>>, vector<16xf32>,
        %get3A_966 = arith.index_cast %add3A_934 : i32 to index
        %get3A_967 = arith.index_cast %rem3A_942 : i32 to index
        %get3A_968 = arith.constant 32 : index
        %get3A_969 = tpu.vector_load %arg12[%get3A_966, %get3A_967, %get3A_968] {strides = array<i32>} : memref<32x8x64xf32, #tpu.memory_space<vmem>>, vector<16xf32>,
        %mul3A_970 = arith.mulf %get3A_965, %get3A_969 : vector<16xf32>
        %add3A_971 = arith.addf %add3A_961, %mul3A_970 : vector<16xf32>
        %get3A_972 = arith.index_cast %add3A_934 : i32 to index
        %get3A_973 = arith.index_cast %rem3A_938 : i32 to index
        %get3A_974 = arith.constant 48 : index
        %get3A_975 = tpu.vector_load %arg11[%get3A_972, %get3A_973, %get3A_974] {strides = array<i32>} : memref<32x8x64xf32, #tpu.memory_space<vmem>>, vector<16xf32>,
        %get3A_976 = arith.index_cast %add3A_934 : i32 to index
        %get3A_977 = arith.index_cast %rem3A_942 : i32 to index
        %get3A_978 = arith.constant 48 : index
        %get3A_979 = tpu.vector_load %arg12[%get3A_976, %get3A_977, %get3A_978] {strides = array<i32>} : memref<32x8x64xf32, #tpu.memory_space<vmem>>, vector<16xf32>,
        %mul3A_980 = arith.mulf %get3A_975, %get3A_979 : vector<16xf32>
        %add3A_981 = arith.addf %add3A_971, %mul3A_980 : vector<16xf32>
        %eq3A_982 = arith.constant 15 : i32
        %eq3A_983 = vector.broadcast %eq3A_982 : i32 to vector<16xi32>
        %eq3A_984 = arith.cmpi eq, %iota3A, %eq3A_983 : vector<16xi32>
        %reduce_sum3A_985 = arith.constant true
        %reduce_sum3A_986 = vector.broadcast %reduce_sum3A_985 : i1 to vector<16xi1>
        %reduce_sum3A_987 = tpu.scan <sum>, %add3A_981 masked %reduce_sum3A_986 : vector<16xf32>, vector<16xi1> -> vector<16xf32>
        %reduce_sum3A_988 = vector.extract %reduce_sum3A_987[15] : f32 from vector<16xf32>
        %broadcast_in_dim3A_989 = vector.broadcast %reduce_sum3A_988 : f32 to vector<16xf32>
        %select_n3A_990 = arith.select %eq3A_984, %broadcast_in_dim3A_989, %select_n3A_930 : vector<16xi1>, vector<16xf32>
        %get3A_991 = arith.index_cast %add3A_32 : i32 to index
        %get3A_992 = tpu.vector_load %arg10[%get3A_991] {strides = array<i32>} : memref<512xf32, #tpu.memory_space<vmem>>, vector<16xf32>,
        %add3A_993 = arith.addf %select_n3A_990, %get3A_992 : vector<16xf32>
        %swap3A = arith.index_cast %add3A_32 : i32 to index
        %swap3A_994 = tpu.vector_load %arg13[%swap3A] {strides = array<i32>} : memref<512xf32, #tpu.memory_space<vmem>>, vector<16xf32>,
        tpu.vector_store %arg13[%swap3A], %add3A_993 {strides = array<i32>} : memref<512xf32, #tpu.memory_space<vmem>>, vector<16xf32>,
      }
      %scan3A_28 = arith.constant 2 : i32
    }
    %scan3A_7 = arith.constant 16 : i32
    "tpu.region"() ({
      %run_scoped3A = tpu.sem_alloc : memref<!tpu.dma_semaphore, #tpu.memory_space<semaphore_mem>>
      %dma_start3A = tpu.memref_slice %arg7[%mul3A_2] : memref<16384xf32, #tpu.memory_space<hbm>> -> memref<512xf32, #tpu.memory_space<hbm>>
      %dma_start3A_8 = tpu.memref_slice %arg7[%mul3A_2] : memref<16384xf32, #tpu.memory_space<hbm>> -> memref<512xf32, #tpu.memory_space<hbm>>
      tpu.enqueue_dma source(%arg13 : memref<512xf32, #tpu.memory_space<vmem>>) target(%dma_start3A_8 : memref<512xf32, #tpu.memory_space<hbm>>) target_semaphore(%run_scoped3A : memref<!tpu.dma_semaphore, #tpu.memory_space<semaphore_mem>>)
      %dma_wait3A = tpu.memref_slice %arg7[%mul3A_2] : memref<16384xf32, #tpu.memory_space<hbm>> -> memref<512xf32, #tpu.memory_space<hbm>>
      %dma_wait3A_9 = tpu.memref_slice %arg7[%mul3A_2] : memref<16384xf32, #tpu.memory_space<hbm>> -> memref<512xf32, #tpu.memory_space<hbm>>
      tpu.wait_dma2 semaphore(%run_scoped3A : memref<!tpu.dma_semaphore, #tpu.memory_space<semaphore_mem>>) src(%arg13 : memref<512xf32, #tpu.memory_space<vmem>>) dst(%dma_wait3A_9 : memref<512xf32, #tpu.memory_space<hbm>>)
      tpu.yield
    }) : () -> ()
    return
  }
}

module attributes {stable_mosaic.version = 14 : i64} {
  func.func @_time_table_kernel(%arg0: memref<128x128xf32, #tpu.memory_space<vmem>>, %arg1: memref<128x128xf32, #tpu.memory_space<vmem>>, %arg2: memref<128x128xf32, #tpu.memory_space<vmem>>, %arg3: memref<128x128xf32, #tpu.memory_space<vmem>>, %arg4: memref<1x128xf32, #tpu.memory_space<vmem>>, %arg5: memref<128x128xf32, #tpu.memory_space<vmem>>, %arg6: memref<1x1xf32, #tpu.memory_space<smem>>, %arg7: memref<1x1xf32, #tpu.memory_space<smem>>, %arg8: memref<128x128xf32, #tpu.memory_space<vmem>>) attributes {dimension_semantics = [], scalar_prefetch = 0 : i64, scratch_operands = 0 : i64, tpu.core_type = #tpu.core_type<tc>} {
    %iota3A = tpu.iota {dimensions = array<i32: 0>} : vector<128x128xi32>
    %iota3A_0 = tpu.iota {dimensions = array<i32: 1>} : vector<128x128xi32>
    %jit3A = arith.constant 40 : i32
    %div3A = vector.broadcast %jit3A : i32 to vector<128x128xi32>
    %div3A_1 = arith.divsi %iota3A, %div3A : vector<128x128xi32>
    %sign3A = arith.constant 0 : i32
    %sign3A_2 = vector.broadcast %sign3A : i32 to vector<128x128xi32>
    %sign3A_3 = arith.cmpi sgt, %iota3A, %sign3A_2 : vector<128x128xi32>
    %sign3A_4 = arith.extui %sign3A_3 : vector<128x128xi1> to vector<128x128xi32>
    %sign3A_5 = arith.constant 0 : i32
    %sign3A_6 = vector.broadcast %sign3A_5 : i32 to vector<128x128xi32>
    %sign3A_7 = arith.cmpi slt, %iota3A, %sign3A_6 : vector<128x128xi32>
    %sign3A_8 = arith.extui %sign3A_7 : vector<128x128xi1> to vector<128x128xi32>
    %sign3A_9 = arith.subi %sign3A_4, %sign3A_8 : vector<128x128xi32>
    %sign3A_10 = arith.constant 0 : i32
    %sign3A_11 = arith.cmpi sgt, %jit3A, %sign3A_10 : i32
    %sign3A_12 = arith.extui %sign3A_11 : i1 to i32
    %sign3A_13 = arith.constant 0 : i32
    %sign3A_14 = arith.cmpi slt, %jit3A, %sign3A_13 : i32
    %sign3A_15 = arith.extui %sign3A_14 : i1 to i32
    %sign3A_16 = arith.subi %sign3A_12, %sign3A_15 : i32
    %ne3A = vector.broadcast %sign3A_16 : i32 to vector<128x128xi32>
    %ne3A_17 = arith.cmpi ne, %sign3A_9, %ne3A : vector<128x128xi32>
    %rem3A = vector.broadcast %jit3A : i32 to vector<128x128xi32>
    %rem3A_18 = arith.remsi %iota3A, %rem3A : vector<128x128xi32>
    %ne3A_19 = arith.constant 0 : i32
    %ne3A_20 = vector.broadcast %ne3A_19 : i32 to vector<128x128xi32>
    %ne3A_21 = arith.cmpi ne, %rem3A_18, %ne3A_20 : vector<128x128xi32>
    %and3A = arith.andi %ne3A_17, %ne3A_21 : vector<128x128xi1>
    %sub3A = arith.constant 1 : i32
    %sub3A_22 = vector.broadcast %sub3A : i32 to vector<128x128xi32>
    %sub3A_23 = arith.subi %div3A_1, %sub3A_22 : vector<128x128xi32>
    %select_n3A = arith.select %and3A, %sub3A_23, %div3A_1 : vector<128x128xi1>, vector<128x128xi32>
    %jit3A_24 = arith.constant 40 : i32
    %eq3A = arith.constant 0 : i32
    %eq3A_25 = arith.cmpi eq, %jit3A_24, %eq3A : i32
    %jit3A_26 = arith.constant 1 : i32
    %select_n3A_27 = arith.select %eq3A_25, %jit3A_26, %jit3A_24 : i32
    %rem3A_28 = vector.broadcast %select_n3A_27 : i32 to vector<128x128xi32>
    %rem3A_29 = arith.remsi %iota3A, %rem3A_28 : vector<128x128xi32>
    %ne3A_30 = arith.constant 0 : i32
    %ne3A_31 = vector.broadcast %ne3A_30 : i32 to vector<128x128xi32>
    %ne3A_32 = arith.cmpi ne, %rem3A_29, %ne3A_31 : vector<128x128xi32>
    %lt3A = arith.constant 0 : i32
    %lt3A_33 = vector.broadcast %lt3A : i32 to vector<128x128xi32>
    %lt3A_34 = arith.cmpi slt, %rem3A_29, %lt3A_33 : vector<128x128xi32>
    %lt3A_35 = arith.constant 0 : i32
    %lt3A_36 = arith.cmpi slt, %select_n3A_27, %lt3A_35 : i32
    %ne3A_37 = vector.broadcast %lt3A_36 : i1 to vector<128x128xi1>
    %ne3A_38 = vector.broadcast %ne3A_37 : vector<128x128xi1> to vector<128x128xi1>
    %ne3A_39 = arith.xori %lt3A_34, %ne3A_38 : vector<128x128xi1>
    %and3A_40 = arith.andi %ne3A_39, %ne3A_32 : vector<128x128xi1>
    %add3A = vector.broadcast %select_n3A_27 : i32 to vector<128x128xi32>
    %add3A_41 = arith.addi %rem3A_29, %add3A : vector<128x128xi32>
    %select_n3A_42 = arith.select %and3A_40, %add3A_41, %rem3A_29 : vector<128x128xi1>, vector<128x128xi32>
    %jit3A_43 = arith.constant 20 : i32
    %div3A_44 = vector.broadcast %jit3A_43 : i32 to vector<128x128xi32>
    %div3A_45 = arith.divsi %select_n3A_42, %div3A_44 : vector<128x128xi32>
    %sign3A_46 = arith.constant 0 : i32
    %sign3A_47 = vector.broadcast %sign3A_46 : i32 to vector<128x128xi32>
    %sign3A_48 = arith.cmpi sgt, %select_n3A_42, %sign3A_47 : vector<128x128xi32>
    %sign3A_49 = arith.extui %sign3A_48 : vector<128x128xi1> to vector<128x128xi32>
    %sign3A_50 = arith.constant 0 : i32
    %sign3A_51 = vector.broadcast %sign3A_50 : i32 to vector<128x128xi32>
    %sign3A_52 = arith.cmpi slt, %select_n3A_42, %sign3A_51 : vector<128x128xi32>
    %sign3A_53 = arith.extui %sign3A_52 : vector<128x128xi1> to vector<128x128xi32>
    %sign3A_54 = arith.subi %sign3A_49, %sign3A_53 : vector<128x128xi32>
    %sign3A_55 = arith.constant 0 : i32
    %sign3A_56 = arith.cmpi sgt, %jit3A_43, %sign3A_55 : i32
    %sign3A_57 = arith.extui %sign3A_56 : i1 to i32
    %sign3A_58 = arith.constant 0 : i32
    %sign3A_59 = arith.cmpi slt, %jit3A_43, %sign3A_58 : i32
    %sign3A_60 = arith.extui %sign3A_59 : i1 to i32
    %sign3A_61 = arith.subi %sign3A_57, %sign3A_60 : i32
    %ne3A_62 = vector.broadcast %sign3A_61 : i32 to vector<128x128xi32>
    %ne3A_63 = arith.cmpi ne, %sign3A_54, %ne3A_62 : vector<128x128xi32>
    %rem3A_64 = vector.broadcast %jit3A_43 : i32 to vector<128x128xi32>
    %rem3A_65 = arith.remsi %select_n3A_42, %rem3A_64 : vector<128x128xi32>
    %ne3A_66 = arith.constant 0 : i32
    %ne3A_67 = vector.broadcast %ne3A_66 : i32 to vector<128x128xi32>
    %ne3A_68 = arith.cmpi ne, %rem3A_65, %ne3A_67 : vector<128x128xi32>
    %and3A_69 = arith.andi %ne3A_63, %ne3A_68 : vector<128x128xi1>
    %sub3A_70 = arith.constant 1 : i32
    %sub3A_71 = vector.broadcast %sub3A_70 : i32 to vector<128x128xi32>
    %sub3A_72 = arith.subi %div3A_45, %sub3A_71 : vector<128x128xi32>
    %select_n3A_73 = arith.select %and3A_69, %sub3A_72, %div3A_45 : vector<128x128xi1>, vector<128x128xi32>
    %jit3A_74 = arith.constant 20 : i32
    %eq3A_75 = arith.constant 0 : i32
    %eq3A_76 = arith.cmpi eq, %jit3A_74, %eq3A_75 : i32
    %jit3A_77 = arith.constant 1 : i32
    %select_n3A_78 = arith.select %eq3A_76, %jit3A_77, %jit3A_74 : i32
    %rem3A_79 = vector.broadcast %select_n3A_78 : i32 to vector<128x128xi32>
    %rem3A_80 = arith.remsi %iota3A, %rem3A_79 : vector<128x128xi32>
    %ne3A_81 = arith.constant 0 : i32
    %ne3A_82 = vector.broadcast %ne3A_81 : i32 to vector<128x128xi32>
    %ne3A_83 = arith.cmpi ne, %rem3A_80, %ne3A_82 : vector<128x128xi32>
    %lt3A_84 = arith.constant 0 : i32
    %lt3A_85 = vector.broadcast %lt3A_84 : i32 to vector<128x128xi32>
    %lt3A_86 = arith.cmpi slt, %rem3A_80, %lt3A_85 : vector<128x128xi32>
    %lt3A_87 = arith.constant 0 : i32
    %lt3A_88 = arith.cmpi slt, %select_n3A_78, %lt3A_87 : i32
    %ne3A_89 = vector.broadcast %lt3A_88 : i1 to vector<128x128xi1>
    %ne3A_90 = vector.broadcast %ne3A_89 : vector<128x128xi1> to vector<128x128xi1>
    %ne3A_91 = arith.xori %lt3A_86, %ne3A_90 : vector<128x128xi1>
    %and3A_92 = arith.andi %ne3A_91, %ne3A_83 : vector<128x128xi1>
    %add3A_93 = vector.broadcast %select_n3A_78 : i32 to vector<128x128xi32>
    %add3A_94 = arith.addi %rem3A_80, %add3A_93 : vector<128x128xi32>
    %select_n3A_95 = arith.select %and3A_92, %add3A_94, %rem3A_80 : vector<128x128xi1>, vector<128x128xi32>
    %eq3A_96 = arith.cmpi eq, %iota3A_0, %select_n3A : vector<128x128xi32>
    %jit3A_97 = arith.constant 1.000000e+00 : f32
    %jit3A_98 = arith.constant 0.000000e+00 : f32
    %broadcast_in_dim3A = vector.broadcast %jit3A_97 : f32 to vector<128x128xf32>
    %broadcast_in_dim3A_99 = vector.broadcast %jit3A_98 : f32 to vector<128x128xf32>
    %select_n3A_100 = arith.select %eq3A_96, %broadcast_in_dim3A, %broadcast_in_dim3A_99 : vector<128x128xi1>, vector<128x128xf32>
    %eq3A_101 = arith.cmpi eq, %iota3A_0, %select_n3A_73 : vector<128x128xi32>
    %jit3A_102 = arith.constant 1.000000e+00 : f32
    %jit3A_103 = arith.constant 0.000000e+00 : f32
    %broadcast_in_dim3A_104 = vector.broadcast %jit3A_102 : f32 to vector<128x128xf32>
    %broadcast_in_dim3A_105 = vector.broadcast %jit3A_103 : f32 to vector<128x128xf32>
    %select_n3A_106 = arith.select %eq3A_101, %broadcast_in_dim3A_104, %broadcast_in_dim3A_105 : vector<128x128xi1>, vector<128x128xf32>
    %eq3A_107 = arith.cmpi eq, %iota3A_0, %select_n3A_95 : vector<128x128xi32>
    %jit3A_108 = arith.constant 1.000000e+00 : f32
    %jit3A_109 = arith.constant 0.000000e+00 : f32
    %broadcast_in_dim3A_110 = vector.broadcast %jit3A_108 : f32 to vector<128x128xf32>
    %broadcast_in_dim3A_111 = vector.broadcast %jit3A_109 : f32 to vector<128x128xf32>
    %select_n3A_112 = arith.select %eq3A_107, %broadcast_in_dim3A_110, %broadcast_in_dim3A_111 : vector<128x128xi1>, vector<128x128xf32>
    %get3A = arith.constant 0 : index
    %get3A_113 = arith.constant 0 : index
    %get3A_114 = vector.load %arg0[%get3A, %get3A_113] : memref<128x128xf32, #tpu.memory_space<vmem>>, vector<128x128xf32>
    %dot_general3A = arith.constant dense<0.000000e+00> : vector<128x128xf32>
    %dot_general3A_115 = tpu.matmul %select_n3A_100, %get3A_114, %dot_general3A {dimension_numbers = #tpu.dot_dimension_numbers<[1], [0], [0], [1], [0, 0, 1, 1], [], []>, transpose_lhs_hint = false} : vector<128x128xf32>, vector<128x128xf32>, vector<128x128xf32> -> vector<128x128xf32>
    %get3A_116 = arith.constant 0 : index
    %get3A_117 = arith.constant 0 : index
    %get3A_118 = vector.load %arg1[%get3A_116, %get3A_117] : memref<128x128xf32, #tpu.memory_space<vmem>>, vector<128x128xf32>
    %dot_general3A_119 = arith.constant dense<0.000000e+00> : vector<128x128xf32>
    %dot_general3A_120 = tpu.matmul %select_n3A_106, %get3A_118, %dot_general3A_119 {dimension_numbers = #tpu.dot_dimension_numbers<[1], [0], [0], [1], [0, 0, 1, 1], [], []>, transpose_lhs_hint = false} : vector<128x128xf32>, vector<128x128xf32>, vector<128x128xf32> -> vector<128x128xf32>
    %add3A_121 = arith.addf %dot_general3A_115, %dot_general3A_120 : vector<128x128xf32>
    %get3A_122 = arith.constant 0 : index
    %get3A_123 = arith.constant 0 : index
    %get3A_124 = vector.load %arg2[%get3A_122, %get3A_123] : memref<128x128xf32, #tpu.memory_space<vmem>>, vector<128x128xf32>
    %dot_general3A_125 = arith.constant dense<0.000000e+00> : vector<128x128xf32>
    %dot_general3A_126 = tpu.matmul %select_n3A_112, %get3A_124, %dot_general3A_125 {dimension_numbers = #tpu.dot_dimension_numbers<[1], [0], [0], [1], [0, 0, 1, 1], [], []>, transpose_lhs_hint = false} : vector<128x128xf32>, vector<128x128xf32>, vector<128x128xf32> -> vector<128x128xf32>
    %add3A_127 = arith.addf %add3A_121, %dot_general3A_126 : vector<128x128xf32>
    %get3A_128 = arith.constant 0 : index
    %get3A_129 = arith.constant 0 : index
    %get3A_130 = vector.load %arg3[%get3A_128, %get3A_129] : memref<128x128xf32, #tpu.memory_space<vmem>>, vector<128x128xf32>
    %dot_general3A_131 = arith.constant dense<0.000000e+00> : vector<128x128xf32>
    %dot_general3A_132 = tpu.matmul %add3A_127, %get3A_130, %dot_general3A_131 {dimension_numbers = #tpu.dot_dimension_numbers<[1], [0], [0], [1], [0, 0, 1, 1], [], []>, transpose_lhs_hint = false} : vector<128x128xf32>, vector<128x128xf32>, vector<128x128xf32> -> vector<128x128xf32>
    %get3A_133 = arith.constant 0 : index
    %get3A_134 = arith.constant 0 : index
    %get3A_135 = vector.load %arg4[%get3A_133, %get3A_134] : memref<1x128xf32, #tpu.memory_space<vmem>>, vector<1x128xf32>
    %add3A_136 = vector.broadcast %get3A_135 : vector<1x128xf32> to vector<128x128xf32>
    %add3A_137 = arith.addf %dot_general3A_132, %add3A_136 : vector<128x128xf32>
    %max3A = arith.constant 0.000000e+00 : f32
    %max3A_138 = vector.broadcast %max3A : f32 to vector<128x128xf32>
    %max3A_139 = arith.maximumf %add3A_137, %max3A_138 : vector<128x128xf32>
    %get3A_140 = arith.constant 0 : index
    %get3A_141 = arith.constant 0 : index
    %get3A_142 = vector.load %arg5[%get3A_140, %get3A_141] : memref<128x128xf32, #tpu.memory_space<vmem>>, vector<128x128xf32>
    %dot_general3A_143 = arith.constant dense<0.000000e+00> : vector<128x128xf32>
    %dot_general3A_144 = tpu.matmul %max3A_139, %get3A_142, %dot_general3A_143 {dimension_numbers = #tpu.dot_dimension_numbers<[1], [0], [0], [1], [0, 0, 1, 1], [], []>, transpose_lhs_hint = false} : vector<128x128xf32>, vector<128x128xf32>, vector<128x128xf32> -> vector<128x128xf32>
    %slice3A = vector.extract_strided_slice %add3A_127 {offsets = [0, 30], sizes = [128, 1], strides = [1, 1]} : vector<128x128xf32> to vector<128x1xf32>
    %slice3A_145 = vector.extract_strided_slice %add3A_127 {offsets = [0, 31], sizes = [128, 1], strides = [1, 1]} : vector<128x128xf32> to vector<128x1xf32>
    %add3A_146 = arith.addf %slice3A, %slice3A_145 : vector<128x1xf32>
    %slice3A_147 = vector.extract_strided_slice %add3A_127 {offsets = [0, 32], sizes = [128, 1], strides = [1, 1]} : vector<128x128xf32> to vector<128x1xf32>
    %add3A_148 = arith.addf %add3A_146, %slice3A_147 : vector<128x1xf32>
    %add3A_149 = vector.broadcast %add3A_148 : vector<128x1xf32> to vector<128x128xf32>
    %add3A_150 = arith.addf %dot_general3A_144, %add3A_149 : vector<128x128xf32>
    %get3A_151 = arith.constant 0 : index
    %get3A_152 = arith.constant 0 : index
    %get3A_153 = memref.load %arg6[%get3A_151, %get3A_152] : memref<1x1xf32, #tpu.memory_space<smem>>
    %add3A_154 = vector.broadcast %get3A_153 : f32 to vector<128x128xf32>
    %add3A_155 = arith.addf %add3A_150, %add3A_154 : vector<128x128xf32>
    %get3A_156 = arith.constant 0 : index
    %get3A_157 = arith.constant 0 : index
    %get3A_158 = memref.load %arg7[%get3A_156, %get3A_157] : memref<1x1xf32, #tpu.memory_space<smem>>
    %add3A_159 = vector.broadcast %get3A_158 : f32 to vector<128x128xf32>
    %add3A_160 = arith.addf %add3A_155, %add3A_159 : vector<128x128xf32>
    %swap3A = arith.constant 0 : index
    %swap3A_161 = arith.constant 0 : index
    %swap3A_162 = vector.load %arg8[%swap3A, %swap3A_161] : memref<128x128xf32, #tpu.memory_space<vmem>>, vector<128x128xf32>
    tpu.vector_store %arg8[%swap3A, %swap3A_161], %add3A_160 {strides = array<i32>} : memref<128x128xf32, #tpu.memory_space<vmem>>, vector<128x128xf32>,
    return
  }
}

</mosaic_0001>

<sc_bundles>
// kernel: kernel.5.cloned.1.call-start
scs
__scs_entry_jumppad:
0x0: {  	(pc) =	sbr.rel $0x88, $3  }
0x1: {  	(tag) =	ssettag $0x0;
	lr =	simm.s32 $0x1  }
0x2: {  	[smem:$0x3F8C] =	sst lr;
	_ =	strace $0xD0000000  }
0x3: {  	_ = 	snop  }
0x4: {  	_ = 	snop  }
0x5: {  	_ = 	snop  }
0x6: {  	_ = 	snop  }
0x7: {  	_ = 	snop  }
__scs_overlays_trampoline_lowered:
0x8: {  	[smem:$0x3F9B] =	sst s0  }
0x9: {  	[smem:$0x3F9C] =	sst s1  }
0xa: {  	[smem:$0x3F9D] =	sst s2  }
0xb: {  	[smem:$0x3F9E] =	sst s3  }
0xc: {  	[smem:$0x3F9F] =	sst s4  }
0xd: {  	[smem:$0x3FA0] =	sst s5  }
0xe: {  	[smem:$0x3FA1] =	sst s6  }
0xf: {  	[smem:$0x3FA2] =	sst s7  }
0x10: {  	[smem:$0x3FA3] =	sst s8  }
0x11: {  	[smem:$0x3FA4] =	sst s9;
	s0 =	simm.s32 @!p0 $0x0  }
0x12: {  	s1 =	sld [smem:$0x3F8A];
	s0 =	simm.s32 @p0 $0x1  }
0x13: {  	[smem:$0x3FA5] =	sst s0;
	s0 =	simm.s32 @!p1 $0x0  }
0x14: {  	s2 =	sld [smem:$0x3F89];
	s0 =	simm.s32 @p1 $0x1  }
0x15: {  	[smem:$0x3FA6] =	sst s0;
	s0 =	simm.s32 @!p2 $0x0  }
0x16: {  	s3 =	sld [smem:$0x3FDB];
	s0 =	simm.s32 @p2 $0x1  }
0x17: {  	s4 =	simm.s32 $0x1BF5;
	[smem:$0x3FA8] =	sst s0  }
0x18: {  	s0 =	sld [smem:$0x3F8B];
	_ =	swait.ge [sflag:s4], $0x0  }
0x19: {  	s7 =	sld [smem:$0x3F8C]  }
0x1a: {  	s8 =	sadd.s32 $0xFFFFE003, lr  }
0x1b: {  	s9 =	sadd.s32 $0xFFFFFEF7, lr;
	s5 =	simm.s32 $0xFFFFFFFF;
	p2 =	slt.u32 s8, $0xFFFFF086  }
0x1c: {  	p1 =	slt.u32 s9, $0xF7A;
	s5 =	simm.s32 @!p2 $0x0  }
0x1d: {  	s5 =	simm.s32 @p1 $0x1;
	p0 =	seq.s32 s7, s2  }
0x1e: {  	s7 =	smul.u32 @!p0 $0xF7A, s2;
	p2 =	seq.s32 @!p0 s5, $0x0  }
0x1f: {  	s9 =	smul.u32 $0xF7A, s1;
	s8 =	simm.s32 @!p0 $0x1BF5;
	p2 =	por !p2, p0  }
0x20: {  	[sflag:s8] =	ssyncset.s32 @!p0 $0xFFFFF086;
	s6 =	sadd.s32 @!p0 s3, s7;
	s7 =	simm.s32 @!p0 $0x108  }
0x21: {  	s3 =	sadd.s32 s3, s9;
	s6 =	sadd.s32 @!p0 $0x88, s6;
	s7 =	simm.s32 @p2 $0x1082  }
0x22: {  	[simem:s7], [sflag:s8] =	dma.local @!p0 [hbm:s6], $0xF7A  }
0x23: {  	s9 =	sor.u32 $0xD0000000, s2;
	s6 =	simm.s32 $0x108;
	_ =	swait.ge @!p0 [sflag:s8], $0x0  }
0x24: {  	s3 =	sadd.s32 $0x88, s3;
	s6 =	simm.s32 @!p1 $0x1082;
	[sflag:s4] =	ssyncset.s32 $0xFFFFF086  }
0x25: {  	[simem:s6], [sflag:s4] =	dma.local [hbm:s3], $0xF7A  }
0x26: {  	[smem:$0x3F8C] =	sst s1;
	(tag) =	ssettag s2;
	_ =	strace s9  }
0x27: {  	s1 =	sld [smem:$0x3F9C]  }
0x28: {  	s2 =	sld [smem:$0x3F9D]  }
0x29: {  	s4 =	sld [smem:$0x3F9F]  }
0x2a: {  	p0 =	seq.s32 s5, $0x0;
	s5 =	sld [smem:$0x3FA0]  }
0x2b: {  	s6 =	sld [smem:$0x3FA1]  }
0x2c: {  	s7 =	sld [smem:$0x3FA2]  }
0x2d: {  	s3 =	simm.s32 $0x108;
	s8 =	sld [smem:$0x3FA3]  }
0x2e: {  	s3 =	simm.s32 @!p0 $0x1082;
	s9 =	sld [smem:$0x3FA4]  }
0x2f: {  	lr =	sadd.s32 s0, s3;
	s0 =	sld [smem:$0x3F9B]  }
0x30: {  	s3 =	sld [smem:$0x3F9E]  }
0x31: {  	[smem:$0x3FA7] =	sst s10  }
0x32: {  	s10 =	sld [smem:$0x3FA5];
	_ =	sdelay $0x3  }
0x33: {  	p0 =	seq.s32 s10, $0x1;
	s10 =	sld [smem:$0x3FA7];
	_ =	sdelay $0x3  }
0x34: {  	[smem:$0x3FA7] =	sst s10  }
0x35: {  	s10 =	sld [smem:$0x3FA6];
	_ =	sdelay $0x3  }
0x36: {  	p1 =	seq.s32 s10, $0x1;
	s10 =	sld [smem:$0x3FA7];
	_ =	sdelay $0x3  }
0x37: {  	[smem:$0x3FA7] =	sst s10  }
0x38: {  	s10 =	sld [smem:$0x3FA8]  }
0x39: {  	_ = 	snop;
	(pc) =	sbr.ind lr, $3  }
0x3a: {  	_ = 	snop  }
0x3b: {  	_ = 	snop  }
0x3c: {  	p2 =	seq.s32 s10, $0x1;
	s10 =	sld [smem:$0x3FA7]  }
0x3d: {  	_ =	shalt  }
0x3e: {  	_ =	shalt  }
0x3f: {  	_ =	shalt  }
0x40: {  	_ =	shalt  }
0x41: {  	_ =	shalt  }
0x42: {  	_ =	shalt  }
0x43: {  	_ =	shalt  }
0x44: {  	_ =	shalt  }
0x45: {  	_ =	shalt  }
0x46: {  	_ =	shalt  }
0x47: {  	_ =	shalt  }
0x48: {  	_ =	shalt  }
0x49: {  	_ =	shalt  }
0x4a: {  	_ =	shalt  }
0x4b: {  	_ =	shalt  }
0x4c: {  	_ =	shalt  }
0x4d: {  	_ =	shalt  }
0x4e: {  	_ =	shalt  }
0x4f: {  	_ =	shalt  }
0x50: {  	_ =	shalt  }
0x51: {  	_ =	shalt  }
0x52: {  	_ =	shalt  }
0x53: {  	_ =	shalt  }
0x54: {  	_ =	shalt  }
0x55: {  	_ =	shalt  }
0x56: {  	_ =	shalt  }
0x57: {  	_ =	shalt  }
0x58: {  	_ =	shalt  }
0x59: {  	_ =	shalt  }
0x5a: {  	_ =	shalt  }
0x5b: {  	_ =	shalt  }
0x5c: {  	_ =	shalt  }
0x5d: {  	_ =	shalt  }
0x5e: {  	_ =	shalt  }
0x5f: {  	_ =	shalt  }
0x60: {  	_ =	shalt  }
0x61: {  	_ =	shalt  }
0x62: {  	_ =	shalt  }
0x63: {  	_ =	shalt  }
0x64: {  	_ =	shalt  }
0x65: {  	_ =	shalt  }
0x66: {  	_ =	shalt  }
0x67: {  	_ =	shalt  }
0x68: {  	_ =	shalt  }
0x69: {  	_ =	shalt  }
0x6a: {  	_ =	shalt  }
0x6b: {  	_ =	shalt  }
0x6c: {  	_ =	shalt  }
0x6d: {  	_ =	shalt  }
0x6e: {  	_ =	shalt  }
0x6f: {  	_ =	shalt  }
0x70: {  	_ =	shalt  }
0x71: {  	_ =	shalt  }
0x72: {  	_ =	shalt  }
0x73: {  	_ =	shalt  }
0x74: {  	_ =	shalt  }
0x75: {  	_ =	shalt  }
0x76: {  	_ =	shalt  }
0x77: {  	_ =	shalt  }
0x78: {  	_ =	shalt  }
0x79: {  	_ =	shalt  }
0x7a: {  	_ =	shalt  }
0x7b: {  	_ =	shalt  }
0x7c: {  	_ =	shalt  }
0x7d: {  	_ =	shalt  }
0x7e: {  	_ =	shalt  }
0x7f: {  	_ =	shalt  }
0x80: {  	_ =	shalt  }
0x81: {  	_ =	shalt  }
0x82: {  	_ =	shalt  }
0x83: {  	_ =	shalt  }
0x84: {  	_ =	shalt  }
0x85: {  	_ =	shalt  }
0x86: {  	_ =	shalt  }
0x87: {  	_ =	shalt  }
.Lfunc_end0:
.L_simem_size_0:
called_computation_lowered:
.L_overlay_start_0:
0x88: {  	s2 =	sld [smem:$0x3FD9]  }
0x89: {  	s3 =	sld [smem:$0x3FFE];
	_ =	sdelay $0x1  }
0x8a: {  	s1 =	srdreg.scid  }
0x8b: {  	s0 =	sand.u32 $0x1, s1  }
0x8c: {  	s17 =	sshll.u32 s0, $0xA;
	s2 =	sadd.s32 s3, s2  }
0x8d: {  	s2 =	sadd.s32 s2, s17  }
0x8e: {  	[smem:$0x3FB3] =	sst s2  }
0x8f: {  	_ = 	snop  }
0x90: {  	s2 =	sld [smem:$0x3FC9]  }
0x91: {  	s18 =	sld [smem:$0x3FC8]  }
0x92: {  	s4 =	sld [smem:$0x3FC7]  }
0x93: {  	s5 =	sld [smem:$0x3FC6]  }
0x94: {  	s6 =	sld [smem:$0x3FC5]  }
0x95: {  	s7 =	sld [smem:$0x3FD0];
	(tm) =	ssettm $0x1  }
0x96: {  	s8 =	sld [smem:$0x3FFB];
	_ =	sdelay $0x3  }
0x97: {  	_ =	strace s8  }
0x98: {  	s8 =	sld [smem:$0x3FFC];
	_ =	sdelay $0x3  }
0x99: {  	_ =	strace s8  }
0x9a: {  	s8 =	sld [smem:$0x3FFD];
	_ =	sdelay $0x3  }
0x9b: {  	_ =	strace s8  }
0x9c: {  	_ =	strace $0x8FFFFFFF  }
0x9d: {  	s19 =	sld [smem:$0x3FDB];
	_ =	sdelay $0x1  }
0x9e: {  	s9 =	simm.s32 $_scs_section_size  }
0x9f: {  	s10 =	simm.s32 $_size__tile_overlayer_lowered;
	s11 =	simm.s32 $_tile_overlayer_lowered  }
0xa0: {  	s22 =	simm.s32 $0x1BFF;
	s21 =	sshll.u32 s11, $0x1;
	s8 =	sadd.s32 s9, s19  }
0xa1: {  	s12 =	simm.s32 $0x0;
	s20 =	sshll.u32 s10, $0x1;
	s10 =	sadd.s32 s21, s8  }
0xa2: {  	[timem:s12], [sflag:s22] =	dma.local [hbm:s10], s20  }
0xa3: {  	_ =	swait.ge [sflag:s22], s20  }
0xa4: {  	s9 =	ssub.s32 $0x0, s20;
	[sflag:s22] =	ssyncset.done $0x0  }
0xa5: {  	[sflag:s22] =	ssyncadd.s32 s9;
	_ =	sdelay $0x1  }
0xa6: {  	s23 =	simm.s32 $0x1B8B  }
0xa7: {  	_ =	swait.ge [sflag:s23], $0x1  }
0xa8: {  	[sflag:s23] =	ssyncset.done $0x0  }
0xa9: {  	s25 =	simm.s32 $0x1B8E;
	s24 =	sld [smem:$0x3FFE];
	[sflag:s23] =	ssyncadd.s32 $0xFFFFFFFF  }
0xaa: {  	s26 =	simm.s32 $execute0_lowered;
	[smem:$0x3FD2] =	sst s25  }
0xab: {  	s10 =	sshll.u32 s26, $0x1;
	_ =	strace $0x80000046;
	[dreg:$0x1] =	wrdreg $0xFFFFFFFF  }
0xac: {  	s28 =	simm.s32 $_size_execute0_lowered;
	s8 =	sadd.s32 s8, s10;
	[dreg:$0x0] =	wrdreg $0x0  }
0xad: {  	s10 =	sshll.u32 s28, $0x1;
	[dreg:$0x2] =	wrdreg s8  }
0xae: {  	[dreg:$0x3] =	wrdreg s10  }
0xaf: {  	[dreg:$0x4] =	wrdreg $0xC0  }
0xb0: {  	_ =	task [dreg:s12], $0x5FFFF  }
0xb1: {  	[dreg:$0x1] =	wrdreg $0xFFFFFFFF  }
0xb2: {  	[dreg:$0x0] =	wrdreg $0x60  }
0xb3: {  	[dreg:$0x2] =	wrdreg s2  }
0xb4: {  	[dreg:$0x3] =	wrdreg s18  }
0xb5: {  	[dreg:$0x4] =	wrdreg s4  }
0xb6: {  	[dreg:$0x5] =	wrdreg s5  }
0xb7: {  	[dreg:$0x6] =	wrdreg s6  }
0xb8: {  	[dreg:$0x7] =	wrdreg s24  }
0xb9: {  	[dreg:$0x8] =	wrdreg s7  }
0xba: {  	[dreg:$0x9] =	wrdreg $0x9  }
0xbb: {  	_ =	task.clear_ibuf [dreg:s12], $0xAFFFF;
	_ =	strace $0x90000046  }
0xbc: {  	s29 =	simm.s32 $0x9;
	_ =	strace $0x80000048  }
0xbd: {  	_ =	swait.ge [sflag:s29], $0x1  }
0xbe: {  	[sflag:s29] =	ssyncadd.s32 $0xFFFFFFFF  }
0xbf: {  	_ =	strace $0x90000048  }
0xc0: {  	_ =	sfence  }
0xc1: {  	s30 =	sld [smem:$0x0];
	_ =	sdelay $0x2  }
0xc2: {  	s31 =	sshll.u32 s1, $0xD;
	s1 =	sshrl.u32 s1, $0x2  }
0xc3: {  	s3 =	sand.u32 $0x4000, s31;
	s1 =	sadd.s32 s1, s30  }
0xc4: {  	s0 =	sor.u32 s3, s0;
	s1 =	sshll.u32 s1, $0x11  }
0xc5: {  	s0 =	sor.u32 s1, s0  }
0xc6: {  	s0 =	sadd.s32 $0x8F2B, s0  }
0xc7: {  	[sflag:s0] =	ssyncadd.remote.s32 $0x1  }
0xc8: {  	_ =	sfence.sel $0xFFFF  }
0xc9: {  	[dreg:$0x0] =	wrdreg $0xFFFFFFFF;
	(pc) =	sbr.abs _section_cstart, $3  }
0xca: {  	[dreg:$0x1] =	wrdreg $0xFFFFFFFF  }
0xcb: {  	_ =	task.clear_ibuf [dreg:s12], $0x2FFFF;
	_ =	strace $0x9FFFFFFF  }
0xcc: {  	(tm) =	ssettm $0x7FFFFFFF  }
0xcd: {  	_ =	shalt  }
tec
execute0_lowered:
.L_overlay_start_1:
0x0: {  	(tag) =	ssettag $0x1  }
0x1: {  	s0 =	rddreg [dreg:$0x0]  }
0x2: {  	s2 =	rddreg [dreg:$0x1]  }
0x3: {  	s3 =	rddreg [dreg:$0x2]  }
0x4: {  	s10 =	rddreg [dreg:$0x3]  }
0x5: {  	s11 =	rddreg [dreg:$0x4]  }
0x6: {  	s1 =	rddreg [dreg:$0x5]  }
0x7: {  	s4 =	simm.s32 $0x0;
	s5 =	srdreg.scid;
	s7 =	stileid.u32  }
0x8: {  	s16 =	simm.s32 $0x2;
	s17 =	simm.s32 $0x200;
	s21 =	simm.s32 $0x1600  }
0x9: {  	s22 =	simm.s32 $0x80;
	s18 =	simm.s32 $0x100;
	s28 =	simm.s32 $0x180  }
0xa: {  	s29 =	simm.s32 $0xD80;
	s30 =	simm.s32 $0x380;
	s31 =	simm.s32 $0xF80  }
0xb: {  	s19 =	simm.s32 $0x1;
	s20 =	simm.s32 $0x1680;
	s23 =	simm.s32 $0x0  }
0xc: {  	[smem:$0x7FF] =	sst s4;
	s6 =	sand.u32 $0x1, s5;
	s7 =	sshll.u32 s7, $0x7  }
0xd: {  	s5 =	sadd.s32 $0x1EA00, s1;
	s13 =	sadd.s32 $0x7A490, s1;
	s8 =	sshll.u32 s6, $0x6  }
0xe: {  	_ =	strace $0x80000047;
	s25 =	ssub.s32 $0x2, s6;
	s12 =	sor.u32 s8, s7  }
0xf: {  	s6 =	sadd.s32 $0x3D400, s1;
	s26 =	sshrl.u32 s25, $0x1;
	s14 =	sadd.s32 s12, s1  }
0x10: {  	s15 =	ssub.s32 s25, s26;
	s7 =	sadd.s32 s0, s12;
	s8 =	sadd.s32 s2, s12  }
0x11: {  	s9 =	sadd.s32 s3, s12;
	s10 =	sadd.s32 s10, s12;
	s11 =	sadd.s32 s11, s12  }
0x12: {  	s12 =	sadd.s32 $0x5BC48, s1;
	s0 =	simm.s32 $0x1180;
	s3 =	simm.s32 $0x1380  }
0x13: {  	s2 =	simm.s32 $0x1580;
	s14 =	sadd.s32 $0x98E00, s14;
	s15 =	smax.u32 s15, $0x1  }
.LBB2_1:
0x14: {  	[tilespmem:s4], [sflag:$0x2] =	stream.linear.gather [hbm4b:s7+s4], $0x200, $0x38;
	[tilespmem:$0x1880] =	vst v63  }
0x15: {  	_ =	swait.ge [sflag:s16], $0x200  }
0x16: {  	[sflag:s16] =	ssyncset.done $0x0  }
0x17: {  	[sflag:s16] =	ssyncadd.s32 $0xFFFFFE00  }
0x18: {  	[tilespmem:s17], [sflag:$0x2] =	stream.linear.gather [hbm4b:s8+s4], $0x200, $0x38;
	[tilespmem:$0x1880] =	vst v63  }
0x19: {  	_ =	swait.ge [sflag:s16], $0x200  }
0x1a: {  	[sflag:s16] =	ssyncset.done $0x0  }
0x1b: {  	s24 =	simm.s32 $0x400;
	[sflag:s16] =	ssyncadd.s32 $0xFFFFFE00  }
0x1c: {  	[tilespmem:s24], [sflag:$0x2] =	stream.linear.gather [hbm4b:s9+s4], $0x200, $0x38;
	[tilespmem:$0x1880] =	vst v63  }
0x1d: {  	_ =	swait.ge [sflag:s16], $0x200  }
0x1e: {  	[sflag:s16] =	ssyncset.done $0x0  }
0x1f: {  	s25 =	simm.s32 $0x600;
	[sflag:s16] =	ssyncadd.s32 $0xFFFFFE00  }
0x20: {  	[tilespmem:s25], [sflag:$0x2] =	stream.linear.gather [hbm4b:s10+s4], $0x200, $0x38;
	[tilespmem:$0x1880] =	vst v63  }
0x21: {  	_ =	swait.ge [sflag:s16], $0x200  }
0x22: {  	[sflag:s16] =	ssyncset.done $0x0  }
0x23: {  	s26 =	simm.s32 $0x800;
	[sflag:s16] =	ssyncadd.s32 $0xFFFFFE00  }
0x24: {  	[tilespmem:s26], [sflag:$0x2] =	stream.linear.gather [hbm4b:s11+s4], $0x200, $0x38;
	[tilespmem:$0x1880] =	vst v63  }
0x25: {  	_ =	swait.ge [sflag:s16], $0x200  }
0x26: {  	[sflag:s16] =	ssyncset.done $0x0  }
0x27: {  	[sflag:s16] =	ssyncadd.s32 $0xFFFFFE00  }
0x28: {  	s25 =	rddreg [dreg:$0x6]  }
0x29: {  	[tilespmem:s21], [sflag:$0x2] =	stream.linear.gather [hbm4b:s25+s4], $0x80, $0x38;
	[tilespmem:$0x1880] =	vst v63  }
0x2a: {  	_ =	swait.ge [sflag:s16], $0x80  }
0x2b: {  	[sflag:s16] =	ssyncset.done $0x0  }
0x2c: {  	[sflag:s16] =	ssyncadd.s32 $0xFFFFFF80  }
0x2d: {  	v0 =	vld [tilespmem:$0x400]  }
0x2e: {  	v1 =	vld [tilespmem:$0x600]  }
0x2f: {  	v2 =	vld [tilespmem:$0x800]  }
0x30: {  	v3 =	vld [tilespmem:$0x410]  }
0x31: {  	v4 =	vld [tilespmem:$0x610]  }
0x32: {  	v5 =	vld [tilespmem:$0x810]  }
0x33: {  	v6 =	vld [tilespmem:$0x420]  }
0x34: {  	v7 =	vld [tilespmem:$0x620]  }
0x35: {  	v8 =	vld [tilespmem:$0x820]  }
0x36: {  	v9 =	vld [tilespmem:$0x430]  }
0x37: {  	v10 =	vld [tilespmem:$0x630]  }
0x38: {  	v11 =	vld [tilespmem:$0x830]  }
0x39: {  	v12 =	vld [tilespmem:$0x440]  }
0x3a: {  	v13 =	vld [tilespmem:$0x640]  }
0x3b: {  	v14 =	vld [tilespmem:$0x840]  }
0x3c: {  	v15 =	vld [tilespmem:$0x450]  }
0x3d: {  	v16 =	vld [tilespmem:$0x650]  }
0x3e: {  	v17 =	vld [tilespmem:$0x850]  }
0x3f: {  	v18 =	vld [tilespmem:$0x460]  }
0x40: {  	v19 =	vld [tilespmem:$0x660]  }
0x41: {  	v20 =	vld [tilespmem:$0x860]  }
0x42: {  	v21 =	vld [tilespmem:$0x470]  }
0x43: {  	v22 =	vld [tilespmem:$0x670]  }
0x44: {  	v23 =	vld [tilespmem:$0x870]  }
0x45: {  	v24 =	vld [tilespmem:$0x480]  }
0x46: {  	v25 =	vld [tilespmem:$0x680]  }
0x47: {  	v26 =	vld [tilespmem:$0x880]  }
0x48: {  	v27 =	vld [tilespmem:$0x490]  }
0x49: {  	v28 =	vld [tilespmem:$0x690]  }
0x4a: {  	v29 =	vld [tilespmem:$0x890]  }
0x4b: {  	v30 =	vld [tilespmem:$0x4A0]  }
0x4c: {  	v31 =	vld [tilespmem:$0x6A0]  }
0x4d: {  	v32 =	vld [tilespmem:$0x8A0]  }
0x4e: {  	v33 =	vld [tilespmem:$0x4B0]  }
0x4f: {  	v34 =	vld [tilespmem:$0x6B0]  }
0x50: {  	v35 =	vld [tilespmem:$0x8B0]  }
0x51: {  	v36 =	vld [tilespmem:$0x4C0]  }
0x52: {  	v37 =	vld [tilespmem:$0x6C0]  }
0x53: {  	v38 =	vld [tilespmem:$0x8C0]  }
0x54: {  	v39 =	vld [tilespmem:$0x4D0]  }
0x55: {  	v40 =	vld [tilespmem:$0x6D0]  }
0x56: {  	v41 =	vld [tilespmem:$0x8D0]  }
0x57: {  	v42 =	vld [tilespmem:$0x4E0]  }
0x58: {  	v43 =	vld [tilespmem:$0x6E0]  }
0x59: {  	v44 =	vld [tilespmem:$0x8E0]  }
0x5a: {  	v45 =	vld [tilespmem:$0x4F0]  }
0x5b: {  	v46 =	vld [tilespmem:$0x6F0]  }
0x5c: {  	v47 =	vld [tilespmem:$0x8F0]  }
0x5d: {  	v48 =	vld [tilespmem:$0x500]  }
0x5e: {  	v49 =	vld [tilespmem:$0x700]  }
0x5f: {  	v50 =	vld [tilespmem:$0x900]  }
0x60: {  	v51 =	vld [tilespmem:$0x510]  }
0x61: {  	v52 =	vld [tilespmem:$0x710]  }
0x62: {  	v53 =	vld [tilespmem:$0x910]  }
0x63: {  	v54 =	vld [tilespmem:$0x520]  }
0x64: {  	v55 =	vld [tilespmem:$0x720]  }
0x65: {  	v57 =	vld [tilespmem:$0x530];
	v56 =	vmul.u32 $0x28, v0;
	v1 =	vmul.u32 $0x14, v1  }
0x66: {  	v58 =	vld [tilespmem:$0x730];
	v3 =	vmul.u32 $0x28, v3;
	v4 =	vmul.u32 $0x14, v4;
	v6 =	vmul.u32 $0x28, v6  }
0x67: {  	v0 =	vld [tilespmem:$0x920];
	v7 =	vmul.u32 $0x14, v7;
	v62 =	vmul.u32 $0x14, v10;
	v63 =	vmul.u32 $0x28, v12  }
0x68: {  	v12 =	vld [tilespmem:$0x540];
	v13 =	vmul.u32 $0x14, v13;
	v15 =	vmul.u32 $0x28, v15;
	v16 =	vmul.u32 $0x14, v16  }
0x69: {  	v60 =	vmul.u32 $0x28, v18;
	v61 =	vmul.u32 $0x14, v19;
	v59 =	vmul.u32 $0x14, v28;
	v28 =	vld [tilespmem:$0x570]  }
0x6a: {  	v24 =	vmul.u32 $0x28, v24;
	v25 =	vmul.u32 $0x14, v25;
	v19 =	vld [tilespmem:$0x970];
	v37 =	vmul.u32 $0x14, v37  }
0x6b: {  	v39 =	vmul.u32 $0x28, v39;
	v42 =	vmul.u32 $0x28, v42;
	v43 =	vmul.u32 $0x14, v43;
	v18 =	vld [tilespmem:$0x980]  }
0x6c: {  	v1 =	vadd.s32 v56, v1;
	v3 =	vadd.s32 v3, v4;
	v4 =	vadd.s32 v6, v7;
	v6 =	vld [tilespmem:$0x930]  }
0x6d: {  	v7 =	vmul.u32 $0x28, v9;
	v56 =	vld [tilespmem:$0x740];
	v10 =	vadd.s32 v60, v61;
	v60 =	vmul.u32 $0x28, v30  }
0x6e: {  	v9 =	vld [tilespmem:$0x550];
	v61 =	vmul.u32 $0x14, v31;
	v1 =	vadd.s32 v2, v1;
	v2 =	vadd.s32 v5, v3  }
0x6f: {  	v3 =	vadd.s32 v8, v4;
	v4 =	vld [tilespmem:$0x940];
	v8 =	vadd.s32 v15, v16;
	v5 =	vadd.s32 v7, v62  }
0x70: {  	v16 =	vld [tilespmem:$0x750];
	v7 =	vadd.s32 v63, v13;
	v62 =	vmul.u32 $0x28, v21;
	v63 =	vmul.u32 $0x14, v22  }
0x71: {  	v15 =	vld [tilespmem:$0x760];
	v8 =	vadd.s32 v17, v8;
	v17 =	vmul.u32 $0x28, v27;
	[tilespmem:$0xA00] =	vst v1;
	v1 =	vadd.s32 v20, v10  }
0x72: {  	v22 =	vld [tilespmem:$0x950];
	[tilespmem:$0xA20] =	vst v3;
	v3 =	vmul.u32 $0x28, v36;
	v36 =	vmul.u32 $0x28, v51;
	v5 =	vadd.s32 v11, v5  }
0x73: {  	v21 =	vld [tilespmem:$0x960];
	v7 =	vadd.s32 v14, v7;
	v14 =	vadd.s32 v24, v25;
	[tilespmem:$0xA50] =	vst v8;
	v8 =	vadd.s32 v42, v43  }
0x74: {  	v27 =	vld [tilespmem:$0x780];
	[tilespmem:$0xA60] =	vst v1;
	v1 =	vmul.u32 $0x28, v45;
	v43 =	vmul.u32 $0x14, v55;
	v12 =	vmul.u32 $0x28, v12  }
0x75: {  	[tilespmem:$0xA10] =	vst v2;
	v51 =	vld [tilespmem:$0x9B0];
	v13 =	vadd.s32 v62, v63;
	v62 =	vmul.u32 $0x28, v33;
	v63 =	vmul.u32 $0x14, v34  }
0x76: {  	v11 =	vld [tilespmem:$0x560];
	v2 =	vadd.s32 v17, v59;
	v33 =	vadd.s32 v60, v61;
	[tilespmem:$0xA30] =	vst v5;
	v5 =	vmul.u32 $0x14, v40  }
0x77: {  	v24 =	vld [tilespmem:$0x580];
	v3 =	vadd.s32 v3, v37;
	v61 =	vmul.u32 $0x14, v46;
	v37 =	vmul.u32 $0x14, v52  }
0x78: {  	v42 =	vld [tilespmem:$0x7A0];
	v8 =	vadd.s32 v44, v8;
	v44 =	vmul.u32 $0x28, v57;
	v46 =	vmul.u32 $0x14, v58  }
0x79: {  	v45 =	vld [tilespmem:$0x9A0];
	[tilespmem:$0xA40] =	vst v7;
	v31 =	vadd.s32 v23, v13;
	v13 =	vadd.s32 v26, v14;
	v2 =	vadd.s32 v29, v2  }
0x7a: {  	v55 =	vld [tilespmem:$0x7C0];
	v7 =	vadd.s32 v32, v33;
	v3 =	vadd.s32 v38, v3;
	[tilespmem:$0xAE0] =	vst v8;
	v8 =	vmul.u32 $0x28, v9  }
0x7b: {  	v60 =	vld [tilespmem:$0x590];
	v34 =	vadd.s32 v62, v63;
	v5 =	vadd.s32 v39, v5;
	v62 =	vmul.u32 $0x28, v48;
	[tilespmem:$0xA90] =	vst v2  }
0x7c: {  	v40 =	vld [tilespmem:$0x5A0];
	v1 =	vadd.s32 v1, v61;
	[tilespmem:$0xAA0] =	vst v7;
	v7 =	vmul.u32 $0x28, v54;
	v48 =	vmul.u32 $0x14, v56  }
0x7d: {  	v57 =	vld [tilespmem:$0x5E0];
	[tilespmem:$0xAC0] =	vst v3;
	v52 =	vmul.u32 $0x14, v16;
	v54 =	vmul.u32 $0x28, v28;
	v59 =	vadd.s32 v35, v34  }
0x7e: {  	v14 =	vld [tilespmem:$0x770];
	v35 =	vmul.u32 $0x14, v49;
	v5 =	vadd.s32 v41, v5;
	v41 =	vadd.s32 v36, v37;
	[tilespmem:$0xAB0] =	vst v59  }
0x7f: {  	v63 =	vld [tilespmem:$0x790];
	v1 =	vadd.s32 v47, v1;
	v3 =	vadd.s32 v53, v41;
	[tilespmem:$0xAD0] =	vst v5;
	v5 =	vadd.s32 v7, v43  }
0x80: {  	v39 =	vld [tilespmem:$0x990];
	v7 =	vadd.s32 v44, v46;
	v12 =	vadd.s32 v12, v48;
	v11 =	vmul.u32 $0x28, v11;
	[tilespmem:$0xAF0] =	vst v1  }
0x81: {  	v61 =	vld [tilespmem:$0x5F0];
	v1 =	vmul.u32 $0x14, v15;
	v59 =	vmul.u32 $0x14, v42;
	v0 =	vadd.s32 v0, v5;
	[tilespmem:$0xB10] =	vst v3  }
0x82: {  	v49 =	vld [tilespmem:$0x5B0];
	v2 =	vadd.s32 v62, v35;
	v4 =	vadd.s32 v4, v12;
	v3 =	vadd.s32 v8, v52;
	[tilespmem:$0xB20] =	vst v0  }
0x83: {  	v8 =	vmul.u32 $0x14, v27;
	v56 =	vmul.u32 $0x28, v60;
	v2 =	vadd.s32 v50, v2;
	v50 =	vld [tilespmem:$0x7B0];
	[tilespmem:$0xB40] =	vst v4  }
0x84: {  	v53 =	vld [tilespmem:$0x5C0];
	v14 =	vmul.u32 $0x14, v14;
	v1 =	vadd.s32 v11, v1;
	[tilespmem:$0xB00] =	vst v2;
	v2 =	vadd.s32 v6, v7  }
0x85: {  	v5 =	vld [tilespmem:$0x9C0];
	v0 =	vadd.s32 v22, v3;
	v4 =	vmul.u32 $0x14, v63;
	[tilespmem:$0xB30] =	vst v2;
	v2 =	vmul.u32 $0x28, v24  }
0x86: {  	v58 =	vmul.u32 $0x28, v40;
	v7 =	vld [tilespmem:$0x5D0];
	v1 =	vadd.s32 v21, v1;
	[tilespmem:$0xB50] =	vst v0;
	v6 =	vadd.s32 v54, v14  }
0x87: {  	[tilespmem:$0xB60] =	vst v1;
	v3 =	vadd.s32 v19, v6;
	v6 =	vld [tilespmem:$0x7D0];
	v1 =	vadd.s32 v56, v4;
	v0 =	vadd.s32 v2, v8  }
0x88: {  	v60 =	vld [tilespmem:$0x7E0];
	v2 =	vmul.u32 $0x28, v49;
	[tilespmem:$0xB70] =	vst v3;
	v8 =	vmul.u32 $0x14, v50;
	v0 =	vadd.s32 v18, v0  }
0x89: {  	v62 =	vld [tilespmem:$0x7F0];
	v4 =	vadd.s32 v58, v59;
	v3 =	vmul.u32 $0x28, v53;
	[tilespmem:$0xB80] =	vst v0;
	v0 =	vadd.s32 v39, v1  }
0x8a: {  	[tilespmem:$0xA70] =	vst v31;
	v63 =	vld [tilespmem:$0x9D0];
	v1 =	vadd.s32 v45, v4;
	v2 =	vadd.s32 v2, v8;
	v8 =	vmul.u32 $0x14, v55  }
0x8b: {  	v4 =	vld [tilespmem:$0x9E0];
	[tilespmem:$0xBA0] =	vst v1;
	v1 =	vmul.u32 $0x28, v57  }
0x8c: {  	[tilespmem:$0xB90] =	vst v0;
	v6 =	vmul.u32 $0x14, v6;
	v0 =	vadd.s32 v3, v8;
	v3 =	vmul.u32 $0x28, v7;
	v7 =	vld [tilespmem:$0x9F0]  }
0x8d: {  	[tilespmem:$0xA80] =	vst v13;
	v2 =	vadd.s32 v51, v2;
	v0 =	vadd.s32 v5, v0;
	v5 =	vmul.u32 $0x14, v60  }
0x8e: {  	[tilespmem:$0xBB0] =	vst v2;
	v2 =	vadd.s32 v3, v6;
	v3 =	vmul.u32 $0x28, v61;
	v6 =	vmul.u32 $0x14, v62  }
0x8f: {  	[tilespmem:$0xBC0] =	vst v0;
	v0 =	vadd.s32 v63, v2;
	v1 =	vadd.s32 v1, v5  }
0x90: {  	[tilespmem:$0xBD0] =	vst v0;
	v0 =	vadd.s32 v4, v1;
	v1 =	vadd.s32 v3, v6  }
0x91: {  	[tilespmem:$0xBE0] =	vst v0;
	v0 =	vadd.s32 v7, v1  }
0x92: {  	s26 =	simm.s32 $0xC00;
	[tilespmem:$0xBF0] =	vst v0  }
0x93: {  	[tilespmem:s26], [sflag:$0x1] =	stream.indirect.gather [hbm4b:s1+s22], $0x1, s4, s22, $0xb8;
	[tilespmem:$0x1880] =	vst v63  }
0x94: {  	s25 =	simm.s32 $0xE00  }
0x95: {  	[tilespmem:s25], [sflag:$0x1] =	stream.indirect.gather [hbm4b:s5+s22], $0x1, s17, s22, $0xb8;
	[tilespmem:$0x1880] =	vst v63  }
0x96: {  	s26 =	simm.s32 $0x1000  }
0x97: {  	[tilespmem:s26], [sflag:$0x1] =	stream.indirect.gather [hbm4b:s6+s22], $0x1, s4, s22, $0xb8;
	[tilespmem:$0x1880] =	vst v63  }
0x98: {  	s25 =	simm.s32 $0x1200  }
0x99: {  	[tilespmem:s25], [sflag:$0x1] =	stream.indirect.gather [hbm4b:s12+s22], $0x1, s4, s22, $0xb8;
	[tilespmem:$0x1880] =	vst v63  }
0x9a: {  	s26 =	simm.s32 $0x1400  }
0x9b: {  	[tilespmem:s26], [sflag:$0x1] =	stream.indirect.gather [hbm4b:s13+s22], $0x1, s4, s22, $0xb8;
	[tilespmem:$0x1880] =	vst v63  }
0x9c: {  	s25 =	simm.s32 $0xC80  }
0x9d: {  	[tilespmem:s25], [sflag:$0x1] =	stream.indirect.gather [hbm4b:s1+s22], $0x1, s22, s22, $0xb8;
	[tilespmem:$0x1880] =	vst v63  }
0x9e: {  	s26 =	simm.s32 $0x280;
	s25 =	simm.s32 $0xE80  }
0x9f: {  	[tilespmem:s25], [sflag:$0x1] =	stream.indirect.gather [hbm4b:s5+s22], $0x1, s26, s22, $0xb8;
	[tilespmem:$0x1880] =	vst v63  }
0xa0: {  	s25 =	simm.s32 $0x1080  }
0xa1: {  	[tilespmem:s25], [sflag:$0x1] =	stream.indirect.gather [hbm4b:s6+s22], $0x1, s22, s22, $0xb8;
	[tilespmem:$0x1880] =	vst v63  }
0xa2: {  	s26 =	simm.s32 $0x1280  }
0xa3: {  	[tilespmem:s26], [sflag:$0x1] =	stream.indirect.gather [hbm4b:s12+s22], $0x1, s22, s22, $0xb8;
	[tilespmem:$0x1880] =	vst v63  }
0xa4: {  	s25 =	simm.s32 $0x1480  }
0xa5: {  	[tilespmem:s25], [sflag:$0x1] =	stream.indirect.gather [hbm4b:s13+s22], $0x1, s22, s22, $0xb8;
	[tilespmem:$0x1880] =	vst v63  }
0xa6: {  	s26 =	simm.s32 $0xD00  }
0xa7: {  	[tilespmem:s26], [sflag:$0x1] =	stream.indirect.gather [hbm4b:s1+s22], $0x1, s18, s22, $0xb8;
	[tilespmem:$0x1880] =	vst v63  }
0xa8: {  	s25 =	simm.s32 $0x300;
	s26 =	simm.s32 $0xF00  }
0xa9: {  	[tilespmem:s26], [sflag:$0x1] =	stream.indirect.gather [hbm4b:s5+s22], $0x1, s25, s22, $0xb8;
	[tilespmem:$0x1880] =	vst v63  }
0xaa: {  	s26 =	simm.s32 $0x1100  }
0xab: {  	[tilespmem:s26], [sflag:$0x1] =	stream.indirect.gather [hbm4b:s6+s22], $0x1, s18, s22, $0xb8;
	[tilespmem:$0x1880] =	vst v63  }
0xac: {  	s25 =	simm.s32 $0x1300  }
0xad: {  	[tilespmem:s25], [sflag:$0x1] =	stream.indirect.gather [hbm4b:s12+s22], $0x1, s18, s22, $0xb8;
	[tilespmem:$0x1880] =	vst v63  }
0xae: {  	s26 =	simm.s32 $0x1500  }
0xaf: {  	[tilespmem:s26], [sflag:$0x1] =	stream.indirect.gather [hbm4b:s13+s22], $0x1, s18, s22, $0xb8;
	[tilespmem:$0x1880] =	vst v63  }
0xb0: {  	_ = 	snop  }
0xb1: {  	[tilespmem:s29], [sflag:$0x1] =	stream.indirect.gather [hbm4b:s1+s22], $0x1, s28, s22, $0xb8;
	[tilespmem:$0x1880] =	vst v63  }
0xb2: {  	_ = 	snop  }
0xb3: {  	[tilespmem:s31], [sflag:$0x1] =	stream.indirect.gather [hbm4b:s5+s22], $0x1, s30, s22, $0xb8;
	[tilespmem:$0x1880] =	vst v63  }
0xb4: {  	_ = 	snop  }
0xb5: {  	[tilespmem:s0], [sflag:$0x1] =	stream.indirect.gather [hbm4b:s6+s22], $0x1, s28, s22, $0xb8;
	[tilespmem:$0x1880] =	vst v63  }
0xb6: {  	_ = 	snop  }
0xb7: {  	[tilespmem:s3], [sflag:$0x1] =	stream.indirect.gather [hbm4b:s12+s22], $0x1, s28, s22, $0xb8;
	[tilespmem:$0x1880] =	vst v63  }
0xb8: {  	_ = 	snop  }
0xb9: {  	[tilespmem:s2], [sflag:$0x1] =	stream.indirect.gather [hbm4b:s13+s22], $0x1, s28, s22, $0xb8;
	[tilespmem:$0x1880] =	vst v63  }
0xba: {  	_ =	swait.ge [sflag:s19], $0x80  }
0xbb: {  	[sflag:s19] =	ssyncset.done $0x0  }
0xbc: {  	[sflag:s19] =	ssyncadd.s32 $0xFFFFFF80  }
0xbd: {  	_ =	swait.ge [sflag:s19], $0x80  }
0xbe: {  	[sflag:s19] =	ssyncset.done $0x0  }
0xbf: {  	[sflag:s19] =	ssyncadd.s32 $0xFFFFFF80  }
0xc0: {  	_ =	swait.ge [sflag:s19], $0x80  }
0xc1: {  	[sflag:s19] =	ssyncset.done $0x0  }
0xc2: {  	[sflag:s19] =	ssyncadd.s32 $0xFFFFFF80  }
0xc3: {  	_ =	swait.ge [sflag:s19], $0x80  }
0xc4: {  	[sflag:s19] =	ssyncset.done $0x0  }
0xc5: {  	[sflag:s19] =	ssyncadd.s32 $0xFFFFFF80  }
0xc6: {  	_ =	swait.ge [sflag:s19], $0x80  }
0xc7: {  	[sflag:s19] =	ssyncset.done $0x0  }
0xc8: {  	[sflag:s19] =	ssyncadd.s32 $0xFFFFFF80  }
0xc9: {  	_ =	swait.ge [sflag:s19], $0x80  }
0xca: {  	[sflag:s19] =	ssyncset.done $0x0  }
0xcb: {  	[sflag:s19] =	ssyncadd.s32 $0xFFFFFF80  }
0xcc: {  	_ =	swait.ge [sflag:s19], $0x80  }
0xcd: {  	[sflag:s19] =	ssyncset.done $0x0  }
0xce: {  	[sflag:s19] =	ssyncadd.s32 $0xFFFFFF80  }
0xcf: {  	_ =	swait.ge [sflag:s19], $0x80  }
0xd0: {  	[sflag:s19] =	ssyncset.done $0x0  }
0xd1: {  	[sflag:s19] =	ssyncadd.s32 $0xFFFFFF80  }
0xd2: {  	_ =	swait.ge [sflag:s19], $0x80  }
0xd3: {  	[sflag:s19] =	ssyncset.done $0x0  }
0xd4: {  	[sflag:s19] =	ssyncadd.s32 $0xFFFFFF80  }
0xd5: {  	_ =	swait.ge [sflag:s19], $0x80  }
0xd6: {  	[sflag:s19] =	ssyncset.done $0x0  }
0xd7: {  	[sflag:s19] =	ssyncadd.s32 $0xFFFFFF80  }
0xd8: {  	_ =	swait.ge [sflag:s19], $0x80  }
0xd9: {  	[sflag:s19] =	ssyncset.done $0x0  }
0xda: {  	[sflag:s19] =	ssyncadd.s32 $0xFFFFFF80  }
0xdb: {  	_ =	swait.ge [sflag:s19], $0x80  }
0xdc: {  	[sflag:s19] =	ssyncset.done $0x0  }
0xdd: {  	[sflag:s19] =	ssyncadd.s32 $0xFFFFFF80  }
0xde: {  	_ =	swait.ge [sflag:s19], $0x80  }
0xdf: {  	[sflag:s19] =	ssyncset.done $0x0  }
0xe0: {  	[sflag:s19] =	ssyncadd.s32 $0xFFFFFF80  }
0xe1: {  	_ =	swait.ge [sflag:s19], $0x80  }
0xe2: {  	[sflag:s19] =	ssyncset.done $0x0  }
0xe3: {  	[sflag:s19] =	ssyncadd.s32 $0xFFFFFF80  }
0xe4: {  	_ =	swait.ge [sflag:s19], $0x80  }
0xe5: {  	[sflag:s19] =	ssyncset.done $0x0  }
0xe6: {  	[sflag:s19] =	ssyncadd.s32 $0xFFFFFF80  }
0xe7: {  	_ =	swait.ge [sflag:s19], $0x80  }
0xe8: {  	[sflag:s19] =	ssyncset.done $0x0  }
0xe9: {  	[sflag:s19] =	ssyncadd.s32 $0xFFFFFF80  }
0xea: {  	_ =	swait.ge [sflag:s19], $0x80  }
0xeb: {  	[sflag:s19] =	ssyncset.done $0x0  }
0xec: {  	[sflag:s19] =	ssyncadd.s32 $0xFFFFFF80  }
0xed: {  	_ =	swait.ge [sflag:s19], $0x80  }
0xee: {  	[sflag:s19] =	ssyncset.done $0x0  }
0xef: {  	[sflag:s19] =	ssyncadd.s32 $0xFFFFFF80  }
0xf0: {  	_ =	swait.ge [sflag:s19], $0x80  }
0xf1: {  	[sflag:s19] =	ssyncset.done $0x0  }
0xf2: {  	[sflag:s19] =	ssyncadd.s32 $0xFFFFFF80  }
0xf3: {  	_ =	swait.ge [sflag:s19], $0x80  }
0xf4: {  	[sflag:s19] =	ssyncset.done $0x0  }
0xf5: {  	s24 =	simm.s32 $0x0;
	[sflag:s19] =	ssyncadd.s32 $0xFFFFFF80  }
0xf6: {  	v3 =	vld [tilespmem:s24+$0xA00]  }
0xf7: {  	v0 =	vld [tilespmem:s24+$0x1200]  }
0xf8: {  	v1 =	vld [tilespmem:s24+$0x1400]  }
0xf9: {  	v2 =	vld [tilespmem:s24+$0xC00]  }
0xfa: {  	v6 =	vld [tilespmem:s24+$0x400]  }
0xfb: {  	v5 =	vld [tilespmem:s24+$0xE00]  }
0xfc: {  	v4 =	vld [tilespmem:s24+$0x1000];
	_ =	sdelay $0x1  }
0xfd: {  	s25 =	simm.s32 $0x10;
	s26 =	simm.s32 $0x80;
	v3 =	vld.idx.msk [tilespmem:v3+s21+$0x0], $0xffff  }
.LBB2_2:
0xfe: {  	p0 =	sne.s32 s26, $0x7C0;
	v7 =	vld [tilespmem:s25+$0xA00];
	vm0 =	veq.s32 v6, $0x1  }
0xff: {  	vm1 =	veq.s32 v6, $0x0;
	v6 =	vsel vm0, v0, v1;
	v0 =	vld [tilespmem:s25+$0x1200];
	v5 =	vadd.f32 v5, v2  }
0x100: {  	v1 =	vld [tilespmem:s25+$0x1400];
	v4 =	vsel vm1, v4, v6  }
0x101: {  	v2 =	vld [tilespmem:s25+$0xC00];
	v4 =	vadd.f32 v5, v4  }
.Ltmp0:
0x102: {  	v6 =	vld [tilespmem:s25+$0x400];
	(pc) =	sbr.rel @p0 .LBB2_2-.Ltmp0, $4  }
0x103: {  	v5 =	vld [tilespmem:s25+$0xE00];
	v3 =	vadd.f32 v4, v3  }
0x104: {  	v4 =	vld [tilespmem:s25+$0x1000]  }
0x105: {  	[tilespmem:s24+$0x1680] =	vst v3;
	s24 =	smov.u32 s25  }
0x106: {  	s25 =	sshra.s32 s26, $0x2;
	s26 =	sadd.s32 $0x40, s26;
	v3 =	vld.idx.msk [tilespmem:v7+s21+$0x0], $0xffff  }
0x107: {  	v7 =	vld [tilespmem:s25+$0xA00]  }
0x108: {  	vm0 =	veq.s32 v6, $0x1;
	v8 =	vld [tilespmem:s25+$0x1200]  }
0x109: {  	vm1 =	veq.s32 v6, $0x0;
	v57 =	vld [tilespmem:s25+$0x1400];
	v0 =	vsel vm0, v0, v1;
	v56 =	vadd.f32 v5, v2  }
0x10a: {  	v58 =	vld [tilespmem:s25+$0xC00];
	v0 =	vsel vm1, v4, v0  }
0x10b: {  	v59 =	vld [tilespmem:s25+$0x400];
	v0 =	vadd.f32 v56, v0  }
0x10c: {  	v60 =	vld [tilespmem:s25+$0xE00]  }
0x10d: {  	v61 =	vld [tilespmem:s25+$0x1000];
	v0 =	vadd.f32 v0, v3;
	_ =	sdelay $0x1  }
0x10e: {  	[tilespmem:s24+$0x1680] =	vst v0  }
0x10f: {  	vm14 =	veq.s32 v59, $0x1;
	v0 =	vld.idx.msk [tilespmem:v7+s21+$0x0], $0xffff  }
0x110: {  	vm15 =	veq.s32 v59, $0x0;
	v63 =	vadd.f32 v60, v58;
	v62 =	vsel vm14, v8, v57  }
0x111: {  	v1 =	vsel vm15, v61, v62  }
0x112: {  	v1 =	vadd.f32 v63, v1;
	_ =	sdelay $0x1  }
0x113: {  	s23 =	sadd.s32 $0x1, s23;
	v0 =	vadd.f32 v1, v0  }
0x114: {  	p0 =	sne.s32 s23, s15  }
.Ltmp1:
0x115: {  	[tilespmem:s25+$0x1680] =	vst v0;
	(pc) =	sbr.rel @p0 .LBB2_1-.Ltmp1, $4  }
0x116: {  	[hbm4b:s14+s4] =	stream.linear.scatter [tilespmem:s20], [sflag:$0x2], $0x200, $0x38;
	[tilespmem:$0x1880] =	vst v63  }
0x117: {  	_ =	swait.ge [sflag:s16], $0x200  }
0x118: {  	[sflag:s16] =	ssyncset.done $0x0  }
0x119: {  	[sflag:s16] =	ssyncadd.s32 $0xFFFFFE00  }
0x11a: {  	_ =	sfence.sel $0x180000  }
0x11b: {  	[bflag:$0x0] =	sbarrier.arrive $0xFFFF  }
0x11c: {  	_ =	strace $0x90000047  }
0x11d: {  	s0 =	stileid.u32;
	[bflag:$0x2] =	sbarrier.arrive $0xFFFF  }
0x11e: {  	p0 =	sne.s32 s0, $0x0;
	s0 =	rddreg [dreg:$0x7]  }
0x11f: {  	s0 =	sadd.s32 @!p0 $0x100000, s0  }
0x120: {  	[sflag:s0] =	ssyncadd.tile.s32 @!p0 $0x1;
	_ =	shalt  }
.Lfunc_end2:
_tile_overlayer_lowered:
.L_overlay_start_2:
0x121: {  	(tag) =	ssettag $0x2  }
0x122: {  	s0 =	rddreg [dreg:$0x0];
	s2 =	stileid.u32  }
0x123: {  	s1 =	rddreg [dreg:$0x1];
	p0 =	sne.s32 s2, $0x0  }
0x124: {  	s3 =	rddreg [dreg:$0x2];
	[bflag:$0x3] =	sbarrier.arrive $0xFFFF;
	s2 =	simm.s32 @!p0 $0x1C02  }
0x125: {  	[timem:s3], [sflag:s2] =	dma.local @!p0 [hbm:s0], s1  }
0x126: {  	s0 =	simm.s32 @!p0 $0x2  }
0x127: {  	_ =	swait.ge @!p0 [sflag:s0], s1  }
0x128: {  	s1 =	ssub.s32 @!p0 $0x0, s1;
	[sflag:s0] =	ssyncset.done @!p0 $0x0  }
0x129: {  	[sflag:s0] =	ssyncadd.s32 @!p0 s1  }
0x12a: {  	[bflag:$0x3] =	sbarrier.arrive $0xFFFF  }
0x12b: {  	_ =	shalt  }

// kernel: kernel.8.cloned.1.call-start
scs
__scs_entry_jumppad:
0x0: {  	(pc) =	sbr.rel $0x88, $3  }
0x1: {  	(tag) =	ssettag $0x0;
	lr =	simm.s32 $0x1  }
0x2: {  	[smem:$0x3F8C] =	sst lr;
	_ =	strace $0xD0000000  }
0x3: {  	_ = 	snop  }
0x4: {  	_ = 	snop  }
0x5: {  	_ = 	snop  }
0x6: {  	_ = 	snop  }
0x7: {  	_ = 	snop  }
__scs_overlays_trampoline_lowered:
0x8: {  	[smem:$0x3F9B] =	sst s0  }
0x9: {  	[smem:$0x3F9C] =	sst s1  }
0xa: {  	[smem:$0x3F9D] =	sst s2  }
0xb: {  	[smem:$0x3F9E] =	sst s3  }
0xc: {  	[smem:$0x3F9F] =	sst s4  }
0xd: {  	[smem:$0x3FA0] =	sst s5  }
0xe: {  	[smem:$0x3FA1] =	sst s6  }
0xf: {  	[smem:$0x3FA2] =	sst s7  }
0x10: {  	[smem:$0x3FA3] =	sst s8  }
0x11: {  	[smem:$0x3FA4] =	sst s9;
	s0 =	simm.s32 @!p0 $0x0  }
0x12: {  	s1 =	sld [smem:$0x3F8A];
	s0 =	simm.s32 @p0 $0x1  }
0x13: {  	[smem:$0x3FA5] =	sst s0;
	s0 =	simm.s32 @!p1 $0x0  }
0x14: {  	s2 =	sld [smem:$0x3F89];
	s0 =	simm.s32 @p1 $0x1  }
0x15: {  	[smem:$0x3FA6] =	sst s0;
	s0 =	simm.s32 @!p2 $0x0  }
0x16: {  	s3 =	sld [smem:$0x3FDB];
	s0 =	simm.s32 @p2 $0x1  }
0x17: {  	s4 =	simm.s32 $0x1BF5;
	[smem:$0x3FA8] =	sst s0  }
0x18: {  	s0 =	sld [smem:$0x3F8B];
	_ =	swait.ge [sflag:s4], $0x0  }
0x19: {  	s7 =	sld [smem:$0x3F8C]  }
0x1a: {  	s8 =	sadd.s32 $0xFFFFE003, lr  }
0x1b: {  	s9 =	sadd.s32 $0xFFFFFEF7, lr;
	s5 =	simm.s32 $0xFFFFFFFF;
	p2 =	slt.u32 s8, $0xFFFFF086  }
0x1c: {  	p1 =	slt.u32 s9, $0xF7A;
	s5 =	simm.s32 @!p2 $0x0  }
0x1d: {  	s5 =	simm.s32 @p1 $0x1;
	p0 =	seq.s32 s7, s2  }
0x1e: {  	s7 =	smul.u32 @!p0 $0xF7A, s2;
	p2 =	seq.s32 @!p0 s5, $0x0  }
0x1f: {  	s9 =	smul.u32 $0xF7A, s1;
	s8 =	simm.s32 @!p0 $0x1BF5;
	p2 =	por !p2, p0  }
0x20: {  	[sflag:s8] =	ssyncset.s32 @!p0 $0xFFFFF086;
	s6 =	sadd.s32 @!p0 s3, s7;
	s7 =	simm.s32 @!p0 $0x108  }
0x21: {  	s3 =	sadd.s32 s3, s9;
	s6 =	sadd.s32 @!p0 $0x88, s6;
	s7 =	simm.s32 @p2 $0x1082  }
0x22: {  	[simem:s7], [sflag:s8] =	dma.local @!p0 [hbm:s6], $0xF7A  }
0x23: {  	s9 =	sor.u32 $0xD0000000, s2;
	s6 =	simm.s32 $0x108;
	_ =	swait.ge @!p0 [sflag:s8], $0x0  }
0x24: {  	s3 =	sadd.s32 $0x88, s3;
	s6 =	simm.s32 @!p1 $0x1082;
	[sflag:s4] =	ssyncset.s32 $0xFFFFF086  }
0x25: {  	[simem:s6], [sflag:s4] =	dma.local [hbm:s3], $0xF7A  }
0x26: {  	[smem:$0x3F8C] =	sst s1;
	(tag) =	ssettag s2;
	_ =	strace s9  }
0x27: {  	s1 =	sld [smem:$0x3F9C]  }
0x28: {  	s2 =	sld [smem:$0x3F9D]  }
0x29: {  	s4 =	sld [smem:$0x3F9F]  }
0x2a: {  	p0 =	seq.s32 s5, $0x0;
	s5 =	sld [smem:$0x3FA0]  }
0x2b: {  	s6 =	sld [smem:$0x3FA1]  }
0x2c: {  	s7 =	sld [smem:$0x3FA2]  }
0x2d: {  	s3 =	simm.s32 $0x108;
	s8 =	sld [smem:$0x3FA3]  }
0x2e: {  	s3 =	simm.s32 @!p0 $0x1082;
	s9 =	sld [smem:$0x3FA4]  }
0x2f: {  	lr =	sadd.s32 s0, s3;
	s0 =	sld [smem:$0x3F9B]  }
0x30: {  	s3 =	sld [smem:$0x3F9E]  }
0x31: {  	[smem:$0x3FA7] =	sst s10  }
0x32: {  	s10 =	sld [smem:$0x3FA5];
	_ =	sdelay $0x3  }
0x33: {  	p0 =	seq.s32 s10, $0x1;
	s10 =	sld [smem:$0x3FA7];
	_ =	sdelay $0x3  }
0x34: {  	[smem:$0x3FA7] =	sst s10  }
0x35: {  	s10 =	sld [smem:$0x3FA6];
	_ =	sdelay $0x3  }
0x36: {  	p1 =	seq.s32 s10, $0x1;
	s10 =	sld [smem:$0x3FA7];
	_ =	sdelay $0x3  }
0x37: {  	[smem:$0x3FA7] =	sst s10  }
0x38: {  	s10 =	sld [smem:$0x3FA8]  }
0x39: {  	_ = 	snop;
	(pc) =	sbr.ind lr, $3  }
0x3a: {  	_ = 	snop  }
0x3b: {  	_ = 	snop  }
0x3c: {  	p2 =	seq.s32 s10, $0x1;
	s10 =	sld [smem:$0x3FA7]  }
0x3d: {  	_ =	shalt  }
0x3e: {  	_ =	shalt  }
0x3f: {  	_ =	shalt  }
0x40: {  	_ =	shalt  }
0x41: {  	_ =	shalt  }
0x42: {  	_ =	shalt  }
0x43: {  	_ =	shalt  }
0x44: {  	_ =	shalt  }
0x45: {  	_ =	shalt  }
0x46: {  	_ =	shalt  }
0x47: {  	_ =	shalt  }
0x48: {  	_ =	shalt  }
0x49: {  	_ =	shalt  }
0x4a: {  	_ =	shalt  }
0x4b: {  	_ =	shalt  }
0x4c: {  	_ =	shalt  }
0x4d: {  	_ =	shalt  }
0x4e: {  	_ =	shalt  }
0x4f: {  	_ =	shalt  }
0x50: {  	_ =	shalt  }
0x51: {  	_ =	shalt  }
0x52: {  	_ =	shalt  }
0x53: {  	_ =	shalt  }
0x54: {  	_ =	shalt  }
0x55: {  	_ =	shalt  }
0x56: {  	_ =	shalt  }
0x57: {  	_ =	shalt  }
0x58: {  	_ =	shalt  }
0x59: {  	_ =	shalt  }
0x5a: {  	_ =	shalt  }
0x5b: {  	_ =	shalt  }
0x5c: {  	_ =	shalt  }
0x5d: {  	_ =	shalt  }
0x5e: {  	_ =	shalt  }
0x5f: {  	_ =	shalt  }
0x60: {  	_ =	shalt  }
0x61: {  	_ =	shalt  }
0x62: {  	_ =	shalt  }
0x63: {  	_ =	shalt  }
0x64: {  	_ =	shalt  }
0x65: {  	_ =	shalt  }
0x66: {  	_ =	shalt  }
0x67: {  	_ =	shalt  }
0x68: {  	_ =	shalt  }
0x69: {  	_ =	shalt  }
0x6a: {  	_ =	shalt  }
0x6b: {  	_ =	shalt  }
0x6c: {  	_ =	shalt  }
0x6d: {  	_ =	shalt  }
0x6e: {  	_ =	shalt  }
0x6f: {  	_ =	shalt  }
0x70: {  	_ =	shalt  }
0x71: {  	_ =	shalt  }
0x72: {  	_ =	shalt  }
0x73: {  	_ =	shalt  }
0x74: {  	_ =	shalt  }
0x75: {  	_ =	shalt  }
0x76: {  	_ =	shalt  }
0x77: {  	_ =	shalt  }
0x78: {  	_ =	shalt  }
0x79: {  	_ =	shalt  }
0x7a: {  	_ =	shalt  }
0x7b: {  	_ =	shalt  }
0x7c: {  	_ =	shalt  }
0x7d: {  	_ =	shalt  }
0x7e: {  	_ =	shalt  }
0x7f: {  	_ =	shalt  }
0x80: {  	_ =	shalt  }
0x81: {  	_ =	shalt  }
0x82: {  	_ =	shalt  }
0x83: {  	_ =	shalt  }
0x84: {  	_ =	shalt  }
0x85: {  	_ =	shalt  }
0x86: {  	_ =	shalt  }
0x87: {  	_ =	shalt  }
.Lfunc_end0:
.L_simem_size_0:
called_computation.1_lowered:
.L_overlay_start_0:
0x88: {  	s2 =	sld [smem:$0x3FD9]  }
0x89: {  	s3 =	sld [smem:$0x3FFE];
	_ =	sdelay $0x1  }
0x8a: {  	s1 =	srdreg.scid  }
0x8b: {  	s0 =	sand.u32 $0x1, s1  }
0x8c: {  	s17 =	sshll.u32 s0, $0xA;
	s2 =	sadd.s32 s3, s2  }
0x8d: {  	s2 =	sadd.s32 s2, s17  }
0x8e: {  	[smem:$0x3FB3] =	sst s2  }
0x8f: {  	_ = 	snop  }
0x90: {  	s2 =	sld [smem:$0x3FC9]  }
0x91: {  	s18 =	sld [smem:$0x3FC8]  }
0x92: {  	s4 =	sld [smem:$0x3FD0];
	(tm) =	ssettm $0x1  }
0x93: {  	s5 =	sld [smem:$0x3FFB];
	_ =	sdelay $0x3  }
0x94: {  	_ =	strace s5  }
0x95: {  	s5 =	sld [smem:$0x3FFC];
	_ =	sdelay $0x3  }
0x96: {  	_ =	strace s5  }
0x97: {  	s5 =	sld [smem:$0x3FFD];
	_ =	sdelay $0x3  }
0x98: {  	_ =	strace s5  }
0x99: {  	_ =	strace $0x8FFFFFFF  }
0x9a: {  	s19 =	sld [smem:$0x3FDB];
	_ =	sdelay $0x1  }
0x9b: {  	s6 =	simm.s32 $_scs_section_size  }
0x9c: {  	s7 =	simm.s32 $_size__tile_overlayer_lowered;
	s8 =	simm.s32 $_tile_overlayer_lowered  }
0x9d: {  	s22 =	simm.s32 $0x1BFF;
	s21 =	sshll.u32 s8, $0x1;
	s5 =	sadd.s32 s6, s19  }
0x9e: {  	s9 =	simm.s32 $0x0;
	s20 =	sshll.u32 s7, $0x1;
	s7 =	sadd.s32 s21, s5  }
0x9f: {  	[timem:s9], [sflag:s22] =	dma.local [hbm:s7], s20  }
0xa0: {  	_ =	swait.ge [sflag:s22], s20  }
0xa1: {  	s6 =	ssub.s32 $0x0, s20;
	[sflag:s22] =	ssyncset.done $0x0  }
0xa2: {  	[sflag:s22] =	ssyncadd.s32 s6;
	_ =	sdelay $0x1  }
0xa3: {  	s23 =	simm.s32 $0x1B8B  }
0xa4: {  	_ =	swait.ge [sflag:s23], $0x1  }
0xa5: {  	[sflag:s23] =	ssyncset.done $0x0  }
0xa6: {  	s25 =	simm.s32 $0x1B8E;
	s24 =	sld [smem:$0x3FFE];
	[sflag:s23] =	ssyncadd.s32 $0xFFFFFFFF  }
0xa7: {  	s26 =	simm.s32 $execute0_lowered;
	[smem:$0x3FD2] =	sst s25  }
0xa8: {  	s7 =	sshll.u32 s26, $0x1;
	_ =	strace $0x80000049;
	[dreg:$0x1] =	wrdreg $0xFFFFFFFF  }
0xa9: {  	s28 =	simm.s32 $_size_execute0_lowered;
	s5 =	sadd.s32 s5, s7;
	[dreg:$0x0] =	wrdreg $0x0  }
0xaa: {  	s7 =	sshll.u32 s28, $0x1;
	[dreg:$0x2] =	wrdreg s5  }
0xab: {  	[dreg:$0x3] =	wrdreg s7  }
0xac: {  	[dreg:$0x4] =	wrdreg $0xC0  }
0xad: {  	_ =	task [dreg:s9], $0x5FFFF  }
0xae: {  	[dreg:$0x1] =	wrdreg $0xFFFFFFFF  }
0xaf: {  	[dreg:$0x0] =	wrdreg $0x60  }
0xb0: {  	[dreg:$0x2] =	wrdreg s2  }
0xb1: {  	[dreg:$0x3] =	wrdreg s18  }
0xb2: {  	[dreg:$0x4] =	wrdreg s24  }
0xb3: {  	[dreg:$0x5] =	wrdreg s4  }
0xb4: {  	[dreg:$0x6] =	wrdreg $0x9  }
0xb5: {  	_ =	task.clear_ibuf [dreg:s9], $0x7FFFF;
	_ =	strace $0x90000049  }
0xb6: {  	s29 =	simm.s32 $0x9;
	_ =	strace $0x8000004B  }
0xb7: {  	_ =	swait.ge [sflag:s29], $0x1  }
0xb8: {  	[sflag:s29] =	ssyncadd.s32 $0xFFFFFFFF  }
0xb9: {  	_ =	strace $0x9000004B  }
0xba: {  	_ =	sfence  }
0xbb: {  	s30 =	sld [smem:$0x0];
	_ =	sdelay $0x2  }
0xbc: {  	s31 =	sshll.u32 s1, $0xD;
	s1 =	sshrl.u32 s1, $0x2  }
0xbd: {  	s3 =	sand.u32 $0x4000, s31;
	s1 =	sadd.s32 s1, s30  }
0xbe: {  	s0 =	sor.u32 s3, s0;
	s1 =	sshll.u32 s1, $0x11  }
0xbf: {  	s0 =	sor.u32 s1, s0  }
0xc0: {  	s0 =	sadd.s32 $0x8F2B, s0  }
0xc1: {  	[sflag:s0] =	ssyncadd.remote.s32 $0x1  }
0xc2: {  	_ =	sfence.sel $0xFFFF  }
0xc3: {  	[dreg:$0x0] =	wrdreg $0xFFFFFFFF;
	(pc) =	sbr.abs _section_cstart, $3  }
0xc4: {  	[dreg:$0x1] =	wrdreg $0xFFFFFFFF  }
0xc5: {  	_ =	task.clear_ibuf [dreg:s9], $0x2FFFF;
	_ =	strace $0x9FFFFFFF  }
0xc6: {  	(tm) =	ssettm $0x7FFFFFFF  }
0xc7: {  	_ =	shalt  }
tec
execute0_lowered:
.L_overlay_start_1:
0x0: {  	(tag) =	ssettag $0x1  }
0x1: {  	s5 =	rddreg [dreg:$0x0]  }
0x2: {  	s6 =	rddreg [dreg:$0x1]  }
0x3: {  	s4 =	rddreg [dreg:$0x2]  }
0x4: {  	s8 =	rddreg [dreg:$0x3];
	s2 =	srdreg.scid  }
0x5: {  	s0 =	rddreg [dreg:$0x4];
	s1 =	stileid.u32  }
0x6: {  	s12 =	simm.s32 $0x400;
	s13 =	simm.s32 $0x1;
	s14 =	simm.s32 $0x10600  }
0x7: {  	s15 =	simm.s32 $0x0;
	s3 =	sand.u32 $0x1, s2;
	s2 =	simm.s32 $0x0  }
0x8: {  	s7 =	sshll.u32 s1, $0x7;
	s9 =	sshll.u32 s3, $0x6;
	[smem:$0x7FF] =	sst s2  }
0x9: {  	vm0 =	vmmov $0x1;
	vm1 =	vmmov $0x3;
	vm2 =	vmmov $0x7;
	s10 =	ssub.s32 $0x2, s3;
	s3 =	sadd.s32 $0x99600, s4;
	s9 =	sor.u32 s9, s7  }
0xa: {  	vm3 =	vmmov $0xf;
	vm4 =	vmmov $0x1f;
	vm5 =	vmmov $0x3f;
	_ =	strace $0x8000004A;
	s11 =	sshrl.u32 s10, $0x1;
	s7 =	sadd.s32 s9, s4  }
0xb: {  	vm6 =	vmmov $0x7f;
	vm7 =	vmmov $0xff;
	vm8 =	vmmov $0x1ff;
	s4 =	sadd.s32 $0xFDBA00, s4;
	s10 =	ssub.s32 s10, s11;
	s5 =	sadd.s32 s5, s9  }
0xc: {  	vm9 =	vmmov $0x3ff;
	vm10 =	vmmov $0x7ff;
	vm11 =	vmmov $0xfff;
	s6 =	sadd.s32 s6, s9;
	s8 =	sadd.s32 s8, s9;
	s11 =	simm.s32 $0x200  }
0xd: {  	vm12 =	vmmov $0x1fff;
	vm13 =	vmmov $0x3fff;
	vm14 =	vmmov $0x7fff;
	s7 =	sadd.s32 $0x98E00, s7;
	s9 =	smax.u32 s10, $0x1;
	s10 =	simm.s32 $0x2  }
.LBB2_1:
0xe: {  	[tilespmem:s2], [sflag:$0x2] =	stream.linear.gather [hbm4b:s5+s2], $0x200, $0x38;
	[tilespmem:$0x10800] =	vst v63  }
0xf: {  	_ =	swait.ge [sflag:s10], $0x200  }
0x10: {  	[sflag:s10] =	ssyncset.done $0x0  }
0x11: {  	[sflag:s10] =	ssyncadd.s32 $0xFFFFFE00  }
0x12: {  	[tilespmem:s11], [sflag:$0x2] =	stream.linear.gather [hbm4b:s6+s2], $0x200, $0x38;
	[tilespmem:$0x10800] =	vst v63  }
0x13: {  	_ =	swait.ge [sflag:s10], $0x200  }
0x14: {  	[sflag:s10] =	ssyncset.done $0x0  }
0x15: {  	[sflag:s10] =	ssyncadd.s32 $0xFFFFFE00  }
0x16: {  	[tilespmem:s12], [sflag:$0x2] =	stream.linear.gather [hbm4b:s7+s2], $0x200, $0x38;
	[tilespmem:$0x10800] =	vst v63  }
0x17: {  	_ =	swait.ge [sflag:s10], $0x200  }
0x18: {  	[sflag:s10] =	ssyncset.done $0x0  }
0x19: {  	s16 =	simm.s32 $0x0;
	[sflag:s10] =	ssyncadd.s32 $0xFFFFFE00  }
.LBB2_2:
0x1a: {  	s17 =	sshll.u32 s16, $0x5;
	s18 =	simm.s32 $0x0;
	p0 =	por $0x1, $0x1  }
.LBB2_3:
0x1b: {  	s19 =	sshll.u32 s18, $0x4  }
0x1c: {  	s19 =	sor.u32 s17, s19  }
0x1d: {  	v1 =	vld [tilespmem:s19+$0x0];
	_ =	sdelay $0x4  }
0x1e: {  	(v2sf) =	vpush v1, $0x0  }
0x1f: {  	v0 =	vld [tilespmem:s19+$0x200];
	_ =	sdelay $0x4  }
0x20: {  	(v2sf) =	vpush v0, $0x0;
	_ =	sdelay $0x7  }
0x21: {  	(v2sf) =	vpush v1, $0x1  }
0x22: {  	s29 =	spop (v2sf);
	(v2sf) =	vpush v0, $0x1;
	_ =	sdelay $0x5  }
0x23: {  	s31 =	spop (v2sf);
	(v2sf) =	vpush v1, $0x2;
	_ =	sdelay $0x5  }
0x24: {  	s20 =	sshra.s32 s29, $0x1F  }
0x25: {  	s20 =	sshrl.u32 s20, $0x1D;
	s21 =	sshra.s32 s31, $0x1F  }
0x26: {  	s19 =	sadd.s32 s20, s29;
	s20 =	sshrl.u32 s21, $0x1D;
	s21 =	spop (v2sf)  }
0x27: {  	s25 =	spop (v2sf);
	(v2sf) =	vpush v0, $0x2;
	_ =	sdelay $0x4  }
0x28: {  	s19 =	sshll.u32 s19, $0x4  }
0x29: {  	s18 =	sshll.u32 s18, $0xE;
	s19 =	sand.u32 $0xFFFFF80, s19;
	s29 =	spop (v2sf);
	(v2sf) =	vpush v1, $0x3  }
0x2a: {  	s30 =	sor.u32 $0x600, s18;
	s19 =	sadd.s32 s3, s19  }
0x2b: {  	[tilespmem:s30], [sflag:$0x1] =	stream.linear.gather [hbm4b:s19+s2], $0x400, $0x38;
	[tilespmem:$0x10800] =	vst v63  }
0x2c: {  	s19 =	sadd.s32 s20, s31  }
0x2d: {  	s19 =	sshll.u32 s19, $0x4  }
0x2e: {  	s19 =	sand.u32 $0xFFFFF80, s19  }
0x2f: {  	s22 =	sadd.s32 $0x8600, s18;
	s23 =	sshra.s32 s21, $0x1F;
	s19 =	sadd.s32 s4, s19  }
0x30: {  	[tilespmem:s22], [sflag:$0x1] =	stream.linear.gather [hbm4b:s19+s2], $0x400, $0x38;
	[tilespmem:$0x10800] =	vst v63  }
0x31: {  	s19 =	sshrl.u32 s23, $0x1D  }
0x32: {  	s19 =	sadd.s32 s19, s21;
	s21 =	spop (v2sf);
	(v2sf) =	vpush v0, $0x3;
	_ =	sdelay $0x1  }
0x33: {  	s19 =	sshll.u32 s19, $0x4  }
0x34: {  	s19 =	sand.u32 $0xFFFFF80, s19  }
0x35: {  	s24 =	sor.u32 $0xA00, s18;
	s19 =	sadd.s32 s3, s19  }
0x36: {  	[tilespmem:s24], [sflag:$0x1] =	stream.linear.gather [hbm4b:s19+s2], $0x400, $0x38;
	[tilespmem:$0x10800] =	vst v63  }
0x37: {  	s24 =	spop (v2sf);
	(v2sf) =	vpush v1, $0x4;
	_ =	sdelay $0x1  }
0x38: {  	s26 =	sshra.s32 s25, $0x1F  }
0x39: {  	s20 =	sshrl.u32 s26, $0x1D  }
0x3a: {  	s19 =	sadd.s32 s20, s25  }
0x3b: {  	s19 =	sshll.u32 s19, $0x4  }
0x3c: {  	s19 =	sand.u32 $0xFFFFF80, s19  }
0x3d: {  	s28 =	sadd.s32 $0x8A00, s18;
	s30 =	sshra.s32 s29, $0x1F;
	s19 =	sadd.s32 s4, s19  }
0x3e: {  	[tilespmem:s28], [sflag:$0x1] =	stream.linear.gather [hbm4b:s19+s2], $0x400, $0x38;
	[tilespmem:$0x10800] =	vst v63  }
0x3f: {  	s19 =	sshrl.u32 s30, $0x1D;
	s28 =	spop (v2sf);
	(v2sf) =	vpush v0, $0x4  }
0x40: {  	s19 =	sadd.s32 s19, s29  }
0x41: {  	s19 =	sshll.u32 s19, $0x4  }
0x42: {  	s19 =	sand.u32 $0xFFFFF80, s19  }
0x43: {  	s31 =	sor.u32 $0xE00, s18;
	s19 =	sadd.s32 s3, s19  }
0x44: {  	[tilespmem:s31], [sflag:$0x1] =	stream.linear.gather [hbm4b:s19+s2], $0x400, $0x38;
	[tilespmem:$0x10800] =	vst v63  }
0x45: {  	s31 =	spop (v2sf);
	(v2sf) =	vpush v1, $0x5;
	_ =	sdelay $0x1  }
0x46: {  	s22 =	sshra.s32 s21, $0x1F  }
0x47: {  	s20 =	sshrl.u32 s22, $0x1D  }
0x48: {  	s19 =	sadd.s32 s20, s21  }
0x49: {  	s19 =	sshll.u32 s19, $0x4  }
0x4a: {  	s19 =	sand.u32 $0xFFFFF80, s19  }
0x4b: {  	s23 =	sadd.s32 $0x8E00, s18;
	s25 =	sshra.s32 s24, $0x1F;
	s19 =	sadd.s32 s4, s19  }
0x4c: {  	[tilespmem:s23], [sflag:$0x1] =	stream.linear.gather [hbm4b:s19+s2], $0x400, $0x38;
	[tilespmem:$0x10800] =	vst v63  }
0x4d: {  	s19 =	sshrl.u32 s25, $0x1D;
	s23 =	spop (v2sf);
	(v2sf) =	vpush v0, $0x5  }
0x4e: {  	s19 =	sadd.s32 s19, s24  }
0x4f: {  	s19 =	sshll.u32 s19, $0x4  }
0x50: {  	s19 =	sand.u32 $0xFFFFF80, s19  }
0x51: {  	s26 =	sor.u32 $0x1200, s18;
	s19 =	sadd.s32 s3, s19  }
0x52: {  	[tilespmem:s26], [sflag:$0x1] =	stream.linear.gather [hbm4b:s19+s2], $0x400, $0x38;
	[tilespmem:$0x10800] =	vst v63  }
0x53: {  	s26 =	spop (v2sf);
	(v2sf) =	vpush v1, $0x6;
	_ =	sdelay $0x1  }
0x54: {  	s29 =	sshra.s32 s28, $0x1F  }
0x55: {  	s20 =	sshrl.u32 s29, $0x1D  }
0x56: {  	s19 =	sadd.s32 s20, s28  }
0x57: {  	s19 =	sshll.u32 s19, $0x4  }
0x58: {  	s19 =	sand.u32 $0xFFFFF80, s19  }
0x59: {  	s30 =	sadd.s32 $0x9200, s18;
	s20 =	sshra.s32 s31, $0x1F;
	s19 =	sadd.s32 s4, s19  }
0x5a: {  	[tilespmem:s30], [sflag:$0x1] =	stream.linear.gather [hbm4b:s19+s2], $0x400, $0x38;
	[tilespmem:$0x10800] =	vst v63  }
0x5b: {  	s19 =	sshrl.u32 s20, $0x1D;
	s30 =	spop (v2sf);
	(v2sf) =	vpush v0, $0x6  }
0x5c: {  	s19 =	sadd.s32 s19, s31  }
0x5d: {  	s19 =	sshll.u32 s19, $0x4  }
0x5e: {  	s19 =	sand.u32 $0xFFFFF80, s19  }
0x5f: {  	s22 =	sor.u32 $0x1600, s18;
	s19 =	sadd.s32 s3, s19  }
0x60: {  	[tilespmem:s22], [sflag:$0x1] =	stream.linear.gather [hbm4b:s19+s2], $0x400, $0x38;
	[tilespmem:$0x10800] =	vst v63  }
0x61: {  	s24 =	sshra.s32 s23, $0x1F;
	s22 =	spop (v2sf);
	(v2sf) =	vpush v1, $0x7  }
0x62: {  	s20 =	sshrl.u32 s24, $0x1D  }
0x63: {  	s19 =	sadd.s32 s20, s23  }
0x64: {  	s19 =	sshll.u32 s19, $0x4  }
0x65: {  	s19 =	sand.u32 $0xFFFFF80, s19  }
0x66: {  	s25 =	sadd.s32 $0x9600, s18;
	s28 =	sshra.s32 s26, $0x1F;
	s19 =	sadd.s32 s4, s19  }
0x67: {  	[tilespmem:s25], [sflag:$0x1] =	stream.linear.gather [hbm4b:s19+s2], $0x400, $0x38;
	[tilespmem:$0x10800] =	vst v63  }
0x68: {  	s19 =	sshrl.u32 s28, $0x1D  }
0x69: {  	s19 =	sadd.s32 s19, s26  }
0x6a: {  	s19 =	sshll.u32 s19, $0x4;
	s25 =	spop (v2sf);
	(v2sf) =	vpush v0, $0x7  }
0x6b: {  	s19 =	sand.u32 $0xFFFFF80, s19  }
0x6c: {  	s29 =	sor.u32 $0x1A00, s18;
	s19 =	sadd.s32 s3, s19  }
0x6d: {  	[tilespmem:s29], [sflag:$0x1] =	stream.linear.gather [hbm4b:s19+s2], $0x400, $0x38;
	[tilespmem:$0x10800] =	vst v63  }
0x6e: {  	s31 =	sshra.s32 s30, $0x1F  }
0x6f: {  	s20 =	sshrl.u32 s31, $0x1D  }
0x70: {  	s19 =	sadd.s32 s20, s30;
	s29 =	spop (v2sf);
	(v2sf) =	vpush v1, $0x8  }
0x71: {  	s19 =	sshll.u32 s19, $0x4  }
0x72: {  	s19 =	sand.u32 $0xFFFFF80, s19  }
0x73: {  	s21 =	sadd.s32 $0x9A00, s18;
	s23 =	sshra.s32 s22, $0x1F;
	s19 =	sadd.s32 s4, s19  }
0x74: {  	[tilespmem:s21], [sflag:$0x1] =	stream.linear.gather [hbm4b:s19+s2], $0x400, $0x38;
	[tilespmem:$0x10800] =	vst v63  }
0x75: {  	s19 =	sshrl.u32 s23, $0x1D  }
0x76: {  	s19 =	sadd.s32 s19, s22  }
0x77: {  	s19 =	sshll.u32 s19, $0x4  }
0x78: {  	s19 =	sand.u32 $0xFFFFF80, s19  }
0x79: {  	s24 =	sor.u32 $0x1E00, s18;
	s19 =	sadd.s32 s3, s19;
	s21 =	spop (v2sf);
	(v2sf) =	vpush v0, $0x8  }
0x7a: {  	[tilespmem:s24], [sflag:$0x1] =	stream.linear.gather [hbm4b:s19+s2], $0x400, $0x38;
	[tilespmem:$0x10800] =	vst v63  }
0x7b: {  	s26 =	sshra.s32 s25, $0x1F  }
0x7c: {  	s20 =	sshrl.u32 s26, $0x1D  }
0x7d: {  	s19 =	sadd.s32 s20, s25  }
0x7e: {  	s19 =	sshll.u32 s19, $0x4  }
0x7f: {  	s19 =	sand.u32 $0xFFFFF80, s19;
	s24 =	spop (v2sf);
	(v2sf) =	vpush v1, $0x9  }
0x80: {  	s28 =	sadd.s32 $0x9E00, s18;
	s30 =	sshra.s32 s29, $0x1F;
	s19 =	sadd.s32 s4, s19  }
0x81: {  	[tilespmem:s28], [sflag:$0x1] =	stream.linear.gather [hbm4b:s19+s2], $0x400, $0x38;
	[tilespmem:$0x10800] =	vst v63  }
0x82: {  	s19 =	sshrl.u32 s30, $0x1D  }
0x83: {  	s19 =	sadd.s32 s19, s29  }
0x84: {  	s19 =	sshll.u32 s19, $0x4  }
0x85: {  	s19 =	sand.u32 $0xFFFFF80, s19  }
0x86: {  	s31 =	sor.u32 $0x2200, s18;
	s19 =	sadd.s32 s3, s19  }
0x87: {  	[tilespmem:s31], [sflag:$0x1] =	stream.linear.gather [hbm4b:s19+s2], $0x400, $0x38;
	[tilespmem:$0x10800] =	vst v63  }
0x88: {  	s28 =	spop (v2sf);
	(v2sf) =	vpush v0, $0x9  }
0x89: {  	s22 =	sshra.s32 s21, $0x1F  }
0x8a: {  	s20 =	sshrl.u32 s22, $0x1D  }
0x8b: {  	s19 =	sadd.s32 s20, s21  }
0x8c: {  	s19 =	sshll.u32 s19, $0x4  }
0x8d: {  	s23 =	sadd.s32 $0xA200, s18;
	s19 =	sand.u32 $0xFFFFF80, s19  }
0x8e: {  	s25 =	sshra.s32 s24, $0x1F;
	s19 =	sadd.s32 s4, s19;
	s31 =	spop (v2sf);
	(v2sf) =	vpush v1, $0xA  }
0x8f: {  	[tilespmem:s23], [sflag:$0x1] =	stream.linear.gather [hbm4b:s19+s2], $0x400, $0x38;
	[tilespmem:$0x10800] =	vst v63  }
0x90: {  	s19 =	sshrl.u32 s25, $0x1D  }
0x91: {  	s19 =	sadd.s32 s19, s24  }
0x92: {  	s19 =	sshll.u32 s19, $0x4  }
0x93: {  	s19 =	sand.u32 $0xFFFFF80, s19  }
0x94: {  	s26 =	sor.u32 $0x2600, s18;
	s19 =	sadd.s32 s3, s19  }
0x95: {  	[tilespmem:s26], [sflag:$0x1] =	stream.linear.gather [hbm4b:s19+s2], $0x400, $0x38;
	[tilespmem:$0x10800] =	vst v63  }
0x96: {  	s29 =	sshra.s32 s28, $0x1F  }
0x97: {  	s20 =	sshrl.u32 s29, $0x1D;
	s23 =	spop (v2sf);
	(v2sf) =	vpush v0, $0xA  }
0x98: {  	s19 =	sadd.s32 s20, s28  }
0x99: {  	s19 =	sshll.u32 s19, $0x4  }
0x9a: {  	s19 =	sand.u32 $0xFFFFF80, s19  }
0x9b: {  	s30 =	sadd.s32 $0xA600, s18;
	s20 =	sshra.s32 s31, $0x1F;
	s19 =	sadd.s32 s4, s19  }
0x9c: {  	[tilespmem:s30], [sflag:$0x1] =	stream.linear.gather [hbm4b:s19+s2], $0x400, $0x38;
	[tilespmem:$0x10800] =	vst v63  }
0x9d: {  	s19 =	sshrl.u32 s20, $0x1D;
	s26 =	spop (v2sf);
	(v2sf) =	vpush v1, $0xB  }
0x9e: {  	s19 =	sadd.s32 s19, s31  }
0x9f: {  	s19 =	sshll.u32 s19, $0x4  }
0xa0: {  	s19 =	sand.u32 $0xFFFFF80, s19  }
0xa1: {  	s22 =	sor.u32 $0x2A00, s18;
	s19 =	sadd.s32 s3, s19  }
0xa2: {  	[tilespmem:s22], [sflag:$0x1] =	stream.linear.gather [hbm4b:s19+s2], $0x400, $0x38;
	[tilespmem:$0x10800] =	vst v63  }
0xa3: {  	s24 =	sshra.s32 s23, $0x1F  }
0xa4: {  	s20 =	sshrl.u32 s24, $0x1D  }
0xa5: {  	s19 =	sadd.s32 s20, s23  }
0xa6: {  	s19 =	sshll.u32 s19, $0x4;
	s30 =	spop (v2sf);
	(v2sf) =	vpush v0, $0xB  }
0xa7: {  	s19 =	sand.u32 $0xFFFFF80, s19  }
0xa8: {  	s25 =	sadd.s32 $0xAA00, s18;
	s28 =	sshra.s32 s26, $0x1F;
	s19 =	sadd.s32 s4, s19  }
0xa9: {  	[tilespmem:s25], [sflag:$0x1] =	stream.linear.gather [hbm4b:s19+s2], $0x400, $0x38;
	[tilespmem:$0x10800] =	vst v63  }
0xaa: {  	s19 =	sshrl.u32 s28, $0x1D  }
0xab: {  	s19 =	sadd.s32 s19, s26  }
0xac: {  	s19 =	sshll.u32 s19, $0x4;
	s22 =	spop (v2sf);
	(v2sf) =	vpush v1, $0xC  }
0xad: {  	s19 =	sand.u32 $0xFFFFF80, s19  }
0xae: {  	s29 =	sor.u32 $0x2E00, s18;
	s19 =	sadd.s32 s3, s19  }
0xaf: {  	[tilespmem:s29], [sflag:$0x1] =	stream.linear.gather [hbm4b:s19+s2], $0x400, $0x38;
	[tilespmem:$0x10800] =	vst v63  }
0xb0: {  	s31 =	sshra.s32 s30, $0x1F  }
0xb1: {  	s20 =	sshrl.u32 s31, $0x1D  }
0xb2: {  	s19 =	sadd.s32 s20, s30  }
0xb3: {  	s19 =	sshll.u32 s19, $0x4  }
0xb4: {  	s21 =	sadd.s32 $0xAE00, s18;
	s19 =	sand.u32 $0xFFFFF80, s19  }
0xb5: {  	s23 =	sshra.s32 s22, $0x1F;
	s19 =	sadd.s32 s4, s19;
	s25 =	spop (v2sf);
	(v2sf) =	vpush v0, $0xC  }
0xb6: {  	[tilespmem:s21], [sflag:$0x1] =	stream.linear.gather [hbm4b:s19+s2], $0x400, $0x38;
	[tilespmem:$0x10800] =	vst v63  }
0xb7: {  	s19 =	sshrl.u32 s23, $0x1D  }
0xb8: {  	s19 =	sadd.s32 s19, s22  }
0xb9: {  	s19 =	sshll.u32 s19, $0x4  }
0xba: {  	s19 =	sand.u32 $0xFFFFF80, s19  }
0xbb: {  	s24 =	sor.u32 $0x3200, s18;
	s19 =	sadd.s32 s3, s19;
	s29 =	spop (v2sf);
	(v2sf) =	vpush v1, $0xD  }
0xbc: {  	[tilespmem:s24], [sflag:$0x1] =	stream.linear.gather [hbm4b:s19+s2], $0x400, $0x38;
	[tilespmem:$0x10800] =	vst v63  }
0xbd: {  	s26 =	sshra.s32 s25, $0x1F  }
0xbe: {  	s20 =	sshrl.u32 s26, $0x1D  }
0xbf: {  	s19 =	sadd.s32 s20, s25  }
0xc0: {  	s19 =	sshll.u32 s19, $0x4  }
0xc1: {  	s19 =	sand.u32 $0xFFFFF80, s19  }
0xc2: {  	s28 =	sadd.s32 $0xB200, s18;
	s30 =	sshra.s32 s29, $0x1F;
	s19 =	sadd.s32 s4, s19  }
0xc3: {  	[tilespmem:s28], [sflag:$0x1] =	stream.linear.gather [hbm4b:s19+s2], $0x400, $0x38;
	[tilespmem:$0x10800] =	vst v63  }
0xc4: {  	s19 =	sshrl.u32 s30, $0x1D;
	s21 =	spop (v2sf);
	(v2sf) =	vpush v0, $0xD  }
0xc5: {  	s19 =	sadd.s32 s19, s29  }
0xc6: {  	s19 =	sshll.u32 s19, $0x4  }
0xc7: {  	s19 =	sand.u32 $0xFFFFF80, s19  }
0xc8: {  	s31 =	sor.u32 $0x3600, s18;
	s19 =	sadd.s32 s3, s19  }
0xc9: {  	[tilespmem:s31], [sflag:$0x1] =	stream.linear.gather [hbm4b:s19+s2], $0x400, $0x38;
	[tilespmem:$0x10800] =	vst v63  }
0xca: {  	s22 =	sshra.s32 s21, $0x1F;
	s24 =	spop (v2sf);
	(v2sf) =	vpush v1, $0xE  }
0xcb: {  	s20 =	sshrl.u32 s22, $0x1D  }
0xcc: {  	s19 =	sadd.s32 s20, s21  }
0xcd: {  	s19 =	sshll.u32 s19, $0x4  }
0xce: {  	s19 =	sand.u32 $0xFFFFF80, s19  }
0xcf: {  	s23 =	sadd.s32 $0xB600, s18;
	s25 =	sshra.s32 s24, $0x1F;
	s19 =	sadd.s32 s4, s19  }
0xd0: {  	[tilespmem:s23], [sflag:$0x1] =	stream.linear.gather [hbm4b:s19+s2], $0x400, $0x38;
	[tilespmem:$0x10800] =	vst v63  }
0xd1: {  	s19 =	sshrl.u32 s25, $0x1D  }
0xd2: {  	s19 =	sadd.s32 s19, s24  }
0xd3: {  	s19 =	sshll.u32 s19, $0x4;
	s28 =	spop (v2sf);
	(v2sf) =	vpush v0, $0xE  }
0xd4: {  	s19 =	sand.u32 $0xFFFFF80, s19  }
0xd5: {  	s26 =	sor.u32 $0x3A00, s18;
	s19 =	sadd.s32 s3, s19  }
0xd6: {  	[tilespmem:s26], [sflag:$0x1] =	stream.linear.gather [hbm4b:s19+s2], $0x400, $0x38;
	[tilespmem:$0x10800] =	vst v63  }
0xd7: {  	s29 =	sshra.s32 s28, $0x1F  }
0xd8: {  	s20 =	sshrl.u32 s29, $0x1D  }
0xd9: {  	s31 =	spop (v2sf);
	(v2sf) =	vpush v1, $0xF;
	s19 =	sadd.s32 s20, s28  }
0xda: {  	s19 =	sshll.u32 s19, $0x4  }
0xdb: {  	s19 =	sand.u32 $0xFFFFF80, s19  }
0xdc: {  	s30 =	sadd.s32 $0xBA00, s18;
	s20 =	sshra.s32 s31, $0x1F;
	s19 =	sadd.s32 s4, s19  }
0xdd: {  	[tilespmem:s30], [sflag:$0x1] =	stream.linear.gather [hbm4b:s19+s2], $0x400, $0x38;
	[tilespmem:$0x10800] =	vst v63  }
0xde: {  	s19 =	sshrl.u32 s20, $0x1D  }
0xdf: {  	s19 =	sadd.s32 s19, s31  }
0xe0: {  	s19 =	sshll.u32 s19, $0x4  }
0xe1: {  	s19 =	sand.u32 $0xFFFFF80, s19  }
0xe2: {  	s22 =	sor.u32 $0x3E00, s18;
	s19 =	sadd.s32 s3, s19;
	s23 =	spop (v2sf);
	(v2sf) =	vpush v0, $0xF  }
0xe3: {  	[tilespmem:s22], [sflag:$0x1] =	stream.linear.gather [hbm4b:s19+s2], $0x400, $0x38;
	[tilespmem:$0x10800] =	vst v63  }
0xe4: {  	s24 =	sshra.s32 s23, $0x1F  }
0xe5: {  	s20 =	sshrl.u32 s24, $0x1D  }
0xe6: {  	s19 =	sadd.s32 s20, s23  }
0xe7: {  	s19 =	sshll.u32 s19, $0x4  }
0xe8: {  	s25 =	spop (v2sf);
	s19 =	sand.u32 $0xFFFFF80, s19  }
0xe9: {  	s26 =	sadd.s32 $0xBE00, s18;
	s28 =	sshra.s32 s25, $0x1F;
	s19 =	sadd.s32 s4, s19  }
0xea: {  	[tilespmem:s26], [sflag:$0x1] =	stream.linear.gather [hbm4b:s19+s2], $0x400, $0x38;
	[tilespmem:$0x10800] =	vst v63  }
0xeb: {  	s19 =	sshrl.u32 s28, $0x1D  }
0xec: {  	s19 =	sadd.s32 s19, s25  }
0xed: {  	s19 =	sshll.u32 s19, $0x4  }
0xee: {  	s19 =	sand.u32 $0xFFFFF80, s19  }
0xef: {  	s29 =	sadd.s32 $0x4200, s18;
	s19 =	sadd.s32 s3, s19  }
0xf0: {  	[tilespmem:s29], [sflag:$0x1] =	stream.linear.gather [hbm4b:s19+s2], $0x400, $0x38;
	[tilespmem:$0x10800] =	vst v63  }
0xf1: {  	s30 =	spop (v2sf)  }
0xf2: {  	s31 =	sshra.s32 s30, $0x1F  }
0xf3: {  	s20 =	sshrl.u32 s31, $0x1D  }
0xf4: {  	p1 =	por p0, p0;
	s19 =	sadd.s32 s20, s30  }
.Ltmp0:
0xf5: {  	s19 =	sshll.u32 s19, $0x4;
	(pc) =	sbr.rel @p1 .LBB2_3-.Ltmp0, $4  }
0xf6: {  	s19 =	sand.u32 $0xFFFFF80, s19  }
0xf7: {  	s18 =	sadd.s32 $0xC200, s18;
	s19 =	sadd.s32 s4, s19  }
0xf8: {  	[tilespmem:s18], [sflag:$0x1] =	stream.linear.gather [hbm4b:s19+s2], $0x400, $0x38;
	[tilespmem:$0x10800] =	vst v63  }
0xf9: {  	p0 =	por $0x0, $0x0;
	s19 =	simm.s32 $0x20;
	s18 =	simm.s32 $0x1  }
0xfa: {  	_ =	swait.ge [sflag:s13], $0x400  }
0xfb: {  	[sflag:s13] =	ssyncset.done $0x0  }
0xfc: {  	[sflag:s13] =	ssyncadd.s32 $0xFFFFFC00  }
0xfd: {  	_ =	swait.ge [sflag:s13], $0x400  }
0xfe: {  	s18 =	sadd.s32 $0xFFFFFFFF, s19;
	[sflag:s13] =	ssyncset.done $0x0  }
.LBB2_5:
0xff: {  	p0 =	sne.s32 s18, $0x1;
	s18 =	sadd.s32 $0xFFFFFFFF, s18;
	[sflag:s13] =	ssyncadd.s32 $0xFFFFFC00  }
.Ltmp1:
0x100: {  	_ =	swait.ge [sflag:s13], $0x400;
	(pc) =	sbr.rel @p0 .LBB2_5-.Ltmp1, $4  }
0x101: {  	[sflag:s13] =	ssyncset.done $0x0  }
0x102: {  	[sflag:s13] =	ssyncadd.s32 $0xFFFFFC00  }
0x103: {  	_ =	swait.ge [sflag:s13], $0x400  }
0x104: {  	[sflag:s13] =	ssyncset.done $0x0  }
0x105: {  	[sflag:s13] =	ssyncadd.s32 $0xFFFFFC00;
	s19 =	simm.s32 $0x0;
	p0 =	por $0x1, $0x1  }
.LBB2_7:
0x106: {  	s18 =	sshll.u32 s19, $0x4  }
0x107: {  	s18 =	sor.u32 s17, s18  }
0x108: {  	v1 =	vld [tilespmem:s18+$0x0];
	_ =	sdelay $0x1  }
0x109: {  	v5 =	vld [tilespmem:s18+$0x200];
	_ =	sdelay $0x2  }
0x10a: {  	(v2sf) =	vpush v1, $0x0;
	_ =	sdelay $0x1  }
0x10b: {  	(v2sf) =	vpush v5, $0x0;
	_ =	sdelay $0x5  }
0x10c: {  	(v2sf) =	vpush v1, $0x1  }
0x10d: {  	(v2sf) =	vpush v5, $0x1;
	_ =	sdelay $0x5  }
0x10e: {  	s20 =	spop (v2sf)  }
0x10f: {  	s21 =	sshra.s32 s20, $0x1F  }
0x110: {  	s22 =	spop (v2sf);
	(v2sf) =	vpush v1, $0x2;
	s21 =	sshrl.u32 s21, $0x1D  }
0x111: {  	s21 =	sadd.s32 s21, s20  }
0x112: {  	s21 =	sand.u32 $0x7FFFF8, s21  }
0x113: {  	s23 =	sshra.s32 s22, $0x1F;
	s20 =	ssub.s32 s20, s21  }
0x114: {  	(v2sf) =	vpush v5, $0x2;
	s23 =	sshrl.u32 s23, $0x1D;
	s20 =	sshll.u32 s20, $0x9  }
0x115: {  	s19 =	sshll.u32 s19, $0xE;
	s23 =	sadd.s32 s23, s22;
	s20 =	sshra.s32 s20, $0x2  }
0x116: {  	s29 =	spop (v2sf);
	s28 =	sand.u32 $0x7FFFF8, s23;
	s20 =	sadd.s32 s20, s19  }
0x117: {  	s30 =	sshra.s32 s29, $0x1F;
	s24 =	spop (v2sf);
	s21 =	ssub.s32 s22, s28;
	v2 =	vld [tilespmem:s20+$0x600]  }
0x118: {  	(v2sf) =	vpush v1, $0x3;
	s25 =	sshra.s32 s24, $0x1F;
	s23 =	sshrl.u32 s30, $0x1D;
	s21 =	sshll.u32 s21, $0x9;
	v7 =	vld [tilespmem:s20+$0x610]  }
0x119: {  	s25 =	sshrl.u32 s25, $0x1D;
	s23 =	sadd.s32 s23, s29;
	s21 =	sshra.s32 s21, $0x2;
	v4 =	vld [tilespmem:s20+$0x620]  }
0x11a: {  	s25 =	sadd.s32 s25, s24;
	s23 =	sand.u32 $0x7FFFF8, s23;
	s21 =	sadd.s32 s21, s19;
	v0 =	vld [tilespmem:s20+$0x630]  }
0x11b: {  	s31 =	sand.u32 $0x7FFFF8, s25;
	s22 =	ssub.s32 s29, s23;
	v3 =	vld [tilespmem:s21+$0x8600]  }
0x11c: {  	s23 =	ssub.s32 s24, s31;
	s22 =	sshll.u32 s22, $0x9;
	v13 =	vld [tilespmem:s21+$0x8610]  }
0x11d: {  	s24 =	sor.u32 $0x400, s19;
	s23 =	sshll.u32 s23, $0x9;
	v10 =	vld [tilespmem:s21+$0x8620];
	s22 =	sshra.s32 s22, $0x2  }
0x11e: {  	(v2sf) =	vpush v5, $0x3;
	v6 =	vld [tilespmem:s21+$0x8630];
	s25 =	sshra.s32 s23, $0x2;
	s21 =	sadd.s32 s22, s24  }
0x11f: {  	s20 =	sadd.s32 s25, s24;
	v8 =	vld [tilespmem:s21+$0x600];
	s26 =	spop (v2sf)  }
0x120: {  	v14 =	vld [tilespmem:s20+$0x8600];
	s28 =	sshra.s32 s26, $0x1F  }
0x121: {  	v15 =	vld [tilespmem:s20+$0x8630];
	s22 =	sshrl.u32 s28, $0x1D  }
0x122: {  	v16 =	vld [tilespmem:s21+$0x610];
	s22 =	sadd.s32 s22, s26  }
0x123: {  	v17 =	vld [tilespmem:s20+$0x8610];
	v2 =	vmul.f32 v3, v2;
	v7 =	vmul.f32 v13, v7;
	s29 =	spop (v2sf);
	s22 =	sand.u32 $0x7FFFF8, s22  }
0x124: {  	v9 =	vld [tilespmem:s21+$0x620];
	(v2sf) =	vpush v1, $0x4;
	s30 =	sshra.s32 s29, $0x1F;
	s22 =	ssub.s32 s26, s22  }
0x125: {  	v12 =	vld [tilespmem:s20+$0x8620];
	v10 =	vmul.f32 v10, v4;
	(v2sf) =	vpush v5, $0x4;
	v2 =	vadd.f32 v7, v2;
	s25 =	sshrl.u32 s30, $0x1D;
	s22 =	sshll.u32 s22, $0x9  }
0x126: {  	s24 =	sor.u32 $0x800, s19;
	v11 =	vld [tilespmem:s21+$0x630];
	[tilespmem:$0x1FE00] =	vst v15;
	s25 =	sadd.s32 s25, s29;
	s22 =	sshra.s32 s22, $0x2  }
0x127: {  	v7 =	vadd.f32 v10, v2;
	v10 =	vld [tilespmem:$0x1FE00];
	s31 =	sand.u32 $0x7FFFF8, s25;
	s26 =	spop (v2sf);
	s20 =	sadd.s32 s22, s24  }
0x128: {  	s23 =	ssub.s32 s29, s31;
	s28 =	sshra.s32 s26, $0x1F;
	v29 =	vld [tilespmem:s20+$0x600]  }
0x129: {  	s23 =	sshll.u32 s23, $0x9;
	s22 =	sshrl.u32 s28, $0x1D;
	v31 =	vld [tilespmem:s20+$0x610]  }
0x12a: {  	s25 =	sshra.s32 s23, $0x2;
	s22 =	sadd.s32 s22, s26;
	v33 =	vld [tilespmem:s20+$0x620]  }
0x12b: {  	s21 =	sadd.s32 s25, s24;
	v35 =	vld [tilespmem:s20+$0x630];
	s22 =	sand.u32 $0x7FFFF8, s22  }
0x12c: {  	v30 =	vld [tilespmem:s21+$0x8600];
	s22 =	ssub.s32 s26, s22  }
0x12d: {  	(v2sf) =	vpush v1, $0x5;
	s29 =	spop (v2sf);
	v32 =	vld [tilespmem:s21+$0x8610];
	s22 =	sshll.u32 s22, $0x9  }
0x12e: {  	(v2sf) =	vpush v5, $0x5;
	s30 =	sshra.s32 s29, $0x1F;
	s24 =	sor.u32 $0xC00, s19;
	v34 =	vld [tilespmem:s21+$0x8620];
	s22 =	sshra.s32 s22, $0x2  }
0x12f: {  	s25 =	sshrl.u32 s30, $0x1D;
	v36 =	vld [tilespmem:s21+$0x8630];
	s21 =	sadd.s32 s22, s24  }
0x130: {  	s25 =	sadd.s32 s25, s29;
	v37 =	vld [tilespmem:s21+$0x600]  }
0x131: {  	s31 =	sand.u32 $0x7FFFF8, s25;
	v39 =	vld [tilespmem:s21+$0x610]  }
0x132: {  	s23 =	ssub.s32 s29, s31;
	v41 =	vld [tilespmem:s21+$0x620]  }
0x133: {  	s23 =	sshll.u32 s23, $0x9;
	[tilespmem:$0x1FDC0] =	vst v29;
	s26 =	spop (v2sf);
	(v2sf) =	vpush v1, $0x6;
	v43 =	vld [tilespmem:s21+$0x630]  }
0x134: {  	v2 =	vmul.f32 v14, v8;
	[tilespmem:$0x1FDE0] =	vst v31;
	s25 =	sshra.s32 s23, $0x2;
	v14 =	vld [tilespmem:$0x1FDC0];
	s29 =	spop (v2sf);
	(v2sf) =	vpush v5, $0x6  }
0x135: {  	v13 =	vmul.f32 v17, v16;
	s20 =	sadd.s32 s25, s24;
	v16 =	vld [tilespmem:$0x1FDE0]  }
0x136: {  	v38 =	vld [tilespmem:s20+$0x8600]  }
0x137: {  	[tilespmem:$0x1FDD0] =	vst v30;
	s28 =	sshra.s32 s26, $0x1F;
	v42 =	vld [tilespmem:s20+$0x8620]  }
0x138: {  	v15 =	vld [tilespmem:$0x1FDD0];
	s22 =	sshrl.u32 s28, $0x1D  }
0x139: {  	v40 =	vld [tilespmem:s20+$0x8610];
	s30 =	sshra.s32 s29, $0x1F;
	s22 =	sadd.s32 s22, s26  }
0x13a: {  	[tilespmem:$0x1FE20] =	vst v34;
	v44 =	vld [tilespmem:s20+$0x8630];
	s25 =	sshrl.u32 s30, $0x1D;
	s22 =	sand.u32 $0x7FFFF8, s22  }
0x13b: {  	v9 =	vmul.f32 v12, v9;
	s24 =	sor.u32 $0x1000, s19;
	v12 =	vld [tilespmem:$0x1FE20];
	s25 =	sadd.s32 s25, s29;
	[tilespmem:$0x1FE30] =	vst v37;
	s22 =	ssub.s32 s26, s22  }
0x13c: {  	v2 =	vadd.f32 v13, v2;
	s31 =	sand.u32 $0x7FFFF8, s25;
	s26 =	spop (v2sf);
	(v2sf) =	vpush v1, $0x7;
	[tilespmem:$0x1FE40] =	vst v38;
	s22 =	sshll.u32 s22, $0x9;
	v13 =	vld [tilespmem:$0x1FE30]  }
0x13d: {  	[tilespmem:$0x1FEA0] =	vst v42;
	s23 =	ssub.s32 s29, s31;
	s29 =	spop (v2sf);
	(v2sf) =	vpush v5, $0x7;
	v3 =	vmul.f32 v15, v14;
	s22 =	sshra.s32 s22, $0x2;
	v14 =	vld [tilespmem:$0x1FE40]  }
0x13e: {  	s28 =	sshra.s32 s26, $0x1F;
	s23 =	sshll.u32 s23, $0x9;
	v8 =	vld [tilespmem:$0x1FEA0];
	s20 =	sadd.s32 s22, s24  }
0x13f: {  	s30 =	sshra.s32 s29, $0x1F;
	s25 =	sshra.s32 s23, $0x2;
	s22 =	sshrl.u32 s28, $0x1D;
	v45 =	vld [tilespmem:s20+$0x600]  }
0x140: {  	s21 =	sadd.s32 s25, s24;
	v47 =	vld [tilespmem:s20+$0x610];
	s22 =	sadd.s32 s22, s26;
	s25 =	sshrl.u32 s30, $0x1D  }
0x141: {  	v48 =	vld [tilespmem:s20+$0x620];
	s22 =	sand.u32 $0x7FFFF8, s22;
	s25 =	sadd.s32 s25, s29  }
0x142: {  	v50 =	vld [tilespmem:s20+$0x630];
	s22 =	ssub.s32 s26, s22;
	s31 =	sand.u32 $0x7FFFF8, s25;
	s26 =	spop (v2sf);
	(v2sf) =	vpush v1, $0x8  }
0x143: {  	v46 =	vld [tilespmem:s21+$0x8600];
	s23 =	ssub.s32 s29, s31;
	s29 =	spop (v2sf);
	(v2sf) =	vpush v5, $0x8  }
0x144: {  	[tilespmem:$0x1FE90] =	vst v41;
	v41 =	vld [tilespmem:s21+$0x8610];
	s22 =	sshll.u32 s22, $0x9  }
0x145: {  	s24 =	sor.u32 $0x1400, s19;
	v49 =	vld [tilespmem:s21+$0x8620];
	s22 =	sshra.s32 s22, $0x2  }
0x146: {  	v51 =	vld [tilespmem:s21+$0x8630];
	s23 =	sshll.u32 s23, $0x9;
	s21 =	sadd.s32 s22, s24  }
0x147: {  	s25 =	sshra.s32 s23, $0x2;
	v52 =	vld [tilespmem:s21+$0x600];
	s28 =	sshra.s32 s26, $0x1F;
	s30 =	sshra.s32 s29, $0x1F  }
0x148: {  	[tilespmem:$0x1FF40] =	vst v50;
	s20 =	sadd.s32 s25, s24;
	v50 =	vld [tilespmem:s21+$0x610];
	s22 =	sshrl.u32 s28, $0x1D;
	s25 =	sshrl.u32 s30, $0x1D  }
0x149: {  	v54 =	vld [tilespmem:s21+$0x620];
	s22 =	sadd.s32 s22, s26;
	s25 =	sadd.s32 s25, s29  }
0x14a: {  	s24 =	sor.u32 $0x1800, s19;
	v55 =	vld [tilespmem:s20+$0x8620];
	s22 =	sand.u32 $0x7FFFF8, s22;
	s31 =	sand.u32 $0x7FFFF8, s25  }
0x14b: {  	v56 =	vld [tilespmem:s21+$0x630];
	s22 =	ssub.s32 s26, s22;
	s26 =	spop (v2sf);
	s23 =	ssub.s32 s29, s31  }
0x14c: {  	v53 =	vld [tilespmem:s20+$0x8600];
	s22 =	sshll.u32 s22, $0x9;
	s28 =	sshra.s32 s26, $0x1F;
	s29 =	spop (v2sf)  }
0x14d: {  	[tilespmem:$0x1FF50] =	vst v51;
	v51 =	vld [tilespmem:s20+$0x8610];
	s22 =	sshra.s32 s22, $0x2;
	s23 =	sshll.u32 s23, $0x9;
	s30 =	sshra.s32 s29, $0x1F  }
0x14e: {  	[tilespmem:$0x1FDF0] =	vst v32;
	v57 =	vld [tilespmem:s20+$0x8630];
	(v2sf) =	vpush v1, $0x9;
	s20 =	sadd.s32 s22, s24;
	s25 =	sshra.s32 s23, $0x2;
	s22 =	sshrl.u32 s28, $0x1D  }
0x14f: {  	[tilespmem:$0x1FF70] =	vst v55;
	(v2sf) =	vpush v5, $0x9;
	v55 =	vld [tilespmem:$0x1FDF0];
	s21 =	sadd.s32 s25, s24;
	s22 =	sadd.s32 s22, s26;
	s25 =	sshrl.u32 s30, $0x1D  }
0x150: {  	v58 =	vld [tilespmem:s20+$0x600];
	s22 =	sand.u32 $0x7FFFF8, s22;
	s25 =	sadd.s32 s25, s29  }
0x151: {  	[tilespmem:$0x1FFA0] =	vst v56;
	v56 =	vld [tilespmem:s20+$0x610];
	s22 =	ssub.s32 s26, s22;
	s31 =	sand.u32 $0x7FFFF8, s25;
	s26 =	spop (v2sf);
	(v2sf) =	vpush v1, $0xA  }
0x152: {  	v60 =	vld [tilespmem:s20+$0x620];
	s23 =	ssub.s32 s29, s31;
	s29 =	spop (v2sf);
	(v2sf) =	vpush v5, $0xA  }
0x153: {  	v62 =	vld [tilespmem:s20+$0x630]  }
0x154: {  	v63 =	vld [tilespmem:s21+$0x8630]  }
0x155: {  	v59 =	vld [tilespmem:s21+$0x8600];
	s22 =	sshll.u32 s22, $0x9  }
0x156: {  	s24 =	sor.u32 $0x1C00, s19;
	v61 =	vld [tilespmem:s21+$0x8620];
	s22 =	sshra.s32 s22, $0x2  }
0x157: {  	[tilespmem:$0x1FFB0] =	vst v57;
	v57 =	vld [tilespmem:s21+$0x8610];
	s21 =	sadd.s32 s22, s24  }
0x158: {  	s23 =	sshll.u32 s23, $0x9;
	[tilespmem:$0x1FF80] =	vst v58;
	v58 =	vld [tilespmem:s21+$0x600];
	s28 =	sshra.s32 s26, $0x1F  }
0x159: {  	s25 =	sshra.s32 s23, $0x2;
	[tilespmem:$0x1FFF0] =	vst v63;
	v63 =	vld [tilespmem:s21+$0x610];
	s22 =	sshrl.u32 s28, $0x1D;
	s30 =	sshra.s32 s29, $0x1F  }
0x15a: {  	[tilespmem:$0x1FF90] =	vst v59;
	s20 =	sadd.s32 s25, s24;
	v59 =	vld [tilespmem:s21+$0x620];
	s22 =	sadd.s32 s22, s26;
	s25 =	sshrl.u32 s30, $0x1D  }
0x15b: {  	[tilespmem:$0x1FFD0] =	vst v61;
	v61 =	vld [tilespmem:s21+$0x630];
	s22 =	sand.u32 $0x7FFFF8, s22;
	s25 =	sadd.s32 s25, s29  }
0x15c: {  	[tilespmem:$0x1FFE0] =	vst v62;
	v62 =	vld [tilespmem:s20+$0x8600];
	s22 =	ssub.s32 s26, s22;
	s31 =	sand.u32 $0x7FFFF8, s25;
	s25 =	sor.u32 $0x2000, s19  }
0x15d: {  	[tilespmem:$0x1FEF0] =	vst v53;
	v53 =	vld [tilespmem:s20+$0x8610];
	s28 =	spop (v2sf);
	(v2sf) =	vpush v1, $0xB;
	s23 =	ssub.s32 s29, s31;
	s22 =	sshll.u32 s22, $0x9  }
0x15e: {  	[tilespmem:$0x1FFC0] =	vst v60;
	v60 =	vld [tilespmem:s20+$0x8620];
	s29 =	sshra.s32 s28, $0x1F;
	s30 =	spop (v2sf);
	(v2sf) =	vpush v5, $0xB;
	s22 =	sshra.s32 s22, $0x2  }
0x15f: {  	[tilespmem:$0x1FF60] =	vst v54;
	v54 =	vld [tilespmem:s20+$0x8630];
	s23 =	sshll.u32 s23, $0x9;
	s31 =	sshra.s32 s30, $0x1F;
	s21 =	sadd.s32 s22, s25  }
0x160: {  	[tilespmem:$0x1FEB0] =	vst v45;
	s26 =	sshra.s32 s23, $0x2;
	s22 =	sshrl.u32 s29, $0x1D;
	v45 =	vld [tilespmem:s21+$0x600];
	s29 =	spop (v2sf);
	(v2sf) =	vpush v1, $0xC  }
0x161: {  	[tilespmem:$0x1FE60] =	vst v40;
	s20 =	sadd.s32 s26, s25;
	s25 =	sshrl.u32 s31, $0x1D;
	v40 =	vld [tilespmem:s21+$0x610];
	s31 =	spop (v2sf);
	(v2sf) =	vpush v5, $0xC  }
0x162: {  	[tilespmem:$0x1FED0] =	vst v47;
	s22 =	sadd.s32 s22, s28;
	v47 =	vld [tilespmem:s21+$0x620]  }
0x163: {  	[tilespmem:$0x1FEE0] =	vst v52;
	v52 =	vld [tilespmem:s21+$0x630];
	s22 =	sand.u32 $0x7FFFF8, s22;
	s25 =	sadd.s32 s25, s30  }
0x164: {  	[tilespmem:$0x1FF00] =	vst v43;
	v43 =	vld [tilespmem:s20+$0x8600];
	s22 =	ssub.s32 s28, s22;
	s25 =	sand.u32 $0x7FFFF8, s25  }
0x165: {  	s26 =	sor.u32 $0x2400, s19;
	v38 =	vld [tilespmem:s20+$0x8610];
	s23 =	ssub.s32 s30, s25;
	s22 =	sshll.u32 s22, $0x9  }
0x166: {  	[tilespmem:$0x1FF10] =	vst v44;
	v44 =	vld [tilespmem:s20+$0x8620];
	s22 =	sshra.s32 s22, $0x2;
	s23 =	sshll.u32 s23, $0x9;
	s30 =	sshra.s32 s29, $0x1F  }
0x167: {  	[tilespmem:$0x1FF30] =	vst v49;
	v49 =	vld [tilespmem:s20+$0x8630];
	s21 =	sadd.s32 s22, s26;
	s28 =	sshra.s32 s23, $0x2;
	s22 =	sshrl.u32 s30, $0x1D  }
0x168: {  	[tilespmem:$0x1FE50] =	vst v39;
	s20 =	sadd.s32 s28, s26;
	v39 =	vld [tilespmem:s21+$0x600];
	s26 =	sshra.s32 s31, $0x1F;
	s22 =	sadd.s32 s22, s29  }
0x169: {  	[tilespmem:$0x1FE70] =	vst v35;
	v35 =	vld [tilespmem:s21+$0x610];
	s25 =	sshrl.u32 s26, $0x1D;
	s22 =	sand.u32 $0x7FFFF8, s22  }
0x16a: {  	v42 =	vld [tilespmem:s21+$0x620];
	s25 =	sadd.s32 s25, s31;
	s22 =	ssub.s32 s29, s22  }
0x16b: {  	[tilespmem:$0x1FF20] =	vst v48;
	v48 =	vld [tilespmem:s21+$0x630];
	s28 =	sand.u32 $0x7FFFF8, s25;
	s29 =	sor.u32 $0x2800, s19;
	s22 =	sshll.u32 s22, $0x9  }
0x16c: {  	[tilespmem:$0x1FE80] =	vst v36;
	v36 =	vld [tilespmem:s20+$0x8600];
	s23 =	ssub.s32 s31, s28;
	s31 =	spop (v2sf);
	s22 =	sshra.s32 s22, $0x2  }
0x16d: {  	v32 =	vld [tilespmem:s20+$0x8610];
	s23 =	sshll.u32 s23, $0x9;
	s26 =	sshra.s32 s31, $0x1F;
	s28 =	spop (v2sf)  }
0x16e: {  	v37 =	vld [tilespmem:s20+$0x8620];
	(v2sf) =	vpush v1, $0xD;
	s21 =	sadd.s32 s22, s29;
	s30 =	sshra.s32 s23, $0x2;
	s22 =	sshrl.u32 s26, $0x1D  }
0x16f: {  	[tilespmem:$0x1FEC0] =	vst v46;
	v46 =	vld [tilespmem:s20+$0x8630];
	(v2sf) =	vpush v5, $0xD;
	s20 =	sadd.s32 s30, s29;
	s29 =	sshra.s32 s28, $0x1F;
	s26 =	spop (v2sf)  }
0x170: {  	v4 =	vadd.f32 v9, v2;
	v2 =	vmul.f32 v14, v13;
	v13 =	vld [tilespmem:$0x1FE60];
	s25 =	sshrl.u32 s29, $0x1D;
	s29 =	spop (v2sf);
	(v2sf) =	vpush v1, $0xE  }
0x171: {  	v14 =	vld [tilespmem:$0x1FE70];
	(v2sf) =	vpush v5, $0xE  }
0x172: {  	(v2sf) =	vpush v1, $0xF;
	v1 =	vmul.f32 v55, v16;
	v55 =	vld [tilespmem:$0x1FE50]  }
0x173: {  	v9 =	vld [tilespmem:$0x1FEB0]  }
0x174: {  	[tilespmem:$0x1FE10] =	vst v33;
	v53 =	vmul.f32 v53, v63;
	v63 =	vld [tilespmem:$0x1FFE0]  }
0x175: {  	(v2sf) =	vpush v5, $0xF;
	v5 =	vmul.f32 v6, v0;
	v6 =	vmul.f32 v10, v11;
	v11 =	vld [tilespmem:$0x1FE10]  }
0x176: {  	v62 =	vmul.f32 v62, v58;
	v58 =	vld [tilespmem:$0x1FFF0]  }
0x177: {  	v0 =	vmul.f32 v13, v55;
	v55 =	vld [tilespmem:$0x1FE80]  }
0x178: {  	v33 =	vld [tilespmem:s21+$0x600]  }
0x179: {  	v27 =	vld [tilespmem:s21+$0x610]  }
0x17a: {  	v34 =	vld [tilespmem:s21+$0x620];
	v3 =	vadd.f32 v1, v3;
	v1 =	vmul.f32 v12, v11  }
0x17b: {  	v10 =	vadd.f32 v6, v4;
	v6 =	vld [tilespmem:$0x1FE90]  }
0x17c: {  	v5 =	vadd.f32 v5, v7;
	v7 =	vadd.f32 v1, v3;
	v3 =	vmul.f32 v55, v14;
	v55 =	vld [tilespmem:$0x1FEC0]  }
0x17d: {  	v31 =	vld [tilespmem:s21+$0x630]  }
0x17e: {  	v29 =	vld [tilespmem:s20+$0x8600]  }
0x17f: {  	s22 =	sadd.s32 s22, s31;
	v26 =	vld [tilespmem:s20+$0x8610]  }
0x180: {  	s22 =	sand.u32 $0x7FFFF8, s22;
	v4 =	vld [tilespmem:$0x1FED0]  }
0x181: {  	s22 =	ssub.s32 s31, s22;
	v6 =	vmul.f32 v8, v6;
	v8 =	vadd.f32 v3, v7;
	v7 =	vmul.f32 v55, v9;
	v9 =	vld [tilespmem:$0x1FEE0]  }
0x182: {  	s22 =	sshll.u32 s22, $0x9;
	v55 =	vld [tilespmem:$0x1FEF0]  }
0x183: {  	v30 =	vld [tilespmem:s20+$0x8620];
	s31 =	sor.u32 $0x2C00, s19;
	s22 =	sshra.s32 s22, $0x2  }
0x184: {  	v28 =	vld [tilespmem:s20+$0x8630];
	s21 =	sadd.s32 s22, s31  }
0x185: {  	v23 =	vld [tilespmem:s21+$0x600];
	v2 =	vadd.f32 v0, v2  }
0x186: {  	v0 =	vmul.f32 v41, v4;
	v4 =	vld [tilespmem:$0x1FF00]  }
0x187: {  	s25 =	sadd.s32 s25, s28;
	v3 =	vadd.f32 v6, v2;
	v6 =	vmul.f32 v55, v9;
	v9 =	vld [tilespmem:$0x1FF10]  }
0x188: {  	s30 =	sand.u32 $0x7FFFF8, s25;
	v19 =	vld [tilespmem:s21+$0x610]  }
0x189: {  	s23 =	ssub.s32 s28, s30;
	v24 =	vld [tilespmem:s21+$0x620]  }
0x18a: {  	s23 =	sshll.u32 s23, $0x9;
	v25 =	vld [tilespmem:s21+$0x630]  }
0x18b: {  	s25 =	sshra.s32 s23, $0x2;
	s28 =	sshra.s32 s26, $0x1F;
	v55 =	vld [tilespmem:$0x1FF20]  }
0x18c: {  	s20 =	sadd.s32 s25, s31;
	s22 =	sshrl.u32 s28, $0x1D;
	v1 =	vmul.f32 v9, v4;
	v9 =	vld [tilespmem:$0x1FF30]  }
0x18d: {  	v21 =	vld [tilespmem:s20+$0x8600];
	s22 =	sadd.s32 s22, s26  }
0x18e: {  	s30 =	sshra.s32 s29, $0x1F;
	v18 =	vld [tilespmem:s20+$0x8610];
	s22 =	sand.u32 $0x7FFFF8, s22  }
0x18f: {  	v20 =	vld [tilespmem:s20+$0x8620];
	s25 =	sshrl.u32 s30, $0x1D;
	s22 =	ssub.s32 s26, s22  }
0x190: {  	s25 =	sadd.s32 s25, s29;
	s22 =	sshll.u32 s22, $0x9;
	v2 =	vld [tilespmem:$0x1FF40]  }
0x191: {  	s31 =	sand.u32 $0x7FFFF8, s25;
	s25 =	sor.u32 $0x3000, s19;
	s22 =	sshra.s32 s22, $0x2;
	v0 =	vadd.f32 v0, v7;
	v7 =	vmul.f32 v9, v55;
	v55 =	vld [tilespmem:$0x1FF50]  }
0x192: {  	v22 =	vld [tilespmem:s20+$0x8630];
	s21 =	sadd.s32 s22, s25  }
0x193: {  	v17 =	vld [tilespmem:s21+$0x600]  }
0x194: {  	s23 =	ssub.s32 s29, s31;
	v15 =	vld [tilespmem:s21+$0x610]  }
0x195: {  	s23 =	sshll.u32 s23, $0x9;
	v4 =	vld [tilespmem:$0x1FF60]  }
0x196: {  	s28 =	spop (v2sf);
	s26 =	sshra.s32 s23, $0x2;
	v2 =	vmul.f32 v55, v2;
	v55 =	vld [tilespmem:$0x1FF70]  }
0x197: {  	s30 =	spop (v2sf);
	s20 =	sadd.s32 s26, s25;
	v13 =	vld [tilespmem:s21+$0x620]  }
0x198: {  	s31 =	sshra.s32 s30, $0x1F;
	v16 =	vld [tilespmem:s20+$0x8600]  }
0x199: {  	v50 =	vmul.f32 v51, v50;
	s29 =	sshra.s32 s28, $0x1F;
	s25 =	sshrl.u32 s31, $0x1D;
	v12 =	vld [tilespmem:s20+$0x8610]  }
0x19a: {  	s22 =	sshrl.u32 s29, $0x1D;
	s25 =	sadd.s32 s25, s30;
	v0 =	vadd.f32 v7, v0;
	v7 =	vld [tilespmem:$0x1FF80]  }
0x19b: {  	s22 =	sadd.s32 s22, s28;
	s25 =	sand.u32 $0x7FFFF8, s25;
	v6 =	vadd.f32 v50, v6;
	v50 =	vmul.f32 v55, v4;
	v55 =	vld [tilespmem:$0x1FF90]  }
0x19c: {  	s26 =	sor.u32 $0x3400, s19;
	s22 =	sand.u32 $0x7FFFF8, s22;
	v11 =	vld [tilespmem:s20+$0x8620];
	s23 =	ssub.s32 s30, s25  }
0x19d: {  	s22 =	ssub.s32 s28, s22;
	v41 =	vld [tilespmem:s20+$0x8630];
	s23 =	sshll.u32 s23, $0x9;
	s28 =	spop (v2sf)  }
0x19e: {  	s22 =	sshll.u32 s22, $0x9;
	v14 =	vld [tilespmem:s21+$0x630];
	s23 =	sshra.s32 s23, $0x2;
	s30 =	sshra.s32 s28, $0x1F  }
0x19f: {  	s22 =	sshra.s32 s22, $0x2;
	s29 =	sadd.s32 s23, s26;
	s23 =	sshrl.u32 s30, $0x1D;
	v1 =	vadd.f32 v1, v3;
	v3 =	vadd.f32 v50, v6;
	v6 =	vld [tilespmem:$0x1FFA0]  }
0x1a0: {  	s22 =	sadd.s32 s22, s26;
	s23 =	sadd.s32 s23, s28;
	v7 =	vmul.f32 v55, v7;
	v55 =	vld [tilespmem:$0x1FFB0]  }
0x1a1: {  	v51 =	vld [tilespmem:s22+$0x600];
	s23 =	sand.u32 $0x7FFFF8, s23  }
0x1a2: {  	v56 =	vmul.f32 v57, v56;
	v57 =	vld [tilespmem:s29+$0x8610];
	s21 =	ssub.s32 s28, s23  }
0x1a3: {  	v38 =	vmul.f32 v38, v40;
	v40 =	vld [tilespmem:s29+$0x8630];
	s21 =	sshll.u32 s21, $0x9  }
0x1a4: {  	s28 =	sor.u32 $0x3800, s19;
	s21 =	sshra.s32 s21, $0x2;
	v0 =	vadd.f32 v2, v0;
	v2 =	vadd.f32 v56, v7;
	v7 =	vld [tilespmem:$0x1FFC0]  }
0x1a5: {  	s21 =	sadd.s32 s21, s28;
	v6 =	vmul.f32 v55, v6;
	v55 =	vld [tilespmem:$0x1FFD0]  }
0x1a6: {  	v32 =	vmul.f32 v32, v35;
	s31 =	spop (v2sf);
	v35 =	vld [tilespmem:s21+$0x620]  }
0x1a7: {  	v36 =	vmul.f32 v36, v39;
	s25 =	sshra.s32 s31, $0x1F;
	v39 =	vld [tilespmem:s21+$0x630]  }
0x1a8: {  	s23 =	sshrl.u32 s25, $0x1D;
	v9 =	vld [tilespmem:s29+$0x8600]  }
0x1a9: {  	v54 =	vmul.f32 v54, v61;
	v61 =	vmul.f32 v46, v48;
	s26 =	sadd.s32 s23, s31;
	v4 =	vld [tilespmem:s22+$0x610]  }
0x1aa: {  	v29 =	vmul.f32 v29, v33;
	s25 =	spop (v2sf);
	v7 =	vmul.f32 v55, v7;
	v55 =	vld [tilespmem:s29+$0x8620];
	s29 =	sand.u32 $0x7FFFF8, s26  }
0x1ab: {  	v26 =	vmul.f32 v26, v27;
	v31 =	vmul.f32 v28, v31;
	s30 =	sshra.s32 s25, $0x1F;
	v50 =	vld [tilespmem:s22+$0x620];
	s20 =	ssub.s32 s31, s29  }
0x1ac: {  	v21 =	vmul.f32 v21, v23;
	v18 =	vmul.f32 v18, v19;
	v56 =	vld [tilespmem:s22+$0x630];
	s22 =	sshrl.u32 s30, $0x1D;
	v3 =	vadd.f32 v6, v3;
	s31 =	spop (v2sf);
	s20 =	sshll.u32 s20, $0x9  }
0x1ad: {  	s22 =	sadd.s32 s22, s25;
	v6 =	vadd.f32 v53, v62;
	v53 =	vld [tilespmem:s21+$0x600];
	v2 =	vadd.f32 v7, v2;
	v7 =	vmul.f32 v43, v45;
	s26 =	sshra.s32 s31, $0x1F;
	s20 =	sshra.s32 s20, $0x2  }
0x1ae: {  	v43 =	vmul.f32 v58, v63;
	v63 =	vmul.f32 v44, v47;
	v44 =	vld [tilespmem:s21+$0x610];
	s26 =	sshrl.u32 s26, $0x1D;
	s20 =	sadd.s32 s20, s28;
	s28 =	sand.u32 $0x7FFFF8, s22  }
0x1af: {  	v32 =	vadd.f32 v32, v36;
	v20 =	vmul.f32 v20, v24;
	v62 =	vmul.f32 v60, v59;
	s29 =	sadd.s32 s26, s31;
	s21 =	ssub.s32 s25, s28;
	v60 =	vld [tilespmem:s20+$0x8600]  }
0x1b0: {  	v18 =	vadd.f32 v18, v21;
	v16 =	vmul.f32 v16, v17;
	v12 =	vmul.f32 v12, v15;
	s22 =	sand.u32 $0x7FFFF8, s29;
	v27 =	vld [tilespmem:s20+$0x8610];
	s21 =	sshll.u32 s21, $0x9  }
0x1b1: {  	v48 =	vmul.f32 v11, v13;
	s19 =	sor.u32 $0x3C00, s19;
	v4 =	vmul.f32 v57, v4;
	v6 =	vadd.f32 v62, v6;
	v19 =	vld [tilespmem:s20+$0x8620];
	s22 =	ssub.s32 s31, s22;
	s21 =	sshra.s32 s21, $0x2  }
0x1b2: {  	(xrf2) =	vadd.scan.msk.f32 $0xffff, v5;
	v59 =	vmul.f32 v37, v42;
	v42 =	vadd.f32 v20, v18;
	v62 =	vadd.f32 v26, v29;
	v29 =	vld [tilespmem:s20+$0x8630];
	s22 =	sshll.u32 s22, $0x9;
	s30 =	sadd.s32 s21, s19  }
0x1b3: {  	(xrf2) =	vadd.scan.msk.f32 $0xffff, v10;
	v6 =	vadd.f32 v54, v6;
	v54 =	vmul.f32 v9, v51;
	v7 =	vadd.f32 v38, v7;
	s31 =	sshra.s32 s22, $0x2;
	v33 =	vld [tilespmem:s30+$0x600]  }
0x1b4: {  	(xrf2) =	vadd.scan.msk.f32 $0xffff, v8;
	v20 =	vmul.f32 v40, v56;
	v32 =	vadd.f32 v59, v32;
	v47 =	vadd.f32 v12, v16;
	s19 =	sadd.s32 s31, s19;
	v45 =	vld [tilespmem:s30+$0x610]  }
0x1b5: {  	(xrf2) =	vadd.scan.msk.f32 $0xffff, v1;
	v58 =	vmul.f32 v49, v52;
	v4 =	vadd.f32 v4, v54;
	v7 =	vadd.f32 v63, v7;
	v36 =	vld [tilespmem:s19+$0x8600]  }
0x1b6: {  	(xrf2) =	vadd.scan.msk.f32 $0xffff, v0;
	v2 =	vadd.f32 v43, v2;
	v38 =	vadd.f32 v61, v32;
	v63 =	vmul.f32 v30, v34;
	v49 =	vld [tilespmem:s19+$0x8610]  }
0x1b7: {  	(xrf2) =	vadd.scan.msk.f32 $0xffff, v3;
	v43 =	vmul.f32 v22, v25;
	v59 =	vadd.f32 v48, v47;
	v7 =	vadd.f32 v58, v7;
	v58 =	vld [tilespmem:s30+$0x620]  }
0x1b8: {  	(xrf2) =	vadd.scan.msk.f32 $0xffff, v2;
	v34 =	vadd.f32 v63, v62;
	v60 =	vmul.f32 v60, v53;
	v61 =	vmul.f32 v27, v44;
	v62 =	vld [tilespmem:s19+$0x8620]  }
0x1b9: {  	v16 =	vmul.f32 v55, v50;
	v52 =	vadd.f32 v43, v42;
	(xrf2) =	vadd.scan.msk.f32 $0xffff, v6;
	v63 =	vmul.f32 v41, v14;
	v17 =	vld [tilespmem:s30+$0x630]  }
0x1ba: {  	v46 =	vadd.f32 v31, v34;
	(xrf2) =	vadd.scan.msk.f32 $0xffff, v7;
	v22 =	vmul.f32 v19, v35;
	v23 =	vld [tilespmem:s19+$0x8630];
	v8 =	vadd.f32 v61, v60  }
0x1bb: {  	v24 =	vadd.f32 v16, v4;
	(xrf2) =	vadd.scan.msk.f32 $0xffff, v38;
	v25 =	vmul.f32 v36, v33;
	v26 =	vmul.f32 v49, v45  }
0x1bc: {  	v27, _, _ =	vpop (xrf2);
	v28 =	vadd.f32 v63, v59;
	v31 =	vmul.f32 v29, v39;
	(xrf2) =	vadd.scan.msk.f32 $0xffff, v46;
	v30 =	vadd.f32 v22, v8  }
0x1bd: {  	v1 =	vadd.f32 v20, v24;
	v32, _, _ =	vpop (xrf2);
	(xrf2) =	vadd.scan.msk.f32 $0xffff, v52;
	v34 =	vmul.f32 v62, v58;
	v33 =	vadd.f32 v26, v25  }
0x1be: {  	v35, _, _ =	vpop (xrf2);
	v37 =	vbroadcast v32, $0xF;
	(xrf2) =	vadd.scan.msk.f32 $0xffff, v28;
	v36 =	vbroadcast v27, $0xF;
	v2 =	vadd.f32 v31, v30  }
0x1bf: {  	v38, _, _ =	vpop (xrf2);
	v41 =	vbroadcast v35, $0xF;
	(xrf2) =	vadd.scan.msk.f32 $0xffff, v1;
	v40 =	vmul.f32 v23, v17;
	v39 =	vadd.f32 v34, v33  }
0x1c0: {  	v42 =	vbroadcast v38, $0xF;
	v43, _, _ =	vpop (xrf2);
	v0 =	vsel vm0, v36, v37;
	(xrf2) =	vadd.scan.msk.f32 $0xffff, v2  }
0x1c1: {  	v44, _, _ =	vpop (xrf2);
	v45 =	vbroadcast v43, $0xF;
	v0 =	vsel vm1, v0, v41;
	v1 =	vadd.f32 v40, v39  }
0x1c2: {  	v46, _, _ =	vpop (xrf2);
	v2 =	vbroadcast v44, $0xF;
	v0 =	vsel vm2, v0, v42  }
0x1c3: {  	v3 =	vbroadcast v46, $0xF;
	v47, _, _ =	vpop (xrf2);
	v0 =	vsel vm3, v0, v45;
	(xrf2) =	vadd.scan.msk.f32 $0xffff, v1  }
0x1c4: {  	v49 =	vbroadcast v47, $0xF;
	v48, _, _ =	vpop (xrf2);
	v0 =	vsel vm4, v0, v2  }
0x1c5: {  	v50, _, _ =	vpop (xrf2);
	v0 =	vsel vm5, v0, v3;
	v1 =	vbroadcast v48, $0xF  }
0x1c6: {  	v51, _, _ =	vpop (xrf2);
	v52 =	vbroadcast v50, $0xF;
	v0 =	vsel vm6, v0, v49  }
0x1c7: {  	v53, _, _ =	vpop (xrf2);
	v54 =	vbroadcast v51, $0xF;
	v0 =	vsel vm7, v0, v1  }
0x1c8: {  	v55, _, _ =	vpop (xrf2);
	v56 =	vbroadcast v53, $0xF;
	v0 =	vsel vm8, v0, v52  }
0x1c9: {  	v57, _, _ =	vpop (xrf2);
	v58 =	vbroadcast v55, $0xF;
	v0 =	vsel vm9, v0, v54  }
0x1ca: {  	v61 =	vld [tilespmem:s18+$0x400];
	v60 =	vbroadcast v57, $0xF;
	v59, _, _ =	vpop (xrf2);
	v0 =	vsel vm10, v0, v56  }
0x1cb: {  	v0 =	vsel vm11, v0, v58;
	v62 =	vbroadcast v59, $0xF  }
0x1cc: {  	p1 =	por p0, p0;
	v0 =	vsel vm12, v0, v60  }
.Ltmp2:
0x1cd: {  	v0 =	vsel vm13, v0, v62;
	v63, _, _ =	vpop (xrf2);
	(pc) =	sbr.rel @p1 .LBB2_7-.Ltmp2, $3  }
0x1ce: {  	v0 =	vsel vm14, v0, v63  }
0x1cf: {  	v0 =	vadd.f32 v0, v61;
	_ =	sdelay $0x1  }
0x1d0: {  	p0 =	por $0x0, $0x0;
	s19 =	simm.s32 $0x1;
	[tilespmem:s18+$0x10600] =	vst v0  }
0x1d1: {  	s16 =	sadd.s32 $0x1, s16  }
0x1d2: {  	p0 =	sne.s32 s16, $0x10  }
.Ltmp3:
0x1d3: {  	_ = 	snop;
	(pc) =	sbr.rel @p0 .LBB2_2-.Ltmp3, $1  }
0x1d4: {  	_ =	sdelay $0x3  }
0x1d5: {  	s15 =	sadd.s32 $0x1, s15  }
0x1d6: {  	p0 =	sne.s32 s15, s9  }
.Ltmp4:
0x1d7: {  	_ = 	snop;
	(pc) =	sbr.rel @p0 .LBB2_1-.Ltmp4, $4  }
0x1d8: {  	[hbm4b:s8+s2] =	stream.linear.scatter [tilespmem:s14], [sflag:$0x2], $0x200, $0x38;
	[tilespmem:$0x10800] =	vst v63  }
0x1d9: {  	_ =	swait.ge [sflag:s10], $0x200  }
0x1da: {  	[sflag:s10] =	ssyncset.done $0x0  }
0x1db: {  	[sflag:s10] =	ssyncadd.s32 $0xFFFFFE00  }
0x1dc: {  	_ =	sfence.sel $0x180000  }
0x1dd: {  	[bflag:$0x0] =	sbarrier.arrive $0xFFFF  }
0x1de: {  	p0 =	sne.s32 s1, $0x0;
	_ =	strace $0x9000004A  }
0x1df: {  	s0 =	sadd.s32 @!p0 $0x100000, s0;
	[bflag:$0x2] =	sbarrier.arrive $0xFFFF  }
0x1e0: {  	[sflag:s0] =	ssyncadd.tile.s32 @!p0 $0x1;
	_ =	shalt  }
.Lfunc_end2:
_tile_overlayer_lowered:
.L_overlay_start_2:
0x1e1: {  	(tag) =	ssettag $0x2  }
0x1e2: {  	s0 =	rddreg [dreg:$0x0];
	s2 =	stileid.u32  }
0x1e3: {  	s1 =	rddreg [dreg:$0x1];
	p0 =	sne.s32 s2, $0x0  }
0x1e4: {  	s3 =	rddreg [dreg:$0x2];
	[bflag:$0x3] =	sbarrier.arrive $0xFFFF;
	s2 =	simm.s32 @!p0 $0x1C02  }
0x1e5: {  	[timem:s3], [sflag:s2] =	dma.local @!p0 [hbm:s0], s1  }
0x1e6: {  	s0 =	simm.s32 @!p0 $0x2  }
0x1e7: {  	_ =	swait.ge @!p0 [sflag:s0], s1  }
0x1e8: {  	s1 =	ssub.s32 @!p0 $0x0, s1;
	[sflag:s0] =	ssyncset.done @!p0 $0x0  }
0x1e9: {  	[sflag:s0] =	ssyncadd.s32 @!p0 s1  }
0x1ea: {  	[bflag:$0x3] =	sbarrier.arrive $0xFFFF  }
0x1eb: {  	_ =	shalt  }

</sc_bundles>
